<compile_context>
chip_gen: v7x
topology: tpu7x:2x2x1
jax: 0.10.2.dev20260603
libtpu: 0.0.44.dev20260713+nightly
codegen_flags: <defaults>
</compile_context>

<pallas_src>
import functools

import jax
import jax.numpy as jnp
from jax import lax
from jax.experimental import pallas as pl
from jax.experimental.pallas import tpu as pltpu
from jax.experimental.pallas import tpu_sc as plsc

_NC = 2
_NS = 16
_NW = _NC * _NS
_L = 16

_EPG = 32
_RPG = 3 * _EPG
_SUB = _EPG // _L
_EG_INNER = 16


def _sc_body(nvals_hbm, nodes_hbm, idx_hbm, coef_hbm, sqn_hbm, out_hbm,
             nodes_v, sqn_v, idxb0, idxb1, rows0, rows1, wbuf, coefs_v, accv,
             sem0, sem1):
    n_units = idx_hbm.shape[1] // (2 * _EPG)
    wid = lax.axis_index("s") * _NC + lax.axis_index("c")
    u_start = wid * n_units // _NW
    u_end = (wid + 1) * n_units // _NW
    g_last = 2 * u_end - 1

    pltpu.sync_copy(nodes_hbm, nodes_v)
    pltpu.sync_copy(sqn_hbm, sqn_v)
    pltpu.sync_copy(coef_hbm, coefs_v)
    cv = coefs_v[...]
    m00 = cv[0]
    m11 = cv[1]
    m22 = cv[2]
    m01 = cv[3]
    m02 = cv[4]
    m12 = cv[5]
    ws = cv[6]

    lane = lax.iota(jnp.int32, _L)
    lane3 = lane * 3

    def issue(g, idxb, rowsb, sem):
        pltpu.sync_copy(idx_hbm.at[:, pl.ds((g // 4) * 128, 128)], idxb)
        off = (g % 4) * _EPG
        pltpu.async_copy(nvals_hbm.at[idxb.at[0, pl.ds(off, _EPG)]],
                         rowsb.at[pl.ds(0, _EPG)], sem)
        pltpu.async_copy(nvals_hbm.at[idxb.at[1, pl.ds(off, _EPG)]],
                         rowsb.at[pl.ds(_EPG, _EPG)], sem)
        pltpu.async_copy(nvals_hbm.at[idxb.at[2, pl.ds(off, _EPG)]],
                         rowsb.at[pl.ds(2 * _EPG, _EPG)], sem)

    def drain(idxb, rowsb, sem):
        pltpu.make_async_copy(nvals_hbm.at[idxb.at[0, pl.ds(0, _EPG)]],
                              rowsb.at[pl.ds(0, _EPG)], sem).wait()
        pltpu.make_async_copy(nvals_hbm.at[idxb.at[1, pl.ds(0, _EPG)]],
                              rowsb.at[pl.ds(_EPG, _EPG)], sem).wait()
        pltpu.make_async_copy(nvals_hbm.at[idxb.at[2, pl.ds(0, _EPG)]],
                              rowsb.at[pl.ds(2 * _EPG, _EPG)], sem).wait()

    def compute(g, idxb, rowsb, acc):
        goff = (g % 4) * _EPG
        for s in range(_SUB):
            n0 = idxb[0, pl.ds(goff + _L * s, _L)]
            n1 = idxb[1, pl.ds(goff + _L * s, _L)]
            n2 = idxb[2, pl.ds(goff + _L * s, _L)]
            ids0 = n0 * 2
            ids1 = n1 * 2
            ids2 = n2 * 2
            x0 = plsc.load_gather(nodes_v, [ids0])
            y0 = plsc.load_gather(nodes_v, [ids0 + 1])
            x1 = plsc.load_gather(nodes_v, [ids1])
            y1 = plsc.load_gather(nodes_v, [ids1 + 1])
            x2 = plsc.load_gather(nodes_v, [ids2])
            y2 = plsc.load_gather(nodes_v, [ids2 + 1])
            e1x = x1 - x0
            e1y = y1 - y0
            e2x = x2 - x0
            e2y = y2 - y0
            detj = e1x * e2y - e1y * e2x
            ag = e1x * e1x + e1y * e1y
            bg = e1x * e2x + e1y * e2y
            cg = e2x * e2x + e2y * e2y
            sc = ws / detj
            sqa = plsc.load_gather(sqn_v, [n0])
            sqb = plsc.load_gather(sqn_v, [n1])
            sqc = plsc.load_gather(sqn_v, [n2])
            diag = ((detj * m00 + sc * (ag - 2.0 * bg + cg)) * sqa
                    + (detj * m11 + sc * cg) * sqb
                    + (detj * m22 + sc * ag) * sqc)
            acc = acc + diag
            wbuf[pl.ds(0, _L)] = 2.0 * (detj * m01 - sc * (cg - bg))
            wbuf[pl.ds(_L, _L)] = 2.0 * (detj * m02 - sc * (ag - bg))
            wbuf[pl.ds(2 * _L, _L)] = 2.0 * (detj * m12 - sc * bg)

            def el_body(l, a_in):
                r0 = _L * s + l
                bf = jnp.bfloat16
                va = plsc.bitcast(rowsb[r0, pl.ds(0, _L)], bf)
                vb = plsc.bitcast(rowsb[r0 + _EPG, pl.ds(0, _L)], bf)
                vc = plsc.bitcast(rowsb[r0 + 2 * _EPG, pl.ds(0, _L)], bf)
                d3 = va * vb
                d4 = va * vc
                d5 = vb * vc
                for j in range(_L, 128, _L):
                    va = plsc.bitcast(rowsb[r0, pl.ds(j, _L)], bf)
                    vb = plsc.bitcast(rowsb[r0 + _EPG, pl.ds(j, _L)], bf)
                    vc = plsc.bitcast(rowsb[r0 + 2 * _EPG, pl.ds(j, _L)], bf)
                    d3 = d3 + va * vb
                    d4 = d4 + va * vc
                    d5 = d5 + vb * vc
                d3a, d3b = plsc.unpack(d3, format=plsc.PackFormat.INTERLEAVED)
                d4a, d4b = plsc.unpack(d4, format=plsc.PackFormat.INTERLEAVED)
                d5a, d5b = plsc.unpack(d5, format=plsc.PackFormat.INTERLEAVED)
                li = jnp.full((_L,), l, dtype=jnp.int32)
                w3 = plsc.load_gather(wbuf, [li])
                w4 = plsc.load_gather(wbuf, [li + _L])
                w5 = plsc.load_gather(wbuf, [li + 2 * _L])
                return (a_in + (w3 * (d3a + d3b) + w4 * (d4a + d4b))
                        + w5 * (d5a + d5b))

            acc = plsc.parallel_loop(0, _EG_INNER, unroll=2, carry=acc)(el_body)
        return acc

    issue(2 * u_start, idxb0, rows0, sem0)

    def unit_body(u, acc):
        issue(2 * u + 1, idxb1, rows1, sem1)
        drain(idxb0, rows0, sem0)
        acc = compute(2 * u, idxb0, rows0, acc)
        issue(jnp.minimum(2 * u + 2, g_last), idxb0, rows0, sem0)
        drain(idxb1, rows1, sem1)
        acc = compute(2 * u + 1, idxb1, rows1, acc)
        return acc

    acc = lax.fori_loop(u_start, u_end, unit_body,
                        jnp.zeros((_L,), jnp.float32))
    drain(idxb0, rows0, sem0)
    accv[...] = acc
    pltpu.sync_copy(accv, out_hbm.at[wid])


def _prep_tc_body(v_ref, sqn_ref, pk_ref):
    v = v_ref[...]
    sqn_ref[...] = jnp.sum(v * v, axis=1)
    b = v.astype(jnp.bfloat16)
    d2 = b.shape[1] // 2
    lo = jax.lax.bitcast_convert_type(b[:, :d2], jnp.uint16).astype(jnp.uint32)
    hi = jax.lax.bitcast_convert_type(b[:, d2:], jnp.uint16).astype(jnp.uint32)
    sixteen = jnp.uint32(16)
    pk_ref[...] = jax.lax.bitcast_convert_type(
        lo | (hi << sixteen), jnp.int32)


def _prep_tc(nvals):
    n, d = nvals.shape
    return pl.pallas_call(
        _prep_tc_body,
        out_shape=(jax.ShapeDtypeStruct((n,), jnp.float32),
                   jax.ShapeDtypeStruct((n, d // 2), jnp.int32)),
    )(nvals)


def _tr_tc_body(e_ref, o_ref):
    e = e_ref[...]
    o_ref[...] = jnp.pad(e, ((0, 0), (0, 5))).T


def _transpose_elements(elements):
    n = elements.shape[0]
    blk = 16000
    return pl.pallas_call(
        _tr_tc_body,
        grid=(n // blk,),
        in_specs=[pl.BlockSpec((blk, 3), lambda i: (i, 0))],
        out_specs=pl.BlockSpec((8, blk), lambda i: (0, i)),
        out_shape=jax.ShapeDtypeStruct((8, n), jnp.int32),
    )(elements)


def _run_sc(nvals, nodes_xy, idx_flat, coefs, sqn):
    n_nodes = nodes_xy.shape[0] // 2
    mesh = plsc.VectorSubcoreMesh(core_axis_name="c", subcore_axis_name="s")
    f = pl.kernel(
        _sc_body,
        out_type=jax.ShapeDtypeStruct((_NW, _L), jnp.float32),
        mesh=mesh,
        scratch_types=[
            pltpu.VMEM((2 * n_nodes,), jnp.float32),
            pltpu.VMEM((n_nodes,), jnp.float32),
            pltpu.VMEM((8, 128), jnp.int32),
            pltpu.VMEM((8, 128), jnp.int32),
            pltpu.VMEM((_RPG, 128), jnp.int32),
            pltpu.VMEM((_RPG, 128), jnp.int32),
            pltpu.VMEM((3 * _L,), jnp.float32),
            pltpu.VMEM((_L,), jnp.float32),
            pltpu.VMEM((_L,), jnp.float32),
            pltpu.SemaphoreType.DMA,
            pltpu.SemaphoreType.DMA,
        ],
        compiler_params=pltpu.CompilerParams(needs_layout_passes=False),
    )
    return f(nvals, nodes_xy, idx_flat, coefs, sqn)


def kernel(nodal_values, nodes, elements, quad_points, quad_weights):
    qx = quad_points[:, 0]
    qy = quad_points[:, 1]
    shp = jnp.stack([1.0 - qx - qy, qx, qy], axis=1)
    m = jnp.einsum('q,qa,qb->ab', quad_weights, shp, shp)
    coefs = jnp.zeros((16,), jnp.float32)
    coefs = coefs.at[:7].set(jnp.stack(
        [m[0, 0], m[1, 1], m[2, 2], m[0, 1], m[0, 2], m[1, 2],
         jnp.sum(quad_weights)]))
    idx_t = _transpose_elements(elements.astype(jnp.int32))
    sqn, vpacked = _prep_tc(nodal_values)
    partials = _run_sc(vpacked, nodes.reshape(-1), idx_t, coefs, sqn)
    return jnp.sum(partials)

# --- scband reference (transcript-rebuilt; emitter-appended) ---
"""Pipeline reference for scband-operator-1967095022083 (READ-ONLY COPY).

The authoritative reference and input builder live on the scoring server;
editing this copy changes nothing except your own understanding.
"""

import jax, jax.numpy as jnp
import numpy as np

N_NODES = 10000
N_ELEMENTS = 160000
D_FEAT = 256


def _shape_fns(xi):
    # P1 triangle shape functions at reference coords xi = (xi, eta)
    return jnp.array([1.0 - xi[0] - xi[1], xi[0], xi[1]], dtype=xi.dtype)


def _dshape_fns(xi):
    # Constant shape-function gradients for P1 triangle, shape (3 nodes, 2 ref dims)
    return jnp.array([[-1.0, -1.0], [1.0, 0.0], [0.0, 1.0]], dtype=xi.dtype)


def _get_local_values(xi, el_nodal_values, el_nodal_coords):
    # Mirrors Element.get_local_values: interpolated value, physical gradient, det(J)
    N = _shape_fns(xi)
    dN = _dshape_fns(xi)
    u = jnp.einsum('a,ad->d', N, el_nodal_values)
    J = jnp.einsum('ai,aj->ij', dN, el_nodal_coords)  # (2, 2)
    detJ = J[0, 0] * J[1, 1] - J[0, 1] * J[1, 0]
    du_dxi = jnp.einsum('ai,ad->id', dN, el_nodal_values)  # (2, d)
    u_grad = jnp.linalg.solve(J, du_dxi)  # physical gradient (2, d)
    return u, u_grad, detJ


def _integrand(u, u_grad):
    # Example Integrand func(u, u_grad): mass + Dirichlet energy density (scalar)
    return jnp.sum(u * u) + jnp.sum(u_grad * u_grad)


def setup_inputs(seed: int = 0):
    key = jax.random.key(seed)
    k1, k2, k3 = jax.random.split(key, 3)
    nodal_values = jax.random.normal(k1, (N_NODES, D_FEAT), dtype=jnp.float32)
    nodes = jax.random.uniform(k2, (N_NODES, 2), dtype=jnp.float32)
    elements = jax.random.randint(k3, (N_ELEMENTS, 3), 0, N_NODES).astype(jnp.int64)
    quad_points = jnp.array([[1.0 / 6, 1.0 / 6], [2.0 / 3, 1.0 / 6], [1.0 / 6, 2.0 / 3]], dtype=jnp.float32)
    quad_weights = jnp.array([1.0 / 6, 1.0 / 6, 1.0 / 6], dtype=jnp.float32)
    return {"nodal_values": nodal_values, "nodes": nodes, "elements": elements,
            "quad_points": quad_points, "quad_weights": quad_weights}


def reference(nodal_values, nodes, elements, quad_points, quad_weights):
    # Faithful translation of Operator.integrate(func)(nodal_values)
    def _integrate_quads(xi, el_nodal_values, el_nodal_coords):
        u, u_grad, detJ = _get_local_values(xi, el_nodal_values, el_nodal_coords)
        return _integrand(u, u_grad) * detJ

    def _at_each_element(el_nodal_values, el_nodal_coords):
        return jax.vmap(lambda xi: _integrate_quads(xi, el_nodal_values, el_nodal_coords))(quad_points)

    # gather: nodal_values[elements] -> (E, 3, d), nodes[elements] -> (E, 3, 2)
    per_elem_quad = jax.vmap(_at_each_element, in_axes=(0, 0))(nodal_values[elements], nodes[elements])  # (E, Q)
    return jnp.sum(jnp.einsum('eq,q->eq', per_elem_quad, quad_weights))

if __name__ == "__main__":
    import jax
    _d = setup_inputs()
    print(jax.jit(kernel)(*tuple(_d.values())))

</pallas_src>

<mosaic_0001>
#map = affine_map<(d0, d1) -> (0, 0)>
#map1 = affine_map<(d0, d1) -> (0)>
module attributes {stable_mosaic.version = 14 : i64} {
  func.func @_sc_body(%arg0: i32, %arg1: i32, %arg2: memref<10000x128xi32, #tpu.memory_space<hbm>>, %arg3: memref<20000xf32, #tpu.memory_space<hbm>>, %arg4: memref<8x160000xi32, #tpu.memory_space<hbm>>, %arg5: memref<16xf32, #tpu.memory_space<hbm>>, %arg6: memref<10000xf32, #tpu.memory_space<hbm>>, %arg7: memref<32x16xf32, #tpu.memory_space<hbm>>, %arg8: memref<20000xf32, #tpu.memory_space<vmem>>, %arg9: memref<10000xf32, #tpu.memory_space<vmem>>, %arg10: memref<8x128xi32, #tpu.memory_space<vmem>>, %arg11: memref<8x128xi32, #tpu.memory_space<vmem>>, %arg12: memref<96x128xi32, #tpu.memory_space<vmem>>, %arg13: memref<96x128xi32, #tpu.memory_space<vmem>>, %arg14: memref<48xf32, #tpu.memory_space<vmem>>, %arg15: memref<16xf32, #tpu.memory_space<vmem>>, %arg16: memref<16xf32, #tpu.memory_space<vmem>>, %arg17: memref<!tpu.dma_semaphore, #tpu.memory_space<semaphore_mem>>, %arg18: memref<!tpu.dma_semaphore, #tpu.memory_space<semaphore_mem>>) attributes {dimension_semantics = [#tpu.dimension_semantics<core_parallel>, #tpu.dimension_semantics<subcore_parallel>], iteration_bounds = array<i64: 2, 16>, scalar_prefetch = 0 : i64, scratch_operands = 11 : i64, tpu.core_type = #tpu.core_type<sc_vector_subcore>, window_params = [{transform_indices = #map}, {transform_indices = #map1}, {transform_indices = #map}, {transform_indices = #map1}, {transform_indices = #map1}, {transform_indices = #map}]} {
    %mul3A = arith.constant 2 : i32
    %mul3A_0 = arith.muli %arg1, %mul3A : i32
    %add3A = arith.addi %mul3A_0, %arg0 : i32
    %mul3A_1 = arith.constant 2500 : i32
    %mul3A_2 = arith.muli %add3A, %mul3A_1 : i32
    %jit3A = arith.constant 32 : i32
    %div3A = arith.divsi %mul3A_2, %jit3A : i32
    %sign3A = arith.constant 0 : i32
    %sign3A_3 = arith.cmpi sgt, %mul3A_2, %sign3A : i32
    %sign3A_4 = arith.extui %sign3A_3 : i1 to i32
    %sign3A_5 = arith.constant 0 : i32
    %sign3A_6 = arith.cmpi slt, %mul3A_2, %sign3A_5 : i32
    %sign3A_7 = arith.extui %sign3A_6 : i1 to i32
    %sign3A_8 = arith.subi %sign3A_4, %sign3A_7 : i32
    %sign3A_9 = arith.constant 0 : i32
    %sign3A_10 = arith.cmpi sgt, %jit3A, %sign3A_9 : i32
    %sign3A_11 = arith.extui %sign3A_10 : i1 to i32
    %sign3A_12 = arith.constant 0 : i32
    %sign3A_13 = arith.cmpi slt, %jit3A, %sign3A_12 : i32
    %sign3A_14 = arith.extui %sign3A_13 : i1 to i32
    %sign3A_15 = arith.subi %sign3A_11, %sign3A_14 : i32
    %ne3A = arith.cmpi ne, %sign3A_8, %sign3A_15 : i32
    %rem3A = arith.remsi %mul3A_2, %jit3A : i32
    %ne3A_16 = arith.constant 0 : i32
    %ne3A_17 = arith.cmpi ne, %rem3A, %ne3A_16 : i32
    %and3A = arith.andi %ne3A, %ne3A_17 : i1
    %sub3A = arith.constant 1 : i32
    %sub3A_18 = arith.subi %div3A, %sub3A : i32
    %select_n3A = arith.select %and3A, %sub3A_18, %div3A : i32
    %add3A_19 = arith.constant 1 : i32
    %add3A_20 = arith.addi %add3A, %add3A_19 : i32
    %mul3A_21 = arith.constant 2500 : i32
    %mul3A_22 = arith.muli %add3A_20, %mul3A_21 : i32
    %jit3A_23 = arith.constant 32 : i32
    %div3A_24 = arith.divsi %mul3A_22, %jit3A_23 : i32
    %sign3A_25 = arith.constant 0 : i32
    %sign3A_26 = arith.cmpi sgt, %mul3A_22, %sign3A_25 : i32
    %sign3A_27 = arith.extui %sign3A_26 : i1 to i32
    %sign3A_28 = arith.constant 0 : i32
    %sign3A_29 = arith.cmpi slt, %mul3A_22, %sign3A_28 : i32
    %sign3A_30 = arith.extui %sign3A_29 : i1 to i32
    %sign3A_31 = arith.subi %sign3A_27, %sign3A_30 : i32
    %sign3A_32 = arith.constant 0 : i32
    %sign3A_33 = arith.cmpi sgt, %jit3A_23, %sign3A_32 : i32
    %sign3A_34 = arith.extui %sign3A_33 : i1 to i32
    %sign3A_35 = arith.constant 0 : i32
    %sign3A_36 = arith.cmpi slt, %jit3A_23, %sign3A_35 : i32
    %sign3A_37 = arith.extui %sign3A_36 : i1 to i32
    %sign3A_38 = arith.subi %sign3A_34, %sign3A_37 : i32
    %ne3A_39 = arith.cmpi ne, %sign3A_31, %sign3A_38 : i32
    %rem3A_40 = arith.remsi %mul3A_22, %jit3A_23 : i32
    %ne3A_41 = arith.constant 0 : i32
    %ne3A_42 = arith.cmpi ne, %rem3A_40, %ne3A_41 : i32
    %and3A_43 = arith.andi %ne3A_39, %ne3A_42 : i1
    %sub3A_44 = arith.constant 1 : i32
    %sub3A_45 = arith.subi %div3A_24, %sub3A_44 : i32
    %select_n3A_46 = arith.select %and3A_43, %sub3A_45, %div3A_24 : i32
    %mul3A_47 = arith.constant 2 : i32
    %mul3A_48 = arith.muli %mul3A_47, %select_n3A_46 : i32
    %sub3A_49 = arith.constant 1 : i32
    %sub3A_50 = arith.subi %mul3A_48, %sub3A_49 : i32
    "tpu.region"() ({
      %run_scoped3A = tpu.sem_alloc : memref<!tpu.dma_semaphore, #tpu.memory_space<semaphore_mem>>
      tpu.enqueue_dma source(%arg3 : memref<20000xf32, #tpu.memory_space<hbm>>) target(%arg8 : memref<20000xf32, #tpu.memory_space<vmem>>) target_semaphore(%run_scoped3A : memref<!tpu.dma_semaphore, #tpu.memory_space<semaphore_mem>>)
      tpu.wait_dma2 semaphore(%run_scoped3A : memref<!tpu.dma_semaphore, #tpu.memory_space<semaphore_mem>>) src(%arg3 : memref<20000xf32, #tpu.memory_space<hbm>>) dst(%arg8 : memref<20000xf32, #tpu.memory_space<vmem>>)
      tpu.yield
    }) : () -> ()
    "tpu.region"() ({
      %run_scoped3A = tpu.sem_alloc : memref<!tpu.dma_semaphore, #tpu.memory_space<semaphore_mem>>
      tpu.enqueue_dma source(%arg6 : memref<10000xf32, #tpu.memory_space<hbm>>) target(%arg9 : memref<10000xf32, #tpu.memory_space<vmem>>) target_semaphore(%run_scoped3A : memref<!tpu.dma_semaphore, #tpu.memory_space<semaphore_mem>>)
      tpu.wait_dma2 semaphore(%run_scoped3A : memref<!tpu.dma_semaphore, #tpu.memory_space<semaphore_mem>>) src(%arg6 : memref<10000xf32, #tpu.memory_space<hbm>>) dst(%arg9 : memref<10000xf32, #tpu.memory_space<vmem>>)
      tpu.yield
    }) : () -> ()
    "tpu.region"() ({
      %run_scoped3A = tpu.sem_alloc : memref<!tpu.dma_semaphore, #tpu.memory_space<semaphore_mem>>
      tpu.enqueue_dma source(%arg5 : memref<16xf32, #tpu.memory_space<hbm>>) target(%arg15 : memref<16xf32, #tpu.memory_space<vmem>>) target_semaphore(%run_scoped3A : memref<!tpu.dma_semaphore, #tpu.memory_space<semaphore_mem>>)
      tpu.wait_dma2 semaphore(%run_scoped3A : memref<!tpu.dma_semaphore, #tpu.memory_space<semaphore_mem>>) src(%arg5 : memref<16xf32, #tpu.memory_space<hbm>>) dst(%arg15 : memref<16xf32, #tpu.memory_space<vmem>>)
      tpu.yield
    }) : () -> ()
    %get3A = arith.constant 0 : index
    %get3A_51 = tpu.vector_load %arg15[%get3A] {strides = array<i32>} : memref<16xf32, #tpu.memory_space<vmem>>, vector<16xf32>,
    %slice3A = vector.extract_strided_slice %get3A_51 {offsets = [0], sizes = [1], strides = [1]} : vector<16xf32> to vector<1xf32>
    %squeeze3A = vector.extract %slice3A[0] : f32 from vector<1xf32>
    %slice3A_52 = vector.extract_strided_slice %get3A_51 {offsets = [1], sizes = [1], strides = [1]} : vector<16xf32> to vector<1xf32>
    %squeeze3A_53 = vector.extract %slice3A_52[0] : f32 from vector<1xf32>
    %slice3A_54 = vector.extract_strided_slice %get3A_51 {offsets = [2], sizes = [1], strides = [1]} : vector<16xf32> to vector<1xf32>
    %squeeze3A_55 = vector.extract %slice3A_54[0] : f32 from vector<1xf32>
    %slice3A_56 = vector.extract_strided_slice %get3A_51 {offsets = [3], sizes = [1], strides = [1]} : vector<16xf32> to vector<1xf32>
    %squeeze3A_57 = vector.extract %slice3A_56[0] : f32 from vector<1xf32>
    %slice3A_58 = vector.extract_strided_slice %get3A_51 {offsets = [4], sizes = [1], strides = [1]} : vector<16xf32> to vector<1xf32>
    %squeeze3A_59 = vector.extract %slice3A_58[0] : f32 from vector<1xf32>
    %slice3A_60 = vector.extract_strided_slice %get3A_51 {offsets = [5], sizes = [1], strides = [1]} : vector<16xf32> to vector<1xf32>
    %squeeze3A_61 = vector.extract %slice3A_60[0] : f32 from vector<1xf32>
    %slice3A_62 = vector.extract_strided_slice %get3A_51 {offsets = [6], sizes = [1], strides = [1]} : vector<16xf32> to vector<1xf32>
    %squeeze3A_63 = vector.extract %slice3A_62[0] : f32 from vector<1xf32>
    %iota3A = tpu.iota {dimensions = array<i32: 0>} : vector<16xi32>
    %mul3A_64 = arith.constant 3 : i32
    %mul3A_65 = vector.broadcast %mul3A_64 : i32 to vector<16xi32>
    %mul3A_66 = arith.muli %iota3A, %mul3A_65 : vector<16xi32>
    %mul3A_67 = arith.constant 2 : i32
    %mul3A_68 = arith.muli %mul3A_67, %select_n3A : i32
    %jit3A_69 = arith.constant 4 : i32
    %div3A_70 = arith.divsi %mul3A_68, %jit3A_69 : i32
    %sign3A_71 = arith.constant 0 : i32
    %sign3A_72 = arith.cmpi sgt, %mul3A_68, %sign3A_71 : i32
    %sign3A_73 = arith.extui %sign3A_72 : i1 to i32
    %sign3A_74 = arith.constant 0 : i32
    %sign3A_75 = arith.cmpi slt, %mul3A_68, %sign3A_74 : i32
    %sign3A_76 = arith.extui %sign3A_75 : i1 to i32
    %sign3A_77 = arith.subi %sign3A_73, %sign3A_76 : i32
    %sign3A_78 = arith.constant 0 : i32
    %sign3A_79 = arith.cmpi sgt, %jit3A_69, %sign3A_78 : i32
    %sign3A_80 = arith.extui %sign3A_79 : i1 to i32
    %sign3A_81 = arith.constant 0 : i32
    %sign3A_82 = arith.cmpi slt, %jit3A_69, %sign3A_81 : i32
    %sign3A_83 = arith.extui %sign3A_82 : i1 to i32
    %sign3A_84 = arith.subi %sign3A_80, %sign3A_83 : i32
    %ne3A_85 = arith.cmpi ne, %sign3A_77, %sign3A_84 : i32
    %rem3A_86 = arith.remsi %mul3A_68, %jit3A_69 : i32
    %ne3A_87 = arith.constant 0 : i32
    %ne3A_88 = arith.cmpi ne, %rem3A_86, %ne3A_87 : i32
    %and3A_89 = arith.andi %ne3A_85, %ne3A_88 : i1
    %sub3A_90 = arith.constant 1 : i32
    %sub3A_91 = arith.subi %div3A_70, %sub3A_90 : i32
    %select_n3A_92 = arith.select %and3A_89, %sub3A_91, %div3A_70 : i32
    %mul3A_93 = arith.constant 128 : i32
    %mul3A_94 = arith.muli %select_n3A_92, %mul3A_93 : i32
    "tpu.region"() ({
      %run_scoped3A = tpu.sem_alloc : memref<!tpu.dma_semaphore, #tpu.memory_space<semaphore_mem>>
      %dma_start3A_177 = arith.constant 0 : i32
      %dma_start3A_178 = tpu.memref_slice %arg4[%dma_start3A_177, %mul3A_94] : memref<8x160000xi32, #tpu.memory_space<hbm>> -> memref<8x128xi32, #tpu.memory_space<hbm>>
      %dma_start3A_179 = arith.constant 0 : i32
      %dma_start3A_180 = tpu.memref_slice %arg4[%dma_start3A_179, %mul3A_94] : memref<8x160000xi32, #tpu.memory_space<hbm>> -> memref<8x128xi32, #tpu.memory_space<hbm>>
      tpu.enqueue_dma source(%dma_start3A_180 : memref<8x128xi32, #tpu.memory_space<hbm>>) target(%arg10 : memref<8x128xi32, #tpu.memory_space<vmem>>) target_semaphore(%run_scoped3A : memref<!tpu.dma_semaphore, #tpu.memory_space<semaphore_mem>>)
      %dma_wait3A_181 = arith.constant 0 : i32
      %dma_wait3A_182 = tpu.memref_slice %arg4[%dma_wait3A_181, %mul3A_94] : memref<8x160000xi32, #tpu.memory_space<hbm>> -> memref<8x128xi32, #tpu.memory_space<hbm>>
      %dma_wait3A_183 = arith.constant 0 : i32
      %dma_wait3A_184 = tpu.memref_slice %arg4[%dma_wait3A_183, %mul3A_94] : memref<8x160000xi32, #tpu.memory_space<hbm>> -> memref<8x128xi32, #tpu.memory_space<hbm>>
      tpu.wait_dma2 semaphore(%run_scoped3A : memref<!tpu.dma_semaphore, #tpu.memory_space<semaphore_mem>>) src(%dma_wait3A_184 : memref<8x128xi32, #tpu.memory_space<hbm>>) dst(%arg10 : memref<8x128xi32, #tpu.memory_space<vmem>>)
      tpu.yield
    }) : () -> ()
    %jit3A_95 = arith.constant 4 : i32
    %eq3A = arith.constant 0 : i32
    %eq3A_96 = arith.cmpi eq, %jit3A_95, %eq3A : i32
    %jit3A_97 = arith.constant 1 : i32
    %select_n3A_98 = arith.select %eq3A_96, %jit3A_97, %jit3A_95 : i32
    %rem3A_99 = arith.remsi %mul3A_68, %select_n3A_98 : i32
    %ne3A_100 = arith.constant 0 : i32
    %ne3A_101 = arith.cmpi ne, %rem3A_99, %ne3A_100 : i32
    %lt3A = arith.constant 0 : i32
    %lt3A_102 = arith.cmpi slt, %rem3A_99, %lt3A : i32
    %lt3A_103 = arith.constant 0 : i32
    %lt3A_104 = arith.cmpi slt, %select_n3A_98, %lt3A_103 : i32
    %ne3A_105 = arith.xori %lt3A_102, %lt3A_104 : i1
    %and3A_106 = arith.andi %ne3A_105, %ne3A_101 : i1
    %add3A_107 = arith.addi %rem3A_99, %select_n3A_98 : i32
    %select_n3A_108 = arith.select %and3A_106, %add3A_107, %rem3A_99 : i32
    %mul3A_109 = arith.constant 32 : i32
    %mul3A_110 = arith.muli %select_n3A_108, %mul3A_109 : i32
    %dma_start3A = arith.constant 0 : i32
    %dma_start3A_111 = arith.constant 0 : i32
    %dma_start3A_112 = arith.constant 0 : i32
    %dma_start3A_113 = tpu.memref_slice %arg12[%dma_start3A_111, %dma_start3A_112] : memref<96x128xi32, #tpu.memory_space<vmem>> -> memref<32x128xi32, #tpu.memory_space<vmem>>
    %dma_start3A_114 = tpu.memref_slice %arg10[%dma_start3A, %mul3A_110] : memref<8x128xi32, #tpu.memory_space<vmem>> -> memref<1x32xi32, #tpu.memory_space<vmem>>
    %dma_start3A_115 = tpu.memref_squeeze %dma_start3A_114 : memref<1x32xi32, #tpu.memory_space<vmem>> -> memref<32xi32, #tpu.memory_space<vmem>>
    %dma_start3A_116 = arith.constant 0 : i32
    %dma_start3A_117 = arith.constant 0 : i32
    %dma_start3A_118 = tpu.memref_slice %arg2[%dma_start3A_116, %dma_start3A_117] : memref<10000x128xi32, #tpu.memory_space<hbm>> -> memref<10000x128xi32, #tpu.memory_space<hbm>>
    tpu.enqueue_indirect_dma source(%dma_start3A_118 : memref<10000x128xi32, #tpu.memory_space<hbm>>) target(%dma_start3A_113 : memref<32x128xi32, #tpu.memory_space<vmem>>) offsets(%dma_start3A_115 : memref<32xi32, #tpu.memory_space<vmem>>) semaphore(%arg17 : memref<!tpu.dma_semaphore, #tpu.memory_space<semaphore_mem>>)
    %dma_start3A_119 = arith.constant 1 : i32
    %dma_start3A_120 = arith.constant 32 : i32
    %dma_start3A_121 = arith.constant 0 : i32
    %dma_start3A_122 = tpu.memref_slice %arg12[%dma_start3A_120, %dma_start3A_121] : memref<96x128xi32, #tpu.memory_space<vmem>> -> memref<32x128xi32, #tpu.memory_space<vmem>>
    %dma_start3A_123 = tpu.memref_slice %arg10[%dma_start3A_119, %mul3A_110] : memref<8x128xi32, #tpu.memory_space<vmem>> -> memref<1x32xi32, #tpu.memory_space<vmem>>
    %dma_start3A_124 = tpu.memref_squeeze %dma_start3A_123 : memref<1x32xi32, #tpu.memory_space<vmem>> -> memref<32xi32, #tpu.memory_space<vmem>>
    %dma_start3A_125 = arith.constant 0 : i32
    %dma_start3A_126 = arith.constant 0 : i32
    %dma_start3A_127 = tpu.memref_slice %arg2[%dma_start3A_125, %dma_start3A_126] : memref<10000x128xi32, #tpu.memory_space<hbm>> -> memref<10000x128xi32, #tpu.memory_space<hbm>>
    tpu.enqueue_indirect_dma source(%dma_start3A_127 : memref<10000x128xi32, #tpu.memory_space<hbm>>) target(%dma_start3A_122 : memref<32x128xi32, #tpu.memory_space<vmem>>) offsets(%dma_start3A_124 : memref<32xi32, #tpu.memory_space<vmem>>) semaphore(%arg17 : memref<!tpu.dma_semaphore, #tpu.memory_space<semaphore_mem>>)
    %dma_start3A_128 = arith.constant 2 : i32
    %dma_start3A_129 = arith.constant 64 : i32
    %dma_start3A_130 = arith.constant 0 : i32
    %dma_start3A_131 = tpu.memref_slice %arg12[%dma_start3A_129, %dma_start3A_130] : memref<96x128xi32, #tpu.memory_space<vmem>> -> memref<32x128xi32, #tpu.memory_space<vmem>>
    %dma_start3A_132 = tpu.memref_slice %arg10[%dma_start3A_128, %mul3A_110] : memref<8x128xi32, #tpu.memory_space<vmem>> -> memref<1x32xi32, #tpu.memory_space<vmem>>
    %dma_start3A_133 = tpu.memref_squeeze %dma_start3A_132 : memref<1x32xi32, #tpu.memory_space<vmem>> -> memref<32xi32, #tpu.memory_space<vmem>>
    %dma_start3A_134 = arith.constant 0 : i32
    %dma_start3A_135 = arith.constant 0 : i32
    %dma_start3A_136 = tpu.memref_slice %arg2[%dma_start3A_134, %dma_start3A_135] : memref<10000x128xi32, #tpu.memory_space<hbm>> -> memref<10000x128xi32, #tpu.memory_space<hbm>>
    tpu.enqueue_indirect_dma source(%dma_start3A_136 : memref<10000x128xi32, #tpu.memory_space<hbm>>) target(%dma_start3A_131 : memref<32x128xi32, #tpu.memory_space<vmem>>) offsets(%dma_start3A_133 : memref<32xi32, #tpu.memory_space<vmem>>) semaphore(%arg17 : memref<!tpu.dma_semaphore, #tpu.memory_space<semaphore_mem>>)
    %broadcast_in_dim3A = arith.constant 0.000000e+00 : f32
    %broadcast_in_dim3A_137 = vector.broadcast %broadcast_in_dim3A : f32 to vector<16xf32>
    %while3A = arith.subi %select_n3A_46, %select_n3A : i32
    %while3A_138 = arith.addi %select_n3A, %while3A : i32
    %while3A_139 = arith.constant 1 : i32
    %while3A_140 = arith.divsi %while3A, %while3A_139 : i32
    %while3A_141 = arith.muli %while3A_140, %while3A_139 : i32
    %while3A_142 = arith.addi %select_n3A, %while3A_141 : i32
    %while3A_143 = arith.constant 1 : i32
    %while3A_144 = scf.for %while3A_177 = %select_n3A to %while3A_142 step %while3A_143 iter_args(%while3A_178 = %broadcast_in_dim3A_137) -> (vector<16xf32>)  : i32 {
      %mul3A_179 = arith.constant 2 : i32
      %mul3A_180 = arith.muli %mul3A_179, %while3A_177 : i32
      %add3A_181 = arith.constant 1 : i32
      %add3A_182 = arith.addi %mul3A_180, %add3A_181 : i32
      %jit3A_183 = arith.constant 4 : i32
      %div3A_184 = arith.divsi %add3A_182, %jit3A_183 : i32
      %sign3A_185 = arith.constant 0 : i32
      %sign3A_186 = arith.cmpi sgt, %add3A_182, %sign3A_185 : i32
      %sign3A_187 = arith.extui %sign3A_186 : i1 to i32
      %sign3A_188 = arith.constant 0 : i32
      %sign3A_189 = arith.cmpi slt, %add3A_182, %sign3A_188 : i32
      %sign3A_190 = arith.extui %sign3A_189 : i1 to i32
      %sign3A_191 = arith.subi %sign3A_187, %sign3A_190 : i32
      %sign3A_192 = arith.constant 0 : i32
      %sign3A_193 = arith.cmpi sgt, %jit3A_183, %sign3A_192 : i32
      %sign3A_194 = arith.extui %sign3A_193 : i1 to i32
      %sign3A_195 = arith.constant 0 : i32
      %sign3A_196 = arith.cmpi slt, %jit3A_183, %sign3A_195 : i32
      %sign3A_197 = arith.extui %sign3A_196 : i1 to i32
      %sign3A_198 = arith.subi %sign3A_194, %sign3A_197 : i32
      %ne3A_199 = arith.cmpi ne, %sign3A_191, %sign3A_198 : i32
      %rem3A_200 = arith.remsi %add3A_182, %jit3A_183 : i32
      %ne3A_201 = arith.constant 0 : i32
      %ne3A_202 = arith.cmpi ne, %rem3A_200, %ne3A_201 : i32
      %and3A_203 = arith.andi %ne3A_199, %ne3A_202 : i1
      %sub3A_204 = arith.constant 1 : i32
      %sub3A_205 = arith.subi %div3A_184, %sub3A_204 : i32
      %select_n3A_206 = arith.select %and3A_203, %sub3A_205, %div3A_184 : i32
      %mul3A_207 = arith.constant 128 : i32
      %mul3A_208 = arith.muli %select_n3A_206, %mul3A_207 : i32
      "tpu.region"() ({
        %run_scoped3A = tpu.sem_alloc : memref<!tpu.dma_semaphore, #tpu.memory_space<semaphore_mem>>
        %dma_start3A_905 = arith.constant 0 : i32
        %dma_start3A_906 = tpu.memref_slice %arg4[%dma_start3A_905, %mul3A_208] : memref<8x160000xi32, #tpu.memory_space<hbm>> -> memref<8x128xi32, #tpu.memory_space<hbm>>
        %dma_start3A_907 = arith.constant 0 : i32
        %dma_start3A_908 = tpu.memref_slice %arg4[%dma_start3A_907, %mul3A_208] : memref<8x160000xi32, #tpu.memory_space<hbm>> -> memref<8x128xi32, #tpu.memory_space<hbm>>
        tpu.enqueue_dma source(%dma_start3A_908 : memref<8x128xi32, #tpu.memory_space<hbm>>) target(%arg11 : memref<8x128xi32, #tpu.memory_space<vmem>>) target_semaphore(%run_scoped3A : memref<!tpu.dma_semaphore, #tpu.memory_space<semaphore_mem>>)
        %dma_wait3A_909 = arith.constant 0 : i32
        %dma_wait3A_910 = tpu.memref_slice %arg4[%dma_wait3A_909, %mul3A_208] : memref<8x160000xi32, #tpu.memory_space<hbm>> -> memref<8x128xi32, #tpu.memory_space<hbm>>
        %dma_wait3A_911 = arith.constant 0 : i32
        %dma_wait3A_912 = tpu.memref_slice %arg4[%dma_wait3A_911, %mul3A_208] : memref<8x160000xi32, #tpu.memory_space<hbm>> -> memref<8x128xi32, #tpu.memory_space<hbm>>
        tpu.wait_dma2 semaphore(%run_scoped3A : memref<!tpu.dma_semaphore, #tpu.memory_space<semaphore_mem>>) src(%dma_wait3A_912 : memref<8x128xi32, #tpu.memory_space<hbm>>) dst(%arg11 : memref<8x128xi32, #tpu.memory_space<vmem>>)
        tpu.yield
      }) : () -> ()
      %jit3A_209 = arith.constant 4 : i32
      %eq3A_210 = arith.constant 0 : i32
      %eq3A_211 = arith.cmpi eq, %jit3A_209, %eq3A_210 : i32
      %jit3A_212 = arith.constant 1 : i32
      %select_n3A_213 = arith.select %eq3A_211, %jit3A_212, %jit3A_209 : i32
      %rem3A_214 = arith.remsi %add3A_182, %select_n3A_213 : i32
      %ne3A_215 = arith.constant 0 : i32
      %ne3A_216 = arith.cmpi ne, %rem3A_214, %ne3A_215 : i32
      %lt3A_217 = arith.constant 0 : i32
      %lt3A_218 = arith.cmpi slt, %rem3A_214, %lt3A_217 : i32
      %lt3A_219 = arith.constant 0 : i32
      %lt3A_220 = arith.cmpi slt, %select_n3A_213, %lt3A_219 : i32
      %ne3A_221 = arith.xori %lt3A_218, %lt3A_220 : i1
      %and3A_222 = arith.andi %ne3A_221, %ne3A_216 : i1
      %add3A_223 = arith.addi %rem3A_214, %select_n3A_213 : i32
      %select_n3A_224 = arith.select %and3A_222, %add3A_223, %rem3A_214 : i32
      %mul3A_225 = arith.constant 32 : i32
      %mul3A_226 = arith.muli %select_n3A_224, %mul3A_225 : i32
      %dma_start3A_227 = arith.constant 0 : i32
      %dma_start3A_228 = arith.constant 0 : i32
      %dma_start3A_229 = arith.constant 0 : i32
      %dma_start3A_230 = tpu.memref_slice %arg13[%dma_start3A_228, %dma_start3A_229] : memref<96x128xi32, #tpu.memory_space<vmem>> -> memref<32x128xi32, #tpu.memory_space<vmem>>
      %dma_start3A_231 = tpu.memref_slice %arg11[%dma_start3A_227, %mul3A_226] : memref<8x128xi32, #tpu.memory_space<vmem>> -> memref<1x32xi32, #tpu.memory_space<vmem>>
      %dma_start3A_232 = tpu.memref_squeeze %dma_start3A_231 : memref<1x32xi32, #tpu.memory_space<vmem>> -> memref<32xi32, #tpu.memory_space<vmem>>
      %dma_start3A_233 = arith.constant 0 : i32
      %dma_start3A_234 = arith.constant 0 : i32
      %dma_start3A_235 = tpu.memref_slice %arg2[%dma_start3A_233, %dma_start3A_234] : memref<10000x128xi32, #tpu.memory_space<hbm>> -> memref<10000x128xi32, #tpu.memory_space<hbm>>
      tpu.enqueue_indirect_dma source(%dma_start3A_235 : memref<10000x128xi32, #tpu.memory_space<hbm>>) target(%dma_start3A_230 : memref<32x128xi32, #tpu.memory_space<vmem>>) offsets(%dma_start3A_232 : memref<32xi32, #tpu.memory_space<vmem>>) semaphore(%arg18 : memref<!tpu.dma_semaphore, #tpu.memory_space<semaphore_mem>>)
      %dma_start3A_236 = arith.constant 1 : i32
      %dma_start3A_237 = arith.constant 32 : i32
      %dma_start3A_238 = arith.constant 0 : i32
      %dma_start3A_239 = tpu.memref_slice %arg13[%dma_start3A_237, %dma_start3A_238] : memref<96x128xi32, #tpu.memory_space<vmem>> -> memref<32x128xi32, #tpu.memory_space<vmem>>
      %dma_start3A_240 = tpu.memref_slice %arg11[%dma_start3A_236, %mul3A_226] : memref<8x128xi32, #tpu.memory_space<vmem>> -> memref<1x32xi32, #tpu.memory_space<vmem>>
      %dma_start3A_241 = tpu.memref_squeeze %dma_start3A_240 : memref<1x32xi32, #tpu.memory_space<vmem>> -> memref<32xi32, #tpu.memory_space<vmem>>
      %dma_start3A_242 = arith.constant 0 : i32
      %dma_start3A_243 = arith.constant 0 : i32
      %dma_start3A_244 = tpu.memref_slice %arg2[%dma_start3A_242, %dma_start3A_243] : memref<10000x128xi32, #tpu.memory_space<hbm>> -> memref<10000x128xi32, #tpu.memory_space<hbm>>
      tpu.enqueue_indirect_dma source(%dma_start3A_244 : memref<10000x128xi32, #tpu.memory_space<hbm>>) target(%dma_start3A_239 : memref<32x128xi32, #tpu.memory_space<vmem>>) offsets(%dma_start3A_241 : memref<32xi32, #tpu.memory_space<vmem>>) semaphore(%arg18 : memref<!tpu.dma_semaphore, #tpu.memory_space<semaphore_mem>>)
      %dma_start3A_245 = arith.constant 2 : i32
      %dma_start3A_246 = arith.constant 64 : i32
      %dma_start3A_247 = arith.constant 0 : i32
      %dma_start3A_248 = tpu.memref_slice %arg13[%dma_start3A_246, %dma_start3A_247] : memref<96x128xi32, #tpu.memory_space<vmem>> -> memref<32x128xi32, #tpu.memory_space<vmem>>
      %dma_start3A_249 = tpu.memref_slice %arg11[%dma_start3A_245, %mul3A_226] : memref<8x128xi32, #tpu.memory_space<vmem>> -> memref<1x32xi32, #tpu.memory_space<vmem>>
      %dma_start3A_250 = tpu.memref_squeeze %dma_start3A_249 : memref<1x32xi32, #tpu.memory_space<vmem>> -> memref<32xi32, #tpu.memory_space<vmem>>
      %dma_start3A_251 = arith.constant 0 : i32
      %dma_start3A_252 = arith.constant 0 : i32
      %dma_start3A_253 = tpu.memref_slice %arg2[%dma_start3A_251, %dma_start3A_252] : memref<10000x128xi32, #tpu.memory_space<hbm>> -> memref<10000x128xi32, #tpu.memory_space<hbm>>
      tpu.enqueue_indirect_dma source(%dma_start3A_253 : memref<10000x128xi32, #tpu.memory_space<hbm>>) target(%dma_start3A_248 : memref<32x128xi32, #tpu.memory_space<vmem>>) offsets(%dma_start3A_250 : memref<32xi32, #tpu.memory_space<vmem>>) semaphore(%arg18 : memref<!tpu.dma_semaphore, #tpu.memory_space<semaphore_mem>>)
      %dma_wait3A_254 = arith.constant 0 : i32
      %dma_wait3A_255 = arith.constant 0 : i32
      %dma_wait3A_256 = arith.constant 0 : i32
      %dma_wait3A_257 = tpu.memref_slice %arg12[%dma_wait3A_255, %dma_wait3A_256] : memref<96x128xi32, #tpu.memory_space<vmem>> -> memref<32x128xi32, #tpu.memory_space<vmem>>
      %dma_wait3A_258 = arith.constant 0 : i32
      %dma_wait3A_259 = tpu.memref_slice %arg10[%dma_wait3A_254, %dma_wait3A_258] : memref<8x128xi32, #tpu.memory_space<vmem>> -> memref<1x32xi32, #tpu.memory_space<vmem>>
      %dma_wait3A_260 = tpu.memref_squeeze %dma_wait3A_259 : memref<1x32xi32, #tpu.memory_space<vmem>> -> memref<32xi32, #tpu.memory_space<vmem>>
      %dma_wait3A_261 = arith.constant 0 : i32
      %dma_wait3A_262 = arith.constant 0 : i32
      %dma_wait3A_263 = tpu.memref_slice %arg2[%dma_wait3A_261, %dma_wait3A_262] : memref<10000x128xi32, #tpu.memory_space<hbm>> -> memref<10000x128xi32, #tpu.memory_space<hbm>>
      tpu.wait_indirect_dma semaphore(%arg17 : memref<!tpu.dma_semaphore, #tpu.memory_space<semaphore_mem>>) src(%dma_wait3A_263 : memref<10000x128xi32, #tpu.memory_space<hbm>>) dst(%dma_wait3A_257 : memref<32x128xi32, #tpu.memory_space<vmem>>)
      %dma_wait3A_264 = arith.constant 1 : i32
      %dma_wait3A_265 = arith.constant 32 : i32
      %dma_wait3A_266 = arith.constant 0 : i32
      %dma_wait3A_267 = tpu.memref_slice %arg12[%dma_wait3A_265, %dma_wait3A_266] : memref<96x128xi32, #tpu.memory_space<vmem>> -> memref<32x128xi32, #tpu.memory_space<vmem>>
      %dma_wait3A_268 = arith.constant 0 : i32
      %dma_wait3A_269 = tpu.memref_slice %arg10[%dma_wait3A_264, %dma_wait3A_268] : memref<8x128xi32, #tpu.memory_space<vmem>> -> memref<1x32xi32, #tpu.memory_space<vmem>>
      %dma_wait3A_270 = tpu.memref_squeeze %dma_wait3A_269 : memref<1x32xi32, #tpu.memory_space<vmem>> -> memref<32xi32, #tpu.memory_space<vmem>>
      %dma_wait3A_271 = arith.constant 0 : i32
      %dma_wait3A_272 = arith.constant 0 : i32
      %dma_wait3A_273 = tpu.memref_slice %arg2[%dma_wait3A_271, %dma_wait3A_272] : memref<10000x128xi32, #tpu.memory_space<hbm>> -> memref<10000x128xi32, #tpu.memory_space<hbm>>
      tpu.wait_indirect_dma semaphore(%arg17 : memref<!tpu.dma_semaphore, #tpu.memory_space<semaphore_mem>>) src(%dma_wait3A_273 : memref<10000x128xi32, #tpu.memory_space<hbm>>) dst(%dma_wait3A_267 : memref<32x128xi32, #tpu.memory_space<vmem>>)
      %dma_wait3A_274 = arith.constant 2 : i32
      %dma_wait3A_275 = arith.constant 64 : i32
      %dma_wait3A_276 = arith.constant 0 : i32
      %dma_wait3A_277 = tpu.memref_slice %arg12[%dma_wait3A_275, %dma_wait3A_276] : memref<96x128xi32, #tpu.memory_space<vmem>> -> memref<32x128xi32, #tpu.memory_space<vmem>>
      %dma_wait3A_278 = arith.constant 0 : i32
      %dma_wait3A_279 = tpu.memref_slice %arg10[%dma_wait3A_274, %dma_wait3A_278] : memref<8x128xi32, #tpu.memory_space<vmem>> -> memref<1x32xi32, #tpu.memory_space<vmem>>
      %dma_wait3A_280 = tpu.memref_squeeze %dma_wait3A_279 : memref<1x32xi32, #tpu.memory_space<vmem>> -> memref<32xi32, #tpu.memory_space<vmem>>
      %dma_wait3A_281 = arith.constant 0 : i32
      %dma_wait3A_282 = arith.constant 0 : i32
      %dma_wait3A_283 = tpu.memref_slice %arg2[%dma_wait3A_281, %dma_wait3A_282] : memref<10000x128xi32, #tpu.memory_space<hbm>> -> memref<10000x128xi32, #tpu.memory_space<hbm>>
      tpu.wait_indirect_dma semaphore(%arg17 : memref<!tpu.dma_semaphore, #tpu.memory_space<semaphore_mem>>) src(%dma_wait3A_283 : memref<10000x128xi32, #tpu.memory_space<hbm>>) dst(%dma_wait3A_277 : memref<32x128xi32, #tpu.memory_space<vmem>>)
      %mul3A_284 = arith.constant 2 : i32
      %mul3A_285 = arith.muli %mul3A_284, %while3A_177 : i32
      %jit3A_286 = arith.constant 4 : i32
      %eq3A_287 = arith.constant 0 : i32
      %eq3A_288 = arith.cmpi eq, %jit3A_286, %eq3A_287 : i32
      %jit3A_289 = arith.constant 1 : i32
      %select_n3A_290 = arith.select %eq3A_288, %jit3A_289, %jit3A_286 : i32
      %rem3A_291 = arith.remsi %mul3A_285, %select_n3A_290 : i32
      %ne3A_292 = arith.constant 0 : i32
      %ne3A_293 = arith.cmpi ne, %rem3A_291, %ne3A_292 : i32
      %lt3A_294 = arith.constant 0 : i32
      %lt3A_295 = arith.cmpi slt, %rem3A_291, %lt3A_294 : i32
      %lt3A_296 = arith.constant 0 : i32
      %lt3A_297 = arith.cmpi slt, %select_n3A_290, %lt3A_296 : i32
      %ne3A_298 = arith.xori %lt3A_295, %lt3A_297 : i1
      %and3A_299 = arith.andi %ne3A_298, %ne3A_293 : i1
      %add3A_300 = arith.addi %rem3A_291, %select_n3A_290 : i32
      %select_n3A_301 = arith.select %and3A_299, %add3A_300, %rem3A_291 : i32
      %mul3A_302 = arith.constant 32 : i32
      %mul3A_303 = arith.muli %select_n3A_301, %mul3A_302 : i32
      %add3A_304 = arith.constant 0 : i32
      %add3A_305 = arith.addi %mul3A_303, %add3A_304 : i32
      %get3A_306 = arith.constant 0 : i32
      %get3A_307 = arith.index_cast %get3A_306 : i32 to index
      %get3A_308 = arith.index_cast %add3A_305 : i32 to index
      %get3A_309 = tpu.vector_load %arg10[%get3A_307, %get3A_308] {strides = array<i32>} : memref<8x128xi32, #tpu.memory_space<vmem>>, vector<16xi32>,
      %add3A_310 = arith.constant 0 : i32
      %add3A_311 = arith.addi %mul3A_303, %add3A_310 : i32
      %get3A_312 = arith.constant 1 : i32
      %get3A_313 = arith.index_cast %get3A_312 : i32 to index
      %get3A_314 = arith.index_cast %add3A_311 : i32 to index
      %get3A_315 = tpu.vector_load %arg10[%get3A_313, %get3A_314] {strides = array<i32>} : memref<8x128xi32, #tpu.memory_space<vmem>>, vector<16xi32>,
      %add3A_316 = arith.constant 0 : i32
      %add3A_317 = arith.addi %mul3A_303, %add3A_316 : i32
      %get3A_318 = arith.constant 2 : i32
      %get3A_319 = arith.index_cast %get3A_318 : i32 to index
      %get3A_320 = arith.index_cast %add3A_317 : i32 to index
      %get3A_321 = tpu.vector_load %arg10[%get3A_319, %get3A_320] {strides = array<i32>} : memref<8x128xi32, #tpu.memory_space<vmem>>, vector<16xi32>,
      %mul3A_322 = arith.constant 2 : i32
      %mul3A_323 = vector.broadcast %mul3A_322 : i32 to vector<16xi32>
      %mul3A_324 = arith.muli %get3A_309, %mul3A_323 : vector<16xi32>
      %mul3A_325 = arith.constant 2 : i32
      %mul3A_326 = vector.broadcast %mul3A_325 : i32 to vector<16xi32>
      %mul3A_327 = arith.muli %get3A_315, %mul3A_326 : vector<16xi32>
      %mul3A_328 = arith.constant 2 : i32
      %mul3A_329 = vector.broadcast %mul3A_328 : i32 to vector<16xi32>
      %mul3A_330 = arith.muli %get3A_321, %mul3A_329 : vector<16xi32>
      %gather3A = tpu.vector_load_idx %arg8[%mul3A_324] : memref<20000xf32, #tpu.memory_space<vmem>>[vector<16xi32>], vector<16xf32>,
      %add3A_331 = arith.constant 1 : i32
      %add3A_332 = vector.broadcast %add3A_331 : i32 to vector<16xi32>
      %add3A_333 = arith.addi %mul3A_324, %add3A_332 : vector<16xi32>
      %gather3A_334 = tpu.vector_load_idx %arg8[%add3A_333] : memref<20000xf32, #tpu.memory_space<vmem>>[vector<16xi32>], vector<16xf32>,
      %gather3A_335 = tpu.vector_load_idx %arg8[%mul3A_327] : memref<20000xf32, #tpu.memory_space<vmem>>[vector<16xi32>], vector<16xf32>,
      %add3A_336 = arith.constant 1 : i32
      %add3A_337 = vector.broadcast %add3A_336 : i32 to vector<16xi32>
      %add3A_338 = arith.addi %mul3A_327, %add3A_337 : vector<16xi32>
      %gather3A_339 = tpu.vector_load_idx %arg8[%add3A_338] : memref<20000xf32, #tpu.memory_space<vmem>>[vector<16xi32>], vector<16xf32>,
      %gather3A_340 = tpu.vector_load_idx %arg8[%mul3A_330] : memref<20000xf32, #tpu.memory_space<vmem>>[vector<16xi32>], vector<16xf32>,
      %add3A_341 = arith.constant 1 : i32
      %add3A_342 = vector.broadcast %add3A_341 : i32 to vector<16xi32>
      %add3A_343 = arith.addi %mul3A_330, %add3A_342 : vector<16xi32>
      %gather3A_344 = tpu.vector_load_idx %arg8[%add3A_343] : memref<20000xf32, #tpu.memory_space<vmem>>[vector<16xi32>], vector<16xf32>,
      %sub3A_345 = arith.subf %gather3A_335, %gather3A : vector<16xf32>
      %sub3A_346 = arith.subf %gather3A_339, %gather3A_334 : vector<16xf32>
      %sub3A_347 = arith.subf %gather3A_340, %gather3A : vector<16xf32>
      %sub3A_348 = arith.subf %gather3A_344, %gather3A_334 : vector<16xf32>
      %mul3A_349 = arith.mulf %sub3A_345, %sub3A_348 : vector<16xf32>
      %mul3A_350 = arith.mulf %sub3A_346, %sub3A_347 : vector<16xf32>
      %sub3A_351 = arith.subf %mul3A_349, %mul3A_350 : vector<16xf32>
      %mul3A_352 = arith.mulf %sub3A_345, %sub3A_345 : vector<16xf32>
      %mul3A_353 = arith.mulf %sub3A_346, %sub3A_346 : vector<16xf32>
      %add3A_354 = arith.addf %mul3A_352, %mul3A_353 : vector<16xf32>
      %mul3A_355 = arith.mulf %sub3A_345, %sub3A_347 : vector<16xf32>
      %mul3A_356 = arith.mulf %sub3A_346, %sub3A_348 : vector<16xf32>
      %add3A_357 = arith.addf %mul3A_355, %mul3A_356 : vector<16xf32>
      %mul3A_358 = arith.mulf %sub3A_347, %sub3A_347 : vector<16xf32>
      %mul3A_359 = arith.mulf %sub3A_348, %sub3A_348 : vector<16xf32>
      %add3A_360 = arith.addf %mul3A_358, %mul3A_359 : vector<16xf32>
      %div3A_361 = vector.broadcast %squeeze3A_63 : f32 to vector<16xf32>
      %div3A_362 = arith.divf %div3A_361, %sub3A_351 : vector<16xf32>
      %gather3A_363 = tpu.vector_load_idx %arg9[%get3A_309] : memref<10000xf32, #tpu.memory_space<vmem>>[vector<16xi32>], vector<16xf32>,
      %gather3A_364 = tpu.vector_load_idx %arg9[%get3A_315] : memref<10000xf32, #tpu.memory_space<vmem>>[vector<16xi32>], vector<16xf32>,
      %gather3A_365 = tpu.vector_load_idx %arg9[%get3A_321] : memref<10000xf32, #tpu.memory_space<vmem>>[vector<16xi32>], vector<16xf32>,
      %mul3A_366 = vector.broadcast %squeeze3A : f32 to vector<16xf32>
      %mul3A_367 = arith.mulf %sub3A_351, %mul3A_366 : vector<16xf32>
      %mul3A_368 = arith.constant 2.000000e+00 : f32
      %mul3A_369 = vector.broadcast %mul3A_368 : f32 to vector<16xf32>
      %mul3A_370 = arith.mulf %mul3A_369, %add3A_357 : vector<16xf32>
      %sub3A_371 = arith.subf %add3A_354, %mul3A_370 : vector<16xf32>
      %add3A_372 = arith.addf %sub3A_371, %add3A_360 : vector<16xf32>
      %mul3A_373 = arith.mulf %div3A_362, %add3A_372 : vector<16xf32>
      %add3A_374 = arith.addf %mul3A_367, %mul3A_373 : vector<16xf32>
      %mul3A_375 = arith.mulf %add3A_374, %gather3A_363 : vector<16xf32>
      %mul3A_376 = vector.broadcast %squeeze3A_53 : f32 to vector<16xf32>
      %mul3A_377 = arith.mulf %sub3A_351, %mul3A_376 : vector<16xf32>
      %mul3A_378 = arith.mulf %div3A_362, %add3A_360 : vector<16xf32>
      %add3A_379 = arith.addf %mul3A_377, %mul3A_378 : vector<16xf32>
      %mul3A_380 = arith.mulf %add3A_379, %gather3A_364 : vector<16xf32>
      %add3A_381 = arith.addf %mul3A_375, %mul3A_380 : vector<16xf32>
      %mul3A_382 = vector.broadcast %squeeze3A_55 : f32 to vector<16xf32>
      %mul3A_383 = arith.mulf %sub3A_351, %mul3A_382 : vector<16xf32>
      %mul3A_384 = arith.mulf %div3A_362, %add3A_354 : vector<16xf32>
      %add3A_385 = arith.addf %mul3A_383, %mul3A_384 : vector<16xf32>
      %mul3A_386 = arith.mulf %add3A_385, %gather3A_365 : vector<16xf32>
      %add3A_387 = arith.addf %add3A_381, %mul3A_386 : vector<16xf32>
      %add3A_388 = arith.addf %while3A_178, %add3A_387 : vector<16xf32>
      %mul3A_389 = vector.broadcast %squeeze3A_57 : f32 to vector<16xf32>
      %mul3A_390 = arith.mulf %sub3A_351, %mul3A_389 : vector<16xf32>
      %sub3A_391 = arith.subf %add3A_360, %add3A_357 : vector<16xf32>
      %mul3A_392 = arith.mulf %div3A_362, %sub3A_391 : vector<16xf32>
      %sub3A_393 = arith.subf %mul3A_390, %mul3A_392 : vector<16xf32>
      %mul3A_394 = arith.constant 2.000000e+00 : f32
      %mul3A_395 = vector.broadcast %mul3A_394 : f32 to vector<16xf32>
      %mul3A_396 = arith.mulf %mul3A_395, %sub3A_393 : vector<16xf32>
      %swap3A_397 = arith.constant 0 : index
      %swap3A_398 = tpu.vector_load %arg14[%swap3A_397] {strides = array<i32>} : memref<48xf32, #tpu.memory_space<vmem>>, vector<16xf32>,
      tpu.vector_store %arg14[%swap3A_397], %mul3A_396 {strides = array<i32>} : memref<48xf32, #tpu.memory_space<vmem>>, vector<16xf32>,
      %mul3A_399 = vector.broadcast %squeeze3A_59 : f32 to vector<16xf32>
      %mul3A_400 = arith.mulf %sub3A_351, %mul3A_399 : vector<16xf32>
      %sub3A_401 = arith.subf %add3A_354, %add3A_357 : vector<16xf32>
      %mul3A_402 = arith.mulf %div3A_362, %sub3A_401 : vector<16xf32>
      %sub3A_403 = arith.subf %mul3A_400, %mul3A_402 : vector<16xf32>
      %mul3A_404 = arith.constant 2.000000e+00 : f32
      %mul3A_405 = vector.broadcast %mul3A_404 : f32 to vector<16xf32>
      %mul3A_406 = arith.mulf %mul3A_405, %sub3A_403 : vector<16xf32>
      %swap3A_407 = arith.constant 16 : index
      %swap3A_408 = tpu.vector_load %arg14[%swap3A_407] {strides = array<i32>} : memref<48xf32, #tpu.memory_space<vmem>>, vector<16xf32>,
      tpu.vector_store %arg14[%swap3A_407], %mul3A_406 {strides = array<i32>} : memref<48xf32, #tpu.memory_space<vmem>>, vector<16xf32>,
      %mul3A_409 = vector.broadcast %squeeze3A_61 : f32 to vector<16xf32>
      %mul3A_410 = arith.mulf %sub3A_351, %mul3A_409 : vector<16xf32>
      %mul3A_411 = arith.mulf %div3A_362, %add3A_357 : vector<16xf32>
      %sub3A_412 = arith.subf %mul3A_410, %mul3A_411 : vector<16xf32>
      %mul3A_413 = arith.constant 2.000000e+00 : f32
      %mul3A_414 = vector.broadcast %mul3A_413 : f32 to vector<16xf32>
      %mul3A_415 = arith.mulf %mul3A_414, %sub3A_412 : vector<16xf32>
      %swap3A_416 = arith.constant 32 : index
      %swap3A_417 = tpu.vector_load %arg14[%swap3A_416] {strides = array<i32>} : memref<48xf32, #tpu.memory_space<vmem>>, vector<16xf32>,
      tpu.vector_store %arg14[%swap3A_416], %mul3A_415 {strides = array<i32>} : memref<48xf32, #tpu.memory_space<vmem>>, vector<16xf32>,
      %parallel_loop3A = arith.constant 0 : i32
      %parallel_loop3A_418 = arith.constant 16 : i32
      %parallel_loop3A_419 = arith.constant 1 : i32
      %parallel_loop3A_420 = scf.for %parallel_loop3A_905 = %parallel_loop3A to %parallel_loop3A_418 step %parallel_loop3A_419 iter_args(%parallel_loop3A_906 = %add3A_388) -> (vector<16xf32>)  : i32 {
        %parallel_loop3A_907 = arith.constant 0 : i32
        %parallel_loop3A_908 = arith.addi %parallel_loop3A_907, %parallel_loop3A_905 : i32
        %parallel_loop3A_909 = arith.index_cast %parallel_loop3A_908 : i32 to index
        %parallel_loop3A_910 = arith.constant 0 : index
        %parallel_loop3A_911 = tpu.vector_load %arg12[%parallel_loop3A_909, %parallel_loop3A_910] {strides = array<i32>} : memref<96x128xi32, #tpu.memory_space<vmem>>, vector<16xi32>,
        %parallel_loop3A_912 = vector.bitcast %parallel_loop3A_911 : vector<16xi32> to vector<32xbf16>
        %parallel_loop3A_913 = arith.constant 32 : i32
        %parallel_loop3A_914 = arith.addi %parallel_loop3A_908, %parallel_loop3A_913 : i32
        %parallel_loop3A_915 = arith.index_cast %parallel_loop3A_914 : i32 to index
        %parallel_loop3A_916 = arith.constant 0 : index
        %parallel_loop3A_917 = tpu.vector_load %arg12[%parallel_loop3A_915, %parallel_loop3A_916] {strides = array<i32>} : memref<96x128xi32, #tpu.memory_space<vmem>>, vector<16xi32>,
        %parallel_loop3A_918 = vector.bitcast %parallel_loop3A_917 : vector<16xi32> to vector<32xbf16>
        %parallel_loop3A_919 = arith.constant 64 : i32
        %parallel_loop3A_920 = arith.addi %parallel_loop3A_908, %parallel_loop3A_919 : i32
        %parallel_loop3A_921 = arith.index_cast %parallel_loop3A_920 : i32 to index
        %parallel_loop3A_922 = arith.constant 0 : index
        %parallel_loop3A_923 = tpu.vector_load %arg12[%parallel_loop3A_921, %parallel_loop3A_922] {strides = array<i32>} : memref<96x128xi32, #tpu.memory_space<vmem>>, vector<16xi32>,
        %parallel_loop3A_924 = vector.bitcast %parallel_loop3A_923 : vector<16xi32> to vector<32xbf16>
        %parallel_loop3A_925 = arith.mulf %parallel_loop3A_912, %parallel_loop3A_918 : vector<32xbf16>
        %parallel_loop3A_926 = arith.mulf %parallel_loop3A_912, %parallel_loop3A_924 : vector<32xbf16>
        %parallel_loop3A_927 = arith.mulf %parallel_loop3A_918, %parallel_loop3A_924 : vector<32xbf16>
        %parallel_loop3A_928 = arith.index_cast %parallel_loop3A_908 : i32 to index
        %parallel_loop3A_929 = arith.constant 16 : index
        %parallel_loop3A_930 = tpu.vector_load %arg12[%parallel_loop3A_928, %parallel_loop3A_929] {strides = array<i32>} : memref<96x128xi32, #tpu.memory_space<vmem>>, vector<16xi32>,
        %parallel_loop3A_931 = vector.bitcast %parallel_loop3A_930 : vector<16xi32> to vector<32xbf16>
        %parallel_loop3A_932 = arith.constant 32 : i32
        %parallel_loop3A_933 = arith.addi %parallel_loop3A_908, %parallel_loop3A_932 : i32
        %parallel_loop3A_934 = arith.index_cast %parallel_loop3A_933 : i32 to index
        %parallel_loop3A_935 = arith.constant 16 : index
        %parallel_loop3A_936 = tpu.vector_load %arg12[%parallel_loop3A_934, %parallel_loop3A_935] {strides = array<i32>} : memref<96x128xi32, #tpu.memory_space<vmem>>, vector<16xi32>,
        %parallel_loop3A_937 = vector.bitcast %parallel_loop3A_936 : vector<16xi32> to vector<32xbf16>
        %parallel_loop3A_938 = arith.constant 64 : i32
        %parallel_loop3A_939 = arith.addi %parallel_loop3A_908, %parallel_loop3A_938 : i32
        %parallel_loop3A_940 = arith.index_cast %parallel_loop3A_939 : i32 to index
        %parallel_loop3A_941 = arith.constant 16 : index
        %parallel_loop3A_942 = tpu.vector_load %arg12[%parallel_loop3A_940, %parallel_loop3A_941] {strides = array<i32>} : memref<96x128xi32, #tpu.memory_space<vmem>>, vector<16xi32>,
        %parallel_loop3A_943 = vector.bitcast %parallel_loop3A_942 : vector<16xi32> to vector<32xbf16>
        %parallel_loop3A_944 = arith.mulf %parallel_loop3A_931, %parallel_loop3A_937 : vector<32xbf16>
        %parallel_loop3A_945 = arith.addf %parallel_loop3A_925, %parallel_loop3A_944 : vector<32xbf16>
        %parallel_loop3A_946 = arith.mulf %parallel_loop3A_931, %parallel_loop3A_943 : vector<32xbf16>
        %parallel_loop3A_947 = arith.addf %parallel_loop3A_926, %parallel_loop3A_946 : vector<32xbf16>
        %parallel_loop3A_948 = arith.mulf %parallel_loop3A_937, %parallel_loop3A_943 : vector<32xbf16>
        %parallel_loop3A_949 = arith.addf %parallel_loop3A_927, %parallel_loop3A_948 : vector<32xbf16>
        %parallel_loop3A_950 = arith.index_cast %parallel_loop3A_908 : i32 to index
        %parallel_loop3A_951 = arith.constant 32 : index
        %parallel_loop3A_952 = tpu.vector_load %arg12[%parallel_loop3A_950, %parallel_loop3A_951] {strides = array<i32>} : memref<96x128xi32, #tpu.memory_space<vmem>>, vector<16xi32>,
        %parallel_loop3A_953 = vector.bitcast %parallel_loop3A_952 : vector<16xi32> to vector<32xbf16>
        %parallel_loop3A_954 = arith.constant 32 : i32
        %parallel_loop3A_955 = arith.addi %parallel_loop3A_908, %parallel_loop3A_954 : i32
        %parallel_loop3A_956 = arith.index_cast %parallel_loop3A_955 : i32 to index
        %parallel_loop3A_957 = arith.constant 32 : index
        %parallel_loop3A_958 = tpu.vector_load %arg12[%parallel_loop3A_956, %parallel_loop3A_957] {strides = array<i32>} : memref<96x128xi32, #tpu.memory_space<vmem>>, vector<16xi32>,
        %parallel_loop3A_959 = vector.bitcast %parallel_loop3A_958 : vector<16xi32> to vector<32xbf16>
        %parallel_loop3A_960 = arith.constant 64 : i32
        %parallel_loop3A_961 = arith.addi %parallel_loop3A_908, %parallel_loop3A_960 : i32
        %parallel_loop3A_962 = arith.index_cast %parallel_loop3A_961 : i32 to index
        %parallel_loop3A_963 = arith.constant 32 : index
        %parallel_loop3A_964 = tpu.vector_load %arg12[%parallel_loop3A_962, %parallel_loop3A_963] {strides = array<i32>} : memref<96x128xi32, #tpu.memory_space<vmem>>, vector<16xi32>,
        %parallel_loop3A_965 = vector.bitcast %parallel_loop3A_964 : vector<16xi32> to vector<32xbf16>
        %parallel_loop3A_966 = arith.mulf %parallel_loop3A_953, %parallel_loop3A_959 : vector<32xbf16>
        %parallel_loop3A_967 = arith.addf %parallel_loop3A_945, %parallel_loop3A_966 : vector<32xbf16>
        %parallel_loop3A_968 = arith.mulf %parallel_loop3A_953, %parallel_loop3A_965 : vector<32xbf16>
        %parallel_loop3A_969 = arith.addf %parallel_loop3A_947, %parallel_loop3A_968 : vector<32xbf16>
        %parallel_loop3A_970 = arith.mulf %parallel_loop3A_959, %parallel_loop3A_965 : vector<32xbf16>
        %parallel_loop3A_971 = arith.addf %parallel_loop3A_949, %parallel_loop3A_970 : vector<32xbf16>
        %parallel_loop3A_972 = arith.index_cast %parallel_loop3A_908 : i32 to index
        %parallel_loop3A_973 = arith.constant 48 : index
        %parallel_loop3A_974 = tpu.vector_load %arg12[%parallel_loop3A_972, %parallel_loop3A_973] {strides = array<i32>} : memref<96x128xi32, #tpu.memory_space<vmem>>, vector<16xi32>,
        %parallel_loop3A_975 = vector.bitcast %parallel_loop3A_974 : vector<16xi32> to vector<32xbf16>
        %parallel_loop3A_976 = arith.constant 32 : i32
        %parallel_loop3A_977 = arith.addi %parallel_loop3A_908, %parallel_loop3A_976 : i32
        %parallel_loop3A_978 = arith.index_cast %parallel_loop3A_977 : i32 to index
        %parallel_loop3A_979 = arith.constant 48 : index
        %parallel_loop3A_980 = tpu.vector_load %arg12[%parallel_loop3A_978, %parallel_loop3A_979] {strides = array<i32>} : memref<96x128xi32, #tpu.memory_space<vmem>>, vector<16xi32>,
        %parallel_loop3A_981 = vector.bitcast %parallel_loop3A_980 : vector<16xi32> to vector<32xbf16>
        %parallel_loop3A_982 = arith.constant 64 : i32
        %parallel_loop3A_983 = arith.addi %parallel_loop3A_908, %parallel_loop3A_982 : i32
        %parallel_loop3A_984 = arith.index_cast %parallel_loop3A_983 : i32 to index
        %parallel_loop3A_985 = arith.constant 48 : index
        %parallel_loop3A_986 = tpu.vector_load %arg12[%parallel_loop3A_984, %parallel_loop3A_985] {strides = array<i32>} : memref<96x128xi32, #tpu.memory_space<vmem>>, vector<16xi32>,
        %parallel_loop3A_987 = vector.bitcast %parallel_loop3A_986 : vector<16xi32> to vector<32xbf16>
        %parallel_loop3A_988 = arith.mulf %parallel_loop3A_975, %parallel_loop3A_981 : vector<32xbf16>
        %parallel_loop3A_989 = arith.addf %parallel_loop3A_967, %parallel_loop3A_988 : vector<32xbf16>
        %parallel_loop3A_990 = arith.mulf %parallel_loop3A_975, %parallel_loop3A_987 : vector<32xbf16>
        %parallel_loop3A_991 = arith.addf %parallel_loop3A_969, %parallel_loop3A_990 : vector<32xbf16>
        %parallel_loop3A_992 = arith.mulf %parallel_loop3A_981, %parallel_loop3A_987 : vector<32xbf16>
        %parallel_loop3A_993 = arith.addf %parallel_loop3A_971, %parallel_loop3A_992 : vector<32xbf16>
        %parallel_loop3A_994 = arith.index_cast %parallel_loop3A_908 : i32 to index
        %parallel_loop3A_995 = arith.constant 64 : index
        %parallel_loop3A_996 = tpu.vector_load %arg12[%parallel_loop3A_994, %parallel_loop3A_995] {strides = array<i32>} : memref<96x128xi32, #tpu.memory_space<vmem>>, vector<16xi32>,
        %parallel_loop3A_997 = vector.bitcast %parallel_loop3A_996 : vector<16xi32> to vector<32xbf16>
        %parallel_loop3A_998 = arith.constant 32 : i32
        %parallel_loop3A_999 = arith.addi %parallel_loop3A_908, %parallel_loop3A_998 : i32
        %parallel_loop3A_1000 = arith.index_cast %parallel_loop3A_999 : i32 to index
        %parallel_loop3A_1001 = arith.constant 64 : index
        %parallel_loop3A_1002 = tpu.vector_load %arg12[%parallel_loop3A_1000, %parallel_loop3A_1001] {strides = array<i32>} : memref<96x128xi32, #tpu.memory_space<vmem>>, vector<16xi32>,
        %parallel_loop3A_1003 = vector.bitcast %parallel_loop3A_1002 : vector<16xi32> to vector<32xbf16>
        %parallel_loop3A_1004 = arith.constant 64 : i32
        %parallel_loop3A_1005 = arith.addi %parallel_loop3A_908, %parallel_loop3A_1004 : i32
        %parallel_loop3A_1006 = arith.index_cast %parallel_loop3A_1005 : i32 to index
        %parallel_loop3A_1007 = arith.constant 64 : index
        %parallel_loop3A_1008 = tpu.vector_load %arg12[%parallel_loop3A_1006, %parallel_loop3A_1007] {strides = array<i32>} : memref<96x128xi32, #tpu.memory_space<vmem>>, vector<16xi32>,
        %parallel_loop3A_1009 = vector.bitcast %parallel_loop3A_1008 : vector<16xi32> to vector<32xbf16>
        %parallel_loop3A_1010 = arith.mulf %parallel_loop3A_997, %parallel_loop3A_1003 : vector<32xbf16>
        %parallel_loop3A_1011 = arith.addf %parallel_loop3A_989, %parallel_loop3A_1010 : vector<32xbf16>
        %parallel_loop3A_1012 = arith.mulf %parallel_loop3A_997, %parallel_loop3A_1009 : vector<32xbf16>
        %parallel_loop3A_1013 = arith.addf %parallel_loop3A_991, %parallel_loop3A_1012 : vector<32xbf16>
        %parallel_loop3A_1014 = arith.mulf %parallel_loop3A_1003, %parallel_loop3A_1009 : vector<32xbf16>
        %parallel_loop3A_1015 = arith.addf %parallel_loop3A_993, %parallel_loop3A_1014 : vector<32xbf16>
        %parallel_loop3A_1016 = arith.index_cast %parallel_loop3A_908 : i32 to index
        %parallel_loop3A_1017 = arith.constant 80 : index
        %parallel_loop3A_1018 = tpu.vector_load %arg12[%parallel_loop3A_1016, %parallel_loop3A_1017] {strides = array<i32>} : memref<96x128xi32, #tpu.memory_space<vmem>>, vector<16xi32>,
        %parallel_loop3A_1019 = vector.bitcast %parallel_loop3A_1018 : vector<16xi32> to vector<32xbf16>
        %parallel_loop3A_1020 = arith.constant 32 : i32
        %parallel_loop3A_1021 = arith.addi %parallel_loop3A_908, %parallel_loop3A_1020 : i32
        %parallel_loop3A_1022 = arith.index_cast %parallel_loop3A_1021 : i32 to index
        %parallel_loop3A_1023 = arith.constant 80 : index
        %parallel_loop3A_1024 = tpu.vector_load %arg12[%parallel_loop3A_1022, %parallel_loop3A_1023] {strides = array<i32>} : memref<96x128xi32, #tpu.memory_space<vmem>>, vector<16xi32>,
        %parallel_loop3A_1025 = vector.bitcast %parallel_loop3A_1024 : vector<16xi32> to vector<32xbf16>
        %parallel_loop3A_1026 = arith.constant 64 : i32
        %parallel_loop3A_1027 = arith.addi %parallel_loop3A_908, %parallel_loop3A_1026 : i32
        %parallel_loop3A_1028 = arith.index_cast %parallel_loop3A_1027 : i32 to index
        %parallel_loop3A_1029 = arith.constant 80 : index
        %parallel_loop3A_1030 = tpu.vector_load %arg12[%parallel_loop3A_1028, %parallel_loop3A_1029] {strides = array<i32>} : memref<96x128xi32, #tpu.memory_space<vmem>>, vector<16xi32>,
        %parallel_loop3A_1031 = vector.bitcast %parallel_loop3A_1030 : vector<16xi32> to vector<32xbf16>
        %parallel_loop3A_1032 = arith.mulf %parallel_loop3A_1019, %parallel_loop3A_1025 : vector<32xbf16>
        %parallel_loop3A_1033 = arith.addf %parallel_loop3A_1011, %parallel_loop3A_1032 : vector<32xbf16>
        %parallel_loop3A_1034 = arith.mulf %parallel_loop3A_1019, %parallel_loop3A_1031 : vector<32xbf16>
        %parallel_loop3A_1035 = arith.addf %parallel_loop3A_1013, %parallel_loop3A_1034 : vector<32xbf16>
        %parallel_loop3A_1036 = arith.mulf %parallel_loop3A_1025, %parallel_loop3A_1031 : vector<32xbf16>
        %parallel_loop3A_1037 = arith.addf %parallel_loop3A_1015, %parallel_loop3A_1036 : vector<32xbf16>
        %parallel_loop3A_1038 = arith.index_cast %parallel_loop3A_908 : i32 to index
        %parallel_loop3A_1039 = arith.constant 96 : index
        %parallel_loop3A_1040 = tpu.vector_load %arg12[%parallel_loop3A_1038, %parallel_loop3A_1039] {strides = array<i32>} : memref<96x128xi32, #tpu.memory_space<vmem>>, vector<16xi32>,
        %parallel_loop3A_1041 = vector.bitcast %parallel_loop3A_1040 : vector<16xi32> to vector<32xbf16>
        %parallel_loop3A_1042 = arith.constant 32 : i32
        %parallel_loop3A_1043 = arith.addi %parallel_loop3A_908, %parallel_loop3A_1042 : i32
        %parallel_loop3A_1044 = arith.index_cast %parallel_loop3A_1043 : i32 to index
        %parallel_loop3A_1045 = arith.constant 96 : index
        %parallel_loop3A_1046 = tpu.vector_load %arg12[%parallel_loop3A_1044, %parallel_loop3A_1045] {strides = array<i32>} : memref<96x128xi32, #tpu.memory_space<vmem>>, vector<16xi32>,
        %parallel_loop3A_1047 = vector.bitcast %parallel_loop3A_1046 : vector<16xi32> to vector<32xbf16>
        %parallel_loop3A_1048 = arith.constant 64 : i32
        %parallel_loop3A_1049 = arith.addi %parallel_loop3A_908, %parallel_loop3A_1048 : i32
        %parallel_loop3A_1050 = arith.index_cast %parallel_loop3A_1049 : i32 to index
        %parallel_loop3A_1051 = arith.constant 96 : index
        %parallel_loop3A_1052 = tpu.vector_load %arg12[%parallel_loop3A_1050, %parallel_loop3A_1051] {strides = array<i32>} : memref<96x128xi32, #tpu.memory_space<vmem>>, vector<16xi32>,
        %parallel_loop3A_1053 = vector.bitcast %parallel_loop3A_1052 : vector<16xi32> to vector<32xbf16>
        %parallel_loop3A_1054 = arith.mulf %parallel_loop3A_1041, %parallel_loop3A_1047 : vector<32xbf16>
        %parallel_loop3A_1055 = arith.addf %parallel_loop3A_1033, %parallel_loop3A_1054 : vector<32xbf16>
        %parallel_loop3A_1056 = arith.mulf %parallel_loop3A_1041, %parallel_loop3A_1053 : vector<32xbf16>
        %parallel_loop3A_1057 = arith.addf %parallel_loop3A_1035, %parallel_loop3A_1056 : vector<32xbf16>
        %parallel_loop3A_1058 = arith.mulf %parallel_loop3A_1047, %parallel_loop3A_1053 : vector<32xbf16>
        %parallel_loop3A_1059 = arith.addf %parallel_loop3A_1037, %parallel_loop3A_1058 : vector<32xbf16>
        %parallel_loop3A_1060 = arith.index_cast %parallel_loop3A_908 : i32 to index
        %parallel_loop3A_1061 = arith.constant 112 : index
        %parallel_loop3A_1062 = tpu.vector_load %arg12[%parallel_loop3A_1060, %parallel_loop3A_1061] {strides = array<i32>} : memref<96x128xi32, #tpu.memory_space<vmem>>, vector<16xi32>,
        %parallel_loop3A_1063 = vector.bitcast %parallel_loop3A_1062 : vector<16xi32> to vector<32xbf16>
        %parallel_loop3A_1064 = arith.constant 32 : i32
        %parallel_loop3A_1065 = arith.addi %parallel_loop3A_908, %parallel_loop3A_1064 : i32
        %parallel_loop3A_1066 = arith.index_cast %parallel_loop3A_1065 : i32 to index
        %parallel_loop3A_1067 = arith.constant 112 : index
        %parallel_loop3A_1068 = tpu.vector_load %arg12[%parallel_loop3A_1066, %parallel_loop3A_1067] {strides = array<i32>} : memref<96x128xi32, #tpu.memory_space<vmem>>, vector<16xi32>,
        %parallel_loop3A_1069 = vector.bitcast %parallel_loop3A_1068 : vector<16xi32> to vector<32xbf16>
        %parallel_loop3A_1070 = arith.constant 64 : i32
        %parallel_loop3A_1071 = arith.addi %parallel_loop3A_908, %parallel_loop3A_1070 : i32
        %parallel_loop3A_1072 = arith.index_cast %parallel_loop3A_1071 : i32 to index
        %parallel_loop3A_1073 = arith.constant 112 : index
        %parallel_loop3A_1074 = tpu.vector_load %arg12[%parallel_loop3A_1072, %parallel_loop3A_1073] {strides = array<i32>} : memref<96x128xi32, #tpu.memory_space<vmem>>, vector<16xi32>,
        %parallel_loop3A_1075 = vector.bitcast %parallel_loop3A_1074 : vector<16xi32> to vector<32xbf16>
        %parallel_loop3A_1076 = arith.mulf %parallel_loop3A_1063, %parallel_loop3A_1069 : vector<32xbf16>
        %parallel_loop3A_1077 = arith.addf %parallel_loop3A_1055, %parallel_loop3A_1076 : vector<32xbf16>
        %parallel_loop3A_1078 = arith.mulf %parallel_loop3A_1063, %parallel_loop3A_1075 : vector<32xbf16>
        %parallel_loop3A_1079 = arith.addf %parallel_loop3A_1057, %parallel_loop3A_1078 : vector<32xbf16>
        %parallel_loop3A_1080 = arith.mulf %parallel_loop3A_1069, %parallel_loop3A_1075 : vector<32xbf16>
        %parallel_loop3A_1081 = arith.addf %parallel_loop3A_1059, %parallel_loop3A_1080 : vector<32xbf16>
        %parallel_loop3A_1082 = tpu.unpack_subelements %parallel_loop3A_1077, 0 {pack_format = #tpu.pack_format<interleaved>} : vector<32xbf16> -> vector<16xf32>
        %parallel_loop3A_1083 = tpu.unpack_subelements %parallel_loop3A_1077, 1 {pack_format = #tpu.pack_format<interleaved>} : vector<32xbf16> -> vector<16xf32>
        %parallel_loop3A_1084 = tpu.unpack_subelements %parallel_loop3A_1079, 0 {pack_format = #tpu.pack_format<interleaved>} : vector<32xbf16> -> vector<16xf32>
        %parallel_loop3A_1085 = tpu.unpack_subelements %parallel_loop3A_1079, 1 {pack_format = #tpu.pack_format<interleaved>} : vector<32xbf16> -> vector<16xf32>
        %parallel_loop3A_1086 = tpu.unpack_subelements %parallel_loop3A_1081, 0 {pack_format = #tpu.pack_format<interleaved>} : vector<32xbf16> -> vector<16xf32>
        %parallel_loop3A_1087 = tpu.unpack_subelements %parallel_loop3A_1081, 1 {pack_format = #tpu.pack_format<interleaved>} : vector<32xbf16> -> vector<16xf32>
        %parallel_loop3A_1088 = vector.broadcast %parallel_loop3A_905 : i32 to vector<16xi32>
        %parallel_loop3A_1089 = tpu.vector_load_idx %arg14[%parallel_loop3A_1088] : memref<48xf32, #tpu.memory_space<vmem>>[vector<16xi32>], vector<16xf32>,
        %parallel_loop3A_1090 = arith.constant 16 : i32
        %parallel_loop3A_1091 = vector.broadcast %parallel_loop3A_1090 : i32 to vector<16xi32>
        %parallel_loop3A_1092 = arith.addi %parallel_loop3A_1088, %parallel_loop3A_1091 : vector<16xi32>
        %parallel_loop3A_1093 = tpu.vector_load_idx %arg14[%parallel_loop3A_1092] : memref<48xf32, #tpu.memory_space<vmem>>[vector<16xi32>], vector<16xf32>,
        %parallel_loop3A_1094 = arith.constant 32 : i32
        %parallel_loop3A_1095 = vector.broadcast %parallel_loop3A_1094 : i32 to vector<16xi32>
        %parallel_loop3A_1096 = arith.addi %parallel_loop3A_1088, %parallel_loop3A_1095 : vector<16xi32>
        %parallel_loop3A_1097 = tpu.vector_load_idx %arg14[%parallel_loop3A_1096] : memref<48xf32, #tpu.memory_space<vmem>>[vector<16xi32>], vector<16xf32>,
        %parallel_loop3A_1098 = arith.addf %parallel_loop3A_1082, %parallel_loop3A_1083 : vector<16xf32>
        %parallel_loop3A_1099 = arith.mulf %parallel_loop3A_1089, %parallel_loop3A_1098 : vector<16xf32>
        %parallel_loop3A_1100 = arith.addf %parallel_loop3A_1084, %parallel_loop3A_1085 : vector<16xf32>
        %parallel_loop3A_1101 = arith.mulf %parallel_loop3A_1093, %parallel_loop3A_1100 : vector<16xf32>
        %parallel_loop3A_1102 = arith.addf %parallel_loop3A_1099, %parallel_loop3A_1101 : vector<16xf32>
        %parallel_loop3A_1103 = arith.addf %parallel_loop3A_906, %parallel_loop3A_1102 : vector<16xf32>
        %parallel_loop3A_1104 = arith.addf %parallel_loop3A_1086, %parallel_loop3A_1087 : vector<16xf32>
        %parallel_loop3A_1105 = arith.mulf %parallel_loop3A_1097, %parallel_loop3A_1104 : vector<16xf32>
        %parallel_loop3A_1106 = arith.addf %parallel_loop3A_1103, %parallel_loop3A_1105 : vector<16xf32>
        scf.yield %parallel_loop3A_1106 : vector<16xf32>
      } {sc.loop_unroll_factor = 2 : i64, sc.parallel_access}
      %add3A_421 = arith.constant 16 : i32
      %add3A_422 = arith.addi %mul3A_303, %add3A_421 : i32
      %get3A_423 = arith.constant 0 : i32
      %get3A_424 = arith.index_cast %get3A_423 : i32 to index
      %get3A_425 = arith.index_cast %add3A_422 : i32 to index
      %get3A_426 = tpu.vector_load %arg10[%get3A_424, %get3A_425] {strides = array<i32>} : memref<8x128xi32, #tpu.memory_space<vmem>>, vector<16xi32>,
      %add3A_427 = arith.constant 16 : i32
      %add3A_428 = arith.addi %mul3A_303, %add3A_427 : i32
      %get3A_429 = arith.constant 1 : i32
      %get3A_430 = arith.index_cast %get3A_429 : i32 to index
      %get3A_431 = arith.index_cast %add3A_428 : i32 to index
      %get3A_432 = tpu.vector_load %arg10[%get3A_430, %get3A_431] {strides = array<i32>} : memref<8x128xi32, #tpu.memory_space<vmem>>, vector<16xi32>,
      %add3A_433 = arith.constant 16 : i32
      %add3A_434 = arith.addi %mul3A_303, %add3A_433 : i32
      %get3A_435 = arith.constant 2 : i32
      %get3A_436 = arith.index_cast %get3A_435 : i32 to index
      %get3A_437 = arith.index_cast %add3A_434 : i32 to index
      %get3A_438 = tpu.vector_load %arg10[%get3A_436, %get3A_437] {strides = array<i32>} : memref<8x128xi32, #tpu.memory_space<vmem>>, vector<16xi32>,
      %mul3A_439 = arith.constant 2 : i32
      %mul3A_440 = vector.broadcast %mul3A_439 : i32 to vector<16xi32>
      %mul3A_441 = arith.muli %get3A_426, %mul3A_440 : vector<16xi32>
      %mul3A_442 = arith.constant 2 : i32
      %mul3A_443 = vector.broadcast %mul3A_442 : i32 to vector<16xi32>
      %mul3A_444 = arith.muli %get3A_432, %mul3A_443 : vector<16xi32>
      %mul3A_445 = arith.constant 2 : i32
      %mul3A_446 = vector.broadcast %mul3A_445 : i32 to vector<16xi32>
      %mul3A_447 = arith.muli %get3A_438, %mul3A_446 : vector<16xi32>
      %gather3A_448 = tpu.vector_load_idx %arg8[%mul3A_441] : memref<20000xf32, #tpu.memory_space<vmem>>[vector<16xi32>], vector<16xf32>,
      %add3A_449 = arith.constant 1 : i32
      %add3A_450 = vector.broadcast %add3A_449 : i32 to vector<16xi32>
      %add3A_451 = arith.addi %mul3A_441, %add3A_450 : vector<16xi32>
      %gather3A_452 = tpu.vector_load_idx %arg8[%add3A_451] : memref<20000xf32, #tpu.memory_space<vmem>>[vector<16xi32>], vector<16xf32>,
      %gather3A_453 = tpu.vector_load_idx %arg8[%mul3A_444] : memref<20000xf32, #tpu.memory_space<vmem>>[vector<16xi32>], vector<16xf32>,
      %add3A_454 = arith.constant 1 : i32
      %add3A_455 = vector.broadcast %add3A_454 : i32 to vector<16xi32>
      %add3A_456 = arith.addi %mul3A_444, %add3A_455 : vector<16xi32>
      %gather3A_457 = tpu.vector_load_idx %arg8[%add3A_456] : memref<20000xf32, #tpu.memory_space<vmem>>[vector<16xi32>], vector<16xf32>,
      %gather3A_458 = tpu.vector_load_idx %arg8[%mul3A_447] : memref<20000xf32, #tpu.memory_space<vmem>>[vector<16xi32>], vector<16xf32>,
      %add3A_459 = arith.constant 1 : i32
      %add3A_460 = vector.broadcast %add3A_459 : i32 to vector<16xi32>
      %add3A_461 = arith.addi %mul3A_447, %add3A_460 : vector<16xi32>
      %gather3A_462 = tpu.vector_load_idx %arg8[%add3A_461] : memref<20000xf32, #tpu.memory_space<vmem>>[vector<16xi32>], vector<16xf32>,
      %sub3A_463 = arith.subf %gather3A_453, %gather3A_448 : vector<16xf32>
      %sub3A_464 = arith.subf %gather3A_457, %gather3A_452 : vector<16xf32>
      %sub3A_465 = arith.subf %gather3A_458, %gather3A_448 : vector<16xf32>
      %sub3A_466 = arith.subf %gather3A_462, %gather3A_452 : vector<16xf32>
      %mul3A_467 = arith.mulf %sub3A_463, %sub3A_466 : vector<16xf32>
      %mul3A_468 = arith.mulf %sub3A_464, %sub3A_465 : vector<16xf32>
      %sub3A_469 = arith.subf %mul3A_467, %mul3A_468 : vector<16xf32>
      %mul3A_470 = arith.mulf %sub3A_463, %sub3A_463 : vector<16xf32>
      %mul3A_471 = arith.mulf %sub3A_464, %sub3A_464 : vector<16xf32>
      %add3A_472 = arith.addf %mul3A_470, %mul3A_471 : vector<16xf32>
      %mul3A_473 = arith.mulf %sub3A_463, %sub3A_465 : vector<16xf32>
      %mul3A_474 = arith.mulf %sub3A_464, %sub3A_466 : vector<16xf32>
      %add3A_475 = arith.addf %mul3A_473, %mul3A_474 : vector<16xf32>
      %mul3A_476 = arith.mulf %sub3A_465, %sub3A_465 : vector<16xf32>
      %mul3A_477 = arith.mulf %sub3A_466, %sub3A_466 : vector<16xf32>
      %add3A_478 = arith.addf %mul3A_476, %mul3A_477 : vector<16xf32>
      %div3A_479 = vector.broadcast %squeeze3A_63 : f32 to vector<16xf32>
      %div3A_480 = arith.divf %div3A_479, %sub3A_469 : vector<16xf32>
      %gather3A_481 = tpu.vector_load_idx %arg9[%get3A_426] : memref<10000xf32, #tpu.memory_space<vmem>>[vector<16xi32>], vector<16xf32>,
      %gather3A_482 = tpu.vector_load_idx %arg9[%get3A_432] : memref<10000xf32, #tpu.memory_space<vmem>>[vector<16xi32>], vector<16xf32>,
      %gather3A_483 = tpu.vector_load_idx %arg9[%get3A_438] : memref<10000xf32, #tpu.memory_space<vmem>>[vector<16xi32>], vector<16xf32>,
      %mul3A_484 = vector.broadcast %squeeze3A : f32 to vector<16xf32>
      %mul3A_485 = arith.mulf %sub3A_469, %mul3A_484 : vector<16xf32>
      %mul3A_486 = arith.constant 2.000000e+00 : f32
      %mul3A_487 = vector.broadcast %mul3A_486 : f32 to vector<16xf32>
      %mul3A_488 = arith.mulf %mul3A_487, %add3A_475 : vector<16xf32>
      %sub3A_489 = arith.subf %add3A_472, %mul3A_488 : vector<16xf32>
      %add3A_490 = arith.addf %sub3A_489, %add3A_478 : vector<16xf32>
      %mul3A_491 = arith.mulf %div3A_480, %add3A_490 : vector<16xf32>
      %add3A_492 = arith.addf %mul3A_485, %mul3A_491 : vector<16xf32>
      %mul3A_493 = arith.mulf %add3A_492, %gather3A_481 : vector<16xf32>
      %mul3A_494 = vector.broadcast %squeeze3A_53 : f32 to vector<16xf32>
      %mul3A_495 = arith.mulf %sub3A_469, %mul3A_494 : vector<16xf32>
      %mul3A_496 = arith.mulf %div3A_480, %add3A_478 : vector<16xf32>
      %add3A_497 = arith.addf %mul3A_495, %mul3A_496 : vector<16xf32>
      %mul3A_498 = arith.mulf %add3A_497, %gather3A_482 : vector<16xf32>
      %add3A_499 = arith.addf %mul3A_493, %mul3A_498 : vector<16xf32>
      %mul3A_500 = vector.broadcast %squeeze3A_55 : f32 to vector<16xf32>
      %mul3A_501 = arith.mulf %sub3A_469, %mul3A_500 : vector<16xf32>
      %mul3A_502 = arith.mulf %div3A_480, %add3A_472 : vector<16xf32>
      %add3A_503 = arith.addf %mul3A_501, %mul3A_502 : vector<16xf32>
      %mul3A_504 = arith.mulf %add3A_503, %gather3A_483 : vector<16xf32>
      %add3A_505 = arith.addf %add3A_499, %mul3A_504 : vector<16xf32>
      %add3A_506 = arith.addf %parallel_loop3A_420, %add3A_505 : vector<16xf32>
      %mul3A_507 = vector.broadcast %squeeze3A_57 : f32 to vector<16xf32>
      %mul3A_508 = arith.mulf %sub3A_469, %mul3A_507 : vector<16xf32>
      %sub3A_509 = arith.subf %add3A_478, %add3A_475 : vector<16xf32>
      %mul3A_510 = arith.mulf %div3A_480, %sub3A_509 : vector<16xf32>
      %sub3A_511 = arith.subf %mul3A_508, %mul3A_510 : vector<16xf32>
      %mul3A_512 = arith.constant 2.000000e+00 : f32
      %mul3A_513 = vector.broadcast %mul3A_512 : f32 to vector<16xf32>
      %mul3A_514 = arith.mulf %mul3A_513, %sub3A_511 : vector<16xf32>
      %swap3A_515 = arith.constant 0 : index
      %swap3A_516 = tpu.vector_load %arg14[%swap3A_515] {strides = array<i32>} : memref<48xf32, #tpu.memory_space<vmem>>, vector<16xf32>,
      tpu.vector_store %arg14[%swap3A_515], %mul3A_514 {strides = array<i32>} : memref<48xf32, #tpu.memory_space<vmem>>, vector<16xf32>,
      %mul3A_517 = vector.broadcast %squeeze3A_59 : f32 to vector<16xf32>
      %mul3A_518 = arith.mulf %sub3A_469, %mul3A_517 : vector<16xf32>
      %sub3A_519 = arith.subf %add3A_472, %add3A_475 : vector<16xf32>
      %mul3A_520 = arith.mulf %div3A_480, %sub3A_519 : vector<16xf32>
      %sub3A_521 = arith.subf %mul3A_518, %mul3A_520 : vector<16xf32>
      %mul3A_522 = arith.constant 2.000000e+00 : f32
      %mul3A_523 = vector.broadcast %mul3A_522 : f32 to vector<16xf32>
      %mul3A_524 = arith.mulf %mul3A_523, %sub3A_521 : vector<16xf32>
      %swap3A_525 = arith.constant 16 : index
      %swap3A_526 = tpu.vector_load %arg14[%swap3A_525] {strides = array<i32>} : memref<48xf32, #tpu.memory_space<vmem>>, vector<16xf32>,
      tpu.vector_store %arg14[%swap3A_525], %mul3A_524 {strides = array<i32>} : memref<48xf32, #tpu.memory_space<vmem>>, vector<16xf32>,
      %mul3A_527 = vector.broadcast %squeeze3A_61 : f32 to vector<16xf32>
      %mul3A_528 = arith.mulf %sub3A_469, %mul3A_527 : vector<16xf32>
      %mul3A_529 = arith.mulf %div3A_480, %add3A_475 : vector<16xf32>
      %sub3A_530 = arith.subf %mul3A_528, %mul3A_529 : vector<16xf32>
      %mul3A_531 = arith.constant 2.000000e+00 : f32
      %mul3A_532 = vector.broadcast %mul3A_531 : f32 to vector<16xf32>
      %mul3A_533 = arith.mulf %mul3A_532, %sub3A_530 : vector<16xf32>
      %swap3A_534 = arith.constant 32 : index
      %swap3A_535 = tpu.vector_load %arg14[%swap3A_534] {strides = array<i32>} : memref<48xf32, #tpu.memory_space<vmem>>, vector<16xf32>,
      tpu.vector_store %arg14[%swap3A_534], %mul3A_533 {strides = array<i32>} : memref<48xf32, #tpu.memory_space<vmem>>, vector<16xf32>,
      %parallel_loop3A_536 = arith.constant 0 : i32
      %parallel_loop3A_537 = arith.constant 16 : i32
      %parallel_loop3A_538 = arith.constant 1 : i32
      %parallel_loop3A_539 = scf.for %parallel_loop3A_905 = %parallel_loop3A_536 to %parallel_loop3A_537 step %parallel_loop3A_538 iter_args(%parallel_loop3A_906 = %add3A_506) -> (vector<16xf32>)  : i32 {
        %parallel_loop3A_907 = arith.constant 16 : i32
        %parallel_loop3A_908 = arith.addi %parallel_loop3A_907, %parallel_loop3A_905 : i32
        %parallel_loop3A_909 = arith.index_cast %parallel_loop3A_908 : i32 to index
        %parallel_loop3A_910 = arith.constant 0 : index
        %parallel_loop3A_911 = tpu.vector_load %arg12[%parallel_loop3A_909, %parallel_loop3A_910] {strides = array<i32>} : memref<96x128xi32, #tpu.memory_space<vmem>>, vector<16xi32>,
        %parallel_loop3A_912 = vector.bitcast %parallel_loop3A_911 : vector<16xi32> to vector<32xbf16>
        %parallel_loop3A_913 = arith.constant 32 : i32
        %parallel_loop3A_914 = arith.addi %parallel_loop3A_908, %parallel_loop3A_913 : i32
        %parallel_loop3A_915 = arith.index_cast %parallel_loop3A_914 : i32 to index
        %parallel_loop3A_916 = arith.constant 0 : index
        %parallel_loop3A_917 = tpu.vector_load %arg12[%parallel_loop3A_915, %parallel_loop3A_916] {strides = array<i32>} : memref<96x128xi32, #tpu.memory_space<vmem>>, vector<16xi32>,
        %parallel_loop3A_918 = vector.bitcast %parallel_loop3A_917 : vector<16xi32> to vector<32xbf16>
        %parallel_loop3A_919 = arith.constant 64 : i32
        %parallel_loop3A_920 = arith.addi %parallel_loop3A_908, %parallel_loop3A_919 : i32
        %parallel_loop3A_921 = arith.index_cast %parallel_loop3A_920 : i32 to index
        %parallel_loop3A_922 = arith.constant 0 : index
        %parallel_loop3A_923 = tpu.vector_load %arg12[%parallel_loop3A_921, %parallel_loop3A_922] {strides = array<i32>} : memref<96x128xi32, #tpu.memory_space<vmem>>, vector<16xi32>,
        %parallel_loop3A_924 = vector.bitcast %parallel_loop3A_923 : vector<16xi32> to vector<32xbf16>
        %parallel_loop3A_925 = arith.mulf %parallel_loop3A_912, %parallel_loop3A_918 : vector<32xbf16>
        %parallel_loop3A_926 = arith.mulf %parallel_loop3A_912, %parallel_loop3A_924 : vector<32xbf16>
        %parallel_loop3A_927 = arith.mulf %parallel_loop3A_918, %parallel_loop3A_924 : vector<32xbf16>
        %parallel_loop3A_928 = arith.index_cast %parallel_loop3A_908 : i32 to index
        %parallel_loop3A_929 = arith.constant 16 : index
        %parallel_loop3A_930 = tpu.vector_load %arg12[%parallel_loop3A_928, %parallel_loop3A_929] {strides = array<i32>} : memref<96x128xi32, #tpu.memory_space<vmem>>, vector<16xi32>,
        %parallel_loop3A_931 = vector.bitcast %parallel_loop3A_930 : vector<16xi32> to vector<32xbf16>
        %parallel_loop3A_932 = arith.constant 32 : i32
        %parallel_loop3A_933 = arith.addi %parallel_loop3A_908, %parallel_loop3A_932 : i32
        %parallel_loop3A_934 = arith.index_cast %parallel_loop3A_933 : i32 to index
        %parallel_loop3A_935 = arith.constant 16 : index
        %parallel_loop3A_936 = tpu.vector_load %arg12[%parallel_loop3A_934, %parallel_loop3A_935] {strides = array<i32>} : memref<96x128xi32, #tpu.memory_space<vmem>>, vector<16xi32>,
        %parallel_loop3A_937 = vector.bitcast %parallel_loop3A_936 : vector<16xi32> to vector<32xbf16>
        %parallel_loop3A_938 = arith.constant 64 : i32
        %parallel_loop3A_939 = arith.addi %parallel_loop3A_908, %parallel_loop3A_938 : i32
        %parallel_loop3A_940 = arith.index_cast %parallel_loop3A_939 : i32 to index
        %parallel_loop3A_941 = arith.constant 16 : index
        %parallel_loop3A_942 = tpu.vector_load %arg12[%parallel_loop3A_940, %parallel_loop3A_941] {strides = array<i32>} : memref<96x128xi32, #tpu.memory_space<vmem>>, vector<16xi32>,
        %parallel_loop3A_943 = vector.bitcast %parallel_loop3A_942 : vector<16xi32> to vector<32xbf16>
        %parallel_loop3A_944 = arith.mulf %parallel_loop3A_931, %parallel_loop3A_937 : vector<32xbf16>
        %parallel_loop3A_945 = arith.addf %parallel_loop3A_925, %parallel_loop3A_944 : vector<32xbf16>
        %parallel_loop3A_946 = arith.mulf %parallel_loop3A_931, %parallel_loop3A_943 : vector<32xbf16>
        %parallel_loop3A_947 = arith.addf %parallel_loop3A_926, %parallel_loop3A_946 : vector<32xbf16>
        %parallel_loop3A_948 = arith.mulf %parallel_loop3A_937, %parallel_loop3A_943 : vector<32xbf16>
        %parallel_loop3A_949 = arith.addf %parallel_loop3A_927, %parallel_loop3A_948 : vector<32xbf16>
        %parallel_loop3A_950 = arith.index_cast %parallel_loop3A_908 : i32 to index
        %parallel_loop3A_951 = arith.constant 32 : index
        %parallel_loop3A_952 = tpu.vector_load %arg12[%parallel_loop3A_950, %parallel_loop3A_951] {strides = array<i32>} : memref<96x128xi32, #tpu.memory_space<vmem>>, vector<16xi32>,
        %parallel_loop3A_953 = vector.bitcast %parallel_loop3A_952 : vector<16xi32> to vector<32xbf16>
        %parallel_loop3A_954 = arith.constant 32 : i32
        %parallel_loop3A_955 = arith.addi %parallel_loop3A_908, %parallel_loop3A_954 : i32
        %parallel_loop3A_956 = arith.index_cast %parallel_loop3A_955 : i32 to index
        %parallel_loop3A_957 = arith.constant 32 : index
        %parallel_loop3A_958 = tpu.vector_load %arg12[%parallel_loop3A_956, %parallel_loop3A_957] {strides = array<i32>} : memref<96x128xi32, #tpu.memory_space<vmem>>, vector<16xi32>,
        %parallel_loop3A_959 = vector.bitcast %parallel_loop3A_958 : vector<16xi32> to vector<32xbf16>
        %parallel_loop3A_960 = arith.constant 64 : i32
        %parallel_loop3A_961 = arith.addi %parallel_loop3A_908, %parallel_loop3A_960 : i32
        %parallel_loop3A_962 = arith.index_cast %parallel_loop3A_961 : i32 to index
        %parallel_loop3A_963 = arith.constant 32 : index
        %parallel_loop3A_964 = tpu.vector_load %arg12[%parallel_loop3A_962, %parallel_loop3A_963] {strides = array<i32>} : memref<96x128xi32, #tpu.memory_space<vmem>>, vector<16xi32>,
        %parallel_loop3A_965 = vector.bitcast %parallel_loop3A_964 : vector<16xi32> to vector<32xbf16>
        %parallel_loop3A_966 = arith.mulf %parallel_loop3A_953, %parallel_loop3A_959 : vector<32xbf16>
        %parallel_loop3A_967 = arith.addf %parallel_loop3A_945, %parallel_loop3A_966 : vector<32xbf16>
        %parallel_loop3A_968 = arith.mulf %parallel_loop3A_953, %parallel_loop3A_965 : vector<32xbf16>
        %parallel_loop3A_969 = arith.addf %parallel_loop3A_947, %parallel_loop3A_968 : vector<32xbf16>
        %parallel_loop3A_970 = arith.mulf %parallel_loop3A_959, %parallel_loop3A_965 : vector<32xbf16>
        %parallel_loop3A_971 = arith.addf %parallel_loop3A_949, %parallel_loop3A_970 : vector<32xbf16>
        %parallel_loop3A_972 = arith.index_cast %parallel_loop3A_908 : i32 to index
        %parallel_loop3A_973 = arith.constant 48 : index
        %parallel_loop3A_974 = tpu.vector_load %arg12[%parallel_loop3A_972, %parallel_loop3A_973] {strides = array<i32>} : memref<96x128xi32, #tpu.memory_space<vmem>>, vector<16xi32>,
        %parallel_loop3A_975 = vector.bitcast %parallel_loop3A_974 : vector<16xi32> to vector<32xbf16>
        %parallel_loop3A_976 = arith.constant 32 : i32
        %parallel_loop3A_977 = arith.addi %parallel_loop3A_908, %parallel_loop3A_976 : i32
        %parallel_loop3A_978 = arith.index_cast %parallel_loop3A_977 : i32 to index
        %parallel_loop3A_979 = arith.constant 48 : index
        %parallel_loop3A_980 = tpu.vector_load %arg12[%parallel_loop3A_978, %parallel_loop3A_979] {strides = array<i32>} : memref<96x128xi32, #tpu.memory_space<vmem>>, vector<16xi32>,
        %parallel_loop3A_981 = vector.bitcast %parallel_loop3A_980 : vector<16xi32> to vector<32xbf16>
        %parallel_loop3A_982 = arith.constant 64 : i32
        %parallel_loop3A_983 = arith.addi %parallel_loop3A_908, %parallel_loop3A_982 : i32
        %parallel_loop3A_984 = arith.index_cast %parallel_loop3A_983 : i32 to index
        %parallel_loop3A_985 = arith.constant 48 : index
        %parallel_loop3A_986 = tpu.vector_load %arg12[%parallel_loop3A_984, %parallel_loop3A_985] {strides = array<i32>} : memref<96x128xi32, #tpu.memory_space<vmem>>, vector<16xi32>,
        %parallel_loop3A_987 = vector.bitcast %parallel_loop3A_986 : vector<16xi32> to vector<32xbf16>
        %parallel_loop3A_988 = arith.mulf %parallel_loop3A_975, %parallel_loop3A_981 : vector<32xbf16>
        %parallel_loop3A_989 = arith.addf %parallel_loop3A_967, %parallel_loop3A_988 : vector<32xbf16>
        %parallel_loop3A_990 = arith.mulf %parallel_loop3A_975, %parallel_loop3A_987 : vector<32xbf16>
        %parallel_loop3A_991 = arith.addf %parallel_loop3A_969, %parallel_loop3A_990 : vector<32xbf16>
        %parallel_loop3A_992 = arith.mulf %parallel_loop3A_981, %parallel_loop3A_987 : vector<32xbf16>
        %parallel_loop3A_993 = arith.addf %parallel_loop3A_971, %parallel_loop3A_992 : vector<32xbf16>
        %parallel_loop3A_994 = arith.index_cast %parallel_loop3A_908 : i32 to index
        %parallel_loop3A_995 = arith.constant 64 : index
        %parallel_loop3A_996 = tpu.vector_load %arg12[%parallel_loop3A_994, %parallel_loop3A_995] {strides = array<i32>} : memref<96x128xi32, #tpu.memory_space<vmem>>, vector<16xi32>,
        %parallel_loop3A_997 = vector.bitcast %parallel_loop3A_996 : vector<16xi32> to vector<32xbf16>
        %parallel_loop3A_998 = arith.constant 32 : i32
        %parallel_loop3A_999 = arith.addi %parallel_loop3A_908, %parallel_loop3A_998 : i32
        %parallel_loop3A_1000 = arith.index_cast %parallel_loop3A_999 : i32 to index
        %parallel_loop3A_1001 = arith.constant 64 : index
        %parallel_loop3A_1002 = tpu.vector_load %arg12[%parallel_loop3A_1000, %parallel_loop3A_1001] {strides = array<i32>} : memref<96x128xi32, #tpu.memory_space<vmem>>, vector<16xi32>,
        %parallel_loop3A_1003 = vector.bitcast %parallel_loop3A_1002 : vector<16xi32> to vector<32xbf16>
        %parallel_loop3A_1004 = arith.constant 64 : i32
        %parallel_loop3A_1005 = arith.addi %parallel_loop3A_908, %parallel_loop3A_1004 : i32
        %parallel_loop3A_1006 = arith.index_cast %parallel_loop3A_1005 : i32 to index
        %parallel_loop3A_1007 = arith.constant 64 : index
        %parallel_loop3A_1008 = tpu.vector_load %arg12[%parallel_loop3A_1006, %parallel_loop3A_1007] {strides = array<i32>} : memref<96x128xi32, #tpu.memory_space<vmem>>, vector<16xi32>,
        %parallel_loop3A_1009 = vector.bitcast %parallel_loop3A_1008 : vector<16xi32> to vector<32xbf16>
        %parallel_loop3A_1010 = arith.mulf %parallel_loop3A_997, %parallel_loop3A_1003 : vector<32xbf16>
        %parallel_loop3A_1011 = arith.addf %parallel_loop3A_989, %parallel_loop3A_1010 : vector<32xbf16>
        %parallel_loop3A_1012 = arith.mulf %parallel_loop3A_997, %parallel_loop3A_1009 : vector<32xbf16>
        %parallel_loop3A_1013 = arith.addf %parallel_loop3A_991, %parallel_loop3A_1012 : vector<32xbf16>
        %parallel_loop3A_1014 = arith.mulf %parallel_loop3A_1003, %parallel_loop3A_1009 : vector<32xbf16>
        %parallel_loop3A_1015 = arith.addf %parallel_loop3A_993, %parallel_loop3A_1014 : vector<32xbf16>
        %parallel_loop3A_1016 = arith.index_cast %parallel_loop3A_908 : i32 to index
        %parallel_loop3A_1017 = arith.constant 80 : index
        %parallel_loop3A_1018 = tpu.vector_load %arg12[%parallel_loop3A_1016, %parallel_loop3A_1017] {strides = array<i32>} : memref<96x128xi32, #tpu.memory_space<vmem>>, vector<16xi32>,
        %parallel_loop3A_1019 = vector.bitcast %parallel_loop3A_1018 : vector<16xi32> to vector<32xbf16>
        %parallel_loop3A_1020 = arith.constant 32 : i32
        %parallel_loop3A_1021 = arith.addi %parallel_loop3A_908, %parallel_loop3A_1020 : i32
        %parallel_loop3A_1022 = arith.index_cast %parallel_loop3A_1021 : i32 to index
        %parallel_loop3A_1023 = arith.constant 80 : index
        %parallel_loop3A_1024 = tpu.vector_load %arg12[%parallel_loop3A_1022, %parallel_loop3A_1023] {strides = array<i32>} : memref<96x128xi32, #tpu.memory_space<vmem>>, vector<16xi32>,
        %parallel_loop3A_1025 = vector.bitcast %parallel_loop3A_1024 : vector<16xi32> to vector<32xbf16>
        %parallel_loop3A_1026 = arith.constant 64 : i32
        %parallel_loop3A_1027 = arith.addi %parallel_loop3A_908, %parallel_loop3A_1026 : i32
        %parallel_loop3A_1028 = arith.index_cast %parallel_loop3A_1027 : i32 to index
        %parallel_loop3A_1029 = arith.constant 80 : index
        %parallel_loop3A_1030 = tpu.vector_load %arg12[%parallel_loop3A_1028, %parallel_loop3A_1029] {strides = array<i32>} : memref<96x128xi32, #tpu.memory_space<vmem>>, vector<16xi32>,
        %parallel_loop3A_1031 = vector.bitcast %parallel_loop3A_1030 : vector<16xi32> to vector<32xbf16>
        %parallel_loop3A_1032 = arith.mulf %parallel_loop3A_1019, %parallel_loop3A_1025 : vector<32xbf16>
        %parallel_loop3A_1033 = arith.addf %parallel_loop3A_1011, %parallel_loop3A_1032 : vector<32xbf16>
        %parallel_loop3A_1034 = arith.mulf %parallel_loop3A_1019, %parallel_loop3A_1031 : vector<32xbf16>
        %parallel_loop3A_1035 = arith.addf %parallel_loop3A_1013, %parallel_loop3A_1034 : vector<32xbf16>
        %parallel_loop3A_1036 = arith.mulf %parallel_loop3A_1025, %parallel_loop3A_1031 : vector<32xbf16>
        %parallel_loop3A_1037 = arith.addf %parallel_loop3A_1015, %parallel_loop3A_1036 : vector<32xbf16>
        %parallel_loop3A_1038 = arith.index_cast %parallel_loop3A_908 : i32 to index
        %parallel_loop3A_1039 = arith.constant 96 : index
        %parallel_loop3A_1040 = tpu.vector_load %arg12[%parallel_loop3A_1038, %parallel_loop3A_1039] {strides = array<i32>} : memref<96x128xi32, #tpu.memory_space<vmem>>, vector<16xi32>,
        %parallel_loop3A_1041 = vector.bitcast %parallel_loop3A_1040 : vector<16xi32> to vector<32xbf16>
        %parallel_loop3A_1042 = arith.constant 32 : i32
        %parallel_loop3A_1043 = arith.addi %parallel_loop3A_908, %parallel_loop3A_1042 : i32
        %parallel_loop3A_1044 = arith.index_cast %parallel_loop3A_1043 : i32 to index
        %parallel_loop3A_1045 = arith.constant 96 : index
        %parallel_loop3A_1046 = tpu.vector_load %arg12[%parallel_loop3A_1044, %parallel_loop3A_1045] {strides = array<i32>} : memref<96x128xi32, #tpu.memory_space<vmem>>, vector<16xi32>,
        %parallel_loop3A_1047 = vector.bitcast %parallel_loop3A_1046 : vector<16xi32> to vector<32xbf16>
        %parallel_loop3A_1048 = arith.constant 64 : i32
        %parallel_loop3A_1049 = arith.addi %parallel_loop3A_908, %parallel_loop3A_1048 : i32
        %parallel_loop3A_1050 = arith.index_cast %parallel_loop3A_1049 : i32 to index
        %parallel_loop3A_1051 = arith.constant 96 : index
        %parallel_loop3A_1052 = tpu.vector_load %arg12[%parallel_loop3A_1050, %parallel_loop3A_1051] {strides = array<i32>} : memref<96x128xi32, #tpu.memory_space<vmem>>, vector<16xi32>,
        %parallel_loop3A_1053 = vector.bitcast %parallel_loop3A_1052 : vector<16xi32> to vector<32xbf16>
        %parallel_loop3A_1054 = arith.mulf %parallel_loop3A_1041, %parallel_loop3A_1047 : vector<32xbf16>
        %parallel_loop3A_1055 = arith.addf %parallel_loop3A_1033, %parallel_loop3A_1054 : vector<32xbf16>
        %parallel_loop3A_1056 = arith.mulf %parallel_loop3A_1041, %parallel_loop3A_1053 : vector<32xbf16>
        %parallel_loop3A_1057 = arith.addf %parallel_loop3A_1035, %parallel_loop3A_1056 : vector<32xbf16>
        %parallel_loop3A_1058 = arith.mulf %parallel_loop3A_1047, %parallel_loop3A_1053 : vector<32xbf16>
        %parallel_loop3A_1059 = arith.addf %parallel_loop3A_1037, %parallel_loop3A_1058 : vector<32xbf16>
        %parallel_loop3A_1060 = arith.index_cast %parallel_loop3A_908 : i32 to index
        %parallel_loop3A_1061 = arith.constant 112 : index
        %parallel_loop3A_1062 = tpu.vector_load %arg12[%parallel_loop3A_1060, %parallel_loop3A_1061] {strides = array<i32>} : memref<96x128xi32, #tpu.memory_space<vmem>>, vector<16xi32>,
        %parallel_loop3A_1063 = vector.bitcast %parallel_loop3A_1062 : vector<16xi32> to vector<32xbf16>
        %parallel_loop3A_1064 = arith.constant 32 : i32
        %parallel_loop3A_1065 = arith.addi %parallel_loop3A_908, %parallel_loop3A_1064 : i32
        %parallel_loop3A_1066 = arith.index_cast %parallel_loop3A_1065 : i32 to index
        %parallel_loop3A_1067 = arith.constant 112 : index
        %parallel_loop3A_1068 = tpu.vector_load %arg12[%parallel_loop3A_1066, %parallel_loop3A_1067] {strides = array<i32>} : memref<96x128xi32, #tpu.memory_space<vmem>>, vector<16xi32>,
        %parallel_loop3A_1069 = vector.bitcast %parallel_loop3A_1068 : vector<16xi32> to vector<32xbf16>
        %parallel_loop3A_1070 = arith.constant 64 : i32
        %parallel_loop3A_1071 = arith.addi %parallel_loop3A_908, %parallel_loop3A_1070 : i32
        %parallel_loop3A_1072 = arith.index_cast %parallel_loop3A_1071 : i32 to index
        %parallel_loop3A_1073 = arith.constant 112 : index
        %parallel_loop3A_1074 = tpu.vector_load %arg12[%parallel_loop3A_1072, %parallel_loop3A_1073] {strides = array<i32>} : memref<96x128xi32, #tpu.memory_space<vmem>>, vector<16xi32>,
        %parallel_loop3A_1075 = vector.bitcast %parallel_loop3A_1074 : vector<16xi32> to vector<32xbf16>
        %parallel_loop3A_1076 = arith.mulf %parallel_loop3A_1063, %parallel_loop3A_1069 : vector<32xbf16>
        %parallel_loop3A_1077 = arith.addf %parallel_loop3A_1055, %parallel_loop3A_1076 : vector<32xbf16>
        %parallel_loop3A_1078 = arith.mulf %parallel_loop3A_1063, %parallel_loop3A_1075 : vector<32xbf16>
        %parallel_loop3A_1079 = arith.addf %parallel_loop3A_1057, %parallel_loop3A_1078 : vector<32xbf16>
        %parallel_loop3A_1080 = arith.mulf %parallel_loop3A_1069, %parallel_loop3A_1075 : vector<32xbf16>
        %parallel_loop3A_1081 = arith.addf %parallel_loop3A_1059, %parallel_loop3A_1080 : vector<32xbf16>
        %parallel_loop3A_1082 = tpu.unpack_subelements %parallel_loop3A_1077, 0 {pack_format = #tpu.pack_format<interleaved>} : vector<32xbf16> -> vector<16xf32>
        %parallel_loop3A_1083 = tpu.unpack_subelements %parallel_loop3A_1077, 1 {pack_format = #tpu.pack_format<interleaved>} : vector<32xbf16> -> vector<16xf32>
        %parallel_loop3A_1084 = tpu.unpack_subelements %parallel_loop3A_1079, 0 {pack_format = #tpu.pack_format<interleaved>} : vector<32xbf16> -> vector<16xf32>
        %parallel_loop3A_1085 = tpu.unpack_subelements %parallel_loop3A_1079, 1 {pack_format = #tpu.pack_format<interleaved>} : vector<32xbf16> -> vector<16xf32>
        %parallel_loop3A_1086 = tpu.unpack_subelements %parallel_loop3A_1081, 0 {pack_format = #tpu.pack_format<interleaved>} : vector<32xbf16> -> vector<16xf32>
        %parallel_loop3A_1087 = tpu.unpack_subelements %parallel_loop3A_1081, 1 {pack_format = #tpu.pack_format<interleaved>} : vector<32xbf16> -> vector<16xf32>
        %parallel_loop3A_1088 = vector.broadcast %parallel_loop3A_905 : i32 to vector<16xi32>
        %parallel_loop3A_1089 = tpu.vector_load_idx %arg14[%parallel_loop3A_1088] : memref<48xf32, #tpu.memory_space<vmem>>[vector<16xi32>], vector<16xf32>,
        %parallel_loop3A_1090 = arith.constant 16 : i32
        %parallel_loop3A_1091 = vector.broadcast %parallel_loop3A_1090 : i32 to vector<16xi32>
        %parallel_loop3A_1092 = arith.addi %parallel_loop3A_1088, %parallel_loop3A_1091 : vector<16xi32>
        %parallel_loop3A_1093 = tpu.vector_load_idx %arg14[%parallel_loop3A_1092] : memref<48xf32, #tpu.memory_space<vmem>>[vector<16xi32>], vector<16xf32>,
        %parallel_loop3A_1094 = arith.constant 32 : i32
        %parallel_loop3A_1095 = vector.broadcast %parallel_loop3A_1094 : i32 to vector<16xi32>
        %parallel_loop3A_1096 = arith.addi %parallel_loop3A_1088, %parallel_loop3A_1095 : vector<16xi32>
        %parallel_loop3A_1097 = tpu.vector_load_idx %arg14[%parallel_loop3A_1096] : memref<48xf32, #tpu.memory_space<vmem>>[vector<16xi32>], vector<16xf32>,
        %parallel_loop3A_1098 = arith.addf %parallel_loop3A_1082, %parallel_loop3A_1083 : vector<16xf32>
        %parallel_loop3A_1099 = arith.mulf %parallel_loop3A_1089, %parallel_loop3A_1098 : vector<16xf32>
        %parallel_loop3A_1100 = arith.addf %parallel_loop3A_1084, %parallel_loop3A_1085 : vector<16xf32>
        %parallel_loop3A_1101 = arith.mulf %parallel_loop3A_1093, %parallel_loop3A_1100 : vector<16xf32>
        %parallel_loop3A_1102 = arith.addf %parallel_loop3A_1099, %parallel_loop3A_1101 : vector<16xf32>
        %parallel_loop3A_1103 = arith.addf %parallel_loop3A_906, %parallel_loop3A_1102 : vector<16xf32>
        %parallel_loop3A_1104 = arith.addf %parallel_loop3A_1086, %parallel_loop3A_1087 : vector<16xf32>
        %parallel_loop3A_1105 = arith.mulf %parallel_loop3A_1097, %parallel_loop3A_1104 : vector<16xf32>
        %parallel_loop3A_1106 = arith.addf %parallel_loop3A_1103, %parallel_loop3A_1105 : vector<16xf32>
        scf.yield %parallel_loop3A_1106 : vector<16xf32>
      } {sc.loop_unroll_factor = 2 : i64, sc.parallel_access}
      %mul3A_540 = arith.constant 2 : i32
      %mul3A_541 = arith.muli %mul3A_540, %while3A_177 : i32
      %add3A_542 = arith.constant 2 : i32
      %add3A_543 = arith.addi %mul3A_541, %add3A_542 : i32
      %min3A = arith.minsi %add3A_543, %sub3A_50 : i32
      %jit3A_544 = arith.constant 4 : i32
      %div3A_545 = arith.divsi %min3A, %jit3A_544 : i32
      %sign3A_546 = arith.constant 0 : i32
      %sign3A_547 = arith.cmpi sgt, %min3A, %sign3A_546 : i32
      %sign3A_548 = arith.extui %sign3A_547 : i1 to i32
      %sign3A_549 = arith.constant 0 : i32
      %sign3A_550 = arith.cmpi slt, %min3A, %sign3A_549 : i32
      %sign3A_551 = arith.extui %sign3A_550 : i1 to i32
      %sign3A_552 = arith.subi %sign3A_548, %sign3A_551 : i32
      %sign3A_553 = arith.constant 0 : i32
      %sign3A_554 = arith.cmpi sgt, %jit3A_544, %sign3A_553 : i32
      %sign3A_555 = arith.extui %sign3A_554 : i1 to i32
      %sign3A_556 = arith.constant 0 : i32
      %sign3A_557 = arith.cmpi slt, %jit3A_544, %sign3A_556 : i32
      %sign3A_558 = arith.extui %sign3A_557 : i1 to i32
      %sign3A_559 = arith.subi %sign3A_555, %sign3A_558 : i32
      %ne3A_560 = arith.cmpi ne, %sign3A_552, %sign3A_559 : i32
      %rem3A_561 = arith.remsi %min3A, %jit3A_544 : i32
      %ne3A_562 = arith.constant 0 : i32
      %ne3A_563 = arith.cmpi ne, %rem3A_561, %ne3A_562 : i32
      %and3A_564 = arith.andi %ne3A_560, %ne3A_563 : i1
      %sub3A_565 = arith.constant 1 : i32
      %sub3A_566 = arith.subi %div3A_545, %sub3A_565 : i32
      %select_n3A_567 = arith.select %and3A_564, %sub3A_566, %div3A_545 : i32
      %mul3A_568 = arith.constant 128 : i32
      %mul3A_569 = arith.muli %select_n3A_567, %mul3A_568 : i32
      "tpu.region"() ({
        %run_scoped3A = tpu.sem_alloc : memref<!tpu.dma_semaphore, #tpu.memory_space<semaphore_mem>>
        %dma_start3A_905 = arith.constant 0 : i32
        %dma_start3A_906 = tpu.memref_slice %arg4[%dma_start3A_905, %mul3A_569] : memref<8x160000xi32, #tpu.memory_space<hbm>> -> memref<8x128xi32, #tpu.memory_space<hbm>>
        %dma_start3A_907 = arith.constant 0 : i32
        %dma_start3A_908 = tpu.memref_slice %arg4[%dma_start3A_907, %mul3A_569] : memref<8x160000xi32, #tpu.memory_space<hbm>> -> memref<8x128xi32, #tpu.memory_space<hbm>>
        tpu.enqueue_dma source(%dma_start3A_908 : memref<8x128xi32, #tpu.memory_space<hbm>>) target(%arg10 : memref<8x128xi32, #tpu.memory_space<vmem>>) target_semaphore(%run_scoped3A : memref<!tpu.dma_semaphore, #tpu.memory_space<semaphore_mem>>)
        %dma_wait3A_909 = arith.constant 0 : i32
        %dma_wait3A_910 = tpu.memref_slice %arg4[%dma_wait3A_909, %mul3A_569] : memref<8x160000xi32, #tpu.memory_space<hbm>> -> memref<8x128xi32, #tpu.memory_space<hbm>>
        %dma_wait3A_911 = arith.constant 0 : i32
        %dma_wait3A_912 = tpu.memref_slice %arg4[%dma_wait3A_911, %mul3A_569] : memref<8x160000xi32, #tpu.memory_space<hbm>> -> memref<8x128xi32, #tpu.memory_space<hbm>>
        tpu.wait_dma2 semaphore(%run_scoped3A : memref<!tpu.dma_semaphore, #tpu.memory_space<semaphore_mem>>) src(%dma_wait3A_912 : memref<8x128xi32, #tpu.memory_space<hbm>>) dst(%arg10 : memref<8x128xi32, #tpu.memory_space<vmem>>)
        tpu.yield
      }) : () -> ()
      %jit3A_570 = arith.constant 4 : i32
      %eq3A_571 = arith.constant 0 : i32
      %eq3A_572 = arith.cmpi eq, %jit3A_570, %eq3A_571 : i32
      %jit3A_573 = arith.constant 1 : i32
      %select_n3A_574 = arith.select %eq3A_572, %jit3A_573, %jit3A_570 : i32
      %rem3A_575 = arith.remsi %min3A, %select_n3A_574 : i32
      %ne3A_576 = arith.constant 0 : i32
      %ne3A_577 = arith.cmpi ne, %rem3A_575, %ne3A_576 : i32
      %lt3A_578 = arith.constant 0 : i32
      %lt3A_579 = arith.cmpi slt, %rem3A_575, %lt3A_578 : i32
      %lt3A_580 = arith.constant 0 : i32
      %lt3A_581 = arith.cmpi slt, %select_n3A_574, %lt3A_580 : i32
      %ne3A_582 = arith.xori %lt3A_579, %lt3A_581 : i1
      %and3A_583 = arith.andi %ne3A_582, %ne3A_577 : i1
      %add3A_584 = arith.addi %rem3A_575, %select_n3A_574 : i32
      %select_n3A_585 = arith.select %and3A_583, %add3A_584, %rem3A_575 : i32
      %mul3A_586 = arith.constant 32 : i32
      %mul3A_587 = arith.muli %select_n3A_585, %mul3A_586 : i32
      %dma_start3A_588 = arith.constant 0 : i32
      %dma_start3A_589 = arith.constant 0 : i32
      %dma_start3A_590 = arith.constant 0 : i32
      %dma_start3A_591 = tpu.memref_slice %arg12[%dma_start3A_589, %dma_start3A_590] : memref<96x128xi32, #tpu.memory_space<vmem>> -> memref<32x128xi32, #tpu.memory_space<vmem>>
      %dma_start3A_592 = tpu.memref_slice %arg10[%dma_start3A_588, %mul3A_587] : memref<8x128xi32, #tpu.memory_space<vmem>> -> memref<1x32xi32, #tpu.memory_space<vmem>>
      %dma_start3A_593 = tpu.memref_squeeze %dma_start3A_592 : memref<1x32xi32, #tpu.memory_space<vmem>> -> memref<32xi32, #tpu.memory_space<vmem>>
      %dma_start3A_594 = arith.constant 0 : i32
      %dma_start3A_595 = arith.constant 0 : i32
      %dma_start3A_596 = tpu.memref_slice %arg2[%dma_start3A_594, %dma_start3A_595] : memref<10000x128xi32, #tpu.memory_space<hbm>> -> memref<10000x128xi32, #tpu.memory_space<hbm>>
      tpu.enqueue_indirect_dma source(%dma_start3A_596 : memref<10000x128xi32, #tpu.memory_space<hbm>>) target(%dma_start3A_591 : memref<32x128xi32, #tpu.memory_space<vmem>>) offsets(%dma_start3A_593 : memref<32xi32, #tpu.memory_space<vmem>>) semaphore(%arg17 : memref<!tpu.dma_semaphore, #tpu.memory_space<semaphore_mem>>)
      %dma_start3A_597 = arith.constant 1 : i32
      %dma_start3A_598 = arith.constant 32 : i32
      %dma_start3A_599 = arith.constant 0 : i32
      %dma_start3A_600 = tpu.memref_slice %arg12[%dma_start3A_598, %dma_start3A_599] : memref<96x128xi32, #tpu.memory_space<vmem>> -> memref<32x128xi32, #tpu.memory_space<vmem>>
      %dma_start3A_601 = tpu.memref_slice %arg10[%dma_start3A_597, %mul3A_587] : memref<8x128xi32, #tpu.memory_space<vmem>> -> memref<1x32xi32, #tpu.memory_space<vmem>>
      %dma_start3A_602 = tpu.memref_squeeze %dma_start3A_601 : memref<1x32xi32, #tpu.memory_space<vmem>> -> memref<32xi32, #tpu.memory_space<vmem>>
      %dma_start3A_603 = arith.constant 0 : i32
      %dma_start3A_604 = arith.constant 0 : i32
      %dma_start3A_605 = tpu.memref_slice %arg2[%dma_start3A_603, %dma_start3A_604] : memref<10000x128xi32, #tpu.memory_space<hbm>> -> memref<10000x128xi32, #tpu.memory_space<hbm>>
      tpu.enqueue_indirect_dma source(%dma_start3A_605 : memref<10000x128xi32, #tpu.memory_space<hbm>>) target(%dma_start3A_600 : memref<32x128xi32, #tpu.memory_space<vmem>>) offsets(%dma_start3A_602 : memref<32xi32, #tpu.memory_space<vmem>>) semaphore(%arg17 : memref<!tpu.dma_semaphore, #tpu.memory_space<semaphore_mem>>)
      %dma_start3A_606 = arith.constant 2 : i32
      %dma_start3A_607 = arith.constant 64 : i32
      %dma_start3A_608 = arith.constant 0 : i32
      %dma_start3A_609 = tpu.memref_slice %arg12[%dma_start3A_607, %dma_start3A_608] : memref<96x128xi32, #tpu.memory_space<vmem>> -> memref<32x128xi32, #tpu.memory_space<vmem>>
      %dma_start3A_610 = tpu.memref_slice %arg10[%dma_start3A_606, %mul3A_587] : memref<8x128xi32, #tpu.memory_space<vmem>> -> memref<1x32xi32, #tpu.memory_space<vmem>>
      %dma_start3A_611 = tpu.memref_squeeze %dma_start3A_610 : memref<1x32xi32, #tpu.memory_space<vmem>> -> memref<32xi32, #tpu.memory_space<vmem>>
      %dma_start3A_612 = arith.constant 0 : i32
      %dma_start3A_613 = arith.constant 0 : i32
      %dma_start3A_614 = tpu.memref_slice %arg2[%dma_start3A_612, %dma_start3A_613] : memref<10000x128xi32, #tpu.memory_space<hbm>> -> memref<10000x128xi32, #tpu.memory_space<hbm>>
      tpu.enqueue_indirect_dma source(%dma_start3A_614 : memref<10000x128xi32, #tpu.memory_space<hbm>>) target(%dma_start3A_609 : memref<32x128xi32, #tpu.memory_space<vmem>>) offsets(%dma_start3A_611 : memref<32xi32, #tpu.memory_space<vmem>>) semaphore(%arg17 : memref<!tpu.dma_semaphore, #tpu.memory_space<semaphore_mem>>)
      %dma_wait3A_615 = arith.constant 0 : i32
      %dma_wait3A_616 = arith.constant 0 : i32
      %dma_wait3A_617 = arith.constant 0 : i32
      %dma_wait3A_618 = tpu.memref_slice %arg13[%dma_wait3A_616, %dma_wait3A_617] : memref<96x128xi32, #tpu.memory_space<vmem>> -> memref<32x128xi32, #tpu.memory_space<vmem>>
      %dma_wait3A_619 = arith.constant 0 : i32
      %dma_wait3A_620 = tpu.memref_slice %arg11[%dma_wait3A_615, %dma_wait3A_619] : memref<8x128xi32, #tpu.memory_space<vmem>> -> memref<1x32xi32, #tpu.memory_space<vmem>>
      %dma_wait3A_621 = tpu.memref_squeeze %dma_wait3A_620 : memref<1x32xi32, #tpu.memory_space<vmem>> -> memref<32xi32, #tpu.memory_space<vmem>>
      %dma_wait3A_622 = arith.constant 0 : i32
      %dma_wait3A_623 = arith.constant 0 : i32
      %dma_wait3A_624 = tpu.memref_slice %arg2[%dma_wait3A_622, %dma_wait3A_623] : memref<10000x128xi32, #tpu.memory_space<hbm>> -> memref<10000x128xi32, #tpu.memory_space<hbm>>
      tpu.wait_indirect_dma semaphore(%arg18 : memref<!tpu.dma_semaphore, #tpu.memory_space<semaphore_mem>>) src(%dma_wait3A_624 : memref<10000x128xi32, #tpu.memory_space<hbm>>) dst(%dma_wait3A_618 : memref<32x128xi32, #tpu.memory_space<vmem>>)
      %dma_wait3A_625 = arith.constant 1 : i32
      %dma_wait3A_626 = arith.constant 32 : i32
      %dma_wait3A_627 = arith.constant 0 : i32
      %dma_wait3A_628 = tpu.memref_slice %arg13[%dma_wait3A_626, %dma_wait3A_627] : memref<96x128xi32, #tpu.memory_space<vmem>> -> memref<32x128xi32, #tpu.memory_space<vmem>>
      %dma_wait3A_629 = arith.constant 0 : i32
      %dma_wait3A_630 = tpu.memref_slice %arg11[%dma_wait3A_625, %dma_wait3A_629] : memref<8x128xi32, #tpu.memory_space<vmem>> -> memref<1x32xi32, #tpu.memory_space<vmem>>
      %dma_wait3A_631 = tpu.memref_squeeze %dma_wait3A_630 : memref<1x32xi32, #tpu.memory_space<vmem>> -> memref<32xi32, #tpu.memory_space<vmem>>
      %dma_wait3A_632 = arith.constant 0 : i32
      %dma_wait3A_633 = arith.constant 0 : i32
      %dma_wait3A_634 = tpu.memref_slice %arg2[%dma_wait3A_632, %dma_wait3A_633] : memref<10000x128xi32, #tpu.memory_space<hbm>> -> memref<10000x128xi32, #tpu.memory_space<hbm>>
      tpu.wait_indirect_dma semaphore(%arg18 : memref<!tpu.dma_semaphore, #tpu.memory_space<semaphore_mem>>) src(%dma_wait3A_634 : memref<10000x128xi32, #tpu.memory_space<hbm>>) dst(%dma_wait3A_628 : memref<32x128xi32, #tpu.memory_space<vmem>>)
      %dma_wait3A_635 = arith.constant 2 : i32
      %dma_wait3A_636 = arith.constant 64 : i32
      %dma_wait3A_637 = arith.constant 0 : i32
      %dma_wait3A_638 = tpu.memref_slice %arg13[%dma_wait3A_636, %dma_wait3A_637] : memref<96x128xi32, #tpu.memory_space<vmem>> -> memref<32x128xi32, #tpu.memory_space<vmem>>
      %dma_wait3A_639 = arith.constant 0 : i32
      %dma_wait3A_640 = tpu.memref_slice %arg11[%dma_wait3A_635, %dma_wait3A_639] : memref<8x128xi32, #tpu.memory_space<vmem>> -> memref<1x32xi32, #tpu.memory_space<vmem>>
      %dma_wait3A_641 = tpu.memref_squeeze %dma_wait3A_640 : memref<1x32xi32, #tpu.memory_space<vmem>> -> memref<32xi32, #tpu.memory_space<vmem>>
      %dma_wait3A_642 = arith.constant 0 : i32
      %dma_wait3A_643 = arith.constant 0 : i32
      %dma_wait3A_644 = tpu.memref_slice %arg2[%dma_wait3A_642, %dma_wait3A_643] : memref<10000x128xi32, #tpu.memory_space<hbm>> -> memref<10000x128xi32, #tpu.memory_space<hbm>>
      tpu.wait_indirect_dma semaphore(%arg18 : memref<!tpu.dma_semaphore, #tpu.memory_space<semaphore_mem>>) src(%dma_wait3A_644 : memref<10000x128xi32, #tpu.memory_space<hbm>>) dst(%dma_wait3A_638 : memref<32x128xi32, #tpu.memory_space<vmem>>)
      %mul3A_645 = arith.constant 2 : i32
      %mul3A_646 = arith.muli %mul3A_645, %while3A_177 : i32
      %add3A_647 = arith.constant 1 : i32
      %add3A_648 = arith.addi %mul3A_646, %add3A_647 : i32
      %jit3A_649 = arith.constant 4 : i32
      %eq3A_650 = arith.constant 0 : i32
      %eq3A_651 = arith.cmpi eq, %jit3A_649, %eq3A_650 : i32
      %jit3A_652 = arith.constant 1 : i32
      %select_n3A_653 = arith.select %eq3A_651, %jit3A_652, %jit3A_649 : i32
      %rem3A_654 = arith.remsi %add3A_648, %select_n3A_653 : i32
      %ne3A_655 = arith.constant 0 : i32
      %ne3A_656 = arith.cmpi ne, %rem3A_654, %ne3A_655 : i32
      %lt3A_657 = arith.constant 0 : i32
      %lt3A_658 = arith.cmpi slt, %rem3A_654, %lt3A_657 : i32
      %lt3A_659 = arith.constant 0 : i32
      %lt3A_660 = arith.cmpi slt, %select_n3A_653, %lt3A_659 : i32
      %ne3A_661 = arith.xori %lt3A_658, %lt3A_660 : i1
      %and3A_662 = arith.andi %ne3A_661, %ne3A_656 : i1
      %add3A_663 = arith.addi %rem3A_654, %select_n3A_653 : i32
      %select_n3A_664 = arith.select %and3A_662, %add3A_663, %rem3A_654 : i32
      %mul3A_665 = arith.constant 32 : i32
      %mul3A_666 = arith.muli %select_n3A_664, %mul3A_665 : i32
      %add3A_667 = arith.constant 0 : i32
      %add3A_668 = arith.addi %mul3A_666, %add3A_667 : i32
      %get3A_669 = arith.constant 0 : i32
      %get3A_670 = arith.index_cast %get3A_669 : i32 to index
      %get3A_671 = arith.index_cast %add3A_668 : i32 to index
      %get3A_672 = tpu.vector_load %arg11[%get3A_670, %get3A_671] {strides = array<i32>} : memref<8x128xi32, #tpu.memory_space<vmem>>, vector<16xi32>,
      %add3A_673 = arith.constant 0 : i32
      %add3A_674 = arith.addi %mul3A_666, %add3A_673 : i32
      %get3A_675 = arith.constant 1 : i32
      %get3A_676 = arith.index_cast %get3A_675 : i32 to index
      %get3A_677 = arith.index_cast %add3A_674 : i32 to index
      %get3A_678 = tpu.vector_load %arg11[%get3A_676, %get3A_677] {strides = array<i32>} : memref<8x128xi32, #tpu.memory_space<vmem>>, vector<16xi32>,
      %add3A_679 = arith.constant 0 : i32
      %add3A_680 = arith.addi %mul3A_666, %add3A_679 : i32
      %get3A_681 = arith.constant 2 : i32
      %get3A_682 = arith.index_cast %get3A_681 : i32 to index
      %get3A_683 = arith.index_cast %add3A_680 : i32 to index
      %get3A_684 = tpu.vector_load %arg11[%get3A_682, %get3A_683] {strides = array<i32>} : memref<8x128xi32, #tpu.memory_space<vmem>>, vector<16xi32>,
      %mul3A_685 = arith.constant 2 : i32
      %mul3A_686 = vector.broadcast %mul3A_685 : i32 to vector<16xi32>
      %mul3A_687 = arith.muli %get3A_672, %mul3A_686 : vector<16xi32>
      %mul3A_688 = arith.constant 2 : i32
      %mul3A_689 = vector.broadcast %mul3A_688 : i32 to vector<16xi32>
      %mul3A_690 = arith.muli %get3A_678, %mul3A_689 : vector<16xi32>
      %mul3A_691 = arith.constant 2 : i32
      %mul3A_692 = vector.broadcast %mul3A_691 : i32 to vector<16xi32>
      %mul3A_693 = arith.muli %get3A_684, %mul3A_692 : vector<16xi32>
      %gather3A_694 = tpu.vector_load_idx %arg8[%mul3A_687] : memref<20000xf32, #tpu.memory_space<vmem>>[vector<16xi32>], vector<16xf32>,
      %add3A_695 = arith.constant 1 : i32
      %add3A_696 = vector.broadcast %add3A_695 : i32 to vector<16xi32>
      %add3A_697 = arith.addi %mul3A_687, %add3A_696 : vector<16xi32>
      %gather3A_698 = tpu.vector_load_idx %arg8[%add3A_697] : memref<20000xf32, #tpu.memory_space<vmem>>[vector<16xi32>], vector<16xf32>,
      %gather3A_699 = tpu.vector_load_idx %arg8[%mul3A_690] : memref<20000xf32, #tpu.memory_space<vmem>>[vector<16xi32>], vector<16xf32>,
      %add3A_700 = arith.constant 1 : i32
      %add3A_701 = vector.broadcast %add3A_700 : i32 to vector<16xi32>
      %add3A_702 = arith.addi %mul3A_690, %add3A_701 : vector<16xi32>
      %gather3A_703 = tpu.vector_load_idx %arg8[%add3A_702] : memref<20000xf32, #tpu.memory_space<vmem>>[vector<16xi32>], vector<16xf32>,
      %gather3A_704 = tpu.vector_load_idx %arg8[%mul3A_693] : memref<20000xf32, #tpu.memory_space<vmem>>[vector<16xi32>], vector<16xf32>,
      %add3A_705 = arith.constant 1 : i32
      %add3A_706 = vector.broadcast %add3A_705 : i32 to vector<16xi32>
      %add3A_707 = arith.addi %mul3A_693, %add3A_706 : vector<16xi32>
      %gather3A_708 = tpu.vector_load_idx %arg8[%add3A_707] : memref<20000xf32, #tpu.memory_space<vmem>>[vector<16xi32>], vector<16xf32>,
      %sub3A_709 = arith.subf %gather3A_699, %gather3A_694 : vector<16xf32>
      %sub3A_710 = arith.subf %gather3A_703, %gather3A_698 : vector<16xf32>
      %sub3A_711 = arith.subf %gather3A_704, %gather3A_694 : vector<16xf32>
      %sub3A_712 = arith.subf %gather3A_708, %gather3A_698 : vector<16xf32>
      %mul3A_713 = arith.mulf %sub3A_709, %sub3A_712 : vector<16xf32>
      %mul3A_714 = arith.mulf %sub3A_710, %sub3A_711 : vector<16xf32>
      %sub3A_715 = arith.subf %mul3A_713, %mul3A_714 : vector<16xf32>
      %mul3A_716 = arith.mulf %sub3A_709, %sub3A_709 : vector<16xf32>
      %mul3A_717 = arith.mulf %sub3A_710, %sub3A_710 : vector<16xf32>
      %add3A_718 = arith.addf %mul3A_716, %mul3A_717 : vector<16xf32>
      %mul3A_719 = arith.mulf %sub3A_709, %sub3A_711 : vector<16xf32>
      %mul3A_720 = arith.mulf %sub3A_710, %sub3A_712 : vector<16xf32>
      %add3A_721 = arith.addf %mul3A_719, %mul3A_720 : vector<16xf32>
      %mul3A_722 = arith.mulf %sub3A_711, %sub3A_711 : vector<16xf32>
      %mul3A_723 = arith.mulf %sub3A_712, %sub3A_712 : vector<16xf32>
      %add3A_724 = arith.addf %mul3A_722, %mul3A_723 : vector<16xf32>
      %div3A_725 = vector.broadcast %squeeze3A_63 : f32 to vector<16xf32>
      %div3A_726 = arith.divf %div3A_725, %sub3A_715 : vector<16xf32>
      %gather3A_727 = tpu.vector_load_idx %arg9[%get3A_672] : memref<10000xf32, #tpu.memory_space<vmem>>[vector<16xi32>], vector<16xf32>,
      %gather3A_728 = tpu.vector_load_idx %arg9[%get3A_678] : memref<10000xf32, #tpu.memory_space<vmem>>[vector<16xi32>], vector<16xf32>,
      %gather3A_729 = tpu.vector_load_idx %arg9[%get3A_684] : memref<10000xf32, #tpu.memory_space<vmem>>[vector<16xi32>], vector<16xf32>,
      %mul3A_730 = vector.broadcast %squeeze3A : f32 to vector<16xf32>
      %mul3A_731 = arith.mulf %sub3A_715, %mul3A_730 : vector<16xf32>
      %mul3A_732 = arith.constant 2.000000e+00 : f32
      %mul3A_733 = vector.broadcast %mul3A_732 : f32 to vector<16xf32>
      %mul3A_734 = arith.mulf %mul3A_733, %add3A_721 : vector<16xf32>
      %sub3A_735 = arith.subf %add3A_718, %mul3A_734 : vector<16xf32>
      %add3A_736 = arith.addf %sub3A_735, %add3A_724 : vector<16xf32>
      %mul3A_737 = arith.mulf %div3A_726, %add3A_736 : vector<16xf32>
      %add3A_738 = arith.addf %mul3A_731, %mul3A_737 : vector<16xf32>
      %mul3A_739 = arith.mulf %add3A_738, %gather3A_727 : vector<16xf32>
      %mul3A_740 = vector.broadcast %squeeze3A_53 : f32 to vector<16xf32>
      %mul3A_741 = arith.mulf %sub3A_715, %mul3A_740 : vector<16xf32>
      %mul3A_742 = arith.mulf %div3A_726, %add3A_724 : vector<16xf32>
      %add3A_743 = arith.addf %mul3A_741, %mul3A_742 : vector<16xf32>
      %mul3A_744 = arith.mulf %add3A_743, %gather3A_728 : vector<16xf32>
      %add3A_745 = arith.addf %mul3A_739, %mul3A_744 : vector<16xf32>
      %mul3A_746 = vector.broadcast %squeeze3A_55 : f32 to vector<16xf32>
      %mul3A_747 = arith.mulf %sub3A_715, %mul3A_746 : vector<16xf32>
      %mul3A_748 = arith.mulf %div3A_726, %add3A_718 : vector<16xf32>
      %add3A_749 = arith.addf %mul3A_747, %mul3A_748 : vector<16xf32>
      %mul3A_750 = arith.mulf %add3A_749, %gather3A_729 : vector<16xf32>
      %add3A_751 = arith.addf %add3A_745, %mul3A_750 : vector<16xf32>
      %add3A_752 = arith.addf %parallel_loop3A_539, %add3A_751 : vector<16xf32>
      %mul3A_753 = vector.broadcast %squeeze3A_57 : f32 to vector<16xf32>
      %mul3A_754 = arith.mulf %sub3A_715, %mul3A_753 : vector<16xf32>
      %sub3A_755 = arith.subf %add3A_724, %add3A_721 : vector<16xf32>
      %mul3A_756 = arith.mulf %div3A_726, %sub3A_755 : vector<16xf32>
      %sub3A_757 = arith.subf %mul3A_754, %mul3A_756 : vector<16xf32>
      %mul3A_758 = arith.constant 2.000000e+00 : f32
      %mul3A_759 = vector.broadcast %mul3A_758 : f32 to vector<16xf32>
      %mul3A_760 = arith.mulf %mul3A_759, %sub3A_757 : vector<16xf32>
      %swap3A_761 = arith.constant 0 : index
      %swap3A_762 = tpu.vector_load %arg14[%swap3A_761] {strides = array<i32>} : memref<48xf32, #tpu.memory_space<vmem>>, vector<16xf32>,
      tpu.vector_store %arg14[%swap3A_761], %mul3A_760 {strides = array<i32>} : memref<48xf32, #tpu.memory_space<vmem>>, vector<16xf32>,
      %mul3A_763 = vector.broadcast %squeeze3A_59 : f32 to vector<16xf32>
      %mul3A_764 = arith.mulf %sub3A_715, %mul3A_763 : vector<16xf32>
      %sub3A_765 = arith.subf %add3A_718, %add3A_721 : vector<16xf32>
      %mul3A_766 = arith.mulf %div3A_726, %sub3A_765 : vector<16xf32>
      %sub3A_767 = arith.subf %mul3A_764, %mul3A_766 : vector<16xf32>
      %mul3A_768 = arith.constant 2.000000e+00 : f32
      %mul3A_769 = vector.broadcast %mul3A_768 : f32 to vector<16xf32>
      %mul3A_770 = arith.mulf %mul3A_769, %sub3A_767 : vector<16xf32>
      %swap3A_771 = arith.constant 16 : index
      %swap3A_772 = tpu.vector_load %arg14[%swap3A_771] {strides = array<i32>} : memref<48xf32, #tpu.memory_space<vmem>>, vector<16xf32>,
      tpu.vector_store %arg14[%swap3A_771], %mul3A_770 {strides = array<i32>} : memref<48xf32, #tpu.memory_space<vmem>>, vector<16xf32>,
      %mul3A_773 = vector.broadcast %squeeze3A_61 : f32 to vector<16xf32>
      %mul3A_774 = arith.mulf %sub3A_715, %mul3A_773 : vector<16xf32>
      %mul3A_775 = arith.mulf %div3A_726, %add3A_721 : vector<16xf32>
      %sub3A_776 = arith.subf %mul3A_774, %mul3A_775 : vector<16xf32>
      %mul3A_777 = arith.constant 2.000000e+00 : f32
      %mul3A_778 = vector.broadcast %mul3A_777 : f32 to vector<16xf32>
      %mul3A_779 = arith.mulf %mul3A_778, %sub3A_776 : vector<16xf32>
      %swap3A_780 = arith.constant 32 : index
      %swap3A_781 = tpu.vector_load %arg14[%swap3A_780] {strides = array<i32>} : memref<48xf32, #tpu.memory_space<vmem>>, vector<16xf32>,
      tpu.vector_store %arg14[%swap3A_780], %mul3A_779 {strides = array<i32>} : memref<48xf32, #tpu.memory_space<vmem>>, vector<16xf32>,
      %parallel_loop3A_782 = arith.constant 0 : i32
      %parallel_loop3A_783 = arith.constant 16 : i32
      %parallel_loop3A_784 = arith.constant 1 : i32
      %parallel_loop3A_785 = scf.for %parallel_loop3A_905 = %parallel_loop3A_782 to %parallel_loop3A_783 step %parallel_loop3A_784 iter_args(%parallel_loop3A_906 = %add3A_752) -> (vector<16xf32>)  : i32 {
        %parallel_loop3A_907 = arith.constant 0 : i32
        %parallel_loop3A_908 = arith.addi %parallel_loop3A_907, %parallel_loop3A_905 : i32
        %parallel_loop3A_909 = arith.index_cast %parallel_loop3A_908 : i32 to index
        %parallel_loop3A_910 = arith.constant 0 : index
        %parallel_loop3A_911 = tpu.vector_load %arg13[%parallel_loop3A_909, %parallel_loop3A_910] {strides = array<i32>} : memref<96x128xi32, #tpu.memory_space<vmem>>, vector<16xi32>,
        %parallel_loop3A_912 = vector.bitcast %parallel_loop3A_911 : vector<16xi32> to vector<32xbf16>
        %parallel_loop3A_913 = arith.constant 32 : i32
        %parallel_loop3A_914 = arith.addi %parallel_loop3A_908, %parallel_loop3A_913 : i32
        %parallel_loop3A_915 = arith.index_cast %parallel_loop3A_914 : i32 to index
        %parallel_loop3A_916 = arith.constant 0 : index
        %parallel_loop3A_917 = tpu.vector_load %arg13[%parallel_loop3A_915, %parallel_loop3A_916] {strides = array<i32>} : memref<96x128xi32, #tpu.memory_space<vmem>>, vector<16xi32>,
        %parallel_loop3A_918 = vector.bitcast %parallel_loop3A_917 : vector<16xi32> to vector<32xbf16>
        %parallel_loop3A_919 = arith.constant 64 : i32
        %parallel_loop3A_920 = arith.addi %parallel_loop3A_908, %parallel_loop3A_919 : i32
        %parallel_loop3A_921 = arith.index_cast %parallel_loop3A_920 : i32 to index
        %parallel_loop3A_922 = arith.constant 0 : index
        %parallel_loop3A_923 = tpu.vector_load %arg13[%parallel_loop3A_921, %parallel_loop3A_922] {strides = array<i32>} : memref<96x128xi32, #tpu.memory_space<vmem>>, vector<16xi32>,
        %parallel_loop3A_924 = vector.bitcast %parallel_loop3A_923 : vector<16xi32> to vector<32xbf16>
        %parallel_loop3A_925 = arith.mulf %parallel_loop3A_912, %parallel_loop3A_918 : vector<32xbf16>
        %parallel_loop3A_926 = arith.mulf %parallel_loop3A_912, %parallel_loop3A_924 : vector<32xbf16>
        %parallel_loop3A_927 = arith.mulf %parallel_loop3A_918, %parallel_loop3A_924 : vector<32xbf16>
        %parallel_loop3A_928 = arith.index_cast %parallel_loop3A_908 : i32 to index
        %parallel_loop3A_929 = arith.constant 16 : index
        %parallel_loop3A_930 = tpu.vector_load %arg13[%parallel_loop3A_928, %parallel_loop3A_929] {strides = array<i32>} : memref<96x128xi32, #tpu.memory_space<vmem>>, vector<16xi32>,
        %parallel_loop3A_931 = vector.bitcast %parallel_loop3A_930 : vector<16xi32> to vector<32xbf16>
        %parallel_loop3A_932 = arith.constant 32 : i32
        %parallel_loop3A_933 = arith.addi %parallel_loop3A_908, %parallel_loop3A_932 : i32
        %parallel_loop3A_934 = arith.index_cast %parallel_loop3A_933 : i32 to index
        %parallel_loop3A_935 = arith.constant 16 : index
        %parallel_loop3A_936 = tpu.vector_load %arg13[%parallel_loop3A_934, %parallel_loop3A_935] {strides = array<i32>} : memref<96x128xi32, #tpu.memory_space<vmem>>, vector<16xi32>,
        %parallel_loop3A_937 = vector.bitcast %parallel_loop3A_936 : vector<16xi32> to vector<32xbf16>
        %parallel_loop3A_938 = arith.constant 64 : i32
        %parallel_loop3A_939 = arith.addi %parallel_loop3A_908, %parallel_loop3A_938 : i32
        %parallel_loop3A_940 = arith.index_cast %parallel_loop3A_939 : i32 to index
        %parallel_loop3A_941 = arith.constant 16 : index
        %parallel_loop3A_942 = tpu.vector_load %arg13[%parallel_loop3A_940, %parallel_loop3A_941] {strides = array<i32>} : memref<96x128xi32, #tpu.memory_space<vmem>>, vector<16xi32>,
        %parallel_loop3A_943 = vector.bitcast %parallel_loop3A_942 : vector<16xi32> to vector<32xbf16>
        %parallel_loop3A_944 = arith.mulf %parallel_loop3A_931, %parallel_loop3A_937 : vector<32xbf16>
        %parallel_loop3A_945 = arith.addf %parallel_loop3A_925, %parallel_loop3A_944 : vector<32xbf16>
        %parallel_loop3A_946 = arith.mulf %parallel_loop3A_931, %parallel_loop3A_943 : vector<32xbf16>
        %parallel_loop3A_947 = arith.addf %parallel_loop3A_926, %parallel_loop3A_946 : vector<32xbf16>
        %parallel_loop3A_948 = arith.mulf %parallel_loop3A_937, %parallel_loop3A_943 : vector<32xbf16>
        %parallel_loop3A_949 = arith.addf %parallel_loop3A_927, %parallel_loop3A_948 : vector<32xbf16>
        %parallel_loop3A_950 = arith.index_cast %parallel_loop3A_908 : i32 to index
        %parallel_loop3A_951 = arith.constant 32 : index
        %parallel_loop3A_952 = tpu.vector_load %arg13[%parallel_loop3A_950, %parallel_loop3A_951] {strides = array<i32>} : memref<96x128xi32, #tpu.memory_space<vmem>>, vector<16xi32>,
        %parallel_loop3A_953 = vector.bitcast %parallel_loop3A_952 : vector<16xi32> to vector<32xbf16>
        %parallel_loop3A_954 = arith.constant 32 : i32
        %parallel_loop3A_955 = arith.addi %parallel_loop3A_908, %parallel_loop3A_954 : i32
        %parallel_loop3A_956 = arith.index_cast %parallel_loop3A_955 : i32 to index
        %parallel_loop3A_957 = arith.constant 32 : index
        %parallel_loop3A_958 = tpu.vector_load %arg13[%parallel_loop3A_956, %parallel_loop3A_957] {strides = array<i32>} : memref<96x128xi32, #tpu.memory_space<vmem>>, vector<16xi32>,
        %parallel_loop3A_959 = vector.bitcast %parallel_loop3A_958 : vector<16xi32> to vector<32xbf16>
        %parallel_loop3A_960 = arith.constant 64 : i32
        %parallel_loop3A_961 = arith.addi %parallel_loop3A_908, %parallel_loop3A_960 : i32
        %parallel_loop3A_962 = arith.index_cast %parallel_loop3A_961 : i32 to index
        %parallel_loop3A_963 = arith.constant 32 : index
        %parallel_loop3A_964 = tpu.vector_load %arg13[%parallel_loop3A_962, %parallel_loop3A_963] {strides = array<i32>} : memref<96x128xi32, #tpu.memory_space<vmem>>, vector<16xi32>,
        %parallel_loop3A_965 = vector.bitcast %parallel_loop3A_964 : vector<16xi32> to vector<32xbf16>
        %parallel_loop3A_966 = arith.mulf %parallel_loop3A_953, %parallel_loop3A_959 : vector<32xbf16>
        %parallel_loop3A_967 = arith.addf %parallel_loop3A_945, %parallel_loop3A_966 : vector<32xbf16>
        %parallel_loop3A_968 = arith.mulf %parallel_loop3A_953, %parallel_loop3A_965 : vector<32xbf16>
        %parallel_loop3A_969 = arith.addf %parallel_loop3A_947, %parallel_loop3A_968 : vector<32xbf16>
        %parallel_loop3A_970 = arith.mulf %parallel_loop3A_959, %parallel_loop3A_965 : vector<32xbf16>
        %parallel_loop3A_971 = arith.addf %parallel_loop3A_949, %parallel_loop3A_970 : vector<32xbf16>
        %parallel_loop3A_972 = arith.index_cast %parallel_loop3A_908 : i32 to index
        %parallel_loop3A_973 = arith.constant 48 : index
        %parallel_loop3A_974 = tpu.vector_load %arg13[%parallel_loop3A_972, %parallel_loop3A_973] {strides = array<i32>} : memref<96x128xi32, #tpu.memory_space<vmem>>, vector<16xi32>,
        %parallel_loop3A_975 = vector.bitcast %parallel_loop3A_974 : vector<16xi32> to vector<32xbf16>
        %parallel_loop3A_976 = arith.constant 32 : i32
        %parallel_loop3A_977 = arith.addi %parallel_loop3A_908, %parallel_loop3A_976 : i32
        %parallel_loop3A_978 = arith.index_cast %parallel_loop3A_977 : i32 to index
        %parallel_loop3A_979 = arith.constant 48 : index
        %parallel_loop3A_980 = tpu.vector_load %arg13[%parallel_loop3A_978, %parallel_loop3A_979] {strides = array<i32>} : memref<96x128xi32, #tpu.memory_space<vmem>>, vector<16xi32>,
        %parallel_loop3A_981 = vector.bitcast %parallel_loop3A_980 : vector<16xi32> to vector<32xbf16>
        %parallel_loop3A_982 = arith.constant 64 : i32
        %parallel_loop3A_983 = arith.addi %parallel_loop3A_908, %parallel_loop3A_982 : i32
        %parallel_loop3A_984 = arith.index_cast %parallel_loop3A_983 : i32 to index
        %parallel_loop3A_985 = arith.constant 48 : index
        %parallel_loop3A_986 = tpu.vector_load %arg13[%parallel_loop3A_984, %parallel_loop3A_985] {strides = array<i32>} : memref<96x128xi32, #tpu.memory_space<vmem>>, vector<16xi32>,
        %parallel_loop3A_987 = vector.bitcast %parallel_loop3A_986 : vector<16xi32> to vector<32xbf16>
        %parallel_loop3A_988 = arith.mulf %parallel_loop3A_975, %parallel_loop3A_981 : vector<32xbf16>
        %parallel_loop3A_989 = arith.addf %parallel_loop3A_967, %parallel_loop3A_988 : vector<32xbf16>
        %parallel_loop3A_990 = arith.mulf %parallel_loop3A_975, %parallel_loop3A_987 : vector<32xbf16>
        %parallel_loop3A_991 = arith.addf %parallel_loop3A_969, %parallel_loop3A_990 : vector<32xbf16>
        %parallel_loop3A_992 = arith.mulf %parallel_loop3A_981, %parallel_loop3A_987 : vector<32xbf16>
        %parallel_loop3A_993 = arith.addf %parallel_loop3A_971, %parallel_loop3A_992 : vector<32xbf16>
        %parallel_loop3A_994 = arith.index_cast %parallel_loop3A_908 : i32 to index
        %parallel_loop3A_995 = arith.constant 64 : index
        %parallel_loop3A_996 = tpu.vector_load %arg13[%parallel_loop3A_994, %parallel_loop3A_995] {strides = array<i32>} : memref<96x128xi32, #tpu.memory_space<vmem>>, vector<16xi32>,
        %parallel_loop3A_997 = vector.bitcast %parallel_loop3A_996 : vector<16xi32> to vector<32xbf16>
        %parallel_loop3A_998 = arith.constant 32 : i32
        %parallel_loop3A_999 = arith.addi %parallel_loop3A_908, %parallel_loop3A_998 : i32
        %parallel_loop3A_1000 = arith.index_cast %parallel_loop3A_999 : i32 to index
        %parallel_loop3A_1001 = arith.constant 64 : index
        %parallel_loop3A_1002 = tpu.vector_load %arg13[%parallel_loop3A_1000, %parallel_loop3A_1001] {strides = array<i32>} : memref<96x128xi32, #tpu.memory_space<vmem>>, vector<16xi32>,
        %parallel_loop3A_1003 = vector.bitcast %parallel_loop3A_1002 : vector<16xi32> to vector<32xbf16>
        %parallel_loop3A_1004 = arith.constant 64 : i32
        %parallel_loop3A_1005 = arith.addi %parallel_loop3A_908, %parallel_loop3A_1004 : i32
        %parallel_loop3A_1006 = arith.index_cast %parallel_loop3A_1005 : i32 to index
        %parallel_loop3A_1007 = arith.constant 64 : index
        %parallel_loop3A_1008 = tpu.vector_load %arg13[%parallel_loop3A_1006, %parallel_loop3A_1007] {strides = array<i32>} : memref<96x128xi32, #tpu.memory_space<vmem>>, vector<16xi32>,
        %parallel_loop3A_1009 = vector.bitcast %parallel_loop3A_1008 : vector<16xi32> to vector<32xbf16>
        %parallel_loop3A_1010 = arith.mulf %parallel_loop3A_997, %parallel_loop3A_1003 : vector<32xbf16>
        %parallel_loop3A_1011 = arith.addf %parallel_loop3A_989, %parallel_loop3A_1010 : vector<32xbf16>
        %parallel_loop3A_1012 = arith.mulf %parallel_loop3A_997, %parallel_loop3A_1009 : vector<32xbf16>
        %parallel_loop3A_1013 = arith.addf %parallel_loop3A_991, %parallel_loop3A_1012 : vector<32xbf16>
        %parallel_loop3A_1014 = arith.mulf %parallel_loop3A_1003, %parallel_loop3A_1009 : vector<32xbf16>
        %parallel_loop3A_1015 = arith.addf %parallel_loop3A_993, %parallel_loop3A_1014 : vector<32xbf16>
        %parallel_loop3A_1016 = arith.index_cast %parallel_loop3A_908 : i32 to index
        %parallel_loop3A_1017 = arith.constant 80 : index
        %parallel_loop3A_1018 = tpu.vector_load %arg13[%parallel_loop3A_1016, %parallel_loop3A_1017] {strides = array<i32>} : memref<96x128xi32, #tpu.memory_space<vmem>>, vector<16xi32>,
        %parallel_loop3A_1019 = vector.bitcast %parallel_loop3A_1018 : vector<16xi32> to vector<32xbf16>
        %parallel_loop3A_1020 = arith.constant 32 : i32
        %parallel_loop3A_1021 = arith.addi %parallel_loop3A_908, %parallel_loop3A_1020 : i32
        %parallel_loop3A_1022 = arith.index_cast %parallel_loop3A_1021 : i32 to index
        %parallel_loop3A_1023 = arith.constant 80 : index
        %parallel_loop3A_1024 = tpu.vector_load %arg13[%parallel_loop3A_1022, %parallel_loop3A_1023] {strides = array<i32>} : memref<96x128xi32, #tpu.memory_space<vmem>>, vector<16xi32>,
        %parallel_loop3A_1025 = vector.bitcast %parallel_loop3A_1024 : vector<16xi32> to vector<32xbf16>
        %parallel_loop3A_1026 = arith.constant 64 : i32
        %parallel_loop3A_1027 = arith.addi %parallel_loop3A_908, %parallel_loop3A_1026 : i32
        %parallel_loop3A_1028 = arith.index_cast %parallel_loop3A_1027 : i32 to index
        %parallel_loop3A_1029 = arith.constant 80 : index
        %parallel_loop3A_1030 = tpu.vector_load %arg13[%parallel_loop3A_1028, %parallel_loop3A_1029] {strides = array<i32>} : memref<96x128xi32, #tpu.memory_space<vmem>>, vector<16xi32>,
        %parallel_loop3A_1031 = vector.bitcast %parallel_loop3A_1030 : vector<16xi32> to vector<32xbf16>
        %parallel_loop3A_1032 = arith.mulf %parallel_loop3A_1019, %parallel_loop3A_1025 : vector<32xbf16>
        %parallel_loop3A_1033 = arith.addf %parallel_loop3A_1011, %parallel_loop3A_1032 : vector<32xbf16>
        %parallel_loop3A_1034 = arith.mulf %parallel_loop3A_1019, %parallel_loop3A_1031 : vector<32xbf16>
        %parallel_loop3A_1035 = arith.addf %parallel_loop3A_1013, %parallel_loop3A_1034 : vector<32xbf16>
        %parallel_loop3A_1036 = arith.mulf %parallel_loop3A_1025, %parallel_loop3A_1031 : vector<32xbf16>
        %parallel_loop3A_1037 = arith.addf %parallel_loop3A_1015, %parallel_loop3A_1036 : vector<32xbf16>
        %parallel_loop3A_1038 = arith.index_cast %parallel_loop3A_908 : i32 to index
        %parallel_loop3A_1039 = arith.constant 96 : index
        %parallel_loop3A_1040 = tpu.vector_load %arg13[%parallel_loop3A_1038, %parallel_loop3A_1039] {strides = array<i32>} : memref<96x128xi32, #tpu.memory_space<vmem>>, vector<16xi32>,
        %parallel_loop3A_1041 = vector.bitcast %parallel_loop3A_1040 : vector<16xi32> to vector<32xbf16>
        %parallel_loop3A_1042 = arith.constant 32 : i32
        %parallel_loop3A_1043 = arith.addi %parallel_loop3A_908, %parallel_loop3A_1042 : i32
        %parallel_loop3A_1044 = arith.index_cast %parallel_loop3A_1043 : i32 to index
        %parallel_loop3A_1045 = arith.constant 96 : index
        %parallel_loop3A_1046 = tpu.vector_load %arg13[%parallel_loop3A_1044, %parallel_loop3A_1045] {strides = array<i32>} : memref<96x128xi32, #tpu.memory_space<vmem>>, vector<16xi32>,
        %parallel_loop3A_1047 = vector.bitcast %parallel_loop3A_1046 : vector<16xi32> to vector<32xbf16>
        %parallel_loop3A_1048 = arith.constant 64 : i32
        %parallel_loop3A_1049 = arith.addi %parallel_loop3A_908, %parallel_loop3A_1048 : i32
        %parallel_loop3A_1050 = arith.index_cast %parallel_loop3A_1049 : i32 to index
        %parallel_loop3A_1051 = arith.constant 96 : index
        %parallel_loop3A_1052 = tpu.vector_load %arg13[%parallel_loop3A_1050, %parallel_loop3A_1051] {strides = array<i32>} : memref<96x128xi32, #tpu.memory_space<vmem>>, vector<16xi32>,
        %parallel_loop3A_1053 = vector.bitcast %parallel_loop3A_1052 : vector<16xi32> to vector<32xbf16>
        %parallel_loop3A_1054 = arith.mulf %parallel_loop3A_1041, %parallel_loop3A_1047 : vector<32xbf16>
        %parallel_loop3A_1055 = arith.addf %parallel_loop3A_1033, %parallel_loop3A_1054 : vector<32xbf16>
        %parallel_loop3A_1056 = arith.mulf %parallel_loop3A_1041, %parallel_loop3A_1053 : vector<32xbf16>
        %parallel_loop3A_1057 = arith.addf %parallel_loop3A_1035, %parallel_loop3A_1056 : vector<32xbf16>
        %parallel_loop3A_1058 = arith.mulf %parallel_loop3A_1047, %parallel_loop3A_1053 : vector<32xbf16>
        %parallel_loop3A_1059 = arith.addf %parallel_loop3A_1037, %parallel_loop3A_1058 : vector<32xbf16>
        %parallel_loop3A_1060 = arith.index_cast %parallel_loop3A_908 : i32 to index
        %parallel_loop3A_1061 = arith.constant 112 : index
        %parallel_loop3A_1062 = tpu.vector_load %arg13[%parallel_loop3A_1060, %parallel_loop3A_1061] {strides = array<i32>} : memref<96x128xi32, #tpu.memory_space<vmem>>, vector<16xi32>,
        %parallel_loop3A_1063 = vector.bitcast %parallel_loop3A_1062 : vector<16xi32> to vector<32xbf16>
        %parallel_loop3A_1064 = arith.constant 32 : i32
        %parallel_loop3A_1065 = arith.addi %parallel_loop3A_908, %parallel_loop3A_1064 : i32
        %parallel_loop3A_1066 = arith.index_cast %parallel_loop3A_1065 : i32 to index
        %parallel_loop3A_1067 = arith.constant 112 : index
        %parallel_loop3A_1068 = tpu.vector_load %arg13[%parallel_loop3A_1066, %parallel_loop3A_1067] {strides = array<i32>} : memref<96x128xi32, #tpu.memory_space<vmem>>, vector<16xi32>,
        %parallel_loop3A_1069 = vector.bitcast %parallel_loop3A_1068 : vector<16xi32> to vector<32xbf16>
        %parallel_loop3A_1070 = arith.constant 64 : i32
        %parallel_loop3A_1071 = arith.addi %parallel_loop3A_908, %parallel_loop3A_1070 : i32
        %parallel_loop3A_1072 = arith.index_cast %parallel_loop3A_1071 : i32 to index
        %parallel_loop3A_1073 = arith.constant 112 : index
        %parallel_loop3A_1074 = tpu.vector_load %arg13[%parallel_loop3A_1072, %parallel_loop3A_1073] {strides = array<i32>} : memref<96x128xi32, #tpu.memory_space<vmem>>, vector<16xi32>,
        %parallel_loop3A_1075 = vector.bitcast %parallel_loop3A_1074 : vector<16xi32> to vector<32xbf16>
        %parallel_loop3A_1076 = arith.mulf %parallel_loop3A_1063, %parallel_loop3A_1069 : vector<32xbf16>
        %parallel_loop3A_1077 = arith.addf %parallel_loop3A_1055, %parallel_loop3A_1076 : vector<32xbf16>
        %parallel_loop3A_1078 = arith.mulf %parallel_loop3A_1063, %parallel_loop3A_1075 : vector<32xbf16>
        %parallel_loop3A_1079 = arith.addf %parallel_loop3A_1057, %parallel_loop3A_1078 : vector<32xbf16>
        %parallel_loop3A_1080 = arith.mulf %parallel_loop3A_1069, %parallel_loop3A_1075 : vector<32xbf16>
        %parallel_loop3A_1081 = arith.addf %parallel_loop3A_1059, %parallel_loop3A_1080 : vector<32xbf16>
        %parallel_loop3A_1082 = tpu.unpack_subelements %parallel_loop3A_1077, 0 {pack_format = #tpu.pack_format<interleaved>} : vector<32xbf16> -> vector<16xf32>
        %parallel_loop3A_1083 = tpu.unpack_subelements %parallel_loop3A_1077, 1 {pack_format = #tpu.pack_format<interleaved>} : vector<32xbf16> -> vector<16xf32>
        %parallel_loop3A_1084 = tpu.unpack_subelements %parallel_loop3A_1079, 0 {pack_format = #tpu.pack_format<interleaved>} : vector<32xbf16> -> vector<16xf32>
        %parallel_loop3A_1085 = tpu.unpack_subelements %parallel_loop3A_1079, 1 {pack_format = #tpu.pack_format<interleaved>} : vector<32xbf16> -> vector<16xf32>
        %parallel_loop3A_1086 = tpu.unpack_subelements %parallel_loop3A_1081, 0 {pack_format = #tpu.pack_format<interleaved>} : vector<32xbf16> -> vector<16xf32>
        %parallel_loop3A_1087 = tpu.unpack_subelements %parallel_loop3A_1081, 1 {pack_format = #tpu.pack_format<interleaved>} : vector<32xbf16> -> vector<16xf32>
        %parallel_loop3A_1088 = vector.broadcast %parallel_loop3A_905 : i32 to vector<16xi32>
        %parallel_loop3A_1089 = tpu.vector_load_idx %arg14[%parallel_loop3A_1088] : memref<48xf32, #tpu.memory_space<vmem>>[vector<16xi32>], vector<16xf32>,
        %parallel_loop3A_1090 = arith.constant 16 : i32
        %parallel_loop3A_1091 = vector.broadcast %parallel_loop3A_1090 : i32 to vector<16xi32>
        %parallel_loop3A_1092 = arith.addi %parallel_loop3A_1088, %parallel_loop3A_1091 : vector<16xi32>
        %parallel_loop3A_1093 = tpu.vector_load_idx %arg14[%parallel_loop3A_1092] : memref<48xf32, #tpu.memory_space<vmem>>[vector<16xi32>], vector<16xf32>,
        %parallel_loop3A_1094 = arith.constant 32 : i32
        %parallel_loop3A_1095 = vector.broadcast %parallel_loop3A_1094 : i32 to vector<16xi32>
        %parallel_loop3A_1096 = arith.addi %parallel_loop3A_1088, %parallel_loop3A_1095 : vector<16xi32>
        %parallel_loop3A_1097 = tpu.vector_load_idx %arg14[%parallel_loop3A_1096] : memref<48xf32, #tpu.memory_space<vmem>>[vector<16xi32>], vector<16xf32>,
        %parallel_loop3A_1098 = arith.addf %parallel_loop3A_1082, %parallel_loop3A_1083 : vector<16xf32>
        %parallel_loop3A_1099 = arith.mulf %parallel_loop3A_1089, %parallel_loop3A_1098 : vector<16xf32>
        %parallel_loop3A_1100 = arith.addf %parallel_loop3A_1084, %parallel_loop3A_1085 : vector<16xf32>
        %parallel_loop3A_1101 = arith.mulf %parallel_loop3A_1093, %parallel_loop3A_1100 : vector<16xf32>
        %parallel_loop3A_1102 = arith.addf %parallel_loop3A_1099, %parallel_loop3A_1101 : vector<16xf32>
        %parallel_loop3A_1103 = arith.addf %parallel_loop3A_906, %parallel_loop3A_1102 : vector<16xf32>
        %parallel_loop3A_1104 = arith.addf %parallel_loop3A_1086, %parallel_loop3A_1087 : vector<16xf32>
        %parallel_loop3A_1105 = arith.mulf %parallel_loop3A_1097, %parallel_loop3A_1104 : vector<16xf32>
        %parallel_loop3A_1106 = arith.addf %parallel_loop3A_1103, %parallel_loop3A_1105 : vector<16xf32>
        scf.yield %parallel_loop3A_1106 : vector<16xf32>
      } {sc.loop_unroll_factor = 2 : i64, sc.parallel_access}
      %add3A_786 = arith.constant 16 : i32
      %add3A_787 = arith.addi %mul3A_666, %add3A_786 : i32
      %get3A_788 = arith.constant 0 : i32
      %get3A_789 = arith.index_cast %get3A_788 : i32 to index
      %get3A_790 = arith.index_cast %add3A_787 : i32 to index
      %get3A_791 = tpu.vector_load %arg11[%get3A_789, %get3A_790] {strides = array<i32>} : memref<8x128xi32, #tpu.memory_space<vmem>>, vector<16xi32>,
      %add3A_792 = arith.constant 16 : i32
      %add3A_793 = arith.addi %mul3A_666, %add3A_792 : i32
      %get3A_794 = arith.constant 1 : i32
      %get3A_795 = arith.index_cast %get3A_794 : i32 to index
      %get3A_796 = arith.index_cast %add3A_793 : i32 to index
      %get3A_797 = tpu.vector_load %arg11[%get3A_795, %get3A_796] {strides = array<i32>} : memref<8x128xi32, #tpu.memory_space<vmem>>, vector<16xi32>,
      %add3A_798 = arith.constant 16 : i32
      %add3A_799 = arith.addi %mul3A_666, %add3A_798 : i32
      %get3A_800 = arith.constant 2 : i32
      %get3A_801 = arith.index_cast %get3A_800 : i32 to index
      %get3A_802 = arith.index_cast %add3A_799 : i32 to index
      %get3A_803 = tpu.vector_load %arg11[%get3A_801, %get3A_802] {strides = array<i32>} : memref<8x128xi32, #tpu.memory_space<vmem>>, vector<16xi32>,
      %mul3A_804 = arith.constant 2 : i32
      %mul3A_805 = vector.broadcast %mul3A_804 : i32 to vector<16xi32>
      %mul3A_806 = arith.muli %get3A_791, %mul3A_805 : vector<16xi32>
      %mul3A_807 = arith.constant 2 : i32
      %mul3A_808 = vector.broadcast %mul3A_807 : i32 to vector<16xi32>
      %mul3A_809 = arith.muli %get3A_797, %mul3A_808 : vector<16xi32>
      %mul3A_810 = arith.constant 2 : i32
      %mul3A_811 = vector.broadcast %mul3A_810 : i32 to vector<16xi32>
      %mul3A_812 = arith.muli %get3A_803, %mul3A_811 : vector<16xi32>
      %gather3A_813 = tpu.vector_load_idx %arg8[%mul3A_806] : memref<20000xf32, #tpu.memory_space<vmem>>[vector<16xi32>], vector<16xf32>,
      %add3A_814 = arith.constant 1 : i32
      %add3A_815 = vector.broadcast %add3A_814 : i32 to vector<16xi32>
      %add3A_816 = arith.addi %mul3A_806, %add3A_815 : vector<16xi32>
      %gather3A_817 = tpu.vector_load_idx %arg8[%add3A_816] : memref<20000xf32, #tpu.memory_space<vmem>>[vector<16xi32>], vector<16xf32>,
      %gather3A_818 = tpu.vector_load_idx %arg8[%mul3A_809] : memref<20000xf32, #tpu.memory_space<vmem>>[vector<16xi32>], vector<16xf32>,
      %add3A_819 = arith.constant 1 : i32
      %add3A_820 = vector.broadcast %add3A_819 : i32 to vector<16xi32>
      %add3A_821 = arith.addi %mul3A_809, %add3A_820 : vector<16xi32>
      %gather3A_822 = tpu.vector_load_idx %arg8[%add3A_821] : memref<20000xf32, #tpu.memory_space<vmem>>[vector<16xi32>], vector<16xf32>,
      %gather3A_823 = tpu.vector_load_idx %arg8[%mul3A_812] : memref<20000xf32, #tpu.memory_space<vmem>>[vector<16xi32>], vector<16xf32>,
      %add3A_824 = arith.constant 1 : i32
      %add3A_825 = vector.broadcast %add3A_824 : i32 to vector<16xi32>
      %add3A_826 = arith.addi %mul3A_812, %add3A_825 : vector<16xi32>
      %gather3A_827 = tpu.vector_load_idx %arg8[%add3A_826] : memref<20000xf32, #tpu.memory_space<vmem>>[vector<16xi32>], vector<16xf32>,
      %sub3A_828 = arith.subf %gather3A_818, %gather3A_813 : vector<16xf32>
      %sub3A_829 = arith.subf %gather3A_822, %gather3A_817 : vector<16xf32>
      %sub3A_830 = arith.subf %gather3A_823, %gather3A_813 : vector<16xf32>
      %sub3A_831 = arith.subf %gather3A_827, %gather3A_817 : vector<16xf32>
      %mul3A_832 = arith.mulf %sub3A_828, %sub3A_831 : vector<16xf32>
      %mul3A_833 = arith.mulf %sub3A_829, %sub3A_830 : vector<16xf32>
      %sub3A_834 = arith.subf %mul3A_832, %mul3A_833 : vector<16xf32>
      %mul3A_835 = arith.mulf %sub3A_828, %sub3A_828 : vector<16xf32>
      %mul3A_836 = arith.mulf %sub3A_829, %sub3A_829 : vector<16xf32>
      %add3A_837 = arith.addf %mul3A_835, %mul3A_836 : vector<16xf32>
      %mul3A_838 = arith.mulf %sub3A_828, %sub3A_830 : vector<16xf32>
      %mul3A_839 = arith.mulf %sub3A_829, %sub3A_831 : vector<16xf32>
      %add3A_840 = arith.addf %mul3A_838, %mul3A_839 : vector<16xf32>
      %mul3A_841 = arith.mulf %sub3A_830, %sub3A_830 : vector<16xf32>
      %mul3A_842 = arith.mulf %sub3A_831, %sub3A_831 : vector<16xf32>
      %add3A_843 = arith.addf %mul3A_841, %mul3A_842 : vector<16xf32>
      %div3A_844 = vector.broadcast %squeeze3A_63 : f32 to vector<16xf32>
      %div3A_845 = arith.divf %div3A_844, %sub3A_834 : vector<16xf32>
      %gather3A_846 = tpu.vector_load_idx %arg9[%get3A_791] : memref<10000xf32, #tpu.memory_space<vmem>>[vector<16xi32>], vector<16xf32>,
      %gather3A_847 = tpu.vector_load_idx %arg9[%get3A_797] : memref<10000xf32, #tpu.memory_space<vmem>>[vector<16xi32>], vector<16xf32>,
      %gather3A_848 = tpu.vector_load_idx %arg9[%get3A_803] : memref<10000xf32, #tpu.memory_space<vmem>>[vector<16xi32>], vector<16xf32>,
      %mul3A_849 = vector.broadcast %squeeze3A : f32 to vector<16xf32>
      %mul3A_850 = arith.mulf %sub3A_834, %mul3A_849 : vector<16xf32>
      %mul3A_851 = arith.constant 2.000000e+00 : f32
      %mul3A_852 = vector.broadcast %mul3A_851 : f32 to vector<16xf32>
      %mul3A_853 = arith.mulf %mul3A_852, %add3A_840 : vector<16xf32>
      %sub3A_854 = arith.subf %add3A_837, %mul3A_853 : vector<16xf32>
      %add3A_855 = arith.addf %sub3A_854, %add3A_843 : vector<16xf32>
      %mul3A_856 = arith.mulf %div3A_845, %add3A_855 : vector<16xf32>
      %add3A_857 = arith.addf %mul3A_850, %mul3A_856 : vector<16xf32>
      %mul3A_858 = arith.mulf %add3A_857, %gather3A_846 : vector<16xf32>
      %mul3A_859 = vector.broadcast %squeeze3A_53 : f32 to vector<16xf32>
      %mul3A_860 = arith.mulf %sub3A_834, %mul3A_859 : vector<16xf32>
      %mul3A_861 = arith.mulf %div3A_845, %add3A_843 : vector<16xf32>
      %add3A_862 = arith.addf %mul3A_860, %mul3A_861 : vector<16xf32>
      %mul3A_863 = arith.mulf %add3A_862, %gather3A_847 : vector<16xf32>
      %add3A_864 = arith.addf %mul3A_858, %mul3A_863 : vector<16xf32>
      %mul3A_865 = vector.broadcast %squeeze3A_55 : f32 to vector<16xf32>
      %mul3A_866 = arith.mulf %sub3A_834, %mul3A_865 : vector<16xf32>
      %mul3A_867 = arith.mulf %div3A_845, %add3A_837 : vector<16xf32>
      %add3A_868 = arith.addf %mul3A_866, %mul3A_867 : vector<16xf32>
      %mul3A_869 = arith.mulf %add3A_868, %gather3A_848 : vector<16xf32>
      %add3A_870 = arith.addf %add3A_864, %mul3A_869 : vector<16xf32>
      %add3A_871 = arith.addf %parallel_loop3A_785, %add3A_870 : vector<16xf32>
      %mul3A_872 = vector.broadcast %squeeze3A_57 : f32 to vector<16xf32>
      %mul3A_873 = arith.mulf %sub3A_834, %mul3A_872 : vector<16xf32>
      %sub3A_874 = arith.subf %add3A_843, %add3A_840 : vector<16xf32>
      %mul3A_875 = arith.mulf %div3A_845, %sub3A_874 : vector<16xf32>
      %sub3A_876 = arith.subf %mul3A_873, %mul3A_875 : vector<16xf32>
      %mul3A_877 = arith.constant 2.000000e+00 : f32
      %mul3A_878 = vector.broadcast %mul3A_877 : f32 to vector<16xf32>
      %mul3A_879 = arith.mulf %mul3A_878, %sub3A_876 : vector<16xf32>
      %swap3A_880 = arith.constant 0 : index
      %swap3A_881 = tpu.vector_load %arg14[%swap3A_880] {strides = array<i32>} : memref<48xf32, #tpu.memory_space<vmem>>, vector<16xf32>,
      tpu.vector_store %arg14[%swap3A_880], %mul3A_879 {strides = array<i32>} : memref<48xf32, #tpu.memory_space<vmem>>, vector<16xf32>,
      %mul3A_882 = vector.broadcast %squeeze3A_59 : f32 to vector<16xf32>
      %mul3A_883 = arith.mulf %sub3A_834, %mul3A_882 : vector<16xf32>
      %sub3A_884 = arith.subf %add3A_837, %add3A_840 : vector<16xf32>
      %mul3A_885 = arith.mulf %div3A_845, %sub3A_884 : vector<16xf32>
      %sub3A_886 = arith.subf %mul3A_883, %mul3A_885 : vector<16xf32>
      %mul3A_887 = arith.constant 2.000000e+00 : f32
      %mul3A_888 = vector.broadcast %mul3A_887 : f32 to vector<16xf32>
      %mul3A_889 = arith.mulf %mul3A_888, %sub3A_886 : vector<16xf32>
      %swap3A_890 = arith.constant 16 : index
      %swap3A_891 = tpu.vector_load %arg14[%swap3A_890] {strides = array<i32>} : memref<48xf32, #tpu.memory_space<vmem>>, vector<16xf32>,
      tpu.vector_store %arg14[%swap3A_890], %mul3A_889 {strides = array<i32>} : memref<48xf32, #tpu.memory_space<vmem>>, vector<16xf32>,
      %mul3A_892 = vector.broadcast %squeeze3A_61 : f32 to vector<16xf32>
      %mul3A_893 = arith.mulf %sub3A_834, %mul3A_892 : vector<16xf32>
      %mul3A_894 = arith.mulf %div3A_845, %add3A_840 : vector<16xf32>
      %sub3A_895 = arith.subf %mul3A_893, %mul3A_894 : vector<16xf32>
      %mul3A_896 = arith.constant 2.000000e+00 : f32
      %mul3A_897 = vector.broadcast %mul3A_896 : f32 to vector<16xf32>
      %mul3A_898 = arith.mulf %mul3A_897, %sub3A_895 : vector<16xf32>
      %swap3A_899 = arith.constant 32 : index
      %swap3A_900 = tpu.vector_load %arg14[%swap3A_899] {strides = array<i32>} : memref<48xf32, #tpu.memory_space<vmem>>, vector<16xf32>,
      tpu.vector_store %arg14[%swap3A_899], %mul3A_898 {strides = array<i32>} : memref<48xf32, #tpu.memory_space<vmem>>, vector<16xf32>,
      %parallel_loop3A_901 = arith.constant 0 : i32
      %parallel_loop3A_902 = arith.constant 16 : i32
      %parallel_loop3A_903 = arith.constant 1 : i32
      %parallel_loop3A_904 = scf.for %parallel_loop3A_905 = %parallel_loop3A_901 to %parallel_loop3A_902 step %parallel_loop3A_903 iter_args(%parallel_loop3A_906 = %add3A_871) -> (vector<16xf32>)  : i32 {
        %parallel_loop3A_907 = arith.constant 16 : i32
        %parallel_loop3A_908 = arith.addi %parallel_loop3A_907, %parallel_loop3A_905 : i32
        %parallel_loop3A_909 = arith.index_cast %parallel_loop3A_908 : i32 to index
        %parallel_loop3A_910 = arith.constant 0 : index
        %parallel_loop3A_911 = tpu.vector_load %arg13[%parallel_loop3A_909, %parallel_loop3A_910] {strides = array<i32>} : memref<96x128xi32, #tpu.memory_space<vmem>>, vector<16xi32>,
        %parallel_loop3A_912 = vector.bitcast %parallel_loop3A_911 : vector<16xi32> to vector<32xbf16>
        %parallel_loop3A_913 = arith.constant 32 : i32
        %parallel_loop3A_914 = arith.addi %parallel_loop3A_908, %parallel_loop3A_913 : i32
        %parallel_loop3A_915 = arith.index_cast %parallel_loop3A_914 : i32 to index
        %parallel_loop3A_916 = arith.constant 0 : index
        %parallel_loop3A_917 = tpu.vector_load %arg13[%parallel_loop3A_915, %parallel_loop3A_916] {strides = array<i32>} : memref<96x128xi32, #tpu.memory_space<vmem>>, vector<16xi32>,
        %parallel_loop3A_918 = vector.bitcast %parallel_loop3A_917 : vector<16xi32> to vector<32xbf16>
        %parallel_loop3A_919 = arith.constant 64 : i32
        %parallel_loop3A_920 = arith.addi %parallel_loop3A_908, %parallel_loop3A_919 : i32
        %parallel_loop3A_921 = arith.index_cast %parallel_loop3A_920 : i32 to index
        %parallel_loop3A_922 = arith.constant 0 : index
        %parallel_loop3A_923 = tpu.vector_load %arg13[%parallel_loop3A_921, %parallel_loop3A_922] {strides = array<i32>} : memref<96x128xi32, #tpu.memory_space<vmem>>, vector<16xi32>,
        %parallel_loop3A_924 = vector.bitcast %parallel_loop3A_923 : vector<16xi32> to vector<32xbf16>
        %parallel_loop3A_925 = arith.mulf %parallel_loop3A_912, %parallel_loop3A_918 : vector<32xbf16>
        %parallel_loop3A_926 = arith.mulf %parallel_loop3A_912, %parallel_loop3A_924 : vector<32xbf16>
        %parallel_loop3A_927 = arith.mulf %parallel_loop3A_918, %parallel_loop3A_924 : vector<32xbf16>
        %parallel_loop3A_928 = arith.index_cast %parallel_loop3A_908 : i32 to index
        %parallel_loop3A_929 = arith.constant 16 : index
        %parallel_loop3A_930 = tpu.vector_load %arg13[%parallel_loop3A_928, %parallel_loop3A_929] {strides = array<i32>} : memref<96x128xi32, #tpu.memory_space<vmem>>, vector<16xi32>,
        %parallel_loop3A_931 = vector.bitcast %parallel_loop3A_930 : vector<16xi32> to vector<32xbf16>
        %parallel_loop3A_932 = arith.constant 32 : i32
        %parallel_loop3A_933 = arith.addi %parallel_loop3A_908, %parallel_loop3A_932 : i32
        %parallel_loop3A_934 = arith.index_cast %parallel_loop3A_933 : i32 to index
        %parallel_loop3A_935 = arith.constant 16 : index
        %parallel_loop3A_936 = tpu.vector_load %arg13[%parallel_loop3A_934, %parallel_loop3A_935] {strides = array<i32>} : memref<96x128xi32, #tpu.memory_space<vmem>>, vector<16xi32>,
        %parallel_loop3A_937 = vector.bitcast %parallel_loop3A_936 : vector<16xi32> to vector<32xbf16>
        %parallel_loop3A_938 = arith.constant 64 : i32
        %parallel_loop3A_939 = arith.addi %parallel_loop3A_908, %parallel_loop3A_938 : i32
        %parallel_loop3A_940 = arith.index_cast %parallel_loop3A_939 : i32 to index
        %parallel_loop3A_941 = arith.constant 16 : index
        %parallel_loop3A_942 = tpu.vector_load %arg13[%parallel_loop3A_940, %parallel_loop3A_941] {strides = array<i32>} : memref<96x128xi32, #tpu.memory_space<vmem>>, vector<16xi32>,
        %parallel_loop3A_943 = vector.bitcast %parallel_loop3A_942 : vector<16xi32> to vector<32xbf16>
        %parallel_loop3A_944 = arith.mulf %parallel_loop3A_931, %parallel_loop3A_937 : vector<32xbf16>
        %parallel_loop3A_945 = arith.addf %parallel_loop3A_925, %parallel_loop3A_944 : vector<32xbf16>
        %parallel_loop3A_946 = arith.mulf %parallel_loop3A_931, %parallel_loop3A_943 : vector<32xbf16>
        %parallel_loop3A_947 = arith.addf %parallel_loop3A_926, %parallel_loop3A_946 : vector<32xbf16>
        %parallel_loop3A_948 = arith.mulf %parallel_loop3A_937, %parallel_loop3A_943 : vector<32xbf16>
        %parallel_loop3A_949 = arith.addf %parallel_loop3A_927, %parallel_loop3A_948 : vector<32xbf16>
        %parallel_loop3A_950 = arith.index_cast %parallel_loop3A_908 : i32 to index
        %parallel_loop3A_951 = arith.constant 32 : index
        %parallel_loop3A_952 = tpu.vector_load %arg13[%parallel_loop3A_950, %parallel_loop3A_951] {strides = array<i32>} : memref<96x128xi32, #tpu.memory_space<vmem>>, vector<16xi32>,
        %parallel_loop3A_953 = vector.bitcast %parallel_loop3A_952 : vector<16xi32> to vector<32xbf16>
        %parallel_loop3A_954 = arith.constant 32 : i32
        %parallel_loop3A_955 = arith.addi %parallel_loop3A_908, %parallel_loop3A_954 : i32
        %parallel_loop3A_956 = arith.index_cast %parallel_loop3A_955 : i32 to index
        %parallel_loop3A_957 = arith.constant 32 : index
        %parallel_loop3A_958 = tpu.vector_load %arg13[%parallel_loop3A_956, %parallel_loop3A_957] {strides = array<i32>} : memref<96x128xi32, #tpu.memory_space<vmem>>, vector<16xi32>,
        %parallel_loop3A_959 = vector.bitcast %parallel_loop3A_958 : vector<16xi32> to vector<32xbf16>
        %parallel_loop3A_960 = arith.constant 64 : i32
        %parallel_loop3A_961 = arith.addi %parallel_loop3A_908, %parallel_loop3A_960 : i32
        %parallel_loop3A_962 = arith.index_cast %parallel_loop3A_961 : i32 to index
        %parallel_loop3A_963 = arith.constant 32 : index
        %parallel_loop3A_964 = tpu.vector_load %arg13[%parallel_loop3A_962, %parallel_loop3A_963] {strides = array<i32>} : memref<96x128xi32, #tpu.memory_space<vmem>>, vector<16xi32>,
        %parallel_loop3A_965 = vector.bitcast %parallel_loop3A_964 : vector<16xi32> to vector<32xbf16>
        %parallel_loop3A_966 = arith.mulf %parallel_loop3A_953, %parallel_loop3A_959 : vector<32xbf16>
        %parallel_loop3A_967 = arith.addf %parallel_loop3A_945, %parallel_loop3A_966 : vector<32xbf16>
        %parallel_loop3A_968 = arith.mulf %parallel_loop3A_953, %parallel_loop3A_965 : vector<32xbf16>
        %parallel_loop3A_969 = arith.addf %parallel_loop3A_947, %parallel_loop3A_968 : vector<32xbf16>
        %parallel_loop3A_970 = arith.mulf %parallel_loop3A_959, %parallel_loop3A_965 : vector<32xbf16>
        %parallel_loop3A_971 = arith.addf %parallel_loop3A_949, %parallel_loop3A_970 : vector<32xbf16>
        %parallel_loop3A_972 = arith.index_cast %parallel_loop3A_908 : i32 to index
        %parallel_loop3A_973 = arith.constant 48 : index
        %parallel_loop3A_974 = tpu.vector_load %arg13[%parallel_loop3A_972, %parallel_loop3A_973] {strides = array<i32>} : memref<96x128xi32, #tpu.memory_space<vmem>>, vector<16xi32>,
        %parallel_loop3A_975 = vector.bitcast %parallel_loop3A_974 : vector<16xi32> to vector<32xbf16>
        %parallel_loop3A_976 = arith.constant 32 : i32
        %parallel_loop3A_977 = arith.addi %parallel_loop3A_908, %parallel_loop3A_976 : i32
        %parallel_loop3A_978 = arith.index_cast %parallel_loop3A_977 : i32 to index
        %parallel_loop3A_979 = arith.constant 48 : index
        %parallel_loop3A_980 = tpu.vector_load %arg13[%parallel_loop3A_978, %parallel_loop3A_979] {strides = array<i32>} : memref<96x128xi32, #tpu.memory_space<vmem>>, vector<16xi32>,
        %parallel_loop3A_981 = vector.bitcast %parallel_loop3A_980 : vector<16xi32> to vector<32xbf16>
        %parallel_loop3A_982 = arith.constant 64 : i32
        %parallel_loop3A_983 = arith.addi %parallel_loop3A_908, %parallel_loop3A_982 : i32
        %parallel_loop3A_984 = arith.index_cast %parallel_loop3A_983 : i32 to index
        %parallel_loop3A_985 = arith.constant 48 : index
        %parallel_loop3A_986 = tpu.vector_load %arg13[%parallel_loop3A_984, %parallel_loop3A_985] {strides = array<i32>} : memref<96x128xi32, #tpu.memory_space<vmem>>, vector<16xi32>,
        %parallel_loop3A_987 = vector.bitcast %parallel_loop3A_986 : vector<16xi32> to vector<32xbf16>
        %parallel_loop3A_988 = arith.mulf %parallel_loop3A_975, %parallel_loop3A_981 : vector<32xbf16>
        %parallel_loop3A_989 = arith.addf %parallel_loop3A_967, %parallel_loop3A_988 : vector<32xbf16>
        %parallel_loop3A_990 = arith.mulf %parallel_loop3A_975, %parallel_loop3A_987 : vector<32xbf16>
        %parallel_loop3A_991 = arith.addf %parallel_loop3A_969, %parallel_loop3A_990 : vector<32xbf16>
        %parallel_loop3A_992 = arith.mulf %parallel_loop3A_981, %parallel_loop3A_987 : vector<32xbf16>
        %parallel_loop3A_993 = arith.addf %parallel_loop3A_971, %parallel_loop3A_992 : vector<32xbf16>
        %parallel_loop3A_994 = arith.index_cast %parallel_loop3A_908 : i32 to index
        %parallel_loop3A_995 = arith.constant 64 : index
        %parallel_loop3A_996 = tpu.vector_load %arg13[%parallel_loop3A_994, %parallel_loop3A_995] {strides = array<i32>} : memref<96x128xi32, #tpu.memory_space<vmem>>, vector<16xi32>,
        %parallel_loop3A_997 = vector.bitcast %parallel_loop3A_996 : vector<16xi32> to vector<32xbf16>
        %parallel_loop3A_998 = arith.constant 32 : i32
        %parallel_loop3A_999 = arith.addi %parallel_loop3A_908, %parallel_loop3A_998 : i32
        %parallel_loop3A_1000 = arith.index_cast %parallel_loop3A_999 : i32 to index
        %parallel_loop3A_1001 = arith.constant 64 : index
        %parallel_loop3A_1002 = tpu.vector_load %arg13[%parallel_loop3A_1000, %parallel_loop3A_1001] {strides = array<i32>} : memref<96x128xi32, #tpu.memory_space<vmem>>, vector<16xi32>,
        %parallel_loop3A_1003 = vector.bitcast %parallel_loop3A_1002 : vector<16xi32> to vector<32xbf16>
        %parallel_loop3A_1004 = arith.constant 64 : i32
        %parallel_loop3A_1005 = arith.addi %parallel_loop3A_908, %parallel_loop3A_1004 : i32
        %parallel_loop3A_1006 = arith.index_cast %parallel_loop3A_1005 : i32 to index
        %parallel_loop3A_1007 = arith.constant 64 : index
        %parallel_loop3A_1008 = tpu.vector_load %arg13[%parallel_loop3A_1006, %parallel_loop3A_1007] {strides = array<i32>} : memref<96x128xi32, #tpu.memory_space<vmem>>, vector<16xi32>,
        %parallel_loop3A_1009 = vector.bitcast %parallel_loop3A_1008 : vector<16xi32> to vector<32xbf16>
        %parallel_loop3A_1010 = arith.mulf %parallel_loop3A_997, %parallel_loop3A_1003 : vector<32xbf16>
        %parallel_loop3A_1011 = arith.addf %parallel_loop3A_989, %parallel_loop3A_1010 : vector<32xbf16>
        %parallel_loop3A_1012 = arith.mulf %parallel_loop3A_997, %parallel_loop3A_1009 : vector<32xbf16>
        %parallel_loop3A_1013 = arith.addf %parallel_loop3A_991, %parallel_loop3A_1012 : vector<32xbf16>
        %parallel_loop3A_1014 = arith.mulf %parallel_loop3A_1003, %parallel_loop3A_1009 : vector<32xbf16>
        %parallel_loop3A_1015 = arith.addf %parallel_loop3A_993, %parallel_loop3A_1014 : vector<32xbf16>
        %parallel_loop3A_1016 = arith.index_cast %parallel_loop3A_908 : i32 to index
        %parallel_loop3A_1017 = arith.constant 80 : index
        %parallel_loop3A_1018 = tpu.vector_load %arg13[%parallel_loop3A_1016, %parallel_loop3A_1017] {strides = array<i32>} : memref<96x128xi32, #tpu.memory_space<vmem>>, vector<16xi32>,
        %parallel_loop3A_1019 = vector.bitcast %parallel_loop3A_1018 : vector<16xi32> to vector<32xbf16>
        %parallel_loop3A_1020 = arith.constant 32 : i32
        %parallel_loop3A_1021 = arith.addi %parallel_loop3A_908, %parallel_loop3A_1020 : i32
        %parallel_loop3A_1022 = arith.index_cast %parallel_loop3A_1021 : i32 to index
        %parallel_loop3A_1023 = arith.constant 80 : index
        %parallel_loop3A_1024 = tpu.vector_load %arg13[%parallel_loop3A_1022, %parallel_loop3A_1023] {strides = array<i32>} : memref<96x128xi32, #tpu.memory_space<vmem>>, vector<16xi32>,
        %parallel_loop3A_1025 = vector.bitcast %parallel_loop3A_1024 : vector<16xi32> to vector<32xbf16>
        %parallel_loop3A_1026 = arith.constant 64 : i32
        %parallel_loop3A_1027 = arith.addi %parallel_loop3A_908, %parallel_loop3A_1026 : i32
        %parallel_loop3A_1028 = arith.index_cast %parallel_loop3A_1027 : i32 to index
        %parallel_loop3A_1029 = arith.constant 80 : index
        %parallel_loop3A_1030 = tpu.vector_load %arg13[%parallel_loop3A_1028, %parallel_loop3A_1029] {strides = array<i32>} : memref<96x128xi32, #tpu.memory_space<vmem>>, vector<16xi32>,
        %parallel_loop3A_1031 = vector.bitcast %parallel_loop3A_1030 : vector<16xi32> to vector<32xbf16>
        %parallel_loop3A_1032 = arith.mulf %parallel_loop3A_1019, %parallel_loop3A_1025 : vector<32xbf16>
        %parallel_loop3A_1033 = arith.addf %parallel_loop3A_1011, %parallel_loop3A_1032 : vector<32xbf16>
        %parallel_loop3A_1034 = arith.mulf %parallel_loop3A_1019, %parallel_loop3A_1031 : vector<32xbf16>
        %parallel_loop3A_1035 = arith.addf %parallel_loop3A_1013, %parallel_loop3A_1034 : vector<32xbf16>
        %parallel_loop3A_1036 = arith.mulf %parallel_loop3A_1025, %parallel_loop3A_1031 : vector<32xbf16>
        %parallel_loop3A_1037 = arith.addf %parallel_loop3A_1015, %parallel_loop3A_1036 : vector<32xbf16>
        %parallel_loop3A_1038 = arith.index_cast %parallel_loop3A_908 : i32 to index
        %parallel_loop3A_1039 = arith.constant 96 : index
        %parallel_loop3A_1040 = tpu.vector_load %arg13[%parallel_loop3A_1038, %parallel_loop3A_1039] {strides = array<i32>} : memref<96x128xi32, #tpu.memory_space<vmem>>, vector<16xi32>,
        %parallel_loop3A_1041 = vector.bitcast %parallel_loop3A_1040 : vector<16xi32> to vector<32xbf16>
        %parallel_loop3A_1042 = arith.constant 32 : i32
        %parallel_loop3A_1043 = arith.addi %parallel_loop3A_908, %parallel_loop3A_1042 : i32
        %parallel_loop3A_1044 = arith.index_cast %parallel_loop3A_1043 : i32 to index
        %parallel_loop3A_1045 = arith.constant 96 : index
        %parallel_loop3A_1046 = tpu.vector_load %arg13[%parallel_loop3A_1044, %parallel_loop3A_1045] {strides = array<i32>} : memref<96x128xi32, #tpu.memory_space<vmem>>, vector<16xi32>,
        %parallel_loop3A_1047 = vector.bitcast %parallel_loop3A_1046 : vector<16xi32> to vector<32xbf16>
        %parallel_loop3A_1048 = arith.constant 64 : i32
        %parallel_loop3A_1049 = arith.addi %parallel_loop3A_908, %parallel_loop3A_1048 : i32
        %parallel_loop3A_1050 = arith.index_cast %parallel_loop3A_1049 : i32 to index
        %parallel_loop3A_1051 = arith.constant 96 : index
        %parallel_loop3A_1052 = tpu.vector_load %arg13[%parallel_loop3A_1050, %parallel_loop3A_1051] {strides = array<i32>} : memref<96x128xi32, #tpu.memory_space<vmem>>, vector<16xi32>,
        %parallel_loop3A_1053 = vector.bitcast %parallel_loop3A_1052 : vector<16xi32> to vector<32xbf16>
        %parallel_loop3A_1054 = arith.mulf %parallel_loop3A_1041, %parallel_loop3A_1047 : vector<32xbf16>
        %parallel_loop3A_1055 = arith.addf %parallel_loop3A_1033, %parallel_loop3A_1054 : vector<32xbf16>
        %parallel_loop3A_1056 = arith.mulf %parallel_loop3A_1041, %parallel_loop3A_1053 : vector<32xbf16>
        %parallel_loop3A_1057 = arith.addf %parallel_loop3A_1035, %parallel_loop3A_1056 : vector<32xbf16>
        %parallel_loop3A_1058 = arith.mulf %parallel_loop3A_1047, %parallel_loop3A_1053 : vector<32xbf16>
        %parallel_loop3A_1059 = arith.addf %parallel_loop3A_1037, %parallel_loop3A_1058 : vector<32xbf16>
        %parallel_loop3A_1060 = arith.index_cast %parallel_loop3A_908 : i32 to index
        %parallel_loop3A_1061 = arith.constant 112 : index
        %parallel_loop3A_1062 = tpu.vector_load %arg13[%parallel_loop3A_1060, %parallel_loop3A_1061] {strides = array<i32>} : memref<96x128xi32, #tpu.memory_space<vmem>>, vector<16xi32>,
        %parallel_loop3A_1063 = vector.bitcast %parallel_loop3A_1062 : vector<16xi32> to vector<32xbf16>
        %parallel_loop3A_1064 = arith.constant 32 : i32
        %parallel_loop3A_1065 = arith.addi %parallel_loop3A_908, %parallel_loop3A_1064 : i32
        %parallel_loop3A_1066 = arith.index_cast %parallel_loop3A_1065 : i32 to index
        %parallel_loop3A_1067 = arith.constant 112 : index
        %parallel_loop3A_1068 = tpu.vector_load %arg13[%parallel_loop3A_1066, %parallel_loop3A_1067] {strides = array<i32>} : memref<96x128xi32, #tpu.memory_space<vmem>>, vector<16xi32>,
        %parallel_loop3A_1069 = vector.bitcast %parallel_loop3A_1068 : vector<16xi32> to vector<32xbf16>
        %parallel_loop3A_1070 = arith.constant 64 : i32
        %parallel_loop3A_1071 = arith.addi %parallel_loop3A_908, %parallel_loop3A_1070 : i32
        %parallel_loop3A_1072 = arith.index_cast %parallel_loop3A_1071 : i32 to index
        %parallel_loop3A_1073 = arith.constant 112 : index
        %parallel_loop3A_1074 = tpu.vector_load %arg13[%parallel_loop3A_1072, %parallel_loop3A_1073] {strides = array<i32>} : memref<96x128xi32, #tpu.memory_space<vmem>>, vector<16xi32>,
        %parallel_loop3A_1075 = vector.bitcast %parallel_loop3A_1074 : vector<16xi32> to vector<32xbf16>
        %parallel_loop3A_1076 = arith.mulf %parallel_loop3A_1063, %parallel_loop3A_1069 : vector<32xbf16>
        %parallel_loop3A_1077 = arith.addf %parallel_loop3A_1055, %parallel_loop3A_1076 : vector<32xbf16>
        %parallel_loop3A_1078 = arith.mulf %parallel_loop3A_1063, %parallel_loop3A_1075 : vector<32xbf16>
        %parallel_loop3A_1079 = arith.addf %parallel_loop3A_1057, %parallel_loop3A_1078 : vector<32xbf16>
        %parallel_loop3A_1080 = arith.mulf %parallel_loop3A_1069, %parallel_loop3A_1075 : vector<32xbf16>
        %parallel_loop3A_1081 = arith.addf %parallel_loop3A_1059, %parallel_loop3A_1080 : vector<32xbf16>
        %parallel_loop3A_1082 = tpu.unpack_subelements %parallel_loop3A_1077, 0 {pack_format = #tpu.pack_format<interleaved>} : vector<32xbf16> -> vector<16xf32>
        %parallel_loop3A_1083 = tpu.unpack_subelements %parallel_loop3A_1077, 1 {pack_format = #tpu.pack_format<interleaved>} : vector<32xbf16> -> vector<16xf32>
        %parallel_loop3A_1084 = tpu.unpack_subelements %parallel_loop3A_1079, 0 {pack_format = #tpu.pack_format<interleaved>} : vector<32xbf16> -> vector<16xf32>
        %parallel_loop3A_1085 = tpu.unpack_subelements %parallel_loop3A_1079, 1 {pack_format = #tpu.pack_format<interleaved>} : vector<32xbf16> -> vector<16xf32>
        %parallel_loop3A_1086 = tpu.unpack_subelements %parallel_loop3A_1081, 0 {pack_format = #tpu.pack_format<interleaved>} : vector<32xbf16> -> vector<16xf32>
        %parallel_loop3A_1087 = tpu.unpack_subelements %parallel_loop3A_1081, 1 {pack_format = #tpu.pack_format<interleaved>} : vector<32xbf16> -> vector<16xf32>
        %parallel_loop3A_1088 = vector.broadcast %parallel_loop3A_905 : i32 to vector<16xi32>
        %parallel_loop3A_1089 = tpu.vector_load_idx %arg14[%parallel_loop3A_1088] : memref<48xf32, #tpu.memory_space<vmem>>[vector<16xi32>], vector<16xf32>,
        %parallel_loop3A_1090 = arith.constant 16 : i32
        %parallel_loop3A_1091 = vector.broadcast %parallel_loop3A_1090 : i32 to vector<16xi32>
        %parallel_loop3A_1092 = arith.addi %parallel_loop3A_1088, %parallel_loop3A_1091 : vector<16xi32>
        %parallel_loop3A_1093 = tpu.vector_load_idx %arg14[%parallel_loop3A_1092] : memref<48xf32, #tpu.memory_space<vmem>>[vector<16xi32>], vector<16xf32>,
        %parallel_loop3A_1094 = arith.constant 32 : i32
        %parallel_loop3A_1095 = vector.broadcast %parallel_loop3A_1094 : i32 to vector<16xi32>
        %parallel_loop3A_1096 = arith.addi %parallel_loop3A_1088, %parallel_loop3A_1095 : vector<16xi32>
        %parallel_loop3A_1097 = tpu.vector_load_idx %arg14[%parallel_loop3A_1096] : memref<48xf32, #tpu.memory_space<vmem>>[vector<16xi32>], vector<16xf32>,
        %parallel_loop3A_1098 = arith.addf %parallel_loop3A_1082, %parallel_loop3A_1083 : vector<16xf32>
        %parallel_loop3A_1099 = arith.mulf %parallel_loop3A_1089, %parallel_loop3A_1098 : vector<16xf32>
        %parallel_loop3A_1100 = arith.addf %parallel_loop3A_1084, %parallel_loop3A_1085 : vector<16xf32>
        %parallel_loop3A_1101 = arith.mulf %parallel_loop3A_1093, %parallel_loop3A_1100 : vector<16xf32>
        %parallel_loop3A_1102 = arith.addf %parallel_loop3A_1099, %parallel_loop3A_1101 : vector<16xf32>
        %parallel_loop3A_1103 = arith.addf %parallel_loop3A_906, %parallel_loop3A_1102 : vector<16xf32>
        %parallel_loop3A_1104 = arith.addf %parallel_loop3A_1086, %parallel_loop3A_1087 : vector<16xf32>
        %parallel_loop3A_1105 = arith.mulf %parallel_loop3A_1097, %parallel_loop3A_1104 : vector<16xf32>
        %parallel_loop3A_1106 = arith.addf %parallel_loop3A_1103, %parallel_loop3A_1105 : vector<16xf32>
        scf.yield %parallel_loop3A_1106 : vector<16xf32>
      } {sc.loop_unroll_factor = 2 : i64, sc.parallel_access}
      scf.yield %parallel_loop3A_904 : vector<16xf32>
    }
    %while3A_145 = arith.constant 1 : i32
    %while3A_146 = scf.for %while3A_177 = %while3A_142 to %while3A_138 step %while3A_145 iter_args(%while3A_178 = %while3A_144) -> (vector<16xf32>)  : i32 {
      %mul3A_179 = arith.constant 2 : i32
      %mul3A_180 = arith.muli %mul3A_179, %while3A_177 : i32
      %add3A_181 = arith.constant 1 : i32
      %add3A_182 = arith.addi %mul3A_180, %add3A_181 : i32
      %jit3A_183 = arith.constant 4 : i32
      %div3A_184 = arith.divsi %add3A_182, %jit3A_183 : i32
      %sign3A_185 = arith.constant 0 : i32
      %sign3A_186 = arith.cmpi sgt, %add3A_182, %sign3A_185 : i32
      %sign3A_187 = arith.extui %sign3A_186 : i1 to i32
      %sign3A_188 = arith.constant 0 : i32
      %sign3A_189 = arith.cmpi slt, %add3A_182, %sign3A_188 : i32
      %sign3A_190 = arith.extui %sign3A_189 : i1 to i32
      %sign3A_191 = arith.subi %sign3A_187, %sign3A_190 : i32
      %sign3A_192 = arith.constant 0 : i32
      %sign3A_193 = arith.cmpi sgt, %jit3A_183, %sign3A_192 : i32
      %sign3A_194 = arith.extui %sign3A_193 : i1 to i32
      %sign3A_195 = arith.constant 0 : i32
      %sign3A_196 = arith.cmpi slt, %jit3A_183, %sign3A_195 : i32
      %sign3A_197 = arith.extui %sign3A_196 : i1 to i32
      %sign3A_198 = arith.subi %sign3A_194, %sign3A_197 : i32
      %ne3A_199 = arith.cmpi ne, %sign3A_191, %sign3A_198 : i32
      %rem3A_200 = arith.remsi %add3A_182, %jit3A_183 : i32
      %ne3A_201 = arith.constant 0 : i32
      %ne3A_202 = arith.cmpi ne, %rem3A_200, %ne3A_201 : i32
      %and3A_203 = arith.andi %ne3A_199, %ne3A_202 : i1
      %sub3A_204 = arith.constant 1 : i32
      %sub3A_205 = arith.subi %div3A_184, %sub3A_204 : i32
      %select_n3A_206 = arith.select %and3A_203, %sub3A_205, %div3A_184 : i32
      %mul3A_207 = arith.constant 128 : i32
      %mul3A_208 = arith.muli %select_n3A_206, %mul3A_207 : i32
      "tpu.region"() ({
        %run_scoped3A = tpu.sem_alloc : memref<!tpu.dma_semaphore, #tpu.memory_space<semaphore_mem>>
        %dma_start3A_905 = arith.constant 0 : i32
        %dma_start3A_906 = tpu.memref_slice %arg4[%dma_start3A_905, %mul3A_208] : memref<8x160000xi32, #tpu.memory_space<hbm>> -> memref<8x128xi32, #tpu.memory_space<hbm>>
        %dma_start3A_907 = arith.constant 0 : i32
        %dma_start3A_908 = tpu.memref_slice %arg4[%dma_start3A_907, %mul3A_208] : memref<8x160000xi32, #tpu.memory_space<hbm>> -> memref<8x128xi32, #tpu.memory_space<hbm>>
        tpu.enqueue_dma source(%dma_start3A_908 : memref<8x128xi32, #tpu.memory_space<hbm>>) target(%arg11 : memref<8x128xi32, #tpu.memory_space<vmem>>) target_semaphore(%run_scoped3A : memref<!tpu.dma_semaphore, #tpu.memory_space<semaphore_mem>>)
        %dma_wait3A_909 = arith.constant 0 : i32
        %dma_wait3A_910 = tpu.memref_slice %arg4[%dma_wait3A_909, %mul3A_208] : memref<8x160000xi32, #tpu.memory_space<hbm>> -> memref<8x128xi32, #tpu.memory_space<hbm>>
        %dma_wait3A_911 = arith.constant 0 : i32
        %dma_wait3A_912 = tpu.memref_slice %arg4[%dma_wait3A_911, %mul3A_208] : memref<8x160000xi32, #tpu.memory_space<hbm>> -> memref<8x128xi32, #tpu.memory_space<hbm>>
        tpu.wait_dma2 semaphore(%run_scoped3A : memref<!tpu.dma_semaphore, #tpu.memory_space<semaphore_mem>>) src(%dma_wait3A_912 : memref<8x128xi32, #tpu.memory_space<hbm>>) dst(%arg11 : memref<8x128xi32, #tpu.memory_space<vmem>>)
        tpu.yield
      }) : () -> ()
      %jit3A_209 = arith.constant 4 : i32
      %eq3A_210 = arith.constant 0 : i32
      %eq3A_211 = arith.cmpi eq, %jit3A_209, %eq3A_210 : i32
      %jit3A_212 = arith.constant 1 : i32
      %select_n3A_213 = arith.select %eq3A_211, %jit3A_212, %jit3A_209 : i32
      %rem3A_214 = arith.remsi %add3A_182, %select_n3A_213 : i32
      %ne3A_215 = arith.constant 0 : i32
      %ne3A_216 = arith.cmpi ne, %rem3A_214, %ne3A_215 : i32
      %lt3A_217 = arith.constant 0 : i32
      %lt3A_218 = arith.cmpi slt, %rem3A_214, %lt3A_217 : i32
      %lt3A_219 = arith.constant 0 : i32
      %lt3A_220 = arith.cmpi slt, %select_n3A_213, %lt3A_219 : i32
      %ne3A_221 = arith.xori %lt3A_218, %lt3A_220 : i1
      %and3A_222 = arith.andi %ne3A_221, %ne3A_216 : i1
      %add3A_223 = arith.addi %rem3A_214, %select_n3A_213 : i32
      %select_n3A_224 = arith.select %and3A_222, %add3A_223, %rem3A_214 : i32
      %mul3A_225 = arith.constant 32 : i32
      %mul3A_226 = arith.muli %select_n3A_224, %mul3A_225 : i32
      %dma_start3A_227 = arith.constant 0 : i32
      %dma_start3A_228 = arith.constant 0 : i32
      %dma_start3A_229 = arith.constant 0 : i32
      %dma_start3A_230 = tpu.memref_slice %arg13[%dma_start3A_228, %dma_start3A_229] : memref<96x128xi32, #tpu.memory_space<vmem>> -> memref<32x128xi32, #tpu.memory_space<vmem>>
      %dma_start3A_231 = tpu.memref_slice %arg11[%dma_start3A_227, %mul3A_226] : memref<8x128xi32, #tpu.memory_space<vmem>> -> memref<1x32xi32, #tpu.memory_space<vmem>>
      %dma_start3A_232 = tpu.memref_squeeze %dma_start3A_231 : memref<1x32xi32, #tpu.memory_space<vmem>> -> memref<32xi32, #tpu.memory_space<vmem>>
      %dma_start3A_233 = arith.constant 0 : i32
      %dma_start3A_234 = arith.constant 0 : i32
      %dma_start3A_235 = tpu.memref_slice %arg2[%dma_start3A_233, %dma_start3A_234] : memref<10000x128xi32, #tpu.memory_space<hbm>> -> memref<10000x128xi32, #tpu.memory_space<hbm>>
      tpu.enqueue_indirect_dma source(%dma_start3A_235 : memref<10000x128xi32, #tpu.memory_space<hbm>>) target(%dma_start3A_230 : memref<32x128xi32, #tpu.memory_space<vmem>>) offsets(%dma_start3A_232 : memref<32xi32, #tpu.memory_space<vmem>>) semaphore(%arg18 : memref<!tpu.dma_semaphore, #tpu.memory_space<semaphore_mem>>)
      %dma_start3A_236 = arith.constant 1 : i32
      %dma_start3A_237 = arith.constant 32 : i32
      %dma_start3A_238 = arith.constant 0 : i32
      %dma_start3A_239 = tpu.memref_slice %arg13[%dma_start3A_237, %dma_start3A_238] : memref<96x128xi32, #tpu.memory_space<vmem>> -> memref<32x128xi32, #tpu.memory_space<vmem>>
      %dma_start3A_240 = tpu.memref_slice %arg11[%dma_start3A_236, %mul3A_226] : memref<8x128xi32, #tpu.memory_space<vmem>> -> memref<1x32xi32, #tpu.memory_space<vmem>>
      %dma_start3A_241 = tpu.memref_squeeze %dma_start3A_240 : memref<1x32xi32, #tpu.memory_space<vmem>> -> memref<32xi32, #tpu.memory_space<vmem>>
      %dma_start3A_242 = arith.constant 0 : i32
      %dma_start3A_243 = arith.constant 0 : i32
      %dma_start3A_244 = tpu.memref_slice %arg2[%dma_start3A_242, %dma_start3A_243] : memref<10000x128xi32, #tpu.memory_space<hbm>> -> memref<10000x128xi32, #tpu.memory_space<hbm>>
      tpu.enqueue_indirect_dma source(%dma_start3A_244 : memref<10000x128xi32, #tpu.memory_space<hbm>>) target(%dma_start3A_239 : memref<32x128xi32, #tpu.memory_space<vmem>>) offsets(%dma_start3A_241 : memref<32xi32, #tpu.memory_space<vmem>>) semaphore(%arg18 : memref<!tpu.dma_semaphore, #tpu.memory_space<semaphore_mem>>)
      %dma_start3A_245 = arith.constant 2 : i32
      %dma_start3A_246 = arith.constant 64 : i32
      %dma_start3A_247 = arith.constant 0 : i32
      %dma_start3A_248 = tpu.memref_slice %arg13[%dma_start3A_246, %dma_start3A_247] : memref<96x128xi32, #tpu.memory_space<vmem>> -> memref<32x128xi32, #tpu.memory_space<vmem>>
      %dma_start3A_249 = tpu.memref_slice %arg11[%dma_start3A_245, %mul3A_226] : memref<8x128xi32, #tpu.memory_space<vmem>> -> memref<1x32xi32, #tpu.memory_space<vmem>>
      %dma_start3A_250 = tpu.memref_squeeze %dma_start3A_249 : memref<1x32xi32, #tpu.memory_space<vmem>> -> memref<32xi32, #tpu.memory_space<vmem>>
      %dma_start3A_251 = arith.constant 0 : i32
      %dma_start3A_252 = arith.constant 0 : i32
      %dma_start3A_253 = tpu.memref_slice %arg2[%dma_start3A_251, %dma_start3A_252] : memref<10000x128xi32, #tpu.memory_space<hbm>> -> memref<10000x128xi32, #tpu.memory_space<hbm>>
      tpu.enqueue_indirect_dma source(%dma_start3A_253 : memref<10000x128xi32, #tpu.memory_space<hbm>>) target(%dma_start3A_248 : memref<32x128xi32, #tpu.memory_space<vmem>>) offsets(%dma_start3A_250 : memref<32xi32, #tpu.memory_space<vmem>>) semaphore(%arg18 : memref<!tpu.dma_semaphore, #tpu.memory_space<semaphore_mem>>)
      %dma_wait3A_254 = arith.constant 0 : i32
      %dma_wait3A_255 = arith.constant 0 : i32
      %dma_wait3A_256 = arith.constant 0 : i32
      %dma_wait3A_257 = tpu.memref_slice %arg12[%dma_wait3A_255, %dma_wait3A_256] : memref<96x128xi32, #tpu.memory_space<vmem>> -> memref<32x128xi32, #tpu.memory_space<vmem>>
      %dma_wait3A_258 = arith.constant 0 : i32
      %dma_wait3A_259 = tpu.memref_slice %arg10[%dma_wait3A_254, %dma_wait3A_258] : memref<8x128xi32, #tpu.memory_space<vmem>> -> memref<1x32xi32, #tpu.memory_space<vmem>>
      %dma_wait3A_260 = tpu.memref_squeeze %dma_wait3A_259 : memref<1x32xi32, #tpu.memory_space<vmem>> -> memref<32xi32, #tpu.memory_space<vmem>>
      %dma_wait3A_261 = arith.constant 0 : i32
      %dma_wait3A_262 = arith.constant 0 : i32
      %dma_wait3A_263 = tpu.memref_slice %arg2[%dma_wait3A_261, %dma_wait3A_262] : memref<10000x128xi32, #tpu.memory_space<hbm>> -> memref<10000x128xi32, #tpu.memory_space<hbm>>
      tpu.wait_indirect_dma semaphore(%arg17 : memref<!tpu.dma_semaphore, #tpu.memory_space<semaphore_mem>>) src(%dma_wait3A_263 : memref<10000x128xi32, #tpu.memory_space<hbm>>) dst(%dma_wait3A_257 : memref<32x128xi32, #tpu.memory_space<vmem>>)
      %dma_wait3A_264 = arith.constant 1 : i32
      %dma_wait3A_265 = arith.constant 32 : i32
      %dma_wait3A_266 = arith.constant 0 : i32
      %dma_wait3A_267 = tpu.memref_slice %arg12[%dma_wait3A_265, %dma_wait3A_266] : memref<96x128xi32, #tpu.memory_space<vmem>> -> memref<32x128xi32, #tpu.memory_space<vmem>>
      %dma_wait3A_268 = arith.constant 0 : i32
      %dma_wait3A_269 = tpu.memref_slice %arg10[%dma_wait3A_264, %dma_wait3A_268] : memref<8x128xi32, #tpu.memory_space<vmem>> -> memref<1x32xi32, #tpu.memory_space<vmem>>
      %dma_wait3A_270 = tpu.memref_squeeze %dma_wait3A_269 : memref<1x32xi32, #tpu.memory_space<vmem>> -> memref<32xi32, #tpu.memory_space<vmem>>
      %dma_wait3A_271 = arith.constant 0 : i32
      %dma_wait3A_272 = arith.constant 0 : i32
      %dma_wait3A_273 = tpu.memref_slice %arg2[%dma_wait3A_271, %dma_wait3A_272] : memref<10000x128xi32, #tpu.memory_space<hbm>> -> memref<10000x128xi32, #tpu.memory_space<hbm>>
      tpu.wait_indirect_dma semaphore(%arg17 : memref<!tpu.dma_semaphore, #tpu.memory_space<semaphore_mem>>) src(%dma_wait3A_273 : memref<10000x128xi32, #tpu.memory_space<hbm>>) dst(%dma_wait3A_267 : memref<32x128xi32, #tpu.memory_space<vmem>>)
      %dma_wait3A_274 = arith.constant 2 : i32
      %dma_wait3A_275 = arith.constant 64 : i32
      %dma_wait3A_276 = arith.constant 0 : i32
      %dma_wait3A_277 = tpu.memref_slice %arg12[%dma_wait3A_275, %dma_wait3A_276] : memref<96x128xi32, #tpu.memory_space<vmem>> -> memref<32x128xi32, #tpu.memory_space<vmem>>
      %dma_wait3A_278 = arith.constant 0 : i32
      %dma_wait3A_279 = tpu.memref_slice %arg10[%dma_wait3A_274, %dma_wait3A_278] : memref<8x128xi32, #tpu.memory_space<vmem>> -> memref<1x32xi32, #tpu.memory_space<vmem>>
      %dma_wait3A_280 = tpu.memref_squeeze %dma_wait3A_279 : memref<1x32xi32, #tpu.memory_space<vmem>> -> memref<32xi32, #tpu.memory_space<vmem>>
      %dma_wait3A_281 = arith.constant 0 : i32
      %dma_wait3A_282 = arith.constant 0 : i32
      %dma_wait3A_283 = tpu.memref_slice %arg2[%dma_wait3A_281, %dma_wait3A_282] : memref<10000x128xi32, #tpu.memory_space<hbm>> -> memref<10000x128xi32, #tpu.memory_space<hbm>>
      tpu.wait_indirect_dma semaphore(%arg17 : memref<!tpu.dma_semaphore, #tpu.memory_space<semaphore_mem>>) src(%dma_wait3A_283 : memref<10000x128xi32, #tpu.memory_space<hbm>>) dst(%dma_wait3A_277 : memref<32x128xi32, #tpu.memory_space<vmem>>)
      %mul3A_284 = arith.constant 2 : i32
      %mul3A_285 = arith.muli %mul3A_284, %while3A_177 : i32
      %jit3A_286 = arith.constant 4 : i32
      %eq3A_287 = arith.constant 0 : i32
      %eq3A_288 = arith.cmpi eq, %jit3A_286, %eq3A_287 : i32
      %jit3A_289 = arith.constant 1 : i32
      %select_n3A_290 = arith.select %eq3A_288, %jit3A_289, %jit3A_286 : i32
      %rem3A_291 = arith.remsi %mul3A_285, %select_n3A_290 : i32
      %ne3A_292 = arith.constant 0 : i32
      %ne3A_293 = arith.cmpi ne, %rem3A_291, %ne3A_292 : i32
      %lt3A_294 = arith.constant 0 : i32
      %lt3A_295 = arith.cmpi slt, %rem3A_291, %lt3A_294 : i32
      %lt3A_296 = arith.constant 0 : i32
      %lt3A_297 = arith.cmpi slt, %select_n3A_290, %lt3A_296 : i32
      %ne3A_298 = arith.xori %lt3A_295, %lt3A_297 : i1
      %and3A_299 = arith.andi %ne3A_298, %ne3A_293 : i1
      %add3A_300 = arith.addi %rem3A_291, %select_n3A_290 : i32
      %select_n3A_301 = arith.select %and3A_299, %add3A_300, %rem3A_291 : i32
      %mul3A_302 = arith.constant 32 : i32
      %mul3A_303 = arith.muli %select_n3A_301, %mul3A_302 : i32
      %add3A_304 = arith.constant 0 : i32
      %add3A_305 = arith.addi %mul3A_303, %add3A_304 : i32
      %get3A_306 = arith.constant 0 : i32
      %get3A_307 = arith.index_cast %get3A_306 : i32 to index
      %get3A_308 = arith.index_cast %add3A_305 : i32 to index
      %get3A_309 = tpu.vector_load %arg10[%get3A_307, %get3A_308] {strides = array<i32>} : memref<8x128xi32, #tpu.memory_space<vmem>>, vector<16xi32>,
      %add3A_310 = arith.constant 0 : i32
      %add3A_311 = arith.addi %mul3A_303, %add3A_310 : i32
      %get3A_312 = arith.constant 1 : i32
      %get3A_313 = arith.index_cast %get3A_312 : i32 to index
      %get3A_314 = arith.index_cast %add3A_311 : i32 to index
      %get3A_315 = tpu.vector_load %arg10[%get3A_313, %get3A_314] {strides = array<i32>} : memref<8x128xi32, #tpu.memory_space<vmem>>, vector<16xi32>,
      %add3A_316 = arith.constant 0 : i32
      %add3A_317 = arith.addi %mul3A_303, %add3A_316 : i32
      %get3A_318 = arith.constant 2 : i32
      %get3A_319 = arith.index_cast %get3A_318 : i32 to index
      %get3A_320 = arith.index_cast %add3A_317 : i32 to index
      %get3A_321 = tpu.vector_load %arg10[%get3A_319, %get3A_320] {strides = array<i32>} : memref<8x128xi32, #tpu.memory_space<vmem>>, vector<16xi32>,
      %mul3A_322 = arith.constant 2 : i32
      %mul3A_323 = vector.broadcast %mul3A_322 : i32 to vector<16xi32>
      %mul3A_324 = arith.muli %get3A_309, %mul3A_323 : vector<16xi32>
      %mul3A_325 = arith.constant 2 : i32
      %mul3A_326 = vector.broadcast %mul3A_325 : i32 to vector<16xi32>
      %mul3A_327 = arith.muli %get3A_315, %mul3A_326 : vector<16xi32>
      %mul3A_328 = arith.constant 2 : i32
      %mul3A_329 = vector.broadcast %mul3A_328 : i32 to vector<16xi32>
      %mul3A_330 = arith.muli %get3A_321, %mul3A_329 : vector<16xi32>
      %gather3A = tpu.vector_load_idx %arg8[%mul3A_324] : memref<20000xf32, #tpu.memory_space<vmem>>[vector<16xi32>], vector<16xf32>,
      %add3A_331 = arith.constant 1 : i32
      %add3A_332 = vector.broadcast %add3A_331 : i32 to vector<16xi32>
      %add3A_333 = arith.addi %mul3A_324, %add3A_332 : vector<16xi32>
      %gather3A_334 = tpu.vector_load_idx %arg8[%add3A_333] : memref<20000xf32, #tpu.memory_space<vmem>>[vector<16xi32>], vector<16xf32>,
      %gather3A_335 = tpu.vector_load_idx %arg8[%mul3A_327] : memref<20000xf32, #tpu.memory_space<vmem>>[vector<16xi32>], vector<16xf32>,
      %add3A_336 = arith.constant 1 : i32
      %add3A_337 = vector.broadcast %add3A_336 : i32 to vector<16xi32>
      %add3A_338 = arith.addi %mul3A_327, %add3A_337 : vector<16xi32>
      %gather3A_339 = tpu.vector_load_idx %arg8[%add3A_338] : memref<20000xf32, #tpu.memory_space<vmem>>[vector<16xi32>], vector<16xf32>,
      %gather3A_340 = tpu.vector_load_idx %arg8[%mul3A_330] : memref<20000xf32, #tpu.memory_space<vmem>>[vector<16xi32>], vector<16xf32>,
      %add3A_341 = arith.constant 1 : i32
      %add3A_342 = vector.broadcast %add3A_341 : i32 to vector<16xi32>
      %add3A_343 = arith.addi %mul3A_330, %add3A_342 : vector<16xi32>
      %gather3A_344 = tpu.vector_load_idx %arg8[%add3A_343] : memref<20000xf32, #tpu.memory_space<vmem>>[vector<16xi32>], vector<16xf32>,
      %sub3A_345 = arith.subf %gather3A_335, %gather3A : vector<16xf32>
      %sub3A_346 = arith.subf %gather3A_339, %gather3A_334 : vector<16xf32>
      %sub3A_347 = arith.subf %gather3A_340, %gather3A : vector<16xf32>
      %sub3A_348 = arith.subf %gather3A_344, %gather3A_334 : vector<16xf32>
      %mul3A_349 = arith.mulf %sub3A_345, %sub3A_348 : vector<16xf32>
      %mul3A_350 = arith.mulf %sub3A_346, %sub3A_347 : vector<16xf32>
      %sub3A_351 = arith.subf %mul3A_349, %mul3A_350 : vector<16xf32>
      %mul3A_352 = arith.mulf %sub3A_345, %sub3A_345 : vector<16xf32>
      %mul3A_353 = arith.mulf %sub3A_346, %sub3A_346 : vector<16xf32>
      %add3A_354 = arith.addf %mul3A_352, %mul3A_353 : vector<16xf32>
      %mul3A_355 = arith.mulf %sub3A_345, %sub3A_347 : vector<16xf32>
      %mul3A_356 = arith.mulf %sub3A_346, %sub3A_348 : vector<16xf32>
      %add3A_357 = arith.addf %mul3A_355, %mul3A_356 : vector<16xf32>
      %mul3A_358 = arith.mulf %sub3A_347, %sub3A_347 : vector<16xf32>
      %mul3A_359 = arith.mulf %sub3A_348, %sub3A_348 : vector<16xf32>
      %add3A_360 = arith.addf %mul3A_358, %mul3A_359 : vector<16xf32>
      %div3A_361 = vector.broadcast %squeeze3A_63 : f32 to vector<16xf32>
      %div3A_362 = arith.divf %div3A_361, %sub3A_351 : vector<16xf32>
      %gather3A_363 = tpu.vector_load_idx %arg9[%get3A_309] : memref<10000xf32, #tpu.memory_space<vmem>>[vector<16xi32>], vector<16xf32>,
      %gather3A_364 = tpu.vector_load_idx %arg9[%get3A_315] : memref<10000xf32, #tpu.memory_space<vmem>>[vector<16xi32>], vector<16xf32>,
      %gather3A_365 = tpu.vector_load_idx %arg9[%get3A_321] : memref<10000xf32, #tpu.memory_space<vmem>>[vector<16xi32>], vector<16xf32>,
      %mul3A_366 = vector.broadcast %squeeze3A : f32 to vector<16xf32>
      %mul3A_367 = arith.mulf %sub3A_351, %mul3A_366 : vector<16xf32>
      %mul3A_368 = arith.constant 2.000000e+00 : f32
      %mul3A_369 = vector.broadcast %mul3A_368 : f32 to vector<16xf32>
      %mul3A_370 = arith.mulf %mul3A_369, %add3A_357 : vector<16xf32>
      %sub3A_371 = arith.subf %add3A_354, %mul3A_370 : vector<16xf32>
      %add3A_372 = arith.addf %sub3A_371, %add3A_360 : vector<16xf32>
      %mul3A_373 = arith.mulf %div3A_362, %add3A_372 : vector<16xf32>
      %add3A_374 = arith.addf %mul3A_367, %mul3A_373 : vector<16xf32>
      %mul3A_375 = arith.mulf %add3A_374, %gather3A_363 : vector<16xf32>
      %mul3A_376 = vector.broadcast %squeeze3A_53 : f32 to vector<16xf32>
      %mul3A_377 = arith.mulf %sub3A_351, %mul3A_376 : vector<16xf32>
      %mul3A_378 = arith.mulf %div3A_362, %add3A_360 : vector<16xf32>
      %add3A_379 = arith.addf %mul3A_377, %mul3A_378 : vector<16xf32>
      %mul3A_380 = arith.mulf %add3A_379, %gather3A_364 : vector<16xf32>
      %add3A_381 = arith.addf %mul3A_375, %mul3A_380 : vector<16xf32>
      %mul3A_382 = vector.broadcast %squeeze3A_55 : f32 to vector<16xf32>
      %mul3A_383 = arith.mulf %sub3A_351, %mul3A_382 : vector<16xf32>
      %mul3A_384 = arith.mulf %div3A_362, %add3A_354 : vector<16xf32>
      %add3A_385 = arith.addf %mul3A_383, %mul3A_384 : vector<16xf32>
      %mul3A_386 = arith.mulf %add3A_385, %gather3A_365 : vector<16xf32>
      %add3A_387 = arith.addf %add3A_381, %mul3A_386 : vector<16xf32>
      %add3A_388 = arith.addf %while3A_178, %add3A_387 : vector<16xf32>
      %mul3A_389 = vector.broadcast %squeeze3A_57 : f32 to vector<16xf32>
      %mul3A_390 = arith.mulf %sub3A_351, %mul3A_389 : vector<16xf32>
      %sub3A_391 = arith.subf %add3A_360, %add3A_357 : vector<16xf32>
      %mul3A_392 = arith.mulf %div3A_362, %sub3A_391 : vector<16xf32>
      %sub3A_393 = arith.subf %mul3A_390, %mul3A_392 : vector<16xf32>
      %mul3A_394 = arith.constant 2.000000e+00 : f32
      %mul3A_395 = vector.broadcast %mul3A_394 : f32 to vector<16xf32>
      %mul3A_396 = arith.mulf %mul3A_395, %sub3A_393 : vector<16xf32>
      %swap3A_397 = arith.constant 0 : index
      %swap3A_398 = tpu.vector_load %arg14[%swap3A_397] {strides = array<i32>} : memref<48xf32, #tpu.memory_space<vmem>>, vector<16xf32>,
      tpu.vector_store %arg14[%swap3A_397], %mul3A_396 {strides = array<i32>} : memref<48xf32, #tpu.memory_space<vmem>>, vector<16xf32>,
      %mul3A_399 = vector.broadcast %squeeze3A_59 : f32 to vector<16xf32>
      %mul3A_400 = arith.mulf %sub3A_351, %mul3A_399 : vector<16xf32>
      %sub3A_401 = arith.subf %add3A_354, %add3A_357 : vector<16xf32>
      %mul3A_402 = arith.mulf %div3A_362, %sub3A_401 : vector<16xf32>
      %sub3A_403 = arith.subf %mul3A_400, %mul3A_402 : vector<16xf32>
      %mul3A_404 = arith.constant 2.000000e+00 : f32
      %mul3A_405 = vector.broadcast %mul3A_404 : f32 to vector<16xf32>
      %mul3A_406 = arith.mulf %mul3A_405, %sub3A_403 : vector<16xf32>
      %swap3A_407 = arith.constant 16 : index
      %swap3A_408 = tpu.vector_load %arg14[%swap3A_407] {strides = array<i32>} : memref<48xf32, #tpu.memory_space<vmem>>, vector<16xf32>,
      tpu.vector_store %arg14[%swap3A_407], %mul3A_406 {strides = array<i32>} : memref<48xf32, #tpu.memory_space<vmem>>, vector<16xf32>,
      %mul3A_409 = vector.broadcast %squeeze3A_61 : f32 to vector<16xf32>
      %mul3A_410 = arith.mulf %sub3A_351, %mul3A_409 : vector<16xf32>
      %mul3A_411 = arith.mulf %div3A_362, %add3A_357 : vector<16xf32>
      %sub3A_412 = arith.subf %mul3A_410, %mul3A_411 : vector<16xf32>
      %mul3A_413 = arith.constant 2.000000e+00 : f32
      %mul3A_414 = vector.broadcast %mul3A_413 : f32 to vector<16xf32>
      %mul3A_415 = arith.mulf %mul3A_414, %sub3A_412 : vector<16xf32>
      %swap3A_416 = arith.constant 32 : index
      %swap3A_417 = tpu.vector_load %arg14[%swap3A_416] {strides = array<i32>} : memref<48xf32, #tpu.memory_space<vmem>>, vector<16xf32>,
      tpu.vector_store %arg14[%swap3A_416], %mul3A_415 {strides = array<i32>} : memref<48xf32, #tpu.memory_space<vmem>>, vector<16xf32>,
      %parallel_loop3A = arith.constant 0 : i32
      %parallel_loop3A_418 = arith.constant 16 : i32
      %parallel_loop3A_419 = arith.constant 1 : i32
      %parallel_loop3A_420 = scf.for %parallel_loop3A_905 = %parallel_loop3A to %parallel_loop3A_418 step %parallel_loop3A_419 iter_args(%parallel_loop3A_906 = %add3A_388) -> (vector<16xf32>)  : i32 {
        %parallel_loop3A_907 = arith.constant 0 : i32
        %parallel_loop3A_908 = arith.addi %parallel_loop3A_907, %parallel_loop3A_905 : i32
        %parallel_loop3A_909 = arith.index_cast %parallel_loop3A_908 : i32 to index
        %parallel_loop3A_910 = arith.constant 0 : index
        %parallel_loop3A_911 = tpu.vector_load %arg12[%parallel_loop3A_909, %parallel_loop3A_910] {strides = array<i32>} : memref<96x128xi32, #tpu.memory_space<vmem>>, vector<16xi32>,
        %parallel_loop3A_912 = vector.bitcast %parallel_loop3A_911 : vector<16xi32> to vector<32xbf16>
        %parallel_loop3A_913 = arith.constant 32 : i32
        %parallel_loop3A_914 = arith.addi %parallel_loop3A_908, %parallel_loop3A_913 : i32
        %parallel_loop3A_915 = arith.index_cast %parallel_loop3A_914 : i32 to index
        %parallel_loop3A_916 = arith.constant 0 : index
        %parallel_loop3A_917 = tpu.vector_load %arg12[%parallel_loop3A_915, %parallel_loop3A_916] {strides = array<i32>} : memref<96x128xi32, #tpu.memory_space<vmem>>, vector<16xi32>,
        %parallel_loop3A_918 = vector.bitcast %parallel_loop3A_917 : vector<16xi32> to vector<32xbf16>
        %parallel_loop3A_919 = arith.constant 64 : i32
        %parallel_loop3A_920 = arith.addi %parallel_loop3A_908, %parallel_loop3A_919 : i32
        %parallel_loop3A_921 = arith.index_cast %parallel_loop3A_920 : i32 to index
        %parallel_loop3A_922 = arith.constant 0 : index
        %parallel_loop3A_923 = tpu.vector_load %arg12[%parallel_loop3A_921, %parallel_loop3A_922] {strides = array<i32>} : memref<96x128xi32, #tpu.memory_space<vmem>>, vector<16xi32>,
        %parallel_loop3A_924 = vector.bitcast %parallel_loop3A_923 : vector<16xi32> to vector<32xbf16>
        %parallel_loop3A_925 = arith.mulf %parallel_loop3A_912, %parallel_loop3A_918 : vector<32xbf16>
        %parallel_loop3A_926 = arith.mulf %parallel_loop3A_912, %parallel_loop3A_924 : vector<32xbf16>
        %parallel_loop3A_927 = arith.mulf %parallel_loop3A_918, %parallel_loop3A_924 : vector<32xbf16>
        %parallel_loop3A_928 = arith.index_cast %parallel_loop3A_908 : i32 to index
        %parallel_loop3A_929 = arith.constant 16 : index
        %parallel_loop3A_930 = tpu.vector_load %arg12[%parallel_loop3A_928, %parallel_loop3A_929] {strides = array<i32>} : memref<96x128xi32, #tpu.memory_space<vmem>>, vector<16xi32>,
        %parallel_loop3A_931 = vector.bitcast %parallel_loop3A_930 : vector<16xi32> to vector<32xbf16>
        %parallel_loop3A_932 = arith.constant 32 : i32
        %parallel_loop3A_933 = arith.addi %parallel_loop3A_908, %parallel_loop3A_932 : i32
        %parallel_loop3A_934 = arith.index_cast %parallel_loop3A_933 : i32 to index
        %parallel_loop3A_935 = arith.constant 16 : index
        %parallel_loop3A_936 = tpu.vector_load %arg12[%parallel_loop3A_934, %parallel_loop3A_935] {strides = array<i32>} : memref<96x128xi32, #tpu.memory_space<vmem>>, vector<16xi32>,
        %parallel_loop3A_937 = vector.bitcast %parallel_loop3A_936 : vector<16xi32> to vector<32xbf16>
        %parallel_loop3A_938 = arith.constant 64 : i32
        %parallel_loop3A_939 = arith.addi %parallel_loop3A_908, %parallel_loop3A_938 : i32
        %parallel_loop3A_940 = arith.index_cast %parallel_loop3A_939 : i32 to index
        %parallel_loop3A_941 = arith.constant 16 : index
        %parallel_loop3A_942 = tpu.vector_load %arg12[%parallel_loop3A_940, %parallel_loop3A_941] {strides = array<i32>} : memref<96x128xi32, #tpu.memory_space<vmem>>, vector<16xi32>,
        %parallel_loop3A_943 = vector.bitcast %parallel_loop3A_942 : vector<16xi32> to vector<32xbf16>
        %parallel_loop3A_944 = arith.mulf %parallel_loop3A_931, %parallel_loop3A_937 : vector<32xbf16>
        %parallel_loop3A_945 = arith.addf %parallel_loop3A_925, %parallel_loop3A_944 : vector<32xbf16>
        %parallel_loop3A_946 = arith.mulf %parallel_loop3A_931, %parallel_loop3A_943 : vector<32xbf16>
        %parallel_loop3A_947 = arith.addf %parallel_loop3A_926, %parallel_loop3A_946 : vector<32xbf16>
        %parallel_loop3A_948 = arith.mulf %parallel_loop3A_937, %parallel_loop3A_943 : vector<32xbf16>
        %parallel_loop3A_949 = arith.addf %parallel_loop3A_927, %parallel_loop3A_948 : vector<32xbf16>
        %parallel_loop3A_950 = arith.index_cast %parallel_loop3A_908 : i32 to index
        %parallel_loop3A_951 = arith.constant 32 : index
        %parallel_loop3A_952 = tpu.vector_load %arg12[%parallel_loop3A_950, %parallel_loop3A_951] {strides = array<i32>} : memref<96x128xi32, #tpu.memory_space<vmem>>, vector<16xi32>,
        %parallel_loop3A_953 = vector.bitcast %parallel_loop3A_952 : vector<16xi32> to vector<32xbf16>
        %parallel_loop3A_954 = arith.constant 32 : i32
        %parallel_loop3A_955 = arith.addi %parallel_loop3A_908, %parallel_loop3A_954 : i32
        %parallel_loop3A_956 = arith.index_cast %parallel_loop3A_955 : i32 to index
        %parallel_loop3A_957 = arith.constant 32 : index
        %parallel_loop3A_958 = tpu.vector_load %arg12[%parallel_loop3A_956, %parallel_loop3A_957] {strides = array<i32>} : memref<96x128xi32, #tpu.memory_space<vmem>>, vector<16xi32>,
        %parallel_loop3A_959 = vector.bitcast %parallel_loop3A_958 : vector<16xi32> to vector<32xbf16>
        %parallel_loop3A_960 = arith.constant 64 : i32
        %parallel_loop3A_961 = arith.addi %parallel_loop3A_908, %parallel_loop3A_960 : i32
        %parallel_loop3A_962 = arith.index_cast %parallel_loop3A_961 : i32 to index
        %parallel_loop3A_963 = arith.constant 32 : index
        %parallel_loop3A_964 = tpu.vector_load %arg12[%parallel_loop3A_962, %parallel_loop3A_963] {strides = array<i32>} : memref<96x128xi32, #tpu.memory_space<vmem>>, vector<16xi32>,
        %parallel_loop3A_965 = vector.bitcast %parallel_loop3A_964 : vector<16xi32> to vector<32xbf16>
        %parallel_loop3A_966 = arith.mulf %parallel_loop3A_953, %parallel_loop3A_959 : vector<32xbf16>
        %parallel_loop3A_967 = arith.addf %parallel_loop3A_945, %parallel_loop3A_966 : vector<32xbf16>
        %parallel_loop3A_968 = arith.mulf %parallel_loop3A_953, %parallel_loop3A_965 : vector<32xbf16>
        %parallel_loop3A_969 = arith.addf %parallel_loop3A_947, %parallel_loop3A_968 : vector<32xbf16>
        %parallel_loop3A_970 = arith.mulf %parallel_loop3A_959, %parallel_loop3A_965 : vector<32xbf16>
        %parallel_loop3A_971 = arith.addf %parallel_loop3A_949, %parallel_loop3A_970 : vector<32xbf16>
        %parallel_loop3A_972 = arith.index_cast %parallel_loop3A_908 : i32 to index
        %parallel_loop3A_973 = arith.constant 48 : index
        %parallel_loop3A_974 = tpu.vector_load %arg12[%parallel_loop3A_972, %parallel_loop3A_973] {strides = array<i32>} : memref<96x128xi32, #tpu.memory_space<vmem>>, vector<16xi32>,
        %parallel_loop3A_975 = vector.bitcast %parallel_loop3A_974 : vector<16xi32> to vector<32xbf16>
        %parallel_loop3A_976 = arith.constant 32 : i32
        %parallel_loop3A_977 = arith.addi %parallel_loop3A_908, %parallel_loop3A_976 : i32
        %parallel_loop3A_978 = arith.index_cast %parallel_loop3A_977 : i32 to index
        %parallel_loop3A_979 = arith.constant 48 : index
        %parallel_loop3A_980 = tpu.vector_load %arg12[%parallel_loop3A_978, %parallel_loop3A_979] {strides = array<i32>} : memref<96x128xi32, #tpu.memory_space<vmem>>, vector<16xi32>,
        %parallel_loop3A_981 = vector.bitcast %parallel_loop3A_980 : vector<16xi32> to vector<32xbf16>
        %parallel_loop3A_982 = arith.constant 64 : i32
        %parallel_loop3A_983 = arith.addi %parallel_loop3A_908, %parallel_loop3A_982 : i32
        %parallel_loop3A_984 = arith.index_cast %parallel_loop3A_983 : i32 to index
        %parallel_loop3A_985 = arith.constant 48 : index
        %parallel_loop3A_986 = tpu.vector_load %arg12[%parallel_loop3A_984, %parallel_loop3A_985] {strides = array<i32>} : memref<96x128xi32, #tpu.memory_space<vmem>>, vector<16xi32>,
        %parallel_loop3A_987 = vector.bitcast %parallel_loop3A_986 : vector<16xi32> to vector<32xbf16>
        %parallel_loop3A_988 = arith.mulf %parallel_loop3A_975, %parallel_loop3A_981 : vector<32xbf16>
        %parallel_loop3A_989 = arith.addf %parallel_loop3A_967, %parallel_loop3A_988 : vector<32xbf16>
        %parallel_loop3A_990 = arith.mulf %parallel_loop3A_975, %parallel_loop3A_987 : vector<32xbf16>
        %parallel_loop3A_991 = arith.addf %parallel_loop3A_969, %parallel_loop3A_990 : vector<32xbf16>
        %parallel_loop3A_992 = arith.mulf %parallel_loop3A_981, %parallel_loop3A_987 : vector<32xbf16>
        %parallel_loop3A_993 = arith.addf %parallel_loop3A_971, %parallel_loop3A_992 : vector<32xbf16>
        %parallel_loop3A_994 = arith.index_cast %parallel_loop3A_908 : i32 to index
        %parallel_loop3A_995 = arith.constant 64 : index
        %parallel_loop3A_996 = tpu.vector_load %arg12[%parallel_loop3A_994, %parallel_loop3A_995] {strides = array<i32>} : memref<96x128xi32, #tpu.memory_space<vmem>>, vector<16xi32>,
        %parallel_loop3A_997 = vector.bitcast %parallel_loop3A_996 : vector<16xi32> to vector<32xbf16>
        %parallel_loop3A_998 = arith.constant 32 : i32
        %parallel_loop3A_999 = arith.addi %parallel_loop3A_908, %parallel_loop3A_998 : i32
        %parallel_loop3A_1000 = arith.index_cast %parallel_loop3A_999 : i32 to index
        %parallel_loop3A_1001 = arith.constant 64 : index
        %parallel_loop3A_1002 = tpu.vector_load %arg12[%parallel_loop3A_1000, %parallel_loop3A_1001] {strides = array<i32>} : memref<96x128xi32, #tpu.memory_space<vmem>>, vector<16xi32>,
        %parallel_loop3A_1003 = vector.bitcast %parallel_loop3A_1002 : vector<16xi32> to vector<32xbf16>
        %parallel_loop3A_1004 = arith.constant 64 : i32
        %parallel_loop3A_1005 = arith.addi %parallel_loop3A_908, %parallel_loop3A_1004 : i32
        %parallel_loop3A_1006 = arith.index_cast %parallel_loop3A_1005 : i32 to index
        %parallel_loop3A_1007 = arith.constant 64 : index
        %parallel_loop3A_1008 = tpu.vector_load %arg12[%parallel_loop3A_1006, %parallel_loop3A_1007] {strides = array<i32>} : memref<96x128xi32, #tpu.memory_space<vmem>>, vector<16xi32>,
        %parallel_loop3A_1009 = vector.bitcast %parallel_loop3A_1008 : vector<16xi32> to vector<32xbf16>
        %parallel_loop3A_1010 = arith.mulf %parallel_loop3A_997, %parallel_loop3A_1003 : vector<32xbf16>
        %parallel_loop3A_1011 = arith.addf %parallel_loop3A_989, %parallel_loop3A_1010 : vector<32xbf16>
        %parallel_loop3A_1012 = arith.mulf %parallel_loop3A_997, %parallel_loop3A_1009 : vector<32xbf16>
        %parallel_loop3A_1013 = arith.addf %parallel_loop3A_991, %parallel_loop3A_1012 : vector<32xbf16>
        %parallel_loop3A_1014 = arith.mulf %parallel_loop3A_1003, %parallel_loop3A_1009 : vector<32xbf16>
        %parallel_loop3A_1015 = arith.addf %parallel_loop3A_993, %parallel_loop3A_1014 : vector<32xbf16>
        %parallel_loop3A_1016 = arith.index_cast %parallel_loop3A_908 : i32 to index
        %parallel_loop3A_1017 = arith.constant 80 : index
        %parallel_loop3A_1018 = tpu.vector_load %arg12[%parallel_loop3A_1016, %parallel_loop3A_1017] {strides = array<i32>} : memref<96x128xi32, #tpu.memory_space<vmem>>, vector<16xi32>,
        %parallel_loop3A_1019 = vector.bitcast %parallel_loop3A_1018 : vector<16xi32> to vector<32xbf16>
        %parallel_loop3A_1020 = arith.constant 32 : i32
        %parallel_loop3A_1021 = arith.addi %parallel_loop3A_908, %parallel_loop3A_1020 : i32
        %parallel_loop3A_1022 = arith.index_cast %parallel_loop3A_1021 : i32 to index
        %parallel_loop3A_1023 = arith.constant 80 : index
        %parallel_loop3A_1024 = tpu.vector_load %arg12[%parallel_loop3A_1022, %parallel_loop3A_1023] {strides = array<i32>} : memref<96x128xi32, #tpu.memory_space<vmem>>, vector<16xi32>,
        %parallel_loop3A_1025 = vector.bitcast %parallel_loop3A_1024 : vector<16xi32> to vector<32xbf16>
        %parallel_loop3A_1026 = arith.constant 64 : i32
        %parallel_loop3A_1027 = arith.addi %parallel_loop3A_908, %parallel_loop3A_1026 : i32
        %parallel_loop3A_1028 = arith.index_cast %parallel_loop3A_1027 : i32 to index
        %parallel_loop3A_1029 = arith.constant 80 : index
        %parallel_loop3A_1030 = tpu.vector_load %arg12[%parallel_loop3A_1028, %parallel_loop3A_1029] {strides = array<i32>} : memref<96x128xi32, #tpu.memory_space<vmem>>, vector<16xi32>,
        %parallel_loop3A_1031 = vector.bitcast %parallel_loop3A_1030 : vector<16xi32> to vector<32xbf16>
        %parallel_loop3A_1032 = arith.mulf %parallel_loop3A_1019, %parallel_loop3A_1025 : vector<32xbf16>
        %parallel_loop3A_1033 = arith.addf %parallel_loop3A_1011, %parallel_loop3A_1032 : vector<32xbf16>
        %parallel_loop3A_1034 = arith.mulf %parallel_loop3A_1019, %parallel_loop3A_1031 : vector<32xbf16>
        %parallel_loop3A_1035 = arith.addf %parallel_loop3A_1013, %parallel_loop3A_1034 : vector<32xbf16>
        %parallel_loop3A_1036 = arith.mulf %parallel_loop3A_1025, %parallel_loop3A_1031 : vector<32xbf16>
        %parallel_loop3A_1037 = arith.addf %parallel_loop3A_1015, %parallel_loop3A_1036 : vector<32xbf16>
        %parallel_loop3A_1038 = arith.index_cast %parallel_loop3A_908 : i32 to index
        %parallel_loop3A_1039 = arith.constant 96 : index
        %parallel_loop3A_1040 = tpu.vector_load %arg12[%parallel_loop3A_1038, %parallel_loop3A_1039] {strides = array<i32>} : memref<96x128xi32, #tpu.memory_space<vmem>>, vector<16xi32>,
        %parallel_loop3A_1041 = vector.bitcast %parallel_loop3A_1040 : vector<16xi32> to vector<32xbf16>
        %parallel_loop3A_1042 = arith.constant 32 : i32
        %parallel_loop3A_1043 = arith.addi %parallel_loop3A_908, %parallel_loop3A_1042 : i32
        %parallel_loop3A_1044 = arith.index_cast %parallel_loop3A_1043 : i32 to index
        %parallel_loop3A_1045 = arith.constant 96 : index
        %parallel_loop3A_1046 = tpu.vector_load %arg12[%parallel_loop3A_1044, %parallel_loop3A_1045] {strides = array<i32>} : memref<96x128xi32, #tpu.memory_space<vmem>>, vector<16xi32>,
        %parallel_loop3A_1047 = vector.bitcast %parallel_loop3A_1046 : vector<16xi32> to vector<32xbf16>
        %parallel_loop3A_1048 = arith.constant 64 : i32
        %parallel_loop3A_1049 = arith.addi %parallel_loop3A_908, %parallel_loop3A_1048 : i32
        %parallel_loop3A_1050 = arith.index_cast %parallel_loop3A_1049 : i32 to index
        %parallel_loop3A_1051 = arith.constant 96 : index
        %parallel_loop3A_1052 = tpu.vector_load %arg12[%parallel_loop3A_1050, %parallel_loop3A_1051] {strides = array<i32>} : memref<96x128xi32, #tpu.memory_space<vmem>>, vector<16xi32>,
        %parallel_loop3A_1053 = vector.bitcast %parallel_loop3A_1052 : vector<16xi32> to vector<32xbf16>
        %parallel_loop3A_1054 = arith.mulf %parallel_loop3A_1041, %parallel_loop3A_1047 : vector<32xbf16>
        %parallel_loop3A_1055 = arith.addf %parallel_loop3A_1033, %parallel_loop3A_1054 : vector<32xbf16>
        %parallel_loop3A_1056 = arith.mulf %parallel_loop3A_1041, %parallel_loop3A_1053 : vector<32xbf16>
        %parallel_loop3A_1057 = arith.addf %parallel_loop3A_1035, %parallel_loop3A_1056 : vector<32xbf16>
        %parallel_loop3A_1058 = arith.mulf %parallel_loop3A_1047, %parallel_loop3A_1053 : vector<32xbf16>
        %parallel_loop3A_1059 = arith.addf %parallel_loop3A_1037, %parallel_loop3A_1058 : vector<32xbf16>
        %parallel_loop3A_1060 = arith.index_cast %parallel_loop3A_908 : i32 to index
        %parallel_loop3A_1061 = arith.constant 112 : index
        %parallel_loop3A_1062 = tpu.vector_load %arg12[%parallel_loop3A_1060, %parallel_loop3A_1061] {strides = array<i32>} : memref<96x128xi32, #tpu.memory_space<vmem>>, vector<16xi32>,
        %parallel_loop3A_1063 = vector.bitcast %parallel_loop3A_1062 : vector<16xi32> to vector<32xbf16>
        %parallel_loop3A_1064 = arith.constant 32 : i32
        %parallel_loop3A_1065 = arith.addi %parallel_loop3A_908, %parallel_loop3A_1064 : i32
        %parallel_loop3A_1066 = arith.index_cast %parallel_loop3A_1065 : i32 to index
        %parallel_loop3A_1067 = arith.constant 112 : index
        %parallel_loop3A_1068 = tpu.vector_load %arg12[%parallel_loop3A_1066, %parallel_loop3A_1067] {strides = array<i32>} : memref<96x128xi32, #tpu.memory_space<vmem>>, vector<16xi32>,
        %parallel_loop3A_1069 = vector.bitcast %parallel_loop3A_1068 : vector<16xi32> to vector<32xbf16>
        %parallel_loop3A_1070 = arith.constant 64 : i32
        %parallel_loop3A_1071 = arith.addi %parallel_loop3A_908, %parallel_loop3A_1070 : i32
        %parallel_loop3A_1072 = arith.index_cast %parallel_loop3A_1071 : i32 to index
        %parallel_loop3A_1073 = arith.constant 112 : index
        %parallel_loop3A_1074 = tpu.vector_load %arg12[%parallel_loop3A_1072, %parallel_loop3A_1073] {strides = array<i32>} : memref<96x128xi32, #tpu.memory_space<vmem>>, vector<16xi32>,
        %parallel_loop3A_1075 = vector.bitcast %parallel_loop3A_1074 : vector<16xi32> to vector<32xbf16>
        %parallel_loop3A_1076 = arith.mulf %parallel_loop3A_1063, %parallel_loop3A_1069 : vector<32xbf16>
        %parallel_loop3A_1077 = arith.addf %parallel_loop3A_1055, %parallel_loop3A_1076 : vector<32xbf16>
        %parallel_loop3A_1078 = arith.mulf %parallel_loop3A_1063, %parallel_loop3A_1075 : vector<32xbf16>
        %parallel_loop3A_1079 = arith.addf %parallel_loop3A_1057, %parallel_loop3A_1078 : vector<32xbf16>
        %parallel_loop3A_1080 = arith.mulf %parallel_loop3A_1069, %parallel_loop3A_1075 : vector<32xbf16>
        %parallel_loop3A_1081 = arith.addf %parallel_loop3A_1059, %parallel_loop3A_1080 : vector<32xbf16>
        %parallel_loop3A_1082 = tpu.unpack_subelements %parallel_loop3A_1077, 0 {pack_format = #tpu.pack_format<interleaved>} : vector<32xbf16> -> vector<16xf32>
        %parallel_loop3A_1083 = tpu.unpack_subelements %parallel_loop3A_1077, 1 {pack_format = #tpu.pack_format<interleaved>} : vector<32xbf16> -> vector<16xf32>
        %parallel_loop3A_1084 = tpu.unpack_subelements %parallel_loop3A_1079, 0 {pack_format = #tpu.pack_format<interleaved>} : vector<32xbf16> -> vector<16xf32>
        %parallel_loop3A_1085 = tpu.unpack_subelements %parallel_loop3A_1079, 1 {pack_format = #tpu.pack_format<interleaved>} : vector<32xbf16> -> vector<16xf32>
        %parallel_loop3A_1086 = tpu.unpack_subelements %parallel_loop3A_1081, 0 {pack_format = #tpu.pack_format<interleaved>} : vector<32xbf16> -> vector<16xf32>
        %parallel_loop3A_1087 = tpu.unpack_subelements %parallel_loop3A_1081, 1 {pack_format = #tpu.pack_format<interleaved>} : vector<32xbf16> -> vector<16xf32>
        %parallel_loop3A_1088 = vector.broadcast %parallel_loop3A_905 : i32 to vector<16xi32>
        %parallel_loop3A_1089 = tpu.vector_load_idx %arg14[%parallel_loop3A_1088] : memref<48xf32, #tpu.memory_space<vmem>>[vector<16xi32>], vector<16xf32>,
        %parallel_loop3A_1090 = arith.constant 16 : i32
        %parallel_loop3A_1091 = vector.broadcast %parallel_loop3A_1090 : i32 to vector<16xi32>
        %parallel_loop3A_1092 = arith.addi %parallel_loop3A_1088, %parallel_loop3A_1091 : vector<16xi32>
        %parallel_loop3A_1093 = tpu.vector_load_idx %arg14[%parallel_loop3A_1092] : memref<48xf32, #tpu.memory_space<vmem>>[vector<16xi32>], vector<16xf32>,
        %parallel_loop3A_1094 = arith.constant 32 : i32
        %parallel_loop3A_1095 = vector.broadcast %parallel_loop3A_1094 : i32 to vector<16xi32>
        %parallel_loop3A_1096 = arith.addi %parallel_loop3A_1088, %parallel_loop3A_1095 : vector<16xi32>
        %parallel_loop3A_1097 = tpu.vector_load_idx %arg14[%parallel_loop3A_1096] : memref<48xf32, #tpu.memory_space<vmem>>[vector<16xi32>], vector<16xf32>,
        %parallel_loop3A_1098 = arith.addf %parallel_loop3A_1082, %parallel_loop3A_1083 : vector<16xf32>
        %parallel_loop3A_1099 = arith.mulf %parallel_loop3A_1089, %parallel_loop3A_1098 : vector<16xf32>
        %parallel_loop3A_1100 = arith.addf %parallel_loop3A_1084, %parallel_loop3A_1085 : vector<16xf32>
        %parallel_loop3A_1101 = arith.mulf %parallel_loop3A_1093, %parallel_loop3A_1100 : vector<16xf32>
        %parallel_loop3A_1102 = arith.addf %parallel_loop3A_1099, %parallel_loop3A_1101 : vector<16xf32>
        %parallel_loop3A_1103 = arith.addf %parallel_loop3A_906, %parallel_loop3A_1102 : vector<16xf32>
        %parallel_loop3A_1104 = arith.addf %parallel_loop3A_1086, %parallel_loop3A_1087 : vector<16xf32>
        %parallel_loop3A_1105 = arith.mulf %parallel_loop3A_1097, %parallel_loop3A_1104 : vector<16xf32>
        %parallel_loop3A_1106 = arith.addf %parallel_loop3A_1103, %parallel_loop3A_1105 : vector<16xf32>
        scf.yield %parallel_loop3A_1106 : vector<16xf32>
      } {sc.loop_unroll_factor = 2 : i64, sc.parallel_access}
      %add3A_421 = arith.constant 16 : i32
      %add3A_422 = arith.addi %mul3A_303, %add3A_421 : i32
      %get3A_423 = arith.constant 0 : i32
      %get3A_424 = arith.index_cast %get3A_423 : i32 to index
      %get3A_425 = arith.index_cast %add3A_422 : i32 to index
      %get3A_426 = tpu.vector_load %arg10[%get3A_424, %get3A_425] {strides = array<i32>} : memref<8x128xi32, #tpu.memory_space<vmem>>, vector<16xi32>,
      %add3A_427 = arith.constant 16 : i32
      %add3A_428 = arith.addi %mul3A_303, %add3A_427 : i32
      %get3A_429 = arith.constant 1 : i32
      %get3A_430 = arith.index_cast %get3A_429 : i32 to index
      %get3A_431 = arith.index_cast %add3A_428 : i32 to index
      %get3A_432 = tpu.vector_load %arg10[%get3A_430, %get3A_431] {strides = array<i32>} : memref<8x128xi32, #tpu.memory_space<vmem>>, vector<16xi32>,
      %add3A_433 = arith.constant 16 : i32
      %add3A_434 = arith.addi %mul3A_303, %add3A_433 : i32
      %get3A_435 = arith.constant 2 : i32
      %get3A_436 = arith.index_cast %get3A_435 : i32 to index
      %get3A_437 = arith.index_cast %add3A_434 : i32 to index
      %get3A_438 = tpu.vector_load %arg10[%get3A_436, %get3A_437] {strides = array<i32>} : memref<8x128xi32, #tpu.memory_space<vmem>>, vector<16xi32>,
      %mul3A_439 = arith.constant 2 : i32
      %mul3A_440 = vector.broadcast %mul3A_439 : i32 to vector<16xi32>
      %mul3A_441 = arith.muli %get3A_426, %mul3A_440 : vector<16xi32>
      %mul3A_442 = arith.constant 2 : i32
      %mul3A_443 = vector.broadcast %mul3A_442 : i32 to vector<16xi32>
      %mul3A_444 = arith.muli %get3A_432, %mul3A_443 : vector<16xi32>
      %mul3A_445 = arith.constant 2 : i32
      %mul3A_446 = vector.broadcast %mul3A_445 : i32 to vector<16xi32>
      %mul3A_447 = arith.muli %get3A_438, %mul3A_446 : vector<16xi32>
      %gather3A_448 = tpu.vector_load_idx %arg8[%mul3A_441] : memref<20000xf32, #tpu.memory_space<vmem>>[vector<16xi32>], vector<16xf32>,
      %add3A_449 = arith.constant 1 : i32
      %add3A_450 = vector.broadcast %add3A_449 : i32 to vector<16xi32>
      %add3A_451 = arith.addi %mul3A_441, %add3A_450 : vector<16xi32>
      %gather3A_452 = tpu.vector_load_idx %arg8[%add3A_451] : memref<20000xf32, #tpu.memory_space<vmem>>[vector<16xi32>], vector<16xf32>,
      %gather3A_453 = tpu.vector_load_idx %arg8[%mul3A_444] : memref<20000xf32, #tpu.memory_space<vmem>>[vector<16xi32>], vector<16xf32>,
      %add3A_454 = arith.constant 1 : i32
      %add3A_455 = vector.broadcast %add3A_454 : i32 to vector<16xi32>
      %add3A_456 = arith.addi %mul3A_444, %add3A_455 : vector<16xi32>
      %gather3A_457 = tpu.vector_load_idx %arg8[%add3A_456] : memref<20000xf32, #tpu.memory_space<vmem>>[vector<16xi32>], vector<16xf32>,
      %gather3A_458 = tpu.vector_load_idx %arg8[%mul3A_447] : memref<20000xf32, #tpu.memory_space<vmem>>[vector<16xi32>], vector<16xf32>,
      %add3A_459 = arith.constant 1 : i32
      %add3A_460 = vector.broadcast %add3A_459 : i32 to vector<16xi32>
      %add3A_461 = arith.addi %mul3A_447, %add3A_460 : vector<16xi32>
      %gather3A_462 = tpu.vector_load_idx %arg8[%add3A_461] : memref<20000xf32, #tpu.memory_space<vmem>>[vector<16xi32>], vector<16xf32>,
      %sub3A_463 = arith.subf %gather3A_453, %gather3A_448 : vector<16xf32>
      %sub3A_464 = arith.subf %gather3A_457, %gather3A_452 : vector<16xf32>
      %sub3A_465 = arith.subf %gather3A_458, %gather3A_448 : vector<16xf32>
      %sub3A_466 = arith.subf %gather3A_462, %gather3A_452 : vector<16xf32>
      %mul3A_467 = arith.mulf %sub3A_463, %sub3A_466 : vector<16xf32>
      %mul3A_468 = arith.mulf %sub3A_464, %sub3A_465 : vector<16xf32>
      %sub3A_469 = arith.subf %mul3A_467, %mul3A_468 : vector<16xf32>
      %mul3A_470 = arith.mulf %sub3A_463, %sub3A_463 : vector<16xf32>
      %mul3A_471 = arith.mulf %sub3A_464, %sub3A_464 : vector<16xf32>
      %add3A_472 = arith.addf %mul3A_470, %mul3A_471 : vector<16xf32>
      %mul3A_473 = arith.mulf %sub3A_463, %sub3A_465 : vector<16xf32>
      %mul3A_474 = arith.mulf %sub3A_464, %sub3A_466 : vector<16xf32>
      %add3A_475 = arith.addf %mul3A_473, %mul3A_474 : vector<16xf32>
      %mul3A_476 = arith.mulf %sub3A_465, %sub3A_465 : vector<16xf32>
      %mul3A_477 = arith.mulf %sub3A_466, %sub3A_466 : vector<16xf32>
      %add3A_478 = arith.addf %mul3A_476, %mul3A_477 : vector<16xf32>
      %div3A_479 = vector.broadcast %squeeze3A_63 : f32 to vector<16xf32>
      %div3A_480 = arith.divf %div3A_479, %sub3A_469 : vector<16xf32>
      %gather3A_481 = tpu.vector_load_idx %arg9[%get3A_426] : memref<10000xf32, #tpu.memory_space<vmem>>[vector<16xi32>], vector<16xf32>,
      %gather3A_482 = tpu.vector_load_idx %arg9[%get3A_432] : memref<10000xf32, #tpu.memory_space<vmem>>[vector<16xi32>], vector<16xf32>,
      %gather3A_483 = tpu.vector_load_idx %arg9[%get3A_438] : memref<10000xf32, #tpu.memory_space<vmem>>[vector<16xi32>], vector<16xf32>,
      %mul3A_484 = vector.broadcast %squeeze3A : f32 to vector<16xf32>
      %mul3A_485 = arith.mulf %sub3A_469, %mul3A_484 : vector<16xf32>
      %mul3A_486 = arith.constant 2.000000e+00 : f32
      %mul3A_487 = vector.broadcast %mul3A_486 : f32 to vector<16xf32>
      %mul3A_488 = arith.mulf %mul3A_487, %add3A_475 : vector<16xf32>
      %sub3A_489 = arith.subf %add3A_472, %mul3A_488 : vector<16xf32>
      %add3A_490 = arith.addf %sub3A_489, %add3A_478 : vector<16xf32>
      %mul3A_491 = arith.mulf %div3A_480, %add3A_490 : vector<16xf32>
      %add3A_492 = arith.addf %mul3A_485, %mul3A_491 : vector<16xf32>
      %mul3A_493 = arith.mulf %add3A_492, %gather3A_481 : vector<16xf32>
      %mul3A_494 = vector.broadcast %squeeze3A_53 : f32 to vector<16xf32>
      %mul3A_495 = arith.mulf %sub3A_469, %mul3A_494 : vector<16xf32>
      %mul3A_496 = arith.mulf %div3A_480, %add3A_478 : vector<16xf32>
      %add3A_497 = arith.addf %mul3A_495, %mul3A_496 : vector<16xf32>
      %mul3A_498 = arith.mulf %add3A_497, %gather3A_482 : vector<16xf32>
      %add3A_499 = arith.addf %mul3A_493, %mul3A_498 : vector<16xf32>
      %mul3A_500 = vector.broadcast %squeeze3A_55 : f32 to vector<16xf32>
      %mul3A_501 = arith.mulf %sub3A_469, %mul3A_500 : vector<16xf32>
      %mul3A_502 = arith.mulf %div3A_480, %add3A_472 : vector<16xf32>
      %add3A_503 = arith.addf %mul3A_501, %mul3A_502 : vector<16xf32>
      %mul3A_504 = arith.mulf %add3A_503, %gather3A_483 : vector<16xf32>
      %add3A_505 = arith.addf %add3A_499, %mul3A_504 : vector<16xf32>
      %add3A_506 = arith.addf %parallel_loop3A_420, %add3A_505 : vector<16xf32>
      %mul3A_507 = vector.broadcast %squeeze3A_57 : f32 to vector<16xf32>
      %mul3A_508 = arith.mulf %sub3A_469, %mul3A_507 : vector<16xf32>
      %sub3A_509 = arith.subf %add3A_478, %add3A_475 : vector<16xf32>
      %mul3A_510 = arith.mulf %div3A_480, %sub3A_509 : vector<16xf32>
      %sub3A_511 = arith.subf %mul3A_508, %mul3A_510 : vector<16xf32>
      %mul3A_512 = arith.constant 2.000000e+00 : f32
      %mul3A_513 = vector.broadcast %mul3A_512 : f32 to vector<16xf32>
      %mul3A_514 = arith.mulf %mul3A_513, %sub3A_511 : vector<16xf32>
      %swap3A_515 = arith.constant 0 : index
      %swap3A_516 = tpu.vector_load %arg14[%swap3A_515] {strides = array<i32>} : memref<48xf32, #tpu.memory_space<vmem>>, vector<16xf32>,
      tpu.vector_store %arg14[%swap3A_515], %mul3A_514 {strides = array<i32>} : memref<48xf32, #tpu.memory_space<vmem>>, vector<16xf32>,
      %mul3A_517 = vector.broadcast %squeeze3A_59 : f32 to vector<16xf32>
      %mul3A_518 = arith.mulf %sub3A_469, %mul3A_517 : vector<16xf32>
      %sub3A_519 = arith.subf %add3A_472, %add3A_475 : vector<16xf32>
      %mul3A_520 = arith.mulf %div3A_480, %sub3A_519 : vector<16xf32>
      %sub3A_521 = arith.subf %mul3A_518, %mul3A_520 : vector<16xf32>
      %mul3A_522 = arith.constant 2.000000e+00 : f32
      %mul3A_523 = vector.broadcast %mul3A_522 : f32 to vector<16xf32>
      %mul3A_524 = arith.mulf %mul3A_523, %sub3A_521 : vector<16xf32>
      %swap3A_525 = arith.constant 16 : index
      %swap3A_526 = tpu.vector_load %arg14[%swap3A_525] {strides = array<i32>} : memref<48xf32, #tpu.memory_space<vmem>>, vector<16xf32>,
      tpu.vector_store %arg14[%swap3A_525], %mul3A_524 {strides = array<i32>} : memref<48xf32, #tpu.memory_space<vmem>>, vector<16xf32>,
      %mul3A_527 = vector.broadcast %squeeze3A_61 : f32 to vector<16xf32>
      %mul3A_528 = arith.mulf %sub3A_469, %mul3A_527 : vector<16xf32>
      %mul3A_529 = arith.mulf %div3A_480, %add3A_475 : vector<16xf32>
      %sub3A_530 = arith.subf %mul3A_528, %mul3A_529 : vector<16xf32>
      %mul3A_531 = arith.constant 2.000000e+00 : f32
      %mul3A_532 = vector.broadcast %mul3A_531 : f32 to vector<16xf32>
      %mul3A_533 = arith.mulf %mul3A_532, %sub3A_530 : vector<16xf32>
      %swap3A_534 = arith.constant 32 : index
      %swap3A_535 = tpu.vector_load %arg14[%swap3A_534] {strides = array<i32>} : memref<48xf32, #tpu.memory_space<vmem>>, vector<16xf32>,
      tpu.vector_store %arg14[%swap3A_534], %mul3A_533 {strides = array<i32>} : memref<48xf32, #tpu.memory_space<vmem>>, vector<16xf32>,
      %parallel_loop3A_536 = arith.constant 0 : i32
      %parallel_loop3A_537 = arith.constant 16 : i32
      %parallel_loop3A_538 = arith.constant 1 : i32
      %parallel_loop3A_539 = scf.for %parallel_loop3A_905 = %parallel_loop3A_536 to %parallel_loop3A_537 step %parallel_loop3A_538 iter_args(%parallel_loop3A_906 = %add3A_506) -> (vector<16xf32>)  : i32 {
        %parallel_loop3A_907 = arith.constant 16 : i32
        %parallel_loop3A_908 = arith.addi %parallel_loop3A_907, %parallel_loop3A_905 : i32
        %parallel_loop3A_909 = arith.index_cast %parallel_loop3A_908 : i32 to index
        %parallel_loop3A_910 = arith.constant 0 : index
        %parallel_loop3A_911 = tpu.vector_load %arg12[%parallel_loop3A_909, %parallel_loop3A_910] {strides = array<i32>} : memref<96x128xi32, #tpu.memory_space<vmem>>, vector<16xi32>,
        %parallel_loop3A_912 = vector.bitcast %parallel_loop3A_911 : vector<16xi32> to vector<32xbf16>
        %parallel_loop3A_913 = arith.constant 32 : i32
        %parallel_loop3A_914 = arith.addi %parallel_loop3A_908, %parallel_loop3A_913 : i32
        %parallel_loop3A_915 = arith.index_cast %parallel_loop3A_914 : i32 to index
        %parallel_loop3A_916 = arith.constant 0 : index
        %parallel_loop3A_917 = tpu.vector_load %arg12[%parallel_loop3A_915, %parallel_loop3A_916] {strides = array<i32>} : memref<96x128xi32, #tpu.memory_space<vmem>>, vector<16xi32>,
        %parallel_loop3A_918 = vector.bitcast %parallel_loop3A_917 : vector<16xi32> to vector<32xbf16>
        %parallel_loop3A_919 = arith.constant 64 : i32
        %parallel_loop3A_920 = arith.addi %parallel_loop3A_908, %parallel_loop3A_919 : i32
        %parallel_loop3A_921 = arith.index_cast %parallel_loop3A_920 : i32 to index
        %parallel_loop3A_922 = arith.constant 0 : index
        %parallel_loop3A_923 = tpu.vector_load %arg12[%parallel_loop3A_921, %parallel_loop3A_922] {strides = array<i32>} : memref<96x128xi32, #tpu.memory_space<vmem>>, vector<16xi32>,
        %parallel_loop3A_924 = vector.bitcast %parallel_loop3A_923 : vector<16xi32> to vector<32xbf16>
        %parallel_loop3A_925 = arith.mulf %parallel_loop3A_912, %parallel_loop3A_918 : vector<32xbf16>
        %parallel_loop3A_926 = arith.mulf %parallel_loop3A_912, %parallel_loop3A_924 : vector<32xbf16>
        %parallel_loop3A_927 = arith.mulf %parallel_loop3A_918, %parallel_loop3A_924 : vector<32xbf16>
        %parallel_loop3A_928 = arith.index_cast %parallel_loop3A_908 : i32 to index
        %parallel_loop3A_929 = arith.constant 16 : index
        %parallel_loop3A_930 = tpu.vector_load %arg12[%parallel_loop3A_928, %parallel_loop3A_929] {strides = array<i32>} : memref<96x128xi32, #tpu.memory_space<vmem>>, vector<16xi32>,
        %parallel_loop3A_931 = vector.bitcast %parallel_loop3A_930 : vector<16xi32> to vector<32xbf16>
        %parallel_loop3A_932 = arith.constant 32 : i32
        %parallel_loop3A_933 = arith.addi %parallel_loop3A_908, %parallel_loop3A_932 : i32
        %parallel_loop3A_934 = arith.index_cast %parallel_loop3A_933 : i32 to index
        %parallel_loop3A_935 = arith.constant 16 : index
        %parallel_loop3A_936 = tpu.vector_load %arg12[%parallel_loop3A_934, %parallel_loop3A_935] {strides = array<i32>} : memref<96x128xi32, #tpu.memory_space<vmem>>, vector<16xi32>,
        %parallel_loop3A_937 = vector.bitcast %parallel_loop3A_936 : vector<16xi32> to vector<32xbf16>
        %parallel_loop3A_938 = arith.constant 64 : i32
        %parallel_loop3A_939 = arith.addi %parallel_loop3A_908, %parallel_loop3A_938 : i32
        %parallel_loop3A_940 = arith.index_cast %parallel_loop3A_939 : i32 to index
        %parallel_loop3A_941 = arith.constant 16 : index
        %parallel_loop3A_942 = tpu.vector_load %arg12[%parallel_loop3A_940, %parallel_loop3A_941] {strides = array<i32>} : memref<96x128xi32, #tpu.memory_space<vmem>>, vector<16xi32>,
        %parallel_loop3A_943 = vector.bitcast %parallel_loop3A_942 : vector<16xi32> to vector<32xbf16>
        %parallel_loop3A_944 = arith.mulf %parallel_loop3A_931, %parallel_loop3A_937 : vector<32xbf16>
        %parallel_loop3A_945 = arith.addf %parallel_loop3A_925, %parallel_loop3A_944 : vector<32xbf16>
        %parallel_loop3A_946 = arith.mulf %parallel_loop3A_931, %parallel_loop3A_943 : vector<32xbf16>
        %parallel_loop3A_947 = arith.addf %parallel_loop3A_926, %parallel_loop3A_946 : vector<32xbf16>
        %parallel_loop3A_948 = arith.mulf %parallel_loop3A_937, %parallel_loop3A_943 : vector<32xbf16>
        %parallel_loop3A_949 = arith.addf %parallel_loop3A_927, %parallel_loop3A_948 : vector<32xbf16>
        %parallel_loop3A_950 = arith.index_cast %parallel_loop3A_908 : i32 to index
        %parallel_loop3A_951 = arith.constant 32 : index
        %parallel_loop3A_952 = tpu.vector_load %arg12[%parallel_loop3A_950, %parallel_loop3A_951] {strides = array<i32>} : memref<96x128xi32, #tpu.memory_space<vmem>>, vector<16xi32>,
        %parallel_loop3A_953 = vector.bitcast %parallel_loop3A_952 : vector<16xi32> to vector<32xbf16>
        %parallel_loop3A_954 = arith.constant 32 : i32
        %parallel_loop3A_955 = arith.addi %parallel_loop3A_908, %parallel_loop3A_954 : i32
        %parallel_loop3A_956 = arith.index_cast %parallel_loop3A_955 : i32 to index
        %parallel_loop3A_957 = arith.constant 32 : index
        %parallel_loop3A_958 = tpu.vector_load %arg12[%parallel_loop3A_956, %parallel_loop3A_957] {strides = array<i32>} : memref<96x128xi32, #tpu.memory_space<vmem>>, vector<16xi32>,
        %parallel_loop3A_959 = vector.bitcast %parallel_loop3A_958 : vector<16xi32> to vector<32xbf16>
        %parallel_loop3A_960 = arith.constant 64 : i32
        %parallel_loop3A_961 = arith.addi %parallel_loop3A_908, %parallel_loop3A_960 : i32
        %parallel_loop3A_962 = arith.index_cast %parallel_loop3A_961 : i32 to index
        %parallel_loop3A_963 = arith.constant 32 : index
        %parallel_loop3A_964 = tpu.vector_load %arg12[%parallel_loop3A_962, %parallel_loop3A_963] {strides = array<i32>} : memref<96x128xi32, #tpu.memory_space<vmem>>, vector<16xi32>,
        %parallel_loop3A_965 = vector.bitcast %parallel_loop3A_964 : vector<16xi32> to vector<32xbf16>
        %parallel_loop3A_966 = arith.mulf %parallel_loop3A_953, %parallel_loop3A_959 : vector<32xbf16>
        %parallel_loop3A_967 = arith.addf %parallel_loop3A_945, %parallel_loop3A_966 : vector<32xbf16>
        %parallel_loop3A_968 = arith.mulf %parallel_loop3A_953, %parallel_loop3A_965 : vector<32xbf16>
        %parallel_loop3A_969 = arith.addf %parallel_loop3A_947, %parallel_loop3A_968 : vector<32xbf16>
        %parallel_loop3A_970 = arith.mulf %parallel_loop3A_959, %parallel_loop3A_965 : vector<32xbf16>
        %parallel_loop3A_971 = arith.addf %parallel_loop3A_949, %parallel_loop3A_970 : vector<32xbf16>
        %parallel_loop3A_972 = arith.index_cast %parallel_loop3A_908 : i32 to index
        %parallel_loop3A_973 = arith.constant 48 : index
        %parallel_loop3A_974 = tpu.vector_load %arg12[%parallel_loop3A_972, %parallel_loop3A_973] {strides = array<i32>} : memref<96x128xi32, #tpu.memory_space<vmem>>, vector<16xi32>,
        %parallel_loop3A_975 = vector.bitcast %parallel_loop3A_974 : vector<16xi32> to vector<32xbf16>
        %parallel_loop3A_976 = arith.constant 32 : i32
        %parallel_loop3A_977 = arith.addi %parallel_loop3A_908, %parallel_loop3A_976 : i32
        %parallel_loop3A_978 = arith.index_cast %parallel_loop3A_977 : i32 to index
        %parallel_loop3A_979 = arith.constant 48 : index
        %parallel_loop3A_980 = tpu.vector_load %arg12[%parallel_loop3A_978, %parallel_loop3A_979] {strides = array<i32>} : memref<96x128xi32, #tpu.memory_space<vmem>>, vector<16xi32>,
        %parallel_loop3A_981 = vector.bitcast %parallel_loop3A_980 : vector<16xi32> to vector<32xbf16>
        %parallel_loop3A_982 = arith.constant 64 : i32
        %parallel_loop3A_983 = arith.addi %parallel_loop3A_908, %parallel_loop3A_982 : i32
        %parallel_loop3A_984 = arith.index_cast %parallel_loop3A_983 : i32 to index
        %parallel_loop3A_985 = arith.constant 48 : index
        %parallel_loop3A_986 = tpu.vector_load %arg12[%parallel_loop3A_984, %parallel_loop3A_985] {strides = array<i32>} : memref<96x128xi32, #tpu.memory_space<vmem>>, vector<16xi32>,
        %parallel_loop3A_987 = vector.bitcast %parallel_loop3A_986 : vector<16xi32> to vector<32xbf16>
        %parallel_loop3A_988 = arith.mulf %parallel_loop3A_975, %parallel_loop3A_981 : vector<32xbf16>
        %parallel_loop3A_989 = arith.addf %parallel_loop3A_967, %parallel_loop3A_988 : vector<32xbf16>
        %parallel_loop3A_990 = arith.mulf %parallel_loop3A_975, %parallel_loop3A_987 : vector<32xbf16>
        %parallel_loop3A_991 = arith.addf %parallel_loop3A_969, %parallel_loop3A_990 : vector<32xbf16>
        %parallel_loop3A_992 = arith.mulf %parallel_loop3A_981, %parallel_loop3A_987 : vector<32xbf16>
        %parallel_loop3A_993 = arith.addf %parallel_loop3A_971, %parallel_loop3A_992 : vector<32xbf16>
        %parallel_loop3A_994 = arith.index_cast %parallel_loop3A_908 : i32 to index
        %parallel_loop3A_995 = arith.constant 64 : index
        %parallel_loop3A_996 = tpu.vector_load %arg12[%parallel_loop3A_994, %parallel_loop3A_995] {strides = array<i32>} : memref<96x128xi32, #tpu.memory_space<vmem>>, vector<16xi32>,
        %parallel_loop3A_997 = vector.bitcast %parallel_loop3A_996 : vector<16xi32> to vector<32xbf16>
        %parallel_loop3A_998 = arith.constant 32 : i32
        %parallel_loop3A_999 = arith.addi %parallel_loop3A_908, %parallel_loop3A_998 : i32
        %parallel_loop3A_1000 = arith.index_cast %parallel_loop3A_999 : i32 to index
        %parallel_loop3A_1001 = arith.constant 64 : index
        %parallel_loop3A_1002 = tpu.vector_load %arg12[%parallel_loop3A_1000, %parallel_loop3A_1001] {strides = array<i32>} : memref<96x128xi32, #tpu.memory_space<vmem>>, vector<16xi32>,
        %parallel_loop3A_1003 = vector.bitcast %parallel_loop3A_1002 : vector<16xi32> to vector<32xbf16>
        %parallel_loop3A_1004 = arith.constant 64 : i32
        %parallel_loop3A_1005 = arith.addi %parallel_loop3A_908, %parallel_loop3A_1004 : i32
        %parallel_loop3A_1006 = arith.index_cast %parallel_loop3A_1005 : i32 to index
        %parallel_loop3A_1007 = arith.constant 64 : index
        %parallel_loop3A_1008 = tpu.vector_load %arg12[%parallel_loop3A_1006, %parallel_loop3A_1007] {strides = array<i32>} : memref<96x128xi32, #tpu.memory_space<vmem>>, vector<16xi32>,
        %parallel_loop3A_1009 = vector.bitcast %parallel_loop3A_1008 : vector<16xi32> to vector<32xbf16>
        %parallel_loop3A_1010 = arith.mulf %parallel_loop3A_997, %parallel_loop3A_1003 : vector<32xbf16>
        %parallel_loop3A_1011 = arith.addf %parallel_loop3A_989, %parallel_loop3A_1010 : vector<32xbf16>
        %parallel_loop3A_1012 = arith.mulf %parallel_loop3A_997, %parallel_loop3A_1009 : vector<32xbf16>
        %parallel_loop3A_1013 = arith.addf %parallel_loop3A_991, %parallel_loop3A_1012 : vector<32xbf16>
        %parallel_loop3A_1014 = arith.mulf %parallel_loop3A_1003, %parallel_loop3A_1009 : vector<32xbf16>
        %parallel_loop3A_1015 = arith.addf %parallel_loop3A_993, %parallel_loop3A_1014 : vector<32xbf16>
        %parallel_loop3A_1016 = arith.index_cast %parallel_loop3A_908 : i32 to index
        %parallel_loop3A_1017 = arith.constant 80 : index
        %parallel_loop3A_1018 = tpu.vector_load %arg12[%parallel_loop3A_1016, %parallel_loop3A_1017] {strides = array<i32>} : memref<96x128xi32, #tpu.memory_space<vmem>>, vector<16xi32>,
        %parallel_loop3A_1019 = vector.bitcast %parallel_loop3A_1018 : vector<16xi32> to vector<32xbf16>
        %parallel_loop3A_1020 = arith.constant 32 : i32
        %parallel_loop3A_1021 = arith.addi %parallel_loop3A_908, %parallel_loop3A_1020 : i32
        %parallel_loop3A_1022 = arith.index_cast %parallel_loop3A_1021 : i32 to index
        %parallel_loop3A_1023 = arith.constant 80 : index
        %parallel_loop3A_1024 = tpu.vector_load %arg12[%parallel_loop3A_1022, %parallel_loop3A_1023] {strides = array<i32>} : memref<96x128xi32, #tpu.memory_space<vmem>>, vector<16xi32>,
        %parallel_loop3A_1025 = vector.bitcast %parallel_loop3A_1024 : vector<16xi32> to vector<32xbf16>
        %parallel_loop3A_1026 = arith.constant 64 : i32
        %parallel_loop3A_1027 = arith.addi %parallel_loop3A_908, %parallel_loop3A_1026 : i32
        %parallel_loop3A_1028 = arith.index_cast %parallel_loop3A_1027 : i32 to index
        %parallel_loop3A_1029 = arith.constant 80 : index
        %parallel_loop3A_1030 = tpu.vector_load %arg12[%parallel_loop3A_1028, %parallel_loop3A_1029] {strides = array<i32>} : memref<96x128xi32, #tpu.memory_space<vmem>>, vector<16xi32>,
        %parallel_loop3A_1031 = vector.bitcast %parallel_loop3A_1030 : vector<16xi32> to vector<32xbf16>
        %parallel_loop3A_1032 = arith.mulf %parallel_loop3A_1019, %parallel_loop3A_1025 : vector<32xbf16>
        %parallel_loop3A_1033 = arith.addf %parallel_loop3A_1011, %parallel_loop3A_1032 : vector<32xbf16>
        %parallel_loop3A_1034 = arith.mulf %parallel_loop3A_1019, %parallel_loop3A_1031 : vector<32xbf16>
        %parallel_loop3A_1035 = arith.addf %parallel_loop3A_1013, %parallel_loop3A_1034 : vector<32xbf16>
        %parallel_loop3A_1036 = arith.mulf %parallel_loop3A_1025, %parallel_loop3A_1031 : vector<32xbf16>
        %parallel_loop3A_1037 = arith.addf %parallel_loop3A_1015, %parallel_loop3A_1036 : vector<32xbf16>
        %parallel_loop3A_1038 = arith.index_cast %parallel_loop3A_908 : i32 to index
        %parallel_loop3A_1039 = arith.constant 96 : index
        %parallel_loop3A_1040 = tpu.vector_load %arg12[%parallel_loop3A_1038, %parallel_loop3A_1039] {strides = array<i32>} : memref<96x128xi32, #tpu.memory_space<vmem>>, vector<16xi32>,
        %parallel_loop3A_1041 = vector.bitcast %parallel_loop3A_1040 : vector<16xi32> to vector<32xbf16>
        %parallel_loop3A_1042 = arith.constant 32 : i32
        %parallel_loop3A_1043 = arith.addi %parallel_loop3A_908, %parallel_loop3A_1042 : i32
        %parallel_loop3A_1044 = arith.index_cast %parallel_loop3A_1043 : i32 to index
        %parallel_loop3A_1045 = arith.constant 96 : index
        %parallel_loop3A_1046 = tpu.vector_load %arg12[%parallel_loop3A_1044, %parallel_loop3A_1045] {strides = array<i32>} : memref<96x128xi32, #tpu.memory_space<vmem>>, vector<16xi32>,
        %parallel_loop3A_1047 = vector.bitcast %parallel_loop3A_1046 : vector<16xi32> to vector<32xbf16>
        %parallel_loop3A_1048 = arith.constant 64 : i32
        %parallel_loop3A_1049 = arith.addi %parallel_loop3A_908, %parallel_loop3A_1048 : i32
        %parallel_loop3A_1050 = arith.index_cast %parallel_loop3A_1049 : i32 to index
        %parallel_loop3A_1051 = arith.constant 96 : index
        %parallel_loop3A_1052 = tpu.vector_load %arg12[%parallel_loop3A_1050, %parallel_loop3A_1051] {strides = array<i32>} : memref<96x128xi32, #tpu.memory_space<vmem>>, vector<16xi32>,
        %parallel_loop3A_1053 = vector.bitcast %parallel_loop3A_1052 : vector<16xi32> to vector<32xbf16>
        %parallel_loop3A_1054 = arith.mulf %parallel_loop3A_1041, %parallel_loop3A_1047 : vector<32xbf16>
        %parallel_loop3A_1055 = arith.addf %parallel_loop3A_1033, %parallel_loop3A_1054 : vector<32xbf16>
        %parallel_loop3A_1056 = arith.mulf %parallel_loop3A_1041, %parallel_loop3A_1053 : vector<32xbf16>
        %parallel_loop3A_1057 = arith.addf %parallel_loop3A_1035, %parallel_loop3A_1056 : vector<32xbf16>
        %parallel_loop3A_1058 = arith.mulf %parallel_loop3A_1047, %parallel_loop3A_1053 : vector<32xbf16>
        %parallel_loop3A_1059 = arith.addf %parallel_loop3A_1037, %parallel_loop3A_1058 : vector<32xbf16>
        %parallel_loop3A_1060 = arith.index_cast %parallel_loop3A_908 : i32 to index
        %parallel_loop3A_1061 = arith.constant 112 : index
        %parallel_loop3A_1062 = tpu.vector_load %arg12[%parallel_loop3A_1060, %parallel_loop3A_1061] {strides = array<i32>} : memref<96x128xi32, #tpu.memory_space<vmem>>, vector<16xi32>,
        %parallel_loop3A_1063 = vector.bitcast %parallel_loop3A_1062 : vector<16xi32> to vector<32xbf16>
        %parallel_loop3A_1064 = arith.constant 32 : i32
        %parallel_loop3A_1065 = arith.addi %parallel_loop3A_908, %parallel_loop3A_1064 : i32
        %parallel_loop3A_1066 = arith.index_cast %parallel_loop3A_1065 : i32 to index
        %parallel_loop3A_1067 = arith.constant 112 : index
        %parallel_loop3A_1068 = tpu.vector_load %arg12[%parallel_loop3A_1066, %parallel_loop3A_1067] {strides = array<i32>} : memref<96x128xi32, #tpu.memory_space<vmem>>, vector<16xi32>,
        %parallel_loop3A_1069 = vector.bitcast %parallel_loop3A_1068 : vector<16xi32> to vector<32xbf16>
        %parallel_loop3A_1070 = arith.constant 64 : i32
        %parallel_loop3A_1071 = arith.addi %parallel_loop3A_908, %parallel_loop3A_1070 : i32
        %parallel_loop3A_1072 = arith.index_cast %parallel_loop3A_1071 : i32 to index
        %parallel_loop3A_1073 = arith.constant 112 : index
        %parallel_loop3A_1074 = tpu.vector_load %arg12[%parallel_loop3A_1072, %parallel_loop3A_1073] {strides = array<i32>} : memref<96x128xi32, #tpu.memory_space<vmem>>, vector<16xi32>,
        %parallel_loop3A_1075 = vector.bitcast %parallel_loop3A_1074 : vector<16xi32> to vector<32xbf16>
        %parallel_loop3A_1076 = arith.mulf %parallel_loop3A_1063, %parallel_loop3A_1069 : vector<32xbf16>
        %parallel_loop3A_1077 = arith.addf %parallel_loop3A_1055, %parallel_loop3A_1076 : vector<32xbf16>
        %parallel_loop3A_1078 = arith.mulf %parallel_loop3A_1063, %parallel_loop3A_1075 : vector<32xbf16>
        %parallel_loop3A_1079 = arith.addf %parallel_loop3A_1057, %parallel_loop3A_1078 : vector<32xbf16>
        %parallel_loop3A_1080 = arith.mulf %parallel_loop3A_1069, %parallel_loop3A_1075 : vector<32xbf16>
        %parallel_loop3A_1081 = arith.addf %parallel_loop3A_1059, %parallel_loop3A_1080 : vector<32xbf16>
        %parallel_loop3A_1082 = tpu.unpack_subelements %parallel_loop3A_1077, 0 {pack_format = #tpu.pack_format<interleaved>} : vector<32xbf16> -> vector<16xf32>
        %parallel_loop3A_1083 = tpu.unpack_subelements %parallel_loop3A_1077, 1 {pack_format = #tpu.pack_format<interleaved>} : vector<32xbf16> -> vector<16xf32>
        %parallel_loop3A_1084 = tpu.unpack_subelements %parallel_loop3A_1079, 0 {pack_format = #tpu.pack_format<interleaved>} : vector<32xbf16> -> vector<16xf32>
        %parallel_loop3A_1085 = tpu.unpack_subelements %parallel_loop3A_1079, 1 {pack_format = #tpu.pack_format<interleaved>} : vector<32xbf16> -> vector<16xf32>
        %parallel_loop3A_1086 = tpu.unpack_subelements %parallel_loop3A_1081, 0 {pack_format = #tpu.pack_format<interleaved>} : vector<32xbf16> -> vector<16xf32>
        %parallel_loop3A_1087 = tpu.unpack_subelements %parallel_loop3A_1081, 1 {pack_format = #tpu.pack_format<interleaved>} : vector<32xbf16> -> vector<16xf32>
        %parallel_loop3A_1088 = vector.broadcast %parallel_loop3A_905 : i32 to vector<16xi32>
        %parallel_loop3A_1089 = tpu.vector_load_idx %arg14[%parallel_loop3A_1088] : memref<48xf32, #tpu.memory_space<vmem>>[vector<16xi32>], vector<16xf32>,
        %parallel_loop3A_1090 = arith.constant 16 : i32
        %parallel_loop3A_1091 = vector.broadcast %parallel_loop3A_1090 : i32 to vector<16xi32>
        %parallel_loop3A_1092 = arith.addi %parallel_loop3A_1088, %parallel_loop3A_1091 : vector<16xi32>
        %parallel_loop3A_1093 = tpu.vector_load_idx %arg14[%parallel_loop3A_1092] : memref<48xf32, #tpu.memory_space<vmem>>[vector<16xi32>], vector<16xf32>,
        %parallel_loop3A_1094 = arith.constant 32 : i32
        %parallel_loop3A_1095 = vector.broadcast %parallel_loop3A_1094 : i32 to vector<16xi32>
        %parallel_loop3A_1096 = arith.addi %parallel_loop3A_1088, %parallel_loop3A_1095 : vector<16xi32>
        %parallel_loop3A_1097 = tpu.vector_load_idx %arg14[%parallel_loop3A_1096] : memref<48xf32, #tpu.memory_space<vmem>>[vector<16xi32>], vector<16xf32>,
        %parallel_loop3A_1098 = arith.addf %parallel_loop3A_1082, %parallel_loop3A_1083 : vector<16xf32>
        %parallel_loop3A_1099 = arith.mulf %parallel_loop3A_1089, %parallel_loop3A_1098 : vector<16xf32>
        %parallel_loop3A_1100 = arith.addf %parallel_loop3A_1084, %parallel_loop3A_1085 : vector<16xf32>
        %parallel_loop3A_1101 = arith.mulf %parallel_loop3A_1093, %parallel_loop3A_1100 : vector<16xf32>
        %parallel_loop3A_1102 = arith.addf %parallel_loop3A_1099, %parallel_loop3A_1101 : vector<16xf32>
        %parallel_loop3A_1103 = arith.addf %parallel_loop3A_906, %parallel_loop3A_1102 : vector<16xf32>
        %parallel_loop3A_1104 = arith.addf %parallel_loop3A_1086, %parallel_loop3A_1087 : vector<16xf32>
        %parallel_loop3A_1105 = arith.mulf %parallel_loop3A_1097, %parallel_loop3A_1104 : vector<16xf32>
        %parallel_loop3A_1106 = arith.addf %parallel_loop3A_1103, %parallel_loop3A_1105 : vector<16xf32>
        scf.yield %parallel_loop3A_1106 : vector<16xf32>
      } {sc.loop_unroll_factor = 2 : i64, sc.parallel_access}
      %mul3A_540 = arith.constant 2 : i32
      %mul3A_541 = arith.muli %mul3A_540, %while3A_177 : i32
      %add3A_542 = arith.constant 2 : i32
      %add3A_543 = arith.addi %mul3A_541, %add3A_542 : i32
      %min3A = arith.minsi %add3A_543, %sub3A_50 : i32
      %jit3A_544 = arith.constant 4 : i32
      %div3A_545 = arith.divsi %min3A, %jit3A_544 : i32
      %sign3A_546 = arith.constant 0 : i32
      %sign3A_547 = arith.cmpi sgt, %min3A, %sign3A_546 : i32
      %sign3A_548 = arith.extui %sign3A_547 : i1 to i32
      %sign3A_549 = arith.constant 0 : i32
      %sign3A_550 = arith.cmpi slt, %min3A, %sign3A_549 : i32
      %sign3A_551 = arith.extui %sign3A_550 : i1 to i32
      %sign3A_552 = arith.subi %sign3A_548, %sign3A_551 : i32
      %sign3A_553 = arith.constant 0 : i32
      %sign3A_554 = arith.cmpi sgt, %jit3A_544, %sign3A_553 : i32
      %sign3A_555 = arith.extui %sign3A_554 : i1 to i32
      %sign3A_556 = arith.constant 0 : i32
      %sign3A_557 = arith.cmpi slt, %jit3A_544, %sign3A_556 : i32
      %sign3A_558 = arith.extui %sign3A_557 : i1 to i32
      %sign3A_559 = arith.subi %sign3A_555, %sign3A_558 : i32
      %ne3A_560 = arith.cmpi ne, %sign3A_552, %sign3A_559 : i32
      %rem3A_561 = arith.remsi %min3A, %jit3A_544 : i32
      %ne3A_562 = arith.constant 0 : i32
      %ne3A_563 = arith.cmpi ne, %rem3A_561, %ne3A_562 : i32
      %and3A_564 = arith.andi %ne3A_560, %ne3A_563 : i1
      %sub3A_565 = arith.constant 1 : i32
      %sub3A_566 = arith.subi %div3A_545, %sub3A_565 : i32
      %select_n3A_567 = arith.select %and3A_564, %sub3A_566, %div3A_545 : i32
      %mul3A_568 = arith.constant 128 : i32
      %mul3A_569 = arith.muli %select_n3A_567, %mul3A_568 : i32
      "tpu.region"() ({
        %run_scoped3A = tpu.sem_alloc : memref<!tpu.dma_semaphore, #tpu.memory_space<semaphore_mem>>
        %dma_start3A_905 = arith.constant 0 : i32
        %dma_start3A_906 = tpu.memref_slice %arg4[%dma_start3A_905, %mul3A_569] : memref<8x160000xi32, #tpu.memory_space<hbm>> -> memref<8x128xi32, #tpu.memory_space<hbm>>
        %dma_start3A_907 = arith.constant 0 : i32
        %dma_start3A_908 = tpu.memref_slice %arg4[%dma_start3A_907, %mul3A_569] : memref<8x160000xi32, #tpu.memory_space<hbm>> -> memref<8x128xi32, #tpu.memory_space<hbm>>
        tpu.enqueue_dma source(%dma_start3A_908 : memref<8x128xi32, #tpu.memory_space<hbm>>) target(%arg10 : memref<8x128xi32, #tpu.memory_space<vmem>>) target_semaphore(%run_scoped3A : memref<!tpu.dma_semaphore, #tpu.memory_space<semaphore_mem>>)
        %dma_wait3A_909 = arith.constant 0 : i32
        %dma_wait3A_910 = tpu.memref_slice %arg4[%dma_wait3A_909, %mul3A_569] : memref<8x160000xi32, #tpu.memory_space<hbm>> -> memref<8x128xi32, #tpu.memory_space<hbm>>
        %dma_wait3A_911 = arith.constant 0 : i32
        %dma_wait3A_912 = tpu.memref_slice %arg4[%dma_wait3A_911, %mul3A_569] : memref<8x160000xi32, #tpu.memory_space<hbm>> -> memref<8x128xi32, #tpu.memory_space<hbm>>
        tpu.wait_dma2 semaphore(%run_scoped3A : memref<!tpu.dma_semaphore, #tpu.memory_space<semaphore_mem>>) src(%dma_wait3A_912 : memref<8x128xi32, #tpu.memory_space<hbm>>) dst(%arg10 : memref<8x128xi32, #tpu.memory_space<vmem>>)
        tpu.yield
      }) : () -> ()
      %jit3A_570 = arith.constant 4 : i32
      %eq3A_571 = arith.constant 0 : i32
      %eq3A_572 = arith.cmpi eq, %jit3A_570, %eq3A_571 : i32
      %jit3A_573 = arith.constant 1 : i32
      %select_n3A_574 = arith.select %eq3A_572, %jit3A_573, %jit3A_570 : i32
      %rem3A_575 = arith.remsi %min3A, %select_n3A_574 : i32
      %ne3A_576 = arith.constant 0 : i32
      %ne3A_577 = arith.cmpi ne, %rem3A_575, %ne3A_576 : i32
      %lt3A_578 = arith.constant 0 : i32
      %lt3A_579 = arith.cmpi slt, %rem3A_575, %lt3A_578 : i32
      %lt3A_580 = arith.constant 0 : i32
      %lt3A_581 = arith.cmpi slt, %select_n3A_574, %lt3A_580 : i32
      %ne3A_582 = arith.xori %lt3A_579, %lt3A_581 : i1
      %and3A_583 = arith.andi %ne3A_582, %ne3A_577 : i1
      %add3A_584 = arith.addi %rem3A_575, %select_n3A_574 : i32
      %select_n3A_585 = arith.select %and3A_583, %add3A_584, %rem3A_575 : i32
      %mul3A_586 = arith.constant 32 : i32
      %mul3A_587 = arith.muli %select_n3A_585, %mul3A_586 : i32
      %dma_start3A_588 = arith.constant 0 : i32
      %dma_start3A_589 = arith.constant 0 : i32
      %dma_start3A_590 = arith.constant 0 : i32
      %dma_start3A_591 = tpu.memref_slice %arg12[%dma_start3A_589, %dma_start3A_590] : memref<96x128xi32, #tpu.memory_space<vmem>> -> memref<32x128xi32, #tpu.memory_space<vmem>>
      %dma_start3A_592 = tpu.memref_slice %arg10[%dma_start3A_588, %mul3A_587] : memref<8x128xi32, #tpu.memory_space<vmem>> -> memref<1x32xi32, #tpu.memory_space<vmem>>
      %dma_start3A_593 = tpu.memref_squeeze %dma_start3A_592 : memref<1x32xi32, #tpu.memory_space<vmem>> -> memref<32xi32, #tpu.memory_space<vmem>>
      %dma_start3A_594 = arith.constant 0 : i32
      %dma_start3A_595 = arith.constant 0 : i32
      %dma_start3A_596 = tpu.memref_slice %arg2[%dma_start3A_594, %dma_start3A_595] : memref<10000x128xi32, #tpu.memory_space<hbm>> -> memref<10000x128xi32, #tpu.memory_space<hbm>>
      tpu.enqueue_indirect_dma source(%dma_start3A_596 : memref<10000x128xi32, #tpu.memory_space<hbm>>) target(%dma_start3A_591 : memref<32x128xi32, #tpu.memory_space<vmem>>) offsets(%dma_start3A_593 : memref<32xi32, #tpu.memory_space<vmem>>) semaphore(%arg17 : memref<!tpu.dma_semaphore, #tpu.memory_space<semaphore_mem>>)
      %dma_start3A_597 = arith.constant 1 : i32
      %dma_start3A_598 = arith.constant 32 : i32
      %dma_start3A_599 = arith.constant 0 : i32
      %dma_start3A_600 = tpu.memref_slice %arg12[%dma_start3A_598, %dma_start3A_599] : memref<96x128xi32, #tpu.memory_space<vmem>> -> memref<32x128xi32, #tpu.memory_space<vmem>>
      %dma_start3A_601 = tpu.memref_slice %arg10[%dma_start3A_597, %mul3A_587] : memref<8x128xi32, #tpu.memory_space<vmem>> -> memref<1x32xi32, #tpu.memory_space<vmem>>
      %dma_start3A_602 = tpu.memref_squeeze %dma_start3A_601 : memref<1x32xi32, #tpu.memory_space<vmem>> -> memref<32xi32, #tpu.memory_space<vmem>>
      %dma_start3A_603 = arith.constant 0 : i32
      %dma_start3A_604 = arith.constant 0 : i32
      %dma_start3A_605 = tpu.memref_slice %arg2[%dma_start3A_603, %dma_start3A_604] : memref<10000x128xi32, #tpu.memory_space<hbm>> -> memref<10000x128xi32, #tpu.memory_space<hbm>>
      tpu.enqueue_indirect_dma source(%dma_start3A_605 : memref<10000x128xi32, #tpu.memory_space<hbm>>) target(%dma_start3A_600 : memref<32x128xi32, #tpu.memory_space<vmem>>) offsets(%dma_start3A_602 : memref<32xi32, #tpu.memory_space<vmem>>) semaphore(%arg17 : memref<!tpu.dma_semaphore, #tpu.memory_space<semaphore_mem>>)
      %dma_start3A_606 = arith.constant 2 : i32
      %dma_start3A_607 = arith.constant 64 : i32
      %dma_start3A_608 = arith.constant 0 : i32
      %dma_start3A_609 = tpu.memref_slice %arg12[%dma_start3A_607, %dma_start3A_608] : memref<96x128xi32, #tpu.memory_space<vmem>> -> memref<32x128xi32, #tpu.memory_space<vmem>>
      %dma_start3A_610 = tpu.memref_slice %arg10[%dma_start3A_606, %mul3A_587] : memref<8x128xi32, #tpu.memory_space<vmem>> -> memref<1x32xi32, #tpu.memory_space<vmem>>
      %dma_start3A_611 = tpu.memref_squeeze %dma_start3A_610 : memref<1x32xi32, #tpu.memory_space<vmem>> -> memref<32xi32, #tpu.memory_space<vmem>>
      %dma_start3A_612 = arith.constant 0 : i32
      %dma_start3A_613 = arith.constant 0 : i32
      %dma_start3A_614 = tpu.memref_slice %arg2[%dma_start3A_612, %dma_start3A_613] : memref<10000x128xi32, #tpu.memory_space<hbm>> -> memref<10000x128xi32, #tpu.memory_space<hbm>>
      tpu.enqueue_indirect_dma source(%dma_start3A_614 : memref<10000x128xi32, #tpu.memory_space<hbm>>) target(%dma_start3A_609 : memref<32x128xi32, #tpu.memory_space<vmem>>) offsets(%dma_start3A_611 : memref<32xi32, #tpu.memory_space<vmem>>) semaphore(%arg17 : memref<!tpu.dma_semaphore, #tpu.memory_space<semaphore_mem>>)
      %dma_wait3A_615 = arith.constant 0 : i32
      %dma_wait3A_616 = arith.constant 0 : i32
      %dma_wait3A_617 = arith.constant 0 : i32
      %dma_wait3A_618 = tpu.memref_slice %arg13[%dma_wait3A_616, %dma_wait3A_617] : memref<96x128xi32, #tpu.memory_space<vmem>> -> memref<32x128xi32, #tpu.memory_space<vmem>>
      %dma_wait3A_619 = arith.constant 0 : i32
      %dma_wait3A_620 = tpu.memref_slice %arg11[%dma_wait3A_615, %dma_wait3A_619] : memref<8x128xi32, #tpu.memory_space<vmem>> -> memref<1x32xi32, #tpu.memory_space<vmem>>
      %dma_wait3A_621 = tpu.memref_squeeze %dma_wait3A_620 : memref<1x32xi32, #tpu.memory_space<vmem>> -> memref<32xi32, #tpu.memory_space<vmem>>
      %dma_wait3A_622 = arith.constant 0 : i32
      %dma_wait3A_623 = arith.constant 0 : i32
      %dma_wait3A_624 = tpu.memref_slice %arg2[%dma_wait3A_622, %dma_wait3A_623] : memref<10000x128xi32, #tpu.memory_space<hbm>> -> memref<10000x128xi32, #tpu.memory_space<hbm>>
      tpu.wait_indirect_dma semaphore(%arg18 : memref<!tpu.dma_semaphore, #tpu.memory_space<semaphore_mem>>) src(%dma_wait3A_624 : memref<10000x128xi32, #tpu.memory_space<hbm>>) dst(%dma_wait3A_618 : memref<32x128xi32, #tpu.memory_space<vmem>>)
      %dma_wait3A_625 = arith.constant 1 : i32
      %dma_wait3A_626 = arith.constant 32 : i32
      %dma_wait3A_627 = arith.constant 0 : i32
      %dma_wait3A_628 = tpu.memref_slice %arg13[%dma_wait3A_626, %dma_wait3A_627] : memref<96x128xi32, #tpu.memory_space<vmem>> -> memref<32x128xi32, #tpu.memory_space<vmem>>
      %dma_wait3A_629 = arith.constant 0 : i32
      %dma_wait3A_630 = tpu.memref_slice %arg11[%dma_wait3A_625, %dma_wait3A_629] : memref<8x128xi32, #tpu.memory_space<vmem>> -> memref<1x32xi32, #tpu.memory_space<vmem>>
      %dma_wait3A_631 = tpu.memref_squeeze %dma_wait3A_630 : memref<1x32xi32, #tpu.memory_space<vmem>> -> memref<32xi32, #tpu.memory_space<vmem>>
      %dma_wait3A_632 = arith.constant 0 : i32
      %dma_wait3A_633 = arith.constant 0 : i32
      %dma_wait3A_634 = tpu.memref_slice %arg2[%dma_wait3A_632, %dma_wait3A_633] : memref<10000x128xi32, #tpu.memory_space<hbm>> -> memref<10000x128xi32, #tpu.memory_space<hbm>>
      tpu.wait_indirect_dma semaphore(%arg18 : memref<!tpu.dma_semaphore, #tpu.memory_space<semaphore_mem>>) src(%dma_wait3A_634 : memref<10000x128xi32, #tpu.memory_space<hbm>>) dst(%dma_wait3A_628 : memref<32x128xi32, #tpu.memory_space<vmem>>)
      %dma_wait3A_635 = arith.constant 2 : i32
      %dma_wait3A_636 = arith.constant 64 : i32
      %dma_wait3A_637 = arith.constant 0 : i32
      %dma_wait3A_638 = tpu.memref_slice %arg13[%dma_wait3A_636, %dma_wait3A_637] : memref<96x128xi32, #tpu.memory_space<vmem>> -> memref<32x128xi32, #tpu.memory_space<vmem>>
      %dma_wait3A_639 = arith.constant 0 : i32
      %dma_wait3A_640 = tpu.memref_slice %arg11[%dma_wait3A_635, %dma_wait3A_639] : memref<8x128xi32, #tpu.memory_space<vmem>> -> memref<1x32xi32, #tpu.memory_space<vmem>>
      %dma_wait3A_641 = tpu.memref_squeeze %dma_wait3A_640 : memref<1x32xi32, #tpu.memory_space<vmem>> -> memref<32xi32, #tpu.memory_space<vmem>>
      %dma_wait3A_642 = arith.constant 0 : i32
      %dma_wait3A_643 = arith.constant 0 : i32
      %dma_wait3A_644 = tpu.memref_slice %arg2[%dma_wait3A_642, %dma_wait3A_643] : memref<10000x128xi32, #tpu.memory_space<hbm>> -> memref<10000x128xi32, #tpu.memory_space<hbm>>
      tpu.wait_indirect_dma semaphore(%arg18 : memref<!tpu.dma_semaphore, #tpu.memory_space<semaphore_mem>>) src(%dma_wait3A_644 : memref<10000x128xi32, #tpu.memory_space<hbm>>) dst(%dma_wait3A_638 : memref<32x128xi32, #tpu.memory_space<vmem>>)
      %mul3A_645 = arith.constant 2 : i32
      %mul3A_646 = arith.muli %mul3A_645, %while3A_177 : i32
      %add3A_647 = arith.constant 1 : i32
      %add3A_648 = arith.addi %mul3A_646, %add3A_647 : i32
      %jit3A_649 = arith.constant 4 : i32
      %eq3A_650 = arith.constant 0 : i32
      %eq3A_651 = arith.cmpi eq, %jit3A_649, %eq3A_650 : i32
      %jit3A_652 = arith.constant 1 : i32
      %select_n3A_653 = arith.select %eq3A_651, %jit3A_652, %jit3A_649 : i32
      %rem3A_654 = arith.remsi %add3A_648, %select_n3A_653 : i32
      %ne3A_655 = arith.constant 0 : i32
      %ne3A_656 = arith.cmpi ne, %rem3A_654, %ne3A_655 : i32
      %lt3A_657 = arith.constant 0 : i32
      %lt3A_658 = arith.cmpi slt, %rem3A_654, %lt3A_657 : i32
      %lt3A_659 = arith.constant 0 : i32
      %lt3A_660 = arith.cmpi slt, %select_n3A_653, %lt3A_659 : i32
      %ne3A_661 = arith.xori %lt3A_658, %lt3A_660 : i1
      %and3A_662 = arith.andi %ne3A_661, %ne3A_656 : i1
      %add3A_663 = arith.addi %rem3A_654, %select_n3A_653 : i32
      %select_n3A_664 = arith.select %and3A_662, %add3A_663, %rem3A_654 : i32
      %mul3A_665 = arith.constant 32 : i32
      %mul3A_666 = arith.muli %select_n3A_664, %mul3A_665 : i32
      %add3A_667 = arith.constant 0 : i32
      %add3A_668 = arith.addi %mul3A_666, %add3A_667 : i32
      %get3A_669 = arith.constant 0 : i32
      %get3A_670 = arith.index_cast %get3A_669 : i32 to index
      %get3A_671 = arith.index_cast %add3A_668 : i32 to index
      %get3A_672 = tpu.vector_load %arg11[%get3A_670, %get3A_671] {strides = array<i32>} : memref<8x128xi32, #tpu.memory_space<vmem>>, vector<16xi32>,
      %add3A_673 = arith.constant 0 : i32
      %add3A_674 = arith.addi %mul3A_666, %add3A_673 : i32
      %get3A_675 = arith.constant 1 : i32
      %get3A_676 = arith.index_cast %get3A_675 : i32 to index
      %get3A_677 = arith.index_cast %add3A_674 : i32 to index
      %get3A_678 = tpu.vector_load %arg11[%get3A_676, %get3A_677] {strides = array<i32>} : memref<8x128xi32, #tpu.memory_space<vmem>>, vector<16xi32>,
      %add3A_679 = arith.constant 0 : i32
      %add3A_680 = arith.addi %mul3A_666, %add3A_679 : i32
      %get3A_681 = arith.constant 2 : i32
      %get3A_682 = arith.index_cast %get3A_681 : i32 to index
      %get3A_683 = arith.index_cast %add3A_680 : i32 to index
      %get3A_684 = tpu.vector_load %arg11[%get3A_682, %get3A_683] {strides = array<i32>} : memref<8x128xi32, #tpu.memory_space<vmem>>, vector<16xi32>,
      %mul3A_685 = arith.constant 2 : i32
      %mul3A_686 = vector.broadcast %mul3A_685 : i32 to vector<16xi32>
      %mul3A_687 = arith.muli %get3A_672, %mul3A_686 : vector<16xi32>
      %mul3A_688 = arith.constant 2 : i32
      %mul3A_689 = vector.broadcast %mul3A_688 : i32 to vector<16xi32>
      %mul3A_690 = arith.muli %get3A_678, %mul3A_689 : vector<16xi32>
      %mul3A_691 = arith.constant 2 : i32
      %mul3A_692 = vector.broadcast %mul3A_691 : i32 to vector<16xi32>
      %mul3A_693 = arith.muli %get3A_684, %mul3A_692 : vector<16xi32>
      %gather3A_694 = tpu.vector_load_idx %arg8[%mul3A_687] : memref<20000xf32, #tpu.memory_space<vmem>>[vector<16xi32>], vector<16xf32>,
      %add3A_695 = arith.constant 1 : i32
      %add3A_696 = vector.broadcast %add3A_695 : i32 to vector<16xi32>
      %add3A_697 = arith.addi %mul3A_687, %add3A_696 : vector<16xi32>
      %gather3A_698 = tpu.vector_load_idx %arg8[%add3A_697] : memref<20000xf32, #tpu.memory_space<vmem>>[vector<16xi32>], vector<16xf32>,
      %gather3A_699 = tpu.vector_load_idx %arg8[%mul3A_690] : memref<20000xf32, #tpu.memory_space<vmem>>[vector<16xi32>], vector<16xf32>,
      %add3A_700 = arith.constant 1 : i32
      %add3A_701 = vector.broadcast %add3A_700 : i32 to vector<16xi32>
      %add3A_702 = arith.addi %mul3A_690, %add3A_701 : vector<16xi32>
      %gather3A_703 = tpu.vector_load_idx %arg8[%add3A_702] : memref<20000xf32, #tpu.memory_space<vmem>>[vector<16xi32>], vector<16xf32>,
      %gather3A_704 = tpu.vector_load_idx %arg8[%mul3A_693] : memref<20000xf32, #tpu.memory_space<vmem>>[vector<16xi32>], vector<16xf32>,
      %add3A_705 = arith.constant 1 : i32
      %add3A_706 = vector.broadcast %add3A_705 : i32 to vector<16xi32>
      %add3A_707 = arith.addi %mul3A_693, %add3A_706 : vector<16xi32>
      %gather3A_708 = tpu.vector_load_idx %arg8[%add3A_707] : memref<20000xf32, #tpu.memory_space<vmem>>[vector<16xi32>], vector<16xf32>,
      %sub3A_709 = arith.subf %gather3A_699, %gather3A_694 : vector<16xf32>
      %sub3A_710 = arith.subf %gather3A_703, %gather3A_698 : vector<16xf32>
      %sub3A_711 = arith.subf %gather3A_704, %gather3A_694 : vector<16xf32>
      %sub3A_712 = arith.subf %gather3A_708, %gather3A_698 : vector<16xf32>
      %mul3A_713 = arith.mulf %sub3A_709, %sub3A_712 : vector<16xf32>
      %mul3A_714 = arith.mulf %sub3A_710, %sub3A_711 : vector<16xf32>
      %sub3A_715 = arith.subf %mul3A_713, %mul3A_714 : vector<16xf32>
      %mul3A_716 = arith.mulf %sub3A_709, %sub3A_709 : vector<16xf32>
      %mul3A_717 = arith.mulf %sub3A_710, %sub3A_710 : vector<16xf32>
      %add3A_718 = arith.addf %mul3A_716, %mul3A_717 : vector<16xf32>
      %mul3A_719 = arith.mulf %sub3A_709, %sub3A_711 : vector<16xf32>
      %mul3A_720 = arith.mulf %sub3A_710, %sub3A_712 : vector<16xf32>
      %add3A_721 = arith.addf %mul3A_719, %mul3A_720 : vector<16xf32>
      %mul3A_722 = arith.mulf %sub3A_711, %sub3A_711 : vector<16xf32>
      %mul3A_723 = arith.mulf %sub3A_712, %sub3A_712 : vector<16xf32>
      %add3A_724 = arith.addf %mul3A_722, %mul3A_723 : vector<16xf32>
      %div3A_725 = vector.broadcast %squeeze3A_63 : f32 to vector<16xf32>
      %div3A_726 = arith.divf %div3A_725, %sub3A_715 : vector<16xf32>
      %gather3A_727 = tpu.vector_load_idx %arg9[%get3A_672] : memref<10000xf32, #tpu.memory_space<vmem>>[vector<16xi32>], vector<16xf32>,
      %gather3A_728 = tpu.vector_load_idx %arg9[%get3A_678] : memref<10000xf32, #tpu.memory_space<vmem>>[vector<16xi32>], vector<16xf32>,
      %gather3A_729 = tpu.vector_load_idx %arg9[%get3A_684] : memref<10000xf32, #tpu.memory_space<vmem>>[vector<16xi32>], vector<16xf32>,
      %mul3A_730 = vector.broadcast %squeeze3A : f32 to vector<16xf32>
      %mul3A_731 = arith.mulf %sub3A_715, %mul3A_730 : vector<16xf32>
      %mul3A_732 = arith.constant 2.000000e+00 : f32
      %mul3A_733 = vector.broadcast %mul3A_732 : f32 to vector<16xf32>
      %mul3A_734 = arith.mulf %mul3A_733, %add3A_721 : vector<16xf32>
      %sub3A_735 = arith.subf %add3A_718, %mul3A_734 : vector<16xf32>
      %add3A_736 = arith.addf %sub3A_735, %add3A_724 : vector<16xf32>
      %mul3A_737 = arith.mulf %div3A_726, %add3A_736 : vector<16xf32>
      %add3A_738 = arith.addf %mul3A_731, %mul3A_737 : vector<16xf32>
      %mul3A_739 = arith.mulf %add3A_738, %gather3A_727 : vector<16xf32>
      %mul3A_740 = vector.broadcast %squeeze3A_53 : f32 to vector<16xf32>
      %mul3A_741 = arith.mulf %sub3A_715, %mul3A_740 : vector<16xf32>
      %mul3A_742 = arith.mulf %div3A_726, %add3A_724 : vector<16xf32>
      %add3A_743 = arith.addf %mul3A_741, %mul3A_742 : vector<16xf32>
      %mul3A_744 = arith.mulf %add3A_743, %gather3A_728 : vector<16xf32>
      %add3A_745 = arith.addf %mul3A_739, %mul3A_744 : vector<16xf32>
      %mul3A_746 = vector.broadcast %squeeze3A_55 : f32 to vector<16xf32>
      %mul3A_747 = arith.mulf %sub3A_715, %mul3A_746 : vector<16xf32>
      %mul3A_748 = arith.mulf %div3A_726, %add3A_718 : vector<16xf32>
      %add3A_749 = arith.addf %mul3A_747, %mul3A_748 : vector<16xf32>
      %mul3A_750 = arith.mulf %add3A_749, %gather3A_729 : vector<16xf32>
      %add3A_751 = arith.addf %add3A_745, %mul3A_750 : vector<16xf32>
      %add3A_752 = arith.addf %parallel_loop3A_539, %add3A_751 : vector<16xf32>
      %mul3A_753 = vector.broadcast %squeeze3A_57 : f32 to vector<16xf32>
      %mul3A_754 = arith.mulf %sub3A_715, %mul3A_753 : vector<16xf32>
      %sub3A_755 = arith.subf %add3A_724, %add3A_721 : vector<16xf32>
      %mul3A_756 = arith.mulf %div3A_726, %sub3A_755 : vector<16xf32>
      %sub3A_757 = arith.subf %mul3A_754, %mul3A_756 : vector<16xf32>
      %mul3A_758 = arith.constant 2.000000e+00 : f32
      %mul3A_759 = vector.broadcast %mul3A_758 : f32 to vector<16xf32>
      %mul3A_760 = arith.mulf %mul3A_759, %sub3A_757 : vector<16xf32>
      %swap3A_761 = arith.constant 0 : index
      %swap3A_762 = tpu.vector_load %arg14[%swap3A_761] {strides = array<i32>} : memref<48xf32, #tpu.memory_space<vmem>>, vector<16xf32>,
      tpu.vector_store %arg14[%swap3A_761], %mul3A_760 {strides = array<i32>} : memref<48xf32, #tpu.memory_space<vmem>>, vector<16xf32>,
      %mul3A_763 = vector.broadcast %squeeze3A_59 : f32 to vector<16xf32>
      %mul3A_764 = arith.mulf %sub3A_715, %mul3A_763 : vector<16xf32>
      %sub3A_765 = arith.subf %add3A_718, %add3A_721 : vector<16xf32>
      %mul3A_766 = arith.mulf %div3A_726, %sub3A_765 : vector<16xf32>
      %sub3A_767 = arith.subf %mul3A_764, %mul3A_766 : vector<16xf32>
      %mul3A_768 = arith.constant 2.000000e+00 : f32
      %mul3A_769 = vector.broadcast %mul3A_768 : f32 to vector<16xf32>
      %mul3A_770 = arith.mulf %mul3A_769, %sub3A_767 : vector<16xf32>
      %swap3A_771 = arith.constant 16 : index
      %swap3A_772 = tpu.vector_load %arg14[%swap3A_771] {strides = array<i32>} : memref<48xf32, #tpu.memory_space<vmem>>, vector<16xf32>,
      tpu.vector_store %arg14[%swap3A_771], %mul3A_770 {strides = array<i32>} : memref<48xf32, #tpu.memory_space<vmem>>, vector<16xf32>,
      %mul3A_773 = vector.broadcast %squeeze3A_61 : f32 to vector<16xf32>
      %mul3A_774 = arith.mulf %sub3A_715, %mul3A_773 : vector<16xf32>
      %mul3A_775 = arith.mulf %div3A_726, %add3A_721 : vector<16xf32>
      %sub3A_776 = arith.subf %mul3A_774, %mul3A_775 : vector<16xf32>
      %mul3A_777 = arith.constant 2.000000e+00 : f32
      %mul3A_778 = vector.broadcast %mul3A_777 : f32 to vector<16xf32>
      %mul3A_779 = arith.mulf %mul3A_778, %sub3A_776 : vector<16xf32>
      %swap3A_780 = arith.constant 32 : index
      %swap3A_781 = tpu.vector_load %arg14[%swap3A_780] {strides = array<i32>} : memref<48xf32, #tpu.memory_space<vmem>>, vector<16xf32>,
      tpu.vector_store %arg14[%swap3A_780], %mul3A_779 {strides = array<i32>} : memref<48xf32, #tpu.memory_space<vmem>>, vector<16xf32>,
      %parallel_loop3A_782 = arith.constant 0 : i32
      %parallel_loop3A_783 = arith.constant 16 : i32
      %parallel_loop3A_784 = arith.constant 1 : i32
      %parallel_loop3A_785 = scf.for %parallel_loop3A_905 = %parallel_loop3A_782 to %parallel_loop3A_783 step %parallel_loop3A_784 iter_args(%parallel_loop3A_906 = %add3A_752) -> (vector<16xf32>)  : i32 {
        %parallel_loop3A_907 = arith.constant 0 : i32
        %parallel_loop3A_908 = arith.addi %parallel_loop3A_907, %parallel_loop3A_905 : i32
        %parallel_loop3A_909 = arith.index_cast %parallel_loop3A_908 : i32 to index
        %parallel_loop3A_910 = arith.constant 0 : index
        %parallel_loop3A_911 = tpu.vector_load %arg13[%parallel_loop3A_909, %parallel_loop3A_910] {strides = array<i32>} : memref<96x128xi32, #tpu.memory_space<vmem>>, vector<16xi32>,
        %parallel_loop3A_912 = vector.bitcast %parallel_loop3A_911 : vector<16xi32> to vector<32xbf16>
        %parallel_loop3A_913 = arith.constant 32 : i32
        %parallel_loop3A_914 = arith.addi %parallel_loop3A_908, %parallel_loop3A_913 : i32
        %parallel_loop3A_915 = arith.index_cast %parallel_loop3A_914 : i32 to index
        %parallel_loop3A_916 = arith.constant 0 : index
        %parallel_loop3A_917 = tpu.vector_load %arg13[%parallel_loop3A_915, %parallel_loop3A_916] {strides = array<i32>} : memref<96x128xi32, #tpu.memory_space<vmem>>, vector<16xi32>,
        %parallel_loop3A_918 = vector.bitcast %parallel_loop3A_917 : vector<16xi32> to vector<32xbf16>
        %parallel_loop3A_919 = arith.constant 64 : i32
        %parallel_loop3A_920 = arith.addi %parallel_loop3A_908, %parallel_loop3A_919 : i32
        %parallel_loop3A_921 = arith.index_cast %parallel_loop3A_920 : i32 to index
        %parallel_loop3A_922 = arith.constant 0 : index
        %parallel_loop3A_923 = tpu.vector_load %arg13[%parallel_loop3A_921, %parallel_loop3A_922] {strides = array<i32>} : memref<96x128xi32, #tpu.memory_space<vmem>>, vector<16xi32>,
        %parallel_loop3A_924 = vector.bitcast %parallel_loop3A_923 : vector<16xi32> to vector<32xbf16>
        %parallel_loop3A_925 = arith.mulf %parallel_loop3A_912, %parallel_loop3A_918 : vector<32xbf16>
        %parallel_loop3A_926 = arith.mulf %parallel_loop3A_912, %parallel_loop3A_924 : vector<32xbf16>
        %parallel_loop3A_927 = arith.mulf %parallel_loop3A_918, %parallel_loop3A_924 : vector<32xbf16>
        %parallel_loop3A_928 = arith.index_cast %parallel_loop3A_908 : i32 to index
        %parallel_loop3A_929 = arith.constant 16 : index
        %parallel_loop3A_930 = tpu.vector_load %arg13[%parallel_loop3A_928, %parallel_loop3A_929] {strides = array<i32>} : memref<96x128xi32, #tpu.memory_space<vmem>>, vector<16xi32>,
        %parallel_loop3A_931 = vector.bitcast %parallel_loop3A_930 : vector<16xi32> to vector<32xbf16>
        %parallel_loop3A_932 = arith.constant 32 : i32
        %parallel_loop3A_933 = arith.addi %parallel_loop3A_908, %parallel_loop3A_932 : i32
        %parallel_loop3A_934 = arith.index_cast %parallel_loop3A_933 : i32 to index
        %parallel_loop3A_935 = arith.constant 16 : index
        %parallel_loop3A_936 = tpu.vector_load %arg13[%parallel_loop3A_934, %parallel_loop3A_935] {strides = array<i32>} : memref<96x128xi32, #tpu.memory_space<vmem>>, vector<16xi32>,
        %parallel_loop3A_937 = vector.bitcast %parallel_loop3A_936 : vector<16xi32> to vector<32xbf16>
        %parallel_loop3A_938 = arith.constant 64 : i32
        %parallel_loop3A_939 = arith.addi %parallel_loop3A_908, %parallel_loop3A_938 : i32
        %parallel_loop3A_940 = arith.index_cast %parallel_loop3A_939 : i32 to index
        %parallel_loop3A_941 = arith.constant 16 : index
        %parallel_loop3A_942 = tpu.vector_load %arg13[%parallel_loop3A_940, %parallel_loop3A_941] {strides = array<i32>} : memref<96x128xi32, #tpu.memory_space<vmem>>, vector<16xi32>,
        %parallel_loop3A_943 = vector.bitcast %parallel_loop3A_942 : vector<16xi32> to vector<32xbf16>
        %parallel_loop3A_944 = arith.mulf %parallel_loop3A_931, %parallel_loop3A_937 : vector<32xbf16>
        %parallel_loop3A_945 = arith.addf %parallel_loop3A_925, %parallel_loop3A_944 : vector<32xbf16>
        %parallel_loop3A_946 = arith.mulf %parallel_loop3A_931, %parallel_loop3A_943 : vector<32xbf16>
        %parallel_loop3A_947 = arith.addf %parallel_loop3A_926, %parallel_loop3A_946 : vector<32xbf16>
        %parallel_loop3A_948 = arith.mulf %parallel_loop3A_937, %parallel_loop3A_943 : vector<32xbf16>
        %parallel_loop3A_949 = arith.addf %parallel_loop3A_927, %parallel_loop3A_948 : vector<32xbf16>
        %parallel_loop3A_950 = arith.index_cast %parallel_loop3A_908 : i32 to index
        %parallel_loop3A_951 = arith.constant 32 : index
        %parallel_loop3A_952 = tpu.vector_load %arg13[%parallel_loop3A_950, %parallel_loop3A_951] {strides = array<i32>} : memref<96x128xi32, #tpu.memory_space<vmem>>, vector<16xi32>,
        %parallel_loop3A_953 = vector.bitcast %parallel_loop3A_952 : vector<16xi32> to vector<32xbf16>
        %parallel_loop3A_954 = arith.constant 32 : i32
        %parallel_loop3A_955 = arith.addi %parallel_loop3A_908, %parallel_loop3A_954 : i32
        %parallel_loop3A_956 = arith.index_cast %parallel_loop3A_955 : i32 to index
        %parallel_loop3A_957 = arith.constant 32 : index
        %parallel_loop3A_958 = tpu.vector_load %arg13[%parallel_loop3A_956, %parallel_loop3A_957] {strides = array<i32>} : memref<96x128xi32, #tpu.memory_space<vmem>>, vector<16xi32>,
        %parallel_loop3A_959 = vector.bitcast %parallel_loop3A_958 : vector<16xi32> to vector<32xbf16>
        %parallel_loop3A_960 = arith.constant 64 : i32
        %parallel_loop3A_961 = arith.addi %parallel_loop3A_908, %parallel_loop3A_960 : i32
        %parallel_loop3A_962 = arith.index_cast %parallel_loop3A_961 : i32 to index
        %parallel_loop3A_963 = arith.constant 32 : index
        %parallel_loop3A_964 = tpu.vector_load %arg13[%parallel_loop3A_962, %parallel_loop3A_963] {strides = array<i32>} : memref<96x128xi32, #tpu.memory_space<vmem>>, vector<16xi32>,
        %parallel_loop3A_965 = vector.bitcast %parallel_loop3A_964 : vector<16xi32> to vector<32xbf16>
        %parallel_loop3A_966 = arith.mulf %parallel_loop3A_953, %parallel_loop3A_959 : vector<32xbf16>
        %parallel_loop3A_967 = arith.addf %parallel_loop3A_945, %parallel_loop3A_966 : vector<32xbf16>
        %parallel_loop3A_968 = arith.mulf %parallel_loop3A_953, %parallel_loop3A_965 : vector<32xbf16>
        %parallel_loop3A_969 = arith.addf %parallel_loop3A_947, %parallel_loop3A_968 : vector<32xbf16>
        %parallel_loop3A_970 = arith.mulf %parallel_loop3A_959, %parallel_loop3A_965 : vector<32xbf16>
        %parallel_loop3A_971 = arith.addf %parallel_loop3A_949, %parallel_loop3A_970 : vector<32xbf16>
        %parallel_loop3A_972 = arith.index_cast %parallel_loop3A_908 : i32 to index
        %parallel_loop3A_973 = arith.constant 48 : index
        %parallel_loop3A_974 = tpu.vector_load %arg13[%parallel_loop3A_972, %parallel_loop3A_973] {strides = array<i32>} : memref<96x128xi32, #tpu.memory_space<vmem>>, vector<16xi32>,
        %parallel_loop3A_975 = vector.bitcast %parallel_loop3A_974 : vector<16xi32> to vector<32xbf16>
        %parallel_loop3A_976 = arith.constant 32 : i32
        %parallel_loop3A_977 = arith.addi %parallel_loop3A_908, %parallel_loop3A_976 : i32
        %parallel_loop3A_978 = arith.index_cast %parallel_loop3A_977 : i32 to index
        %parallel_loop3A_979 = arith.constant 48 : index
        %parallel_loop3A_980 = tpu.vector_load %arg13[%parallel_loop3A_978, %parallel_loop3A_979] {strides = array<i32>} : memref<96x128xi32, #tpu.memory_space<vmem>>, vector<16xi32>,
        %parallel_loop3A_981 = vector.bitcast %parallel_loop3A_980 : vector<16xi32> to vector<32xbf16>
        %parallel_loop3A_982 = arith.constant 64 : i32
        %parallel_loop3A_983 = arith.addi %parallel_loop3A_908, %parallel_loop3A_982 : i32
        %parallel_loop3A_984 = arith.index_cast %parallel_loop3A_983 : i32 to index
        %parallel_loop3A_985 = arith.constant 48 : index
        %parallel_loop3A_986 = tpu.vector_load %arg13[%parallel_loop3A_984, %parallel_loop3A_985] {strides = array<i32>} : memref<96x128xi32, #tpu.memory_space<vmem>>, vector<16xi32>,
        %parallel_loop3A_987 = vector.bitcast %parallel_loop3A_986 : vector<16xi32> to vector<32xbf16>
        %parallel_loop3A_988 = arith.mulf %parallel_loop3A_975, %parallel_loop3A_981 : vector<32xbf16>
        %parallel_loop3A_989 = arith.addf %parallel_loop3A_967, %parallel_loop3A_988 : vector<32xbf16>
        %parallel_loop3A_990 = arith.mulf %parallel_loop3A_975, %parallel_loop3A_987 : vector<32xbf16>
        %parallel_loop3A_991 = arith.addf %parallel_loop3A_969, %parallel_loop3A_990 : vector<32xbf16>
        %parallel_loop3A_992 = arith.mulf %parallel_loop3A_981, %parallel_loop3A_987 : vector<32xbf16>
        %parallel_loop3A_993 = arith.addf %parallel_loop3A_971, %parallel_loop3A_992 : vector<32xbf16>
        %parallel_loop3A_994 = arith.index_cast %parallel_loop3A_908 : i32 to index
        %parallel_loop3A_995 = arith.constant 64 : index
        %parallel_loop3A_996 = tpu.vector_load %arg13[%parallel_loop3A_994, %parallel_loop3A_995] {strides = array<i32>} : memref<96x128xi32, #tpu.memory_space<vmem>>, vector<16xi32>,
        %parallel_loop3A_997 = vector.bitcast %parallel_loop3A_996 : vector<16xi32> to vector<32xbf16>
        %parallel_loop3A_998 = arith.constant 32 : i32
        %parallel_loop3A_999 = arith.addi %parallel_loop3A_908, %parallel_loop3A_998 : i32
        %parallel_loop3A_1000 = arith.index_cast %parallel_loop3A_999 : i32 to index
        %parallel_loop3A_1001 = arith.constant 64 : index
        %parallel_loop3A_1002 = tpu.vector_load %arg13[%parallel_loop3A_1000, %parallel_loop3A_1001] {strides = array<i32>} : memref<96x128xi32, #tpu.memory_space<vmem>>, vector<16xi32>,
        %parallel_loop3A_1003 = vector.bitcast %parallel_loop3A_1002 : vector<16xi32> to vector<32xbf16>
        %parallel_loop3A_1004 = arith.constant 64 : i32
        %parallel_loop3A_1005 = arith.addi %parallel_loop3A_908, %parallel_loop3A_1004 : i32
        %parallel_loop3A_1006 = arith.index_cast %parallel_loop3A_1005 : i32 to index
        %parallel_loop3A_1007 = arith.constant 64 : index
        %parallel_loop3A_1008 = tpu.vector_load %arg13[%parallel_loop3A_1006, %parallel_loop3A_1007] {strides = array<i32>} : memref<96x128xi32, #tpu.memory_space<vmem>>, vector<16xi32>,
        %parallel_loop3A_1009 = vector.bitcast %parallel_loop3A_1008 : vector<16xi32> to vector<32xbf16>
        %parallel_loop3A_1010 = arith.mulf %parallel_loop3A_997, %parallel_loop3A_1003 : vector<32xbf16>
        %parallel_loop3A_1011 = arith.addf %parallel_loop3A_989, %parallel_loop3A_1010 : vector<32xbf16>
        %parallel_loop3A_1012 = arith.mulf %parallel_loop3A_997, %parallel_loop3A_1009 : vector<32xbf16>
        %parallel_loop3A_1013 = arith.addf %parallel_loop3A_991, %parallel_loop3A_1012 : vector<32xbf16>
        %parallel_loop3A_1014 = arith.mulf %parallel_loop3A_1003, %parallel_loop3A_1009 : vector<32xbf16>
        %parallel_loop3A_1015 = arith.addf %parallel_loop3A_993, %parallel_loop3A_1014 : vector<32xbf16>
        %parallel_loop3A_1016 = arith.index_cast %parallel_loop3A_908 : i32 to index
        %parallel_loop3A_1017 = arith.constant 80 : index
        %parallel_loop3A_1018 = tpu.vector_load %arg13[%parallel_loop3A_1016, %parallel_loop3A_1017] {strides = array<i32>} : memref<96x128xi32, #tpu.memory_space<vmem>>, vector<16xi32>,
        %parallel_loop3A_1019 = vector.bitcast %parallel_loop3A_1018 : vector<16xi32> to vector<32xbf16>
        %parallel_loop3A_1020 = arith.constant 32 : i32
        %parallel_loop3A_1021 = arith.addi %parallel_loop3A_908, %parallel_loop3A_1020 : i32
        %parallel_loop3A_1022 = arith.index_cast %parallel_loop3A_1021 : i32 to index
        %parallel_loop3A_1023 = arith.constant 80 : index
        %parallel_loop3A_1024 = tpu.vector_load %arg13[%parallel_loop3A_1022, %parallel_loop3A_1023] {strides = array<i32>} : memref<96x128xi32, #tpu.memory_space<vmem>>, vector<16xi32>,
        %parallel_loop3A_1025 = vector.bitcast %parallel_loop3A_1024 : vector<16xi32> to vector<32xbf16>
        %parallel_loop3A_1026 = arith.constant 64 : i32
        %parallel_loop3A_1027 = arith.addi %parallel_loop3A_908, %parallel_loop3A_1026 : i32
        %parallel_loop3A_1028 = arith.index_cast %parallel_loop3A_1027 : i32 to index
        %parallel_loop3A_1029 = arith.constant 80 : index
        %parallel_loop3A_1030 = tpu.vector_load %arg13[%parallel_loop3A_1028, %parallel_loop3A_1029] {strides = array<i32>} : memref<96x128xi32, #tpu.memory_space<vmem>>, vector<16xi32>,
        %parallel_loop3A_1031 = vector.bitcast %parallel_loop3A_1030 : vector<16xi32> to vector<32xbf16>
        %parallel_loop3A_1032 = arith.mulf %parallel_loop3A_1019, %parallel_loop3A_1025 : vector<32xbf16>
        %parallel_loop3A_1033 = arith.addf %parallel_loop3A_1011, %parallel_loop3A_1032 : vector<32xbf16>
        %parallel_loop3A_1034 = arith.mulf %parallel_loop3A_1019, %parallel_loop3A_1031 : vector<32xbf16>
        %parallel_loop3A_1035 = arith.addf %parallel_loop3A_1013, %parallel_loop3A_1034 : vector<32xbf16>
        %parallel_loop3A_1036 = arith.mulf %parallel_loop3A_1025, %parallel_loop3A_1031 : vector<32xbf16>
        %parallel_loop3A_1037 = arith.addf %parallel_loop3A_1015, %parallel_loop3A_1036 : vector<32xbf16>
        %parallel_loop3A_1038 = arith.index_cast %parallel_loop3A_908 : i32 to index
        %parallel_loop3A_1039 = arith.constant 96 : index
        %parallel_loop3A_1040 = tpu.vector_load %arg13[%parallel_loop3A_1038, %parallel_loop3A_1039] {strides = array<i32>} : memref<96x128xi32, #tpu.memory_space<vmem>>, vector<16xi32>,
        %parallel_loop3A_1041 = vector.bitcast %parallel_loop3A_1040 : vector<16xi32> to vector<32xbf16>
        %parallel_loop3A_1042 = arith.constant 32 : i32
        %parallel_loop3A_1043 = arith.addi %parallel_loop3A_908, %parallel_loop3A_1042 : i32
        %parallel_loop3A_1044 = arith.index_cast %parallel_loop3A_1043 : i32 to index
        %parallel_loop3A_1045 = arith.constant 96 : index
        %parallel_loop3A_1046 = tpu.vector_load %arg13[%parallel_loop3A_1044, %parallel_loop3A_1045] {strides = array<i32>} : memref<96x128xi32, #tpu.memory_space<vmem>>, vector<16xi32>,
        %parallel_loop3A_1047 = vector.bitcast %parallel_loop3A_1046 : vector<16xi32> to vector<32xbf16>
        %parallel_loop3A_1048 = arith.constant 64 : i32
        %parallel_loop3A_1049 = arith.addi %parallel_loop3A_908, %parallel_loop3A_1048 : i32
        %parallel_loop3A_1050 = arith.index_cast %parallel_loop3A_1049 : i32 to index
        %parallel_loop3A_1051 = arith.constant 96 : index
        %parallel_loop3A_1052 = tpu.vector_load %arg13[%parallel_loop3A_1050, %parallel_loop3A_1051] {strides = array<i32>} : memref<96x128xi32, #tpu.memory_space<vmem>>, vector<16xi32>,
        %parallel_loop3A_1053 = vector.bitcast %parallel_loop3A_1052 : vector<16xi32> to vector<32xbf16>
        %parallel_loop3A_1054 = arith.mulf %parallel_loop3A_1041, %parallel_loop3A_1047 : vector<32xbf16>
        %parallel_loop3A_1055 = arith.addf %parallel_loop3A_1033, %parallel_loop3A_1054 : vector<32xbf16>
        %parallel_loop3A_1056 = arith.mulf %parallel_loop3A_1041, %parallel_loop3A_1053 : vector<32xbf16>
        %parallel_loop3A_1057 = arith.addf %parallel_loop3A_1035, %parallel_loop3A_1056 : vector<32xbf16>
        %parallel_loop3A_1058 = arith.mulf %parallel_loop3A_1047, %parallel_loop3A_1053 : vector<32xbf16>
        %parallel_loop3A_1059 = arith.addf %parallel_loop3A_1037, %parallel_loop3A_1058 : vector<32xbf16>
        %parallel_loop3A_1060 = arith.index_cast %parallel_loop3A_908 : i32 to index
        %parallel_loop3A_1061 = arith.constant 112 : index
        %parallel_loop3A_1062 = tpu.vector_load %arg13[%parallel_loop3A_1060, %parallel_loop3A_1061] {strides = array<i32>} : memref<96x128xi32, #tpu.memory_space<vmem>>, vector<16xi32>,
        %parallel_loop3A_1063 = vector.bitcast %parallel_loop3A_1062 : vector<16xi32> to vector<32xbf16>
        %parallel_loop3A_1064 = arith.constant 32 : i32
        %parallel_loop3A_1065 = arith.addi %parallel_loop3A_908, %parallel_loop3A_1064 : i32
        %parallel_loop3A_1066 = arith.index_cast %parallel_loop3A_1065 : i32 to index
        %parallel_loop3A_1067 = arith.constant 112 : index
        %parallel_loop3A_1068 = tpu.vector_load %arg13[%parallel_loop3A_1066, %parallel_loop3A_1067] {strides = array<i32>} : memref<96x128xi32, #tpu.memory_space<vmem>>, vector<16xi32>,
        %parallel_loop3A_1069 = vector.bitcast %parallel_loop3A_1068 : vector<16xi32> to vector<32xbf16>
        %parallel_loop3A_1070 = arith.constant 64 : i32
        %parallel_loop3A_1071 = arith.addi %parallel_loop3A_908, %parallel_loop3A_1070 : i32
        %parallel_loop3A_1072 = arith.index_cast %parallel_loop3A_1071 : i32 to index
        %parallel_loop3A_1073 = arith.constant 112 : index
        %parallel_loop3A_1074 = tpu.vector_load %arg13[%parallel_loop3A_1072, %parallel_loop3A_1073] {strides = array<i32>} : memref<96x128xi32, #tpu.memory_space<vmem>>, vector<16xi32>,
        %parallel_loop3A_1075 = vector.bitcast %parallel_loop3A_1074 : vector<16xi32> to vector<32xbf16>
        %parallel_loop3A_1076 = arith.mulf %parallel_loop3A_1063, %parallel_loop3A_1069 : vector<32xbf16>
        %parallel_loop3A_1077 = arith.addf %parallel_loop3A_1055, %parallel_loop3A_1076 : vector<32xbf16>
        %parallel_loop3A_1078 = arith.mulf %parallel_loop3A_1063, %parallel_loop3A_1075 : vector<32xbf16>
        %parallel_loop3A_1079 = arith.addf %parallel_loop3A_1057, %parallel_loop3A_1078 : vector<32xbf16>
        %parallel_loop3A_1080 = arith.mulf %parallel_loop3A_1069, %parallel_loop3A_1075 : vector<32xbf16>
        %parallel_loop3A_1081 = arith.addf %parallel_loop3A_1059, %parallel_loop3A_1080 : vector<32xbf16>
        %parallel_loop3A_1082 = tpu.unpack_subelements %parallel_loop3A_1077, 0 {pack_format = #tpu.pack_format<interleaved>} : vector<32xbf16> -> vector<16xf32>
        %parallel_loop3A_1083 = tpu.unpack_subelements %parallel_loop3A_1077, 1 {pack_format = #tpu.pack_format<interleaved>} : vector<32xbf16> -> vector<16xf32>
        %parallel_loop3A_1084 = tpu.unpack_subelements %parallel_loop3A_1079, 0 {pack_format = #tpu.pack_format<interleaved>} : vector<32xbf16> -> vector<16xf32>
        %parallel_loop3A_1085 = tpu.unpack_subelements %parallel_loop3A_1079, 1 {pack_format = #tpu.pack_format<interleaved>} : vector<32xbf16> -> vector<16xf32>
        %parallel_loop3A_1086 = tpu.unpack_subelements %parallel_loop3A_1081, 0 {pack_format = #tpu.pack_format<interleaved>} : vector<32xbf16> -> vector<16xf32>
        %parallel_loop3A_1087 = tpu.unpack_subelements %parallel_loop3A_1081, 1 {pack_format = #tpu.pack_format<interleaved>} : vector<32xbf16> -> vector<16xf32>
        %parallel_loop3A_1088 = vector.broadcast %parallel_loop3A_905 : i32 to vector<16xi32>
        %parallel_loop3A_1089 = tpu.vector_load_idx %arg14[%parallel_loop3A_1088] : memref<48xf32, #tpu.memory_space<vmem>>[vector<16xi32>], vector<16xf32>,
        %parallel_loop3A_1090 = arith.constant 16 : i32
        %parallel_loop3A_1091 = vector.broadcast %parallel_loop3A_1090 : i32 to vector<16xi32>
        %parallel_loop3A_1092 = arith.addi %parallel_loop3A_1088, %parallel_loop3A_1091 : vector<16xi32>
        %parallel_loop3A_1093 = tpu.vector_load_idx %arg14[%parallel_loop3A_1092] : memref<48xf32, #tpu.memory_space<vmem>>[vector<16xi32>], vector<16xf32>,
        %parallel_loop3A_1094 = arith.constant 32 : i32
        %parallel_loop3A_1095 = vector.broadcast %parallel_loop3A_1094 : i32 to vector<16xi32>
        %parallel_loop3A_1096 = arith.addi %parallel_loop3A_1088, %parallel_loop3A_1095 : vector<16xi32>
        %parallel_loop3A_1097 = tpu.vector_load_idx %arg14[%parallel_loop3A_1096] : memref<48xf32, #tpu.memory_space<vmem>>[vector<16xi32>], vector<16xf32>,
        %parallel_loop3A_1098 = arith.addf %parallel_loop3A_1082, %parallel_loop3A_1083 : vector<16xf32>
        %parallel_loop3A_1099 = arith.mulf %parallel_loop3A_1089, %parallel_loop3A_1098 : vector<16xf32>
        %parallel_loop3A_1100 = arith.addf %parallel_loop3A_1084, %parallel_loop3A_1085 : vector<16xf32>
        %parallel_loop3A_1101 = arith.mulf %parallel_loop3A_1093, %parallel_loop3A_1100 : vector<16xf32>
        %parallel_loop3A_1102 = arith.addf %parallel_loop3A_1099, %parallel_loop3A_1101 : vector<16xf32>
        %parallel_loop3A_1103 = arith.addf %parallel_loop3A_906, %parallel_loop3A_1102 : vector<16xf32>
        %parallel_loop3A_1104 = arith.addf %parallel_loop3A_1086, %parallel_loop3A_1087 : vector<16xf32>
        %parallel_loop3A_1105 = arith.mulf %parallel_loop3A_1097, %parallel_loop3A_1104 : vector<16xf32>
        %parallel_loop3A_1106 = arith.addf %parallel_loop3A_1103, %parallel_loop3A_1105 : vector<16xf32>
        scf.yield %parallel_loop3A_1106 : vector<16xf32>
      } {sc.loop_unroll_factor = 2 : i64, sc.parallel_access}
      %add3A_786 = arith.constant 16 : i32
      %add3A_787 = arith.addi %mul3A_666, %add3A_786 : i32
      %get3A_788 = arith.constant 0 : i32
      %get3A_789 = arith.index_cast %get3A_788 : i32 to index
      %get3A_790 = arith.index_cast %add3A_787 : i32 to index
      %get3A_791 = tpu.vector_load %arg11[%get3A_789, %get3A_790] {strides = array<i32>} : memref<8x128xi32, #tpu.memory_space<vmem>>, vector<16xi32>,
      %add3A_792 = arith.constant 16 : i32
      %add3A_793 = arith.addi %mul3A_666, %add3A_792 : i32
      %get3A_794 = arith.constant 1 : i32
      %get3A_795 = arith.index_cast %get3A_794 : i32 to index
      %get3A_796 = arith.index_cast %add3A_793 : i32 to index
      %get3A_797 = tpu.vector_load %arg11[%get3A_795, %get3A_796] {strides = array<i32>} : memref<8x128xi32, #tpu.memory_space<vmem>>, vector<16xi32>,
      %add3A_798 = arith.constant 16 : i32
      %add3A_799 = arith.addi %mul3A_666, %add3A_798 : i32
      %get3A_800 = arith.constant 2 : i32
      %get3A_801 = arith.index_cast %get3A_800 : i32 to index
      %get3A_802 = arith.index_cast %add3A_799 : i32 to index
      %get3A_803 = tpu.vector_load %arg11[%get3A_801, %get3A_802] {strides = array<i32>} : memref<8x128xi32, #tpu.memory_space<vmem>>, vector<16xi32>,
      %mul3A_804 = arith.constant 2 : i32
      %mul3A_805 = vector.broadcast %mul3A_804 : i32 to vector<16xi32>
      %mul3A_806 = arith.muli %get3A_791, %mul3A_805 : vector<16xi32>
      %mul3A_807 = arith.constant 2 : i32
      %mul3A_808 = vector.broadcast %mul3A_807 : i32 to vector<16xi32>
      %mul3A_809 = arith.muli %get3A_797, %mul3A_808 : vector<16xi32>
      %mul3A_810 = arith.constant 2 : i32
      %mul3A_811 = vector.broadcast %mul3A_810 : i32 to vector<16xi32>
      %mul3A_812 = arith.muli %get3A_803, %mul3A_811 : vector<16xi32>
      %gather3A_813 = tpu.vector_load_idx %arg8[%mul3A_806] : memref<20000xf32, #tpu.memory_space<vmem>>[vector<16xi32>], vector<16xf32>,
      %add3A_814 = arith.constant 1 : i32
      %add3A_815 = vector.broadcast %add3A_814 : i32 to vector<16xi32>
      %add3A_816 = arith.addi %mul3A_806, %add3A_815 : vector<16xi32>
      %gather3A_817 = tpu.vector_load_idx %arg8[%add3A_816] : memref<20000xf32, #tpu.memory_space<vmem>>[vector<16xi32>], vector<16xf32>,
      %gather3A_818 = tpu.vector_load_idx %arg8[%mul3A_809] : memref<20000xf32, #tpu.memory_space<vmem>>[vector<16xi32>], vector<16xf32>,
      %add3A_819 = arith.constant 1 : i32
      %add3A_820 = vector.broadcast %add3A_819 : i32 to vector<16xi32>
      %add3A_821 = arith.addi %mul3A_809, %add3A_820 : vector<16xi32>
      %gather3A_822 = tpu.vector_load_idx %arg8[%add3A_821] : memref<20000xf32, #tpu.memory_space<vmem>>[vector<16xi32>], vector<16xf32>,
      %gather3A_823 = tpu.vector_load_idx %arg8[%mul3A_812] : memref<20000xf32, #tpu.memory_space<vmem>>[vector<16xi32>], vector<16xf32>,
      %add3A_824 = arith.constant 1 : i32
      %add3A_825 = vector.broadcast %add3A_824 : i32 to vector<16xi32>
      %add3A_826 = arith.addi %mul3A_812, %add3A_825 : vector<16xi32>
      %gather3A_827 = tpu.vector_load_idx %arg8[%add3A_826] : memref<20000xf32, #tpu.memory_space<vmem>>[vector<16xi32>], vector<16xf32>,
      %sub3A_828 = arith.subf %gather3A_818, %gather3A_813 : vector<16xf32>
      %sub3A_829 = arith.subf %gather3A_822, %gather3A_817 : vector<16xf32>
      %sub3A_830 = arith.subf %gather3A_823, %gather3A_813 : vector<16xf32>
      %sub3A_831 = arith.subf %gather3A_827, %gather3A_817 : vector<16xf32>
      %mul3A_832 = arith.mulf %sub3A_828, %sub3A_831 : vector<16xf32>
      %mul3A_833 = arith.mulf %sub3A_829, %sub3A_830 : vector<16xf32>
      %sub3A_834 = arith.subf %mul3A_832, %mul3A_833 : vector<16xf32>
      %mul3A_835 = arith.mulf %sub3A_828, %sub3A_828 : vector<16xf32>
      %mul3A_836 = arith.mulf %sub3A_829, %sub3A_829 : vector<16xf32>
      %add3A_837 = arith.addf %mul3A_835, %mul3A_836 : vector<16xf32>
      %mul3A_838 = arith.mulf %sub3A_828, %sub3A_830 : vector<16xf32>
      %mul3A_839 = arith.mulf %sub3A_829, %sub3A_831 : vector<16xf32>
      %add3A_840 = arith.addf %mul3A_838, %mul3A_839 : vector<16xf32>
      %mul3A_841 = arith.mulf %sub3A_830, %sub3A_830 : vector<16xf32>
      %mul3A_842 = arith.mulf %sub3A_831, %sub3A_831 : vector<16xf32>
      %add3A_843 = arith.addf %mul3A_841, %mul3A_842 : vector<16xf32>
      %div3A_844 = vector.broadcast %squeeze3A_63 : f32 to vector<16xf32>
      %div3A_845 = arith.divf %div3A_844, %sub3A_834 : vector<16xf32>
      %gather3A_846 = tpu.vector_load_idx %arg9[%get3A_791] : memref<10000xf32, #tpu.memory_space<vmem>>[vector<16xi32>], vector<16xf32>,
      %gather3A_847 = tpu.vector_load_idx %arg9[%get3A_797] : memref<10000xf32, #tpu.memory_space<vmem>>[vector<16xi32>], vector<16xf32>,
      %gather3A_848 = tpu.vector_load_idx %arg9[%get3A_803] : memref<10000xf32, #tpu.memory_space<vmem>>[vector<16xi32>], vector<16xf32>,
      %mul3A_849 = vector.broadcast %squeeze3A : f32 to vector<16xf32>
      %mul3A_850 = arith.mulf %sub3A_834, %mul3A_849 : vector<16xf32>
      %mul3A_851 = arith.constant 2.000000e+00 : f32
      %mul3A_852 = vector.broadcast %mul3A_851 : f32 to vector<16xf32>
      %mul3A_853 = arith.mulf %mul3A_852, %add3A_840 : vector<16xf32>
      %sub3A_854 = arith.subf %add3A_837, %mul3A_853 : vector<16xf32>
      %add3A_855 = arith.addf %sub3A_854, %add3A_843 : vector<16xf32>
      %mul3A_856 = arith.mulf %div3A_845, %add3A_855 : vector<16xf32>
      %add3A_857 = arith.addf %mul3A_850, %mul3A_856 : vector<16xf32>
      %mul3A_858 = arith.mulf %add3A_857, %gather3A_846 : vector<16xf32>
      %mul3A_859 = vector.broadcast %squeeze3A_53 : f32 to vector<16xf32>
      %mul3A_860 = arith.mulf %sub3A_834, %mul3A_859 : vector<16xf32>
      %mul3A_861 = arith.mulf %div3A_845, %add3A_843 : vector<16xf32>
      %add3A_862 = arith.addf %mul3A_860, %mul3A_861 : vector<16xf32>
      %mul3A_863 = arith.mulf %add3A_862, %gather3A_847 : vector<16xf32>
      %add3A_864 = arith.addf %mul3A_858, %mul3A_863 : vector<16xf32>
      %mul3A_865 = vector.broadcast %squeeze3A_55 : f32 to vector<16xf32>
      %mul3A_866 = arith.mulf %sub3A_834, %mul3A_865 : vector<16xf32>
      %mul3A_867 = arith.mulf %div3A_845, %add3A_837 : vector<16xf32>
      %add3A_868 = arith.addf %mul3A_866, %mul3A_867 : vector<16xf32>
      %mul3A_869 = arith.mulf %add3A_868, %gather3A_848 : vector<16xf32>
      %add3A_870 = arith.addf %add3A_864, %mul3A_869 : vector<16xf32>
      %add3A_871 = arith.addf %parallel_loop3A_785, %add3A_870 : vector<16xf32>
      %mul3A_872 = vector.broadcast %squeeze3A_57 : f32 to vector<16xf32>
      %mul3A_873 = arith.mulf %sub3A_834, %mul3A_872 : vector<16xf32>
      %sub3A_874 = arith.subf %add3A_843, %add3A_840 : vector<16xf32>
      %mul3A_875 = arith.mulf %div3A_845, %sub3A_874 : vector<16xf32>
      %sub3A_876 = arith.subf %mul3A_873, %mul3A_875 : vector<16xf32>
      %mul3A_877 = arith.constant 2.000000e+00 : f32
      %mul3A_878 = vector.broadcast %mul3A_877 : f32 to vector<16xf32>
      %mul3A_879 = arith.mulf %mul3A_878, %sub3A_876 : vector<16xf32>
      %swap3A_880 = arith.constant 0 : index
      %swap3A_881 = tpu.vector_load %arg14[%swap3A_880] {strides = array<i32>} : memref<48xf32, #tpu.memory_space<vmem>>, vector<16xf32>,
      tpu.vector_store %arg14[%swap3A_880], %mul3A_879 {strides = array<i32>} : memref<48xf32, #tpu.memory_space<vmem>>, vector<16xf32>,
      %mul3A_882 = vector.broadcast %squeeze3A_59 : f32 to vector<16xf32>
      %mul3A_883 = arith.mulf %sub3A_834, %mul3A_882 : vector<16xf32>
      %sub3A_884 = arith.subf %add3A_837, %add3A_840 : vector<16xf32>
      %mul3A_885 = arith.mulf %div3A_845, %sub3A_884 : vector<16xf32>
      %sub3A_886 = arith.subf %mul3A_883, %mul3A_885 : vector<16xf32>
      %mul3A_887 = arith.constant 2.000000e+00 : f32
      %mul3A_888 = vector.broadcast %mul3A_887 : f32 to vector<16xf32>
      %mul3A_889 = arith.mulf %mul3A_888, %sub3A_886 : vector<16xf32>
      %swap3A_890 = arith.constant 16 : index
      %swap3A_891 = tpu.vector_load %arg14[%swap3A_890] {strides = array<i32>} : memref<48xf32, #tpu.memory_space<vmem>>, vector<16xf32>,
      tpu.vector_store %arg14[%swap3A_890], %mul3A_889 {strides = array<i32>} : memref<48xf32, #tpu.memory_space<vmem>>, vector<16xf32>,
      %mul3A_892 = vector.broadcast %squeeze3A_61 : f32 to vector<16xf32>
      %mul3A_893 = arith.mulf %sub3A_834, %mul3A_892 : vector<16xf32>
      %mul3A_894 = arith.mulf %div3A_845, %add3A_840 : vector<16xf32>
      %sub3A_895 = arith.subf %mul3A_893, %mul3A_894 : vector<16xf32>
      %mul3A_896 = arith.constant 2.000000e+00 : f32
      %mul3A_897 = vector.broadcast %mul3A_896 : f32 to vector<16xf32>
      %mul3A_898 = arith.mulf %mul3A_897, %sub3A_895 : vector<16xf32>
      %swap3A_899 = arith.constant 32 : index
      %swap3A_900 = tpu.vector_load %arg14[%swap3A_899] {strides = array<i32>} : memref<48xf32, #tpu.memory_space<vmem>>, vector<16xf32>,
      tpu.vector_store %arg14[%swap3A_899], %mul3A_898 {strides = array<i32>} : memref<48xf32, #tpu.memory_space<vmem>>, vector<16xf32>,
      %parallel_loop3A_901 = arith.constant 0 : i32
      %parallel_loop3A_902 = arith.constant 16 : i32
      %parallel_loop3A_903 = arith.constant 1 : i32
      %parallel_loop3A_904 = scf.for %parallel_loop3A_905 = %parallel_loop3A_901 to %parallel_loop3A_902 step %parallel_loop3A_903 iter_args(%parallel_loop3A_906 = %add3A_871) -> (vector<16xf32>)  : i32 {
        %parallel_loop3A_907 = arith.constant 16 : i32
        %parallel_loop3A_908 = arith.addi %parallel_loop3A_907, %parallel_loop3A_905 : i32
        %parallel_loop3A_909 = arith.index_cast %parallel_loop3A_908 : i32 to index
        %parallel_loop3A_910 = arith.constant 0 : index
        %parallel_loop3A_911 = tpu.vector_load %arg13[%parallel_loop3A_909, %parallel_loop3A_910] {strides = array<i32>} : memref<96x128xi32, #tpu.memory_space<vmem>>, vector<16xi32>,
        %parallel_loop3A_912 = vector.bitcast %parallel_loop3A_911 : vector<16xi32> to vector<32xbf16>
        %parallel_loop3A_913 = arith.constant 32 : i32
        %parallel_loop3A_914 = arith.addi %parallel_loop3A_908, %parallel_loop3A_913 : i32
        %parallel_loop3A_915 = arith.index_cast %parallel_loop3A_914 : i32 to index
        %parallel_loop3A_916 = arith.constant 0 : index
        %parallel_loop3A_917 = tpu.vector_load %arg13[%parallel_loop3A_915, %parallel_loop3A_916] {strides = array<i32>} : memref<96x128xi32, #tpu.memory_space<vmem>>, vector<16xi32>,
        %parallel_loop3A_918 = vector.bitcast %parallel_loop3A_917 : vector<16xi32> to vector<32xbf16>
        %parallel_loop3A_919 = arith.constant 64 : i32
        %parallel_loop3A_920 = arith.addi %parallel_loop3A_908, %parallel_loop3A_919 : i32
        %parallel_loop3A_921 = arith.index_cast %parallel_loop3A_920 : i32 to index
        %parallel_loop3A_922 = arith.constant 0 : index
        %parallel_loop3A_923 = tpu.vector_load %arg13[%parallel_loop3A_921, %parallel_loop3A_922] {strides = array<i32>} : memref<96x128xi32, #tpu.memory_space<vmem>>, vector<16xi32>,
        %parallel_loop3A_924 = vector.bitcast %parallel_loop3A_923 : vector<16xi32> to vector<32xbf16>
        %parallel_loop3A_925 = arith.mulf %parallel_loop3A_912, %parallel_loop3A_918 : vector<32xbf16>
        %parallel_loop3A_926 = arith.mulf %parallel_loop3A_912, %parallel_loop3A_924 : vector<32xbf16>
        %parallel_loop3A_927 = arith.mulf %parallel_loop3A_918, %parallel_loop3A_924 : vector<32xbf16>
        %parallel_loop3A_928 = arith.index_cast %parallel_loop3A_908 : i32 to index
        %parallel_loop3A_929 = arith.constant 16 : index
        %parallel_loop3A_930 = tpu.vector_load %arg13[%parallel_loop3A_928, %parallel_loop3A_929] {strides = array<i32>} : memref<96x128xi32, #tpu.memory_space<vmem>>, vector<16xi32>,
        %parallel_loop3A_931 = vector.bitcast %parallel_loop3A_930 : vector<16xi32> to vector<32xbf16>
        %parallel_loop3A_932 = arith.constant 32 : i32
        %parallel_loop3A_933 = arith.addi %parallel_loop3A_908, %parallel_loop3A_932 : i32
        %parallel_loop3A_934 = arith.index_cast %parallel_loop3A_933 : i32 to index
        %parallel_loop3A_935 = arith.constant 16 : index
        %parallel_loop3A_936 = tpu.vector_load %arg13[%parallel_loop3A_934, %parallel_loop3A_935] {strides = array<i32>} : memref<96x128xi32, #tpu.memory_space<vmem>>, vector<16xi32>,
        %parallel_loop3A_937 = vector.bitcast %parallel_loop3A_936 : vector<16xi32> to vector<32xbf16>
        %parallel_loop3A_938 = arith.constant 64 : i32
        %parallel_loop3A_939 = arith.addi %parallel_loop3A_908, %parallel_loop3A_938 : i32
        %parallel_loop3A_940 = arith.index_cast %parallel_loop3A_939 : i32 to index
        %parallel_loop3A_941 = arith.constant 16 : index
        %parallel_loop3A_942 = tpu.vector_load %arg13[%parallel_loop3A_940, %parallel_loop3A_941] {strides = array<i32>} : memref<96x128xi32, #tpu.memory_space<vmem>>, vector<16xi32>,
        %parallel_loop3A_943 = vector.bitcast %parallel_loop3A_942 : vector<16xi32> to vector<32xbf16>
        %parallel_loop3A_944 = arith.mulf %parallel_loop3A_931, %parallel_loop3A_937 : vector<32xbf16>
        %parallel_loop3A_945 = arith.addf %parallel_loop3A_925, %parallel_loop3A_944 : vector<32xbf16>
        %parallel_loop3A_946 = arith.mulf %parallel_loop3A_931, %parallel_loop3A_943 : vector<32xbf16>
        %parallel_loop3A_947 = arith.addf %parallel_loop3A_926, %parallel_loop3A_946 : vector<32xbf16>
        %parallel_loop3A_948 = arith.mulf %parallel_loop3A_937, %parallel_loop3A_943 : vector<32xbf16>
        %parallel_loop3A_949 = arith.addf %parallel_loop3A_927, %parallel_loop3A_948 : vector<32xbf16>
        %parallel_loop3A_950 = arith.index_cast %parallel_loop3A_908 : i32 to index
        %parallel_loop3A_951 = arith.constant 32 : index
        %parallel_loop3A_952 = tpu.vector_load %arg13[%parallel_loop3A_950, %parallel_loop3A_951] {strides = array<i32>} : memref<96x128xi32, #tpu.memory_space<vmem>>, vector<16xi32>,
        %parallel_loop3A_953 = vector.bitcast %parallel_loop3A_952 : vector<16xi32> to vector<32xbf16>
        %parallel_loop3A_954 = arith.constant 32 : i32
        %parallel_loop3A_955 = arith.addi %parallel_loop3A_908, %parallel_loop3A_954 : i32
        %parallel_loop3A_956 = arith.index_cast %parallel_loop3A_955 : i32 to index
        %parallel_loop3A_957 = arith.constant 32 : index
        %parallel_loop3A_958 = tpu.vector_load %arg13[%parallel_loop3A_956, %parallel_loop3A_957] {strides = array<i32>} : memref<96x128xi32, #tpu.memory_space<vmem>>, vector<16xi32>,
        %parallel_loop3A_959 = vector.bitcast %parallel_loop3A_958 : vector<16xi32> to vector<32xbf16>
        %parallel_loop3A_960 = arith.constant 64 : i32
        %parallel_loop3A_961 = arith.addi %parallel_loop3A_908, %parallel_loop3A_960 : i32
        %parallel_loop3A_962 = arith.index_cast %parallel_loop3A_961 : i32 to index
        %parallel_loop3A_963 = arith.constant 32 : index
        %parallel_loop3A_964 = tpu.vector_load %arg13[%parallel_loop3A_962, %parallel_loop3A_963] {strides = array<i32>} : memref<96x128xi32, #tpu.memory_space<vmem>>, vector<16xi32>,
        %parallel_loop3A_965 = vector.bitcast %parallel_loop3A_964 : vector<16xi32> to vector<32xbf16>
        %parallel_loop3A_966 = arith.mulf %parallel_loop3A_953, %parallel_loop3A_959 : vector<32xbf16>
        %parallel_loop3A_967 = arith.addf %parallel_loop3A_945, %parallel_loop3A_966 : vector<32xbf16>
        %parallel_loop3A_968 = arith.mulf %parallel_loop3A_953, %parallel_loop3A_965 : vector<32xbf16>
        %parallel_loop3A_969 = arith.addf %parallel_loop3A_947, %parallel_loop3A_968 : vector<32xbf16>
        %parallel_loop3A_970 = arith.mulf %parallel_loop3A_959, %parallel_loop3A_965 : vector<32xbf16>
        %parallel_loop3A_971 = arith.addf %parallel_loop3A_949, %parallel_loop3A_970 : vector<32xbf16>
        %parallel_loop3A_972 = arith.index_cast %parallel_loop3A_908 : i32 to index
        %parallel_loop3A_973 = arith.constant 48 : index
        %parallel_loop3A_974 = tpu.vector_load %arg13[%parallel_loop3A_972, %parallel_loop3A_973] {strides = array<i32>} : memref<96x128xi32, #tpu.memory_space<vmem>>, vector<16xi32>,
        %parallel_loop3A_975 = vector.bitcast %parallel_loop3A_974 : vector<16xi32> to vector<32xbf16>
        %parallel_loop3A_976 = arith.constant 32 : i32
        %parallel_loop3A_977 = arith.addi %parallel_loop3A_908, %parallel_loop3A_976 : i32
        %parallel_loop3A_978 = arith.index_cast %parallel_loop3A_977 : i32 to index
        %parallel_loop3A_979 = arith.constant 48 : index
        %parallel_loop3A_980 = tpu.vector_load %arg13[%parallel_loop3A_978, %parallel_loop3A_979] {strides = array<i32>} : memref<96x128xi32, #tpu.memory_space<vmem>>, vector<16xi32>,
        %parallel_loop3A_981 = vector.bitcast %parallel_loop3A_980 : vector<16xi32> to vector<32xbf16>
        %parallel_loop3A_982 = arith.constant 64 : i32
        %parallel_loop3A_983 = arith.addi %parallel_loop3A_908, %parallel_loop3A_982 : i32
        %parallel_loop3A_984 = arith.index_cast %parallel_loop3A_983 : i32 to index
        %parallel_loop3A_985 = arith.constant 48 : index
        %parallel_loop3A_986 = tpu.vector_load %arg13[%parallel_loop3A_984, %parallel_loop3A_985] {strides = array<i32>} : memref<96x128xi32, #tpu.memory_space<vmem>>, vector<16xi32>,
        %parallel_loop3A_987 = vector.bitcast %parallel_loop3A_986 : vector<16xi32> to vector<32xbf16>
        %parallel_loop3A_988 = arith.mulf %parallel_loop3A_975, %parallel_loop3A_981 : vector<32xbf16>
        %parallel_loop3A_989 = arith.addf %parallel_loop3A_967, %parallel_loop3A_988 : vector<32xbf16>
        %parallel_loop3A_990 = arith.mulf %parallel_loop3A_975, %parallel_loop3A_987 : vector<32xbf16>
        %parallel_loop3A_991 = arith.addf %parallel_loop3A_969, %parallel_loop3A_990 : vector<32xbf16>
        %parallel_loop3A_992 = arith.mulf %parallel_loop3A_981, %parallel_loop3A_987 : vector<32xbf16>
        %parallel_loop3A_993 = arith.addf %parallel_loop3A_971, %parallel_loop3A_992 : vector<32xbf16>
        %parallel_loop3A_994 = arith.index_cast %parallel_loop3A_908 : i32 to index
        %parallel_loop3A_995 = arith.constant 64 : index
        %parallel_loop3A_996 = tpu.vector_load %arg13[%parallel_loop3A_994, %parallel_loop3A_995] {strides = array<i32>} : memref<96x128xi32, #tpu.memory_space<vmem>>, vector<16xi32>,
        %parallel_loop3A_997 = vector.bitcast %parallel_loop3A_996 : vector<16xi32> to vector<32xbf16>
        %parallel_loop3A_998 = arith.constant 32 : i32
        %parallel_loop3A_999 = arith.addi %parallel_loop3A_908, %parallel_loop3A_998 : i32
        %parallel_loop3A_1000 = arith.index_cast %parallel_loop3A_999 : i32 to index
        %parallel_loop3A_1001 = arith.constant 64 : index
        %parallel_loop3A_1002 = tpu.vector_load %arg13[%parallel_loop3A_1000, %parallel_loop3A_1001] {strides = array<i32>} : memref<96x128xi32, #tpu.memory_space<vmem>>, vector<16xi32>,
        %parallel_loop3A_1003 = vector.bitcast %parallel_loop3A_1002 : vector<16xi32> to vector<32xbf16>
        %parallel_loop3A_1004 = arith.constant 64 : i32
        %parallel_loop3A_1005 = arith.addi %parallel_loop3A_908, %parallel_loop3A_1004 : i32
        %parallel_loop3A_1006 = arith.index_cast %parallel_loop3A_1005 : i32 to index
        %parallel_loop3A_1007 = arith.constant 64 : index
        %parallel_loop3A_1008 = tpu.vector_load %arg13[%parallel_loop3A_1006, %parallel_loop3A_1007] {strides = array<i32>} : memref<96x128xi32, #tpu.memory_space<vmem>>, vector<16xi32>,
        %parallel_loop3A_1009 = vector.bitcast %parallel_loop3A_1008 : vector<16xi32> to vector<32xbf16>
        %parallel_loop3A_1010 = arith.mulf %parallel_loop3A_997, %parallel_loop3A_1003 : vector<32xbf16>
        %parallel_loop3A_1011 = arith.addf %parallel_loop3A_989, %parallel_loop3A_1010 : vector<32xbf16>
        %parallel_loop3A_1012 = arith.mulf %parallel_loop3A_997, %parallel_loop3A_1009 : vector<32xbf16>
        %parallel_loop3A_1013 = arith.addf %parallel_loop3A_991, %parallel_loop3A_1012 : vector<32xbf16>
        %parallel_loop3A_1014 = arith.mulf %parallel_loop3A_1003, %parallel_loop3A_1009 : vector<32xbf16>
        %parallel_loop3A_1015 = arith.addf %parallel_loop3A_993, %parallel_loop3A_1014 : vector<32xbf16>
        %parallel_loop3A_1016 = arith.index_cast %parallel_loop3A_908 : i32 to index
        %parallel_loop3A_1017 = arith.constant 80 : index
        %parallel_loop3A_1018 = tpu.vector_load %arg13[%parallel_loop3A_1016, %parallel_loop3A_1017] {strides = array<i32>} : memref<96x128xi32, #tpu.memory_space<vmem>>, vector<16xi32>,
        %parallel_loop3A_1019 = vector.bitcast %parallel_loop3A_1018 : vector<16xi32> to vector<32xbf16>
        %parallel_loop3A_1020 = arith.constant 32 : i32
        %parallel_loop3A_1021 = arith.addi %parallel_loop3A_908, %parallel_loop3A_1020 : i32
        %parallel_loop3A_1022 = arith.index_cast %parallel_loop3A_1021 : i32 to index
        %parallel_loop3A_1023 = arith.constant 80 : index
        %parallel_loop3A_1024 = tpu.vector_load %arg13[%parallel_loop3A_1022, %parallel_loop3A_1023] {strides = array<i32>} : memref<96x128xi32, #tpu.memory_space<vmem>>, vector<16xi32>,
        %parallel_loop3A_1025 = vector.bitcast %parallel_loop3A_1024 : vector<16xi32> to vector<32xbf16>
        %parallel_loop3A_1026 = arith.constant 64 : i32
        %parallel_loop3A_1027 = arith.addi %parallel_loop3A_908, %parallel_loop3A_1026 : i32
        %parallel_loop3A_1028 = arith.index_cast %parallel_loop3A_1027 : i32 to index
        %parallel_loop3A_1029 = arith.constant 80 : index
        %parallel_loop3A_1030 = tpu.vector_load %arg13[%parallel_loop3A_1028, %parallel_loop3A_1029] {strides = array<i32>} : memref<96x128xi32, #tpu.memory_space<vmem>>, vector<16xi32>,
        %parallel_loop3A_1031 = vector.bitcast %parallel_loop3A_1030 : vector<16xi32> to vector<32xbf16>
        %parallel_loop3A_1032 = arith.mulf %parallel_loop3A_1019, %parallel_loop3A_1025 : vector<32xbf16>
        %parallel_loop3A_1033 = arith.addf %parallel_loop3A_1011, %parallel_loop3A_1032 : vector<32xbf16>
        %parallel_loop3A_1034 = arith.mulf %parallel_loop3A_1019, %parallel_loop3A_1031 : vector<32xbf16>
        %parallel_loop3A_1035 = arith.addf %parallel_loop3A_1013, %parallel_loop3A_1034 : vector<32xbf16>
        %parallel_loop3A_1036 = arith.mulf %parallel_loop3A_1025, %parallel_loop3A_1031 : vector<32xbf16>
        %parallel_loop3A_1037 = arith.addf %parallel_loop3A_1015, %parallel_loop3A_1036 : vector<32xbf16>
        %parallel_loop3A_1038 = arith.index_cast %parallel_loop3A_908 : i32 to index
        %parallel_loop3A_1039 = arith.constant 96 : index
        %parallel_loop3A_1040 = tpu.vector_load %arg13[%parallel_loop3A_1038, %parallel_loop3A_1039] {strides = array<i32>} : memref<96x128xi32, #tpu.memory_space<vmem>>, vector<16xi32>,
        %parallel_loop3A_1041 = vector.bitcast %parallel_loop3A_1040 : vector<16xi32> to vector<32xbf16>
        %parallel_loop3A_1042 = arith.constant 32 : i32
        %parallel_loop3A_1043 = arith.addi %parallel_loop3A_908, %parallel_loop3A_1042 : i32
        %parallel_loop3A_1044 = arith.index_cast %parallel_loop3A_1043 : i32 to index
        %parallel_loop3A_1045 = arith.constant 96 : index
        %parallel_loop3A_1046 = tpu.vector_load %arg13[%parallel_loop3A_1044, %parallel_loop3A_1045] {strides = array<i32>} : memref<96x128xi32, #tpu.memory_space<vmem>>, vector<16xi32>,
        %parallel_loop3A_1047 = vector.bitcast %parallel_loop3A_1046 : vector<16xi32> to vector<32xbf16>
        %parallel_loop3A_1048 = arith.constant 64 : i32
        %parallel_loop3A_1049 = arith.addi %parallel_loop3A_908, %parallel_loop3A_1048 : i32
        %parallel_loop3A_1050 = arith.index_cast %parallel_loop3A_1049 : i32 to index
        %parallel_loop3A_1051 = arith.constant 96 : index
        %parallel_loop3A_1052 = tpu.vector_load %arg13[%parallel_loop3A_1050, %parallel_loop3A_1051] {strides = array<i32>} : memref<96x128xi32, #tpu.memory_space<vmem>>, vector<16xi32>,
        %parallel_loop3A_1053 = vector.bitcast %parallel_loop3A_1052 : vector<16xi32> to vector<32xbf16>
        %parallel_loop3A_1054 = arith.mulf %parallel_loop3A_1041, %parallel_loop3A_1047 : vector<32xbf16>
        %parallel_loop3A_1055 = arith.addf %parallel_loop3A_1033, %parallel_loop3A_1054 : vector<32xbf16>
        %parallel_loop3A_1056 = arith.mulf %parallel_loop3A_1041, %parallel_loop3A_1053 : vector<32xbf16>
        %parallel_loop3A_1057 = arith.addf %parallel_loop3A_1035, %parallel_loop3A_1056 : vector<32xbf16>
        %parallel_loop3A_1058 = arith.mulf %parallel_loop3A_1047, %parallel_loop3A_1053 : vector<32xbf16>
        %parallel_loop3A_1059 = arith.addf %parallel_loop3A_1037, %parallel_loop3A_1058 : vector<32xbf16>
        %parallel_loop3A_1060 = arith.index_cast %parallel_loop3A_908 : i32 to index
        %parallel_loop3A_1061 = arith.constant 112 : index
        %parallel_loop3A_1062 = tpu.vector_load %arg13[%parallel_loop3A_1060, %parallel_loop3A_1061] {strides = array<i32>} : memref<96x128xi32, #tpu.memory_space<vmem>>, vector<16xi32>,
        %parallel_loop3A_1063 = vector.bitcast %parallel_loop3A_1062 : vector<16xi32> to vector<32xbf16>
        %parallel_loop3A_1064 = arith.constant 32 : i32
        %parallel_loop3A_1065 = arith.addi %parallel_loop3A_908, %parallel_loop3A_1064 : i32
        %parallel_loop3A_1066 = arith.index_cast %parallel_loop3A_1065 : i32 to index
        %parallel_loop3A_1067 = arith.constant 112 : index
        %parallel_loop3A_1068 = tpu.vector_load %arg13[%parallel_loop3A_1066, %parallel_loop3A_1067] {strides = array<i32>} : memref<96x128xi32, #tpu.memory_space<vmem>>, vector<16xi32>,
        %parallel_loop3A_1069 = vector.bitcast %parallel_loop3A_1068 : vector<16xi32> to vector<32xbf16>
        %parallel_loop3A_1070 = arith.constant 64 : i32
        %parallel_loop3A_1071 = arith.addi %parallel_loop3A_908, %parallel_loop3A_1070 : i32
        %parallel_loop3A_1072 = arith.index_cast %parallel_loop3A_1071 : i32 to index
        %parallel_loop3A_1073 = arith.constant 112 : index
        %parallel_loop3A_1074 = tpu.vector_load %arg13[%parallel_loop3A_1072, %parallel_loop3A_1073] {strides = array<i32>} : memref<96x128xi32, #tpu.memory_space<vmem>>, vector<16xi32>,
        %parallel_loop3A_1075 = vector.bitcast %parallel_loop3A_1074 : vector<16xi32> to vector<32xbf16>
        %parallel_loop3A_1076 = arith.mulf %parallel_loop3A_1063, %parallel_loop3A_1069 : vector<32xbf16>
        %parallel_loop3A_1077 = arith.addf %parallel_loop3A_1055, %parallel_loop3A_1076 : vector<32xbf16>
        %parallel_loop3A_1078 = arith.mulf %parallel_loop3A_1063, %parallel_loop3A_1075 : vector<32xbf16>
        %parallel_loop3A_1079 = arith.addf %parallel_loop3A_1057, %parallel_loop3A_1078 : vector<32xbf16>
        %parallel_loop3A_1080 = arith.mulf %parallel_loop3A_1069, %parallel_loop3A_1075 : vector<32xbf16>
        %parallel_loop3A_1081 = arith.addf %parallel_loop3A_1059, %parallel_loop3A_1080 : vector<32xbf16>
        %parallel_loop3A_1082 = tpu.unpack_subelements %parallel_loop3A_1077, 0 {pack_format = #tpu.pack_format<interleaved>} : vector<32xbf16> -> vector<16xf32>
        %parallel_loop3A_1083 = tpu.unpack_subelements %parallel_loop3A_1077, 1 {pack_format = #tpu.pack_format<interleaved>} : vector<32xbf16> -> vector<16xf32>
        %parallel_loop3A_1084 = tpu.unpack_subelements %parallel_loop3A_1079, 0 {pack_format = #tpu.pack_format<interleaved>} : vector<32xbf16> -> vector<16xf32>
        %parallel_loop3A_1085 = tpu.unpack_subelements %parallel_loop3A_1079, 1 {pack_format = #tpu.pack_format<interleaved>} : vector<32xbf16> -> vector<16xf32>
        %parallel_loop3A_1086 = tpu.unpack_subelements %parallel_loop3A_1081, 0 {pack_format = #tpu.pack_format<interleaved>} : vector<32xbf16> -> vector<16xf32>
        %parallel_loop3A_1087 = tpu.unpack_subelements %parallel_loop3A_1081, 1 {pack_format = #tpu.pack_format<interleaved>} : vector<32xbf16> -> vector<16xf32>
        %parallel_loop3A_1088 = vector.broadcast %parallel_loop3A_905 : i32 to vector<16xi32>
        %parallel_loop3A_1089 = tpu.vector_load_idx %arg14[%parallel_loop3A_1088] : memref<48xf32, #tpu.memory_space<vmem>>[vector<16xi32>], vector<16xf32>,
        %parallel_loop3A_1090 = arith.constant 16 : i32
        %parallel_loop3A_1091 = vector.broadcast %parallel_loop3A_1090 : i32 to vector<16xi32>
        %parallel_loop3A_1092 = arith.addi %parallel_loop3A_1088, %parallel_loop3A_1091 : vector<16xi32>
        %parallel_loop3A_1093 = tpu.vector_load_idx %arg14[%parallel_loop3A_1092] : memref<48xf32, #tpu.memory_space<vmem>>[vector<16xi32>], vector<16xf32>,
        %parallel_loop3A_1094 = arith.constant 32 : i32
        %parallel_loop3A_1095 = vector.broadcast %parallel_loop3A_1094 : i32 to vector<16xi32>
        %parallel_loop3A_1096 = arith.addi %parallel_loop3A_1088, %parallel_loop3A_1095 : vector<16xi32>
        %parallel_loop3A_1097 = tpu.vector_load_idx %arg14[%parallel_loop3A_1096] : memref<48xf32, #tpu.memory_space<vmem>>[vector<16xi32>], vector<16xf32>,
        %parallel_loop3A_1098 = arith.addf %parallel_loop3A_1082, %parallel_loop3A_1083 : vector<16xf32>
        %parallel_loop3A_1099 = arith.mulf %parallel_loop3A_1089, %parallel_loop3A_1098 : vector<16xf32>
        %parallel_loop3A_1100 = arith.addf %parallel_loop3A_1084, %parallel_loop3A_1085 : vector<16xf32>
        %parallel_loop3A_1101 = arith.mulf %parallel_loop3A_1093, %parallel_loop3A_1100 : vector<16xf32>
        %parallel_loop3A_1102 = arith.addf %parallel_loop3A_1099, %parallel_loop3A_1101 : vector<16xf32>
        %parallel_loop3A_1103 = arith.addf %parallel_loop3A_906, %parallel_loop3A_1102 : vector<16xf32>
        %parallel_loop3A_1104 = arith.addf %parallel_loop3A_1086, %parallel_loop3A_1087 : vector<16xf32>
        %parallel_loop3A_1105 = arith.mulf %parallel_loop3A_1097, %parallel_loop3A_1104 : vector<16xf32>
        %parallel_loop3A_1106 = arith.addf %parallel_loop3A_1103, %parallel_loop3A_1105 : vector<16xf32>
        scf.yield %parallel_loop3A_1106 : vector<16xf32>
      } {sc.loop_unroll_factor = 2 : i64, sc.parallel_access}
      scf.yield %parallel_loop3A_904 : vector<16xf32>
    }
    %dma_wait3A = arith.constant 0 : i32
    %dma_wait3A_147 = arith.constant 0 : i32
    %dma_wait3A_148 = arith.constant 0 : i32
    %dma_wait3A_149 = tpu.memref_slice %arg12[%dma_wait3A_147, %dma_wait3A_148] : memref<96x128xi32, #tpu.memory_space<vmem>> -> memref<32x128xi32, #tpu.memory_space<vmem>>
    %dma_wait3A_150 = arith.constant 0 : i32
    %dma_wait3A_151 = tpu.memref_slice %arg10[%dma_wait3A, %dma_wait3A_150] : memref<8x128xi32, #tpu.memory_space<vmem>> -> memref<1x32xi32, #tpu.memory_space<vmem>>
    %dma_wait3A_152 = tpu.memref_squeeze %dma_wait3A_151 : memref<1x32xi32, #tpu.memory_space<vmem>> -> memref<32xi32, #tpu.memory_space<vmem>>
    %dma_wait3A_153 = arith.constant 0 : i32
    %dma_wait3A_154 = arith.constant 0 : i32
    %dma_wait3A_155 = tpu.memref_slice %arg2[%dma_wait3A_153, %dma_wait3A_154] : memref<10000x128xi32, #tpu.memory_space<hbm>> -> memref<10000x128xi32, #tpu.memory_space<hbm>>
    tpu.wait_indirect_dma semaphore(%arg17 : memref<!tpu.dma_semaphore, #tpu.memory_space<semaphore_mem>>) src(%dma_wait3A_155 : memref<10000x128xi32, #tpu.memory_space<hbm>>) dst(%dma_wait3A_149 : memref<32x128xi32, #tpu.memory_space<vmem>>)
    %dma_wait3A_156 = arith.constant 1 : i32
    %dma_wait3A_157 = arith.constant 32 : i32
    %dma_wait3A_158 = arith.constant 0 : i32
    %dma_wait3A_159 = tpu.memref_slice %arg12[%dma_wait3A_157, %dma_wait3A_158] : memref<96x128xi32, #tpu.memory_space<vmem>> -> memref<32x128xi32, #tpu.memory_space<vmem>>
    %dma_wait3A_160 = arith.constant 0 : i32
    %dma_wait3A_161 = tpu.memref_slice %arg10[%dma_wait3A_156, %dma_wait3A_160] : memref<8x128xi32, #tpu.memory_space<vmem>> -> memref<1x32xi32, #tpu.memory_space<vmem>>
    %dma_wait3A_162 = tpu.memref_squeeze %dma_wait3A_161 : memref<1x32xi32, #tpu.memory_space<vmem>> -> memref<32xi32, #tpu.memory_space<vmem>>
    %dma_wait3A_163 = arith.constant 0 : i32
    %dma_wait3A_164 = arith.constant 0 : i32
    %dma_wait3A_165 = tpu.memref_slice %arg2[%dma_wait3A_163, %dma_wait3A_164] : memref<10000x128xi32, #tpu.memory_space<hbm>> -> memref<10000x128xi32, #tpu.memory_space<hbm>>
    tpu.wait_indirect_dma semaphore(%arg17 : memref<!tpu.dma_semaphore, #tpu.memory_space<semaphore_mem>>) src(%dma_wait3A_165 : memref<10000x128xi32, #tpu.memory_space<hbm>>) dst(%dma_wait3A_159 : memref<32x128xi32, #tpu.memory_space<vmem>>)
    %dma_wait3A_166 = arith.constant 2 : i32
    %dma_wait3A_167 = arith.constant 64 : i32
    %dma_wait3A_168 = arith.constant 0 : i32
    %dma_wait3A_169 = tpu.memref_slice %arg12[%dma_wait3A_167, %dma_wait3A_168] : memref<96x128xi32, #tpu.memory_space<vmem>> -> memref<32x128xi32, #tpu.memory_space<vmem>>
    %dma_wait3A_170 = arith.constant 0 : i32
    %dma_wait3A_171 = tpu.memref_slice %arg10[%dma_wait3A_166, %dma_wait3A_170] : memref<8x128xi32, #tpu.memory_space<vmem>> -> memref<1x32xi32, #tpu.memory_space<vmem>>
    %dma_wait3A_172 = tpu.memref_squeeze %dma_wait3A_171 : memref<1x32xi32, #tpu.memory_space<vmem>> -> memref<32xi32, #tpu.memory_space<vmem>>
    %dma_wait3A_173 = arith.constant 0 : i32
    %dma_wait3A_174 = arith.constant 0 : i32
    %dma_wait3A_175 = tpu.memref_slice %arg2[%dma_wait3A_173, %dma_wait3A_174] : memref<10000x128xi32, #tpu.memory_space<hbm>> -> memref<10000x128xi32, #tpu.memory_space<hbm>>
    tpu.wait_indirect_dma semaphore(%arg17 : memref<!tpu.dma_semaphore, #tpu.memory_space<semaphore_mem>>) src(%dma_wait3A_175 : memref<10000x128xi32, #tpu.memory_space<hbm>>) dst(%dma_wait3A_169 : memref<32x128xi32, #tpu.memory_space<vmem>>)
    %swap3A = arith.constant 0 : index
    %swap3A_176 = tpu.vector_load %arg16[%swap3A] {strides = array<i32>} : memref<16xf32, #tpu.memory_space<vmem>>, vector<16xf32>,
    tpu.vector_store %arg16[%swap3A], %while3A_146 {strides = array<i32>} : memref<16xf32, #tpu.memory_space<vmem>>, vector<16xf32>,
    "tpu.region"() ({
      %run_scoped3A = tpu.sem_alloc : memref<!tpu.dma_semaphore, #tpu.memory_space<semaphore_mem>>
      %dma_start3A_177 = arith.constant 0 : i32
      %dma_start3A_178 = tpu.memref_slice %arg7[%add3A, %dma_start3A_177] : memref<32x16xf32, #tpu.memory_space<hbm>> -> memref<1x16xf32, #tpu.memory_space<hbm>>
      %dma_start3A_179 = tpu.memref_squeeze %dma_start3A_178 : memref<1x16xf32, #tpu.memory_space<hbm>> -> memref<16xf32, #tpu.memory_space<hbm>>
      %dma_start3A_180 = arith.constant 0 : i32
      %dma_start3A_181 = tpu.memref_slice %arg7[%add3A, %dma_start3A_180] : memref<32x16xf32, #tpu.memory_space<hbm>> -> memref<1x16xf32, #tpu.memory_space<hbm>>
      %dma_start3A_182 = tpu.memref_squeeze %dma_start3A_181 : memref<1x16xf32, #tpu.memory_space<hbm>> -> memref<16xf32, #tpu.memory_space<hbm>>
      tpu.enqueue_dma source(%arg16 : memref<16xf32, #tpu.memory_space<vmem>>) target(%dma_start3A_182 : memref<16xf32, #tpu.memory_space<hbm>>) target_semaphore(%run_scoped3A : memref<!tpu.dma_semaphore, #tpu.memory_space<semaphore_mem>>)
      %dma_wait3A_183 = arith.constant 0 : i32
      %dma_wait3A_184 = tpu.memref_slice %arg7[%add3A, %dma_wait3A_183] : memref<32x16xf32, #tpu.memory_space<hbm>> -> memref<1x16xf32, #tpu.memory_space<hbm>>
      %dma_wait3A_185 = tpu.memref_squeeze %dma_wait3A_184 : memref<1x16xf32, #tpu.memory_space<hbm>> -> memref<16xf32, #tpu.memory_space<hbm>>
      %dma_wait3A_186 = arith.constant 0 : i32
      %dma_wait3A_187 = tpu.memref_slice %arg7[%add3A, %dma_wait3A_186] : memref<32x16xf32, #tpu.memory_space<hbm>> -> memref<1x16xf32, #tpu.memory_space<hbm>>
      %dma_wait3A_188 = tpu.memref_squeeze %dma_wait3A_187 : memref<1x16xf32, #tpu.memory_space<hbm>> -> memref<16xf32, #tpu.memory_space<hbm>>
      tpu.wait_dma2 semaphore(%run_scoped3A : memref<!tpu.dma_semaphore, #tpu.memory_space<semaphore_mem>>) src(%arg16 : memref<16xf32, #tpu.memory_space<vmem>>) dst(%dma_wait3A_188 : memref<16xf32, #tpu.memory_space<hbm>>)
      tpu.yield
    }) : () -> ()
    return
  }
}

module attributes {stable_mosaic.version = 14 : i64} {
  func.func @_prep_tc_body(%arg0: memref<10000x256xf32, #tpu.memory_space<vmem>>, %arg1: memref<10000xf32, #tpu.memory_space<vmem>>, %arg2: memref<10000x128xi32, #tpu.memory_space<vmem>>) attributes {dimension_semantics = [], scalar_prefetch = 0 : i64, scratch_operands = 0 : i64, tpu.core_type = #tpu.core_type<tc>} {
    %get3A = arith.constant 0 : index
    %get3A_0 = arith.constant 0 : index
    %get3A_1 = vector.load %arg0[%get3A, %get3A_0] : memref<10000x256xf32, #tpu.memory_space<vmem>>, vector<10000x256xf32>
    %mul3A = arith.mulf %get3A_1, %get3A_1 : vector<10000x256xf32>
    %reduce_sum3A = arith.constant dense<0.000000e+00> : vector<10000xf32>
    %reduce_sum3A_2 = vector.multi_reduction <add>, %mul3A, %reduce_sum3A [1] : vector<10000x256xf32> to vector<10000xf32>
    %swap3A = arith.constant 0 : index
    %swap3A_3 = vector.load %arg1[%swap3A] : memref<10000xf32, #tpu.memory_space<vmem>>, vector<10000xf32>
    tpu.vector_store %arg1[%swap3A], %reduce_sum3A_2 {strides = array<i32>} : memref<10000xf32, #tpu.memory_space<vmem>>, vector<10000xf32>,
    %convert_element_type3A = arith.truncf %get3A_1 : vector<10000x256xf32> to vector<10000x256xbf16>
    %slice3A = vector.extract_strided_slice %convert_element_type3A {offsets = [0, 0], sizes = [10000, 128], strides = [1, 1]} : vector<10000x256xbf16> to vector<10000x128xbf16>
    %bitcast_convert_type3A = tpu.bitcast %slice3A : vector<10000x128xbf16> -> vector<10000x128xi16>
    %convert_element_type3A_4 = arith.extui %bitcast_convert_type3A : vector<10000x128xi16> to vector<10000x128xi32>
    %slice3A_5 = vector.extract_strided_slice %convert_element_type3A {offsets = [0, 128], sizes = [10000, 128], strides = [1, 1]} : vector<10000x256xbf16> to vector<10000x128xbf16>
    %bitcast_convert_type3A_6 = tpu.bitcast %slice3A_5 : vector<10000x128xbf16> -> vector<10000x128xi16>
    %convert_element_type3A_7 = arith.extui %bitcast_convert_type3A_6 : vector<10000x128xi16> to vector<10000x128xi32>
    %shift_left3A = arith.constant 16 : i32
    %shift_left3A_8 = vector.broadcast %shift_left3A : i32 to vector<10000x128xi32>
    %shift_left3A_9 = arith.shli %convert_element_type3A_7, %shift_left3A_8 : vector<10000x128xi32>
    %or3A = arith.ori %convert_element_type3A_4, %shift_left3A_9 : vector<10000x128xi32>
    %bitcast_convert_type3A_10 = tpu.bitcast %or3A : vector<10000x128xi32> -> vector<10000x128xi32>
    %swap3A_11 = arith.constant 0 : index
    %swap3A_12 = arith.constant 0 : index
    %swap3A_13 = vector.load %arg2[%swap3A_11, %swap3A_12] : memref<10000x128xi32, #tpu.memory_space<vmem>>, vector<10000x128xi32>
    tpu.vector_store %arg2[%swap3A_11, %swap3A_12], %bitcast_convert_type3A_10 {strides = array<i32>} : memref<10000x128xi32, #tpu.memory_space<vmem>>, vector<10000x128xi32>,
    return
  }
}

module attributes {stable_mosaic.version = 14 : i64} {
  func.func @_tr_tc_body(%arg0: i32, %arg1: memref<16000x3xi32, #tpu.memory_space<vmem>>, %arg2: memref<8x16000xi32, #tpu.memory_space<vmem>>) attributes {dimension_semantics = [#tpu.dimension_semantics<arbitrary>], iteration_bounds = array<i64: 10>, scalar_prefetch = 0 : i64, scratch_operands = 0 : i64, tpu.core_type = #tpu.core_type<tc>, window_params = [{transform_indices = @transform_0, window_bounds = array<i64: 16000, 3>}, {transform_indices = @transform_1, window_bounds = array<i64: 8, 16000>}]} {
    %get3A = arith.constant 0 : index
    %get3A_0 = arith.constant 0 : index
    %get3A_1 = vector.load %arg1[%get3A, %get3A_0] : memref<16000x3xi32, #tpu.memory_space<vmem>>, vector<16000x3xi32>
    %jit3A = arith.constant 0 : i32
    %pad3A = vector.broadcast %jit3A : i32 to vector<16000x5xi32>
    %pad3A_2 = tpu.concatenate %get3A_1, %pad3A in 1 : vector<16000x3xi32>, vector<16000x5xi32> -> vector<16000x8xi32>
    %transpose3A = tpu.transpose %pad3A_2, [1, 0] : vector<16000x8xi32> -> vector<8x16000xi32>
    %swap3A = arith.constant 0 : index
    %swap3A_3 = arith.constant 0 : index
    %swap3A_4 = vector.load %arg2[%swap3A, %swap3A_3] : memref<8x16000xi32, #tpu.memory_space<vmem>>, vector<8x16000xi32>
    tpu.vector_store %arg2[%swap3A, %swap3A_3], %transpose3A {strides = array<i32>} : memref<8x16000xi32, #tpu.memory_space<vmem>>, vector<8x16000xi32>,
    return
  }
  func.func @transform_0(%arg0: i32) -> (i32, i32) {
    %c0_i32 = arith.constant 0 : i32
    %c0_i32_0 = arith.constant 0 : i32
    return %arg0, %c0_i32 : i32, i32
  }
  func.func @transform_1(%arg0: i32) -> (i32, i32) {
    %c0_i32 = arith.constant 0 : i32
    %c0_i32_0 = arith.constant 0 : i32
    return %c0_i32, %arg0 : i32, i32
  }
}

</mosaic_0001>

<sc_bundles>
// kernel: kernel.5.cloned.1.call-start
scs
__scs_entry_jumppad:
0x0: {  	(pc) =	sbr.rel $0x88, $3  }
0x1: {  	(tag) =	ssettag $0x0;
	lr =	simm.s32 $0x1  }
0x2: {  	[smem:$0x3F9C] =	sst lr;
	_ =	strace $0xD0000000  }
0x3: {  	_ = 	snop  }
0x4: {  	_ = 	snop  }
0x5: {  	_ = 	snop  }
0x6: {  	_ = 	snop  }
0x7: {  	_ = 	snop  }
__scs_overlays_trampoline_lowered:
0x8: {  	[smem:$0x3FAB] =	sst s0  }
0x9: {  	[smem:$0x3FAC] =	sst s1  }
0xa: {  	[smem:$0x3FAD] =	sst s2  }
0xb: {  	[smem:$0x3FAE] =	sst s3  }
0xc: {  	[smem:$0x3FAF] =	sst s4  }
0xd: {  	[smem:$0x3FB0] =	sst s5  }
0xe: {  	[smem:$0x3FB1] =	sst s6  }
0xf: {  	[smem:$0x3FB2] =	sst s7  }
0x10: {  	[smem:$0x3FB3] =	sst s8  }
0x11: {  	[smem:$0x3FB4] =	sst s9;
	s0 =	simm.s32 @!p0 $0x0  }
0x12: {  	s1 =	sld [smem:$0x3F9A];
	s0 =	simm.s32 @p0 $0x1  }
0x13: {  	[smem:$0x3FB5] =	sst s0;
	s0 =	simm.s32 @!p1 $0x0  }
0x14: {  	s2 =	sld [smem:$0x3F99];
	s0 =	simm.s32 @p1 $0x1  }
0x15: {  	[smem:$0x3FB6] =	sst s0;
	s0 =	simm.s32 @!p2 $0x0  }
0x16: {  	s3 =	sld [smem:$0x3FDB];
	s0 =	simm.s32 @p2 $0x1  }
0x17: {  	s4 =	simm.s32 $0x1BF5;
	[smem:$0x3FB8] =	sst s0  }
0x18: {  	s0 =	sld [smem:$0x3F9B];
	_ =	swait.ge [sflag:s4], $0x0  }
0x19: {  	s7 =	sld [smem:$0x3F9C]  }
0x1a: {  	s8 =	sadd.s32 $0xFFFFE003, lr  }
0x1b: {  	s9 =	sadd.s32 $0xFFFFFEF7, lr;
	s5 =	simm.s32 $0xFFFFFFFF;
	p2 =	slt.u32 s8, $0xFFFFF086  }
0x1c: {  	p1 =	slt.u32 s9, $0xF7A;
	s5 =	simm.s32 @!p2 $0x0  }
0x1d: {  	s5 =	simm.s32 @p1 $0x1;
	p0 =	seq.s32 s7, s2  }
0x1e: {  	s7 =	smul.u32 @!p0 $0xF7A, s2;
	p2 =	seq.s32 @!p0 s5, $0x0  }
0x1f: {  	s9 =	smul.u32 $0xF7A, s1;
	s8 =	simm.s32 @!p0 $0x1BF5;
	p2 =	por !p2, p0  }
0x20: {  	[sflag:s8] =	ssyncset.s32 @!p0 $0xFFFFF086;
	s6 =	sadd.s32 @!p0 s3, s7;
	s7 =	simm.s32 @!p0 $0x108  }
0x21: {  	s3 =	sadd.s32 s3, s9;
	s6 =	sadd.s32 @!p0 $0x88, s6;
	s7 =	simm.s32 @p2 $0x1082  }
0x22: {  	[simem:s7], [sflag:s8] =	dma.local @!p0 [hbm:s6], $0xF7A  }
0x23: {  	s9 =	sor.u32 $0xD0000000, s2;
	s6 =	simm.s32 $0x108;
	_ =	swait.ge @!p0 [sflag:s8], $0x0  }
0x24: {  	s3 =	sadd.s32 $0x88, s3;
	s6 =	simm.s32 @!p1 $0x1082;
	[sflag:s4] =	ssyncset.s32 $0xFFFFF086  }
0x25: {  	[simem:s6], [sflag:s4] =	dma.local [hbm:s3], $0xF7A  }
0x26: {  	[smem:$0x3F9C] =	sst s1;
	(tag) =	ssettag s2;
	_ =	strace s9  }
0x27: {  	s1 =	sld [smem:$0x3FAC]  }
0x28: {  	s2 =	sld [smem:$0x3FAD]  }
0x29: {  	s4 =	sld [smem:$0x3FAF]  }
0x2a: {  	p0 =	seq.s32 s5, $0x0;
	s5 =	sld [smem:$0x3FB0]  }
0x2b: {  	s6 =	sld [smem:$0x3FB1]  }
0x2c: {  	s7 =	sld [smem:$0x3FB2]  }
0x2d: {  	s3 =	simm.s32 $0x108;
	s8 =	sld [smem:$0x3FB3]  }
0x2e: {  	s3 =	simm.s32 @!p0 $0x1082;
	s9 =	sld [smem:$0x3FB4]  }
0x2f: {  	lr =	sadd.s32 s0, s3;
	s0 =	sld [smem:$0x3FAB]  }
0x30: {  	s3 =	sld [smem:$0x3FAE]  }
0x31: {  	[smem:$0x3FB7] =	sst s10  }
0x32: {  	s10 =	sld [smem:$0x3FB5];
	_ =	sdelay $0x3  }
0x33: {  	p0 =	seq.s32 s10, $0x1;
	s10 =	sld [smem:$0x3FB7];
	_ =	sdelay $0x3  }
0x34: {  	[smem:$0x3FB7] =	sst s10  }
0x35: {  	s10 =	sld [smem:$0x3FB6];
	_ =	sdelay $0x3  }
0x36: {  	p1 =	seq.s32 s10, $0x1;
	s10 =	sld [smem:$0x3FB7];
	_ =	sdelay $0x3  }
0x37: {  	[smem:$0x3FB7] =	sst s10  }
0x38: {  	s10 =	sld [smem:$0x3FB8]  }
0x39: {  	_ = 	snop;
	(pc) =	sbr.ind lr, $3  }
0x3a: {  	_ = 	snop  }
0x3b: {  	_ = 	snop  }
0x3c: {  	p2 =	seq.s32 s10, $0x1;
	s10 =	sld [smem:$0x3FB7]  }
0x3d: {  	_ =	shalt  }
0x3e: {  	_ =	shalt  }
0x3f: {  	_ =	shalt  }
0x40: {  	_ =	shalt  }
0x41: {  	_ =	shalt  }
0x42: {  	_ =	shalt  }
0x43: {  	_ =	shalt  }
0x44: {  	_ =	shalt  }
0x45: {  	_ =	shalt  }
0x46: {  	_ =	shalt  }
0x47: {  	_ =	shalt  }
0x48: {  	_ =	shalt  }
0x49: {  	_ =	shalt  }
0x4a: {  	_ =	shalt  }
0x4b: {  	_ =	shalt  }
0x4c: {  	_ =	shalt  }
0x4d: {  	_ =	shalt  }
0x4e: {  	_ =	shalt  }
0x4f: {  	_ =	shalt  }
0x50: {  	_ =	shalt  }
0x51: {  	_ =	shalt  }
0x52: {  	_ =	shalt  }
0x53: {  	_ =	shalt  }
0x54: {  	_ =	shalt  }
0x55: {  	_ =	shalt  }
0x56: {  	_ =	shalt  }
0x57: {  	_ =	shalt  }
0x58: {  	_ =	shalt  }
0x59: {  	_ =	shalt  }
0x5a: {  	_ =	shalt  }
0x5b: {  	_ =	shalt  }
0x5c: {  	_ =	shalt  }
0x5d: {  	_ =	shalt  }
0x5e: {  	_ =	shalt  }
0x5f: {  	_ =	shalt  }
0x60: {  	_ =	shalt  }
0x61: {  	_ =	shalt  }
0x62: {  	_ =	shalt  }
0x63: {  	_ =	shalt  }
0x64: {  	_ =	shalt  }
0x65: {  	_ =	shalt  }
0x66: {  	_ =	shalt  }
0x67: {  	_ =	shalt  }
0x68: {  	_ =	shalt  }
0x69: {  	_ =	shalt  }
0x6a: {  	_ =	shalt  }
0x6b: {  	_ =	shalt  }
0x6c: {  	_ =	shalt  }
0x6d: {  	_ =	shalt  }
0x6e: {  	_ =	shalt  }
0x6f: {  	_ =	shalt  }
0x70: {  	_ =	shalt  }
0x71: {  	_ =	shalt  }
0x72: {  	_ =	shalt  }
0x73: {  	_ =	shalt  }
0x74: {  	_ =	shalt  }
0x75: {  	_ =	shalt  }
0x76: {  	_ =	shalt  }
0x77: {  	_ =	shalt  }
0x78: {  	_ =	shalt  }
0x79: {  	_ =	shalt  }
0x7a: {  	_ =	shalt  }
0x7b: {  	_ =	shalt  }
0x7c: {  	_ =	shalt  }
0x7d: {  	_ =	shalt  }
0x7e: {  	_ =	shalt  }
0x7f: {  	_ =	shalt  }
0x80: {  	_ =	shalt  }
0x81: {  	_ =	shalt  }
0x82: {  	_ =	shalt  }
0x83: {  	_ =	shalt  }
0x84: {  	_ =	shalt  }
0x85: {  	_ =	shalt  }
0x86: {  	_ =	shalt  }
0x87: {  	_ =	shalt  }
.Lfunc_end0:
.L_simem_size_0:
called_computation_lowered:
.L_overlay_start_0:
0x88: {  	s2 =	sld [smem:$0x3FD9]  }
0x89: {  	s3 =	sld [smem:$0x3FFE];
	_ =	sdelay $0x1  }
0x8a: {  	s1 =	srdreg.scid  }
0x8b: {  	s0 =	sand.u32 $0x1, s1  }
0x8c: {  	s17 =	sshll.u32 s0, $0xA;
	s2 =	sadd.s32 s3, s2  }
0x8d: {  	s2 =	sadd.s32 s2, s17  }
0x8e: {  	[smem:$0x3FC3] =	sst s2  }
0x8f: {  	_ = 	snop  }
0x90: {  	s2 =	sld [smem:$0x3FD0];
	(tm) =	ssettm $0x1  }
0x91: {  	s18 =	sld [smem:$0x3FFB];
	_ =	sdelay $0x3  }
0x92: {  	_ =	strace s18  }
0x93: {  	s3 =	sld [smem:$0x3FFC];
	_ =	sdelay $0x3  }
0x94: {  	_ =	strace s3  }
0x95: {  	s3 =	sld [smem:$0x3FFD];
	_ =	sdelay $0x3  }
0x96: {  	_ =	strace s3  }
0x97: {  	_ =	strace $0x8FFFFFFF  }
0x98: {  	s19 =	sld [smem:$0x3FDB];
	_ =	sdelay $0x1  }
0x99: {  	s4 =	simm.s32 $_scs_section_size  }
0x9a: {  	s5 =	simm.s32 $_size__tile_overlayer_lowered;
	s6 =	simm.s32 $_tile_overlayer_lowered  }
0x9b: {  	s22 =	simm.s32 $0x1BFF;
	s21 =	sshll.u32 s6, $0x1;
	s3 =	sadd.s32 s4, s19  }
0x9c: {  	s7 =	simm.s32 $0x0;
	s20 =	sshll.u32 s5, $0x1;
	s5 =	sadd.s32 s21, s3  }
0x9d: {  	[timem:s7], [sflag:s22] =	dma.local [hbm:s5], s20  }
0x9e: {  	_ =	swait.ge [sflag:s22], s20  }
0x9f: {  	s4 =	ssub.s32 $0x0, s20;
	[sflag:s22] =	ssyncset.done $0x0  }
0xa0: {  	[sflag:s22] =	ssyncadd.s32 s4;
	_ =	sdelay $0x1  }
0xa1: {  	s23 =	simm.s32 $0x1B8B  }
0xa2: {  	_ =	swait.ge [sflag:s23], $0x1  }
0xa3: {  	[sflag:s23] =	ssyncset.done $0x0  }
0xa4: {  	s25 =	simm.s32 $0x1B8E;
	s24 =	sld [smem:$0x3FFE];
	[sflag:s23] =	ssyncadd.s32 $0xFFFFFFFF  }
0xa5: {  	s26 =	simm.s32 $execute0_lowered;
	[smem:$0x3FD2] =	sst s25  }
0xa6: {  	s5 =	sshll.u32 s26, $0x1;
	_ =	strace $0x80000046;
	[dreg:$0x1] =	wrdreg $0xFFFFFFFF  }
0xa7: {  	s28 =	simm.s32 $_size_execute0_lowered;
	s3 =	sadd.s32 s3, s5;
	[dreg:$0x0] =	wrdreg $0x0  }
0xa8: {  	s5 =	sshll.u32 s28, $0x1;
	[dreg:$0x2] =	wrdreg s3  }
0xa9: {  	[dreg:$0x3] =	wrdreg s5  }
0xaa: {  	[dreg:$0x4] =	wrdreg $0xC0  }
0xab: {  	_ =	task [dreg:s7], $0x5FFFF  }
0xac: {  	[dreg:$0x1] =	wrdreg $0xFFFFFFFF  }
0xad: {  	[dreg:$0x0] =	wrdreg $0x60  }
0xae: {  	[dreg:$0x2] =	wrdreg s24  }
0xaf: {  	[dreg:$0x3] =	wrdreg s2  }
0xb0: {  	[dreg:$0x4] =	wrdreg $0x9  }
0xb1: {  	_ =	task.clear_ibuf [dreg:s7], $0x5FFFF;
	_ =	strace $0x90000046  }
0xb2: {  	s29 =	simm.s32 $0x9;
	_ =	strace $0x80000048  }
0xb3: {  	_ =	swait.ge [sflag:s29], $0x1  }
0xb4: {  	[sflag:s29] =	ssyncadd.s32 $0xFFFFFFFF  }
0xb5: {  	_ =	strace $0x90000048  }
0xb6: {  	_ =	sfence  }
0xb7: {  	s30 =	sld [smem:$0x0];
	_ =	sdelay $0x2  }
0xb8: {  	s31 =	sshll.u32 s1, $0xD;
	s1 =	sshrl.u32 s1, $0x2  }
0xb9: {  	s3 =	sand.u32 $0x4000, s31;
	s1 =	sadd.s32 s1, s30  }
0xba: {  	s0 =	sor.u32 s3, s0;
	s1 =	sshll.u32 s1, $0x11  }
0xbb: {  	s0 =	sor.u32 s1, s0  }
0xbc: {  	s0 =	sadd.s32 $0x8F2B, s0  }
0xbd: {  	[sflag:s0] =	ssyncadd.remote.s32 $0x1  }
0xbe: {  	_ =	sfence.sel $0xFFFF  }
0xbf: {  	[dreg:$0x0] =	wrdreg $0xFFFFFFFF;
	(pc) =	sbr.abs _section_cstart, $3  }
0xc0: {  	[dreg:$0x1] =	wrdreg $0xFFFFFFFF  }
0xc1: {  	_ =	task.clear_ibuf [dreg:s7], $0x2FFFF;
	_ =	strace $0x9FFFFFFF  }
0xc2: {  	(tm) =	ssettm $0x7FFFFFFF  }
0xc3: {  	_ =	shalt  }
tec
execute0_lowered:
.L_overlay_start_1:
0x0: {  	(tag) =	ssettag $0x1  }
0x1: {  	s0 =	rddreg [dreg:$0x0]  }
0x2: {  	s1 =	srdreg.scid;
	s2 =	stileid.u32;
	s3 =	simm.s32 $0x0  }
0x3: {  	s17 =	simm.s32 $0x3;
	s18 =	simm.s32 $0x4E80;
	s20 =	simm.s32 $0x7600  }
0x4: {  	s21 =	simm.s32 $0x20;
	s22 =	simm.s32 $0x7E00;
	s28 =	simm.s32 $0xBE00  }
0x5: {  	s29 =	simm.s32 $0xCE00;
	s30 =	simm.s32 $0x1;
	s31 =	simm.s32 $0xDE00  }
0x6: {  	s1 =	sand.u32 $0x1, s1;
	s2 =	sshll.u32 s2, $0x1;
	[smem:$0x7FF] =	sst s3  }
0x7: {  	s4 =	sadd.s32 $0xA00, s0;
	s6 =	sadd.s32 $0x4F400, s0;
	s7 =	sadd.s32 $0x27C00, s0  }
0x8: {  	s2 =	sor.u32 s1, s2;
	_ =	strace $0x80000047;
	[dreg:$0x3] =	wrdreg s6  }
0x9: {  	s6 =	sadd.s32 $0x28200, s0;
	[dreg:$0x4] =	wrdreg s7;
	s1 =	ssub.s32 $0x2, s1  }
0xa: {  	s5 =	smul.u32 $0x9C4, s2;
	s23 =	sshll.u32 s2, $0x4;
	s24 =	sshrl.u32 s1, $0x1  }
0xb: {  	s2 =	smul.u32 $0x1388, s2;
	s0 =	sadd.s32 s23, s0;
	s1 =	ssub.s32 s1, s24  }
0xc: {  	s23 =	simm.s32 $0x8E00;
	s24 =	simm.s32 $0x9E00;
	s8 =	sadd.s32 $0x9C4, s5  }
0xd: {  	s25 =	sshll.u32 s5, $0x1;
	s10 =	sshrl.u32 s5, $0x5;
	s2 =	sand.u32 $0x3FF80, s2  }
0xe: {  	s15 =	sadd.s32 $0x4FE00, s0;
	s16 =	smax.u32 s1, $0x1;
	s0 =	simm.s32 $0x2  }
.Ltmp0:
0xf: {  	s8 =	sshrl.u32 s8, $0x5;
	s26 =	sand.u32 $0x40, s25;
	(pc) =	sbr.rel .LBB2_1-.Ltmp0, $4  }
0x10: {  	s2 =	sadd.s32 s6, s2;
	[dreg:$0x5] =	wrdreg s10;
	s25 =	simm.s32 $0x7A00  }
0x11: {  	s9 =	sshll.u32 s8, $0x1;
	[dreg:$0x6] =	wrdreg s2;
	s12 =	sor.u32 $0x7600, s26  }
0x12: {  	s13 =	sor.u32 $0x7680, s26;
	s14 =	sor.u32 $0x7700, s26;
	p0 =	sge.u32 s10, s8  }
0x13: {  	s26 =	simm.s32 $0xAE00;
	s2 =	simm.s32 $0x0;
	s9 =	sadd.s32 $0xFFFFFFFF, s9  }
.LBB2_12:
0x14: {  	_ =	swait.ge [sflag:s30], $0x1000  }
0x15: {  	[sflag:s30] =	ssyncset.done $0x0  }
0x16: {  	[sflag:s30] =	ssyncadd.s32 $0xFFFFF000  }
0x17: {  	_ =	swait.ge [sflag:s30], $0x1000  }
0x18: {  	[sflag:s30] =	ssyncset.done $0x0  }
0x19: {  	[sflag:s30] =	ssyncadd.s32 $0xFFFFF000  }
0x1a: {  	_ =	swait.ge [sflag:s30], $0x1000  }
0x1b: {  	s2 =	sadd.s32 $0x1, s2;
	[sflag:s30] =	ssyncset.done $0x0  }
0x1c: {  	p1 =	sne.s32 s2, s16;
	[sflag:s30] =	ssyncadd.s32 $0xFFFFF000  }
.Ltmp1:
0x1d: {  	s1 =	simm.s32 $0xDF00;
	[tilespmem:$0xDF00] =	vst v7;
	(pc) =	sbr.rel @!p1 .LBB2_13-.Ltmp1, $4  }
0x1e: {  	[hbm4b:s15+s3] =	stream.linear.scatter [tilespmem:s1], [sflag:$0x3], $0x80, $0x38;
	[tilespmem:$0xDF80] =	vst v63  }
0x1f: {  	_ =	swait.ge [sflag:s17], $0x80  }
0x20: {  	[sflag:s17] =	ssyncset.done $0x0  }
0x21: {  	[sflag:s17] =	ssyncadd.s32 $0xFFFFFF80  }
.LBB2_1:
0x22: {  	s1 =	rddreg [dreg:$0x3]  }
0x23: {  	[tilespmem:s3], [sflag:$0x3] =	stream.linear.gather [hbm4b:s1+s3], $0x4E80, $0x38;
	[tilespmem:$0xDF80] =	vst v63  }
0x24: {  	_ =	swait.ge [sflag:s17], $0x4E80  }
0x25: {  	[sflag:s17] =	ssyncset.done $0x0  }
0x26: {  	s10 =	rddreg [dreg:$0x4];
	[sflag:s17] =	ssyncadd.s32 $0xFFFFB180  }
0x27: {  	[tilespmem:s18], [sflag:$0x3] =	stream.linear.gather [hbm4b:s10+s3], $0x2780, $0x38;
	[tilespmem:$0xDF80] =	vst v63  }
0x28: {  	_ =	swait.ge [sflag:s17], $0x2780  }
0x29: {  	[sflag:s17] =	ssyncset.done $0x0  }
0x2a: {  	[sflag:s17] =	ssyncadd.s32 $0xFFFFD880  }
0x2b: {  	s5 =	simm.s32 $0xDE80;
	s11 =	rddreg [dreg:$0x1]  }
0x2c: {  	[tilespmem:s5], [sflag:$0x3] =	stream.linear.gather [hbm4b:s11+s3], $0x80, $0x38;
	[tilespmem:$0xDF80] =	vst v63  }
0x2d: {  	_ =	swait.ge [sflag:s17], $0x80  }
0x2e: {  	[sflag:s17] =	ssyncset.done $0x0  }
0x2f: {  	s19 =	rddreg [dreg:$0x6];
	[sflag:s17] =	ssyncadd.s32 $0xFFFFFF80  }
0x30: {  	v6 =	vld [tilespmem:$0xDE80];
	[tilespmem:s20], [sflag:$0x3] =	stream.linear.gather [hbm4b:s19+s3], $0x400, $0x38  }
0x31: {  	_ =	swait.ge [sflag:s17], $0x400  }
0x32: {  	[sflag:s17] =	ssyncset.done $0x0  }
0x33: {  	[sflag:s17] =	ssyncadd.s32 $0xFFFFFC00  }
0x34: {  	[tilespmem:s22], [sflag:$0x1] =	stream.indirect.gather [hbm4b:s4+s21], $0x80, s12, s21, $0xb8;
	[tilespmem:$0xDF80] =	vst v63  }
.Ltmp2:
0x35: {  	_ = 	snop;
	(pc) =	sbr.rel @p0 .LBB2_12-.Ltmp2, $4  }
0x36: {  	_ = 	snop  }
0x37: {  	[tilespmem:s23], [sflag:$0x1] =	stream.indirect.gather [hbm4b:s4+s21], $0x80, s13, s21, $0xb8;
	[tilespmem:$0xDF80] =	vst v63  }
0x38: {  	_ = 	snop  }
0x39: {  	v7 =	vimm.f32 $0.0e+00;
	[tilespmem:s24], [sflag:$0x1] =	stream.indirect.gather [hbm4b:s4+s21], $0x80, s14, s21, $0xb8;
	[tilespmem:$0xDF80] =	vst v63  }
0x3a: {  	v0 =	vbroadcast v6, $0x6  }
0x3b: {  	v1 =	vbroadcast v6, $0x0;
	v2 =	vbroadcast v6, $0x1  }
0x3c: {  	v3 =	vbroadcast v6, $0x2;
	v4 =	vbroadcast v6, $0x3  }
0x3d: {  	v5 =	vbroadcast v6, $0x4;
	v6 =	vbroadcast v6, $0x5;
	v7 =	vimm.f32 $0.0e+00;
	s10 =	rddreg [dreg:$0x5]  }
.LBB2_3:
0x3e: {  	s19 =	sshll.u32 s10, $0x1  }
0x3f: {  	s1 =	sshrl.u32 s10, $0x1;
	s5 =	sshra.s32 s19, $0x1F  }
0x40: {  	s1 =	sadd.s32 s5, s1  }
0x41: {  	s1 =	sshll.u32 s1, $0x7  }
0x42: {  	s1 =	sand.u32 $0x1FFFFF80, s1  }
0x43: {  	s7 =	simm.s32 $0x0;
	s1 =	sadd.s32 s6, s1  }
0x44: {  	[tilespmem:s25], [sflag:$0x3] =	stream.linear.gather [hbm4b:s1+s7], $0x400, $0x38;
	[tilespmem:$0xDF80] =	vst v63  }
0x45: {  	s5 =	sshll.u32 s10, $0x6;
	_ =	swait.ge [sflag:s17], $0x400  }
0x46: {  	s1 =	sand.u32 $0x40, s5;
	[sflag:s17] =	ssyncset.done $0x0  }
0x47: {  	s11 =	sor.u32 $0x7A20, s1;
	[sflag:s17] =	ssyncadd.s32 $0xFFFFFC00  }
0x48: {  	[tilespmem:s26], [sflag:$0x2] =	stream.indirect.gather [hbm4b:s4+s21], $0x80, s11, s21, $0xb8;
	[tilespmem:$0xDF80] =	vst v63  }
0x49: {  	s11 =	sor.u32 $0x7AA0, s1  }
0x4a: {  	[tilespmem:s28], [sflag:$0x2] =	stream.indirect.gather [hbm4b:s4+s21], $0x80, s11, s21, $0xb8;
	[tilespmem:$0xDF80] =	vst v63  }
0x4b: {  	s11 =	sor.u32 $0x7B20, s1  }
0x4c: {  	[tilespmem:s29], [sflag:$0x2] =	stream.indirect.gather [hbm4b:s4+s21], $0x80, s11, s21, $0xb8;
	[tilespmem:$0xDF80] =	vst v63  }
0x4d: {  	_ =	swait.ge [sflag:s30], $0x1000  }
0x4e: {  	[sflag:s30] =	ssyncset.done $0x0  }
0x4f: {  	[sflag:s30] =	ssyncadd.s32 $0xFFFFF000  }
0x50: {  	_ =	swait.ge [sflag:s30], $0x1000  }
0x51: {  	[sflag:s30] =	ssyncset.done $0x0  }
0x52: {  	[sflag:s30] =	ssyncadd.s32 $0xFFFFF000  }
0x53: {  	_ =	swait.ge [sflag:s30], $0x1000  }
0x54: {  	[sflag:s30] =	ssyncset.done $0x0  }
0x55: {  	[sflag:s30] =	ssyncadd.s32 $0xFFFFF000  }
0x56: {  	v8 =	vld [tilespmem:s1+$0x7600]  }
0x57: {  	v9 =	vld [tilespmem:s1+$0x7680]  }
0x58: {  	v10 =	vld [tilespmem:s1+$0x7700];
	_ =	sdelay $0x2  }
0x59: {  	v11 =	vshll.u32 v8, $0x1  }
0x5a: {  	v13 =	vshll.u32 v9, $0x1  }
0x5b: {  	v15 =	vshll.u32 v10, $0x1  }
0x5c: {  	v12 =	vor.u32 $0x1, v11  }
0x5d: {  	v14 =	vor.u32 $0x1, v13  }
0x5e: {  	v16 =	vor.u32 $0x1, v15;
	v11 =	vld.idx.msk [tilespmem:v11+s7+$0x0], $0xffff  }
0x5f: {  	v13 =	vld.idx.msk [tilespmem:v13+s7+$0x0], $0xffff  }
0x60: {  	v15 =	vld.idx.msk [tilespmem:v15+s7+$0x0], $0xffff  }
0x61: {  	v12 =	vld.idx.msk [tilespmem:v12+s7+$0x0], $0xffff  }
0x62: {  	v14 =	vld.idx.msk [tilespmem:v14+s7+$0x0], $0xffff  }
0x63: {  	v16 =	vld.idx.msk [tilespmem:v16+s7+$0x0], $0xffff;
	_ =	sdelay $0x3  }
0x64: {  	v13 =	vsub.f32 v13, v11;
	v11 =	vsub.f32 v15, v11  }
0x65: {  	v14 =	vsub.f32 v14, v12;
	v12 =	vsub.f32 v16, v12;
	_ =	sdelay $0x1  }
0x66: {  	v15 =	vmul.f32 v12, v13;
	v16 =	vmul.f32 v11, v14;
	_ =	sdelay $0x1  }
0x67: {  	v15 =	vsub.f32 v15, v16;
	_ =	sdelay $0x1  }
0x68: {  	(erf) = vrcp.f32 v15;
	_ =	sdelay $0x3  }
0x69: {  	v17 =	vmul.f32 v12, v14  }
0x6a: {  	v16 =	vmul.f32 v11, v13;
	v13 =	vmul.f32 v13, v13  }
0x6b: {  	v12 =	vmul.f32 v12, v12;
	v11 =	vmul.f32 v11, v11  }
0x6c: {  	v14 =	vmul.f32 v14, v14  }
0x6d: {  	v16 =	vadd.f32 v17, v16;
	v11 =	vadd.f32 v12, v11  }
0x6e: {  	v12 =	vadd.f32 v14, v13;
	v13 =	vpop (erf)  }
0x6f: {  	v14 =	vsub.f32 v11, v16;
	v13 =	vmul.f32 v13, v0  }
0x70: {  	v17 =	vsub.f32 v12, v16  }
0x71: {  	v18 =	vmul.f32 v15, v4;
	v14 =	vmul.f32 v13, v14  }
0x72: {  	v19 =	vmul.f32 v15, v5;
	v17 =	vmul.f32 v13, v17  }
0x73: {  	v20 =	vmul.f32 v13, v16;
	v14 =	vsub.f32 v18, v14;
	v18 =	vmul.f32 v15, v6  }
0x74: {  	v17 =	vsub.f32 v19, v17  }
0x75: {  	v8 =	vld.idx.msk [tilespmem:v8+s18+$0x0], $0xffff;
	v14 =	vadd.f32 v14, v14;
	v18 =	vsub.f32 v18, v20  }
0x76: {  	v9 =	vld.idx.msk [tilespmem:v9+s18+$0x0], $0xffff;
	v17 =	vadd.f32 v17, v17  }
0x77: {  	v10 =	vld.idx.msk [tilespmem:v10+s18+$0x0], $0xffff;
	[tilespmem:$0xDE00] =	vst v14;
	v14 =	vadd.f32 v18, v18  }
0x78: {  	[tilespmem:$0xDE10] =	vst v17  }
0x79: {  	s5 =	simm.s32 $0x8E80;
	[tilespmem:$0xDE20] =	vst v14  }
0x7a: {  	v14 =	vld [tilespmem:s5+$0xFFFFEFF0]  }
0x7b: {  	v17 =	vld [tilespmem:s5+$0xFFFFEFE0]  }
0x7c: {  	v18 =	vld [tilespmem:s5+$0xFFFFFFE0]  }
0x7d: {  	v19 =	vld [tilespmem:s5+$0xFD0]  }
0x7e: {  	v20 =	vld [tilespmem:s5+$0xFFFFEFD0]  }
0x7f: {  	v21 =	vld [tilespmem:s5+$0xFFFFFFD0]  }
0x80: {  	v22 =	vld [tilespmem:s5+$0xFFFFFFF0]  }
0x81: {  	v16 =	vadd.f32 v16, v16;
	v23 =	vld [tilespmem:s5+$0xFFFFFFC0]  }
0x82: {  	v24 =	vld [tilespmem:s5+$0xFFFFEFC0]  }
0x83: {  	v16 =	vsub.f32 v12, v16;
	v25 =	vld [tilespmem:s5+$0xFC0]  }
0x84: {  	v26 =	vld [tilespmem:s5+$0xFFFFEFB0]  }
0x85: {  	v16 =	vadd.f32 v16, v11;
	v27 =	vld [tilespmem:s5+$0xFFFFFFB0]  }
0x86: {  	v28 =	vld [tilespmem:s5+$0xFFFFEFA0]  }
0x87: {  	v30 =	vmul.f32 v15, v1;
	v16 =	vmul.f32 v16, v13;
	v29 =	vld [tilespmem:s5+$0xFFFFFFA0]  }
0x88: {  	v32 =	vmul.f32 v15, v2;
	v11 =	vmul.f32 v13, v11;
	v31 =	vld [tilespmem:s5+$0xFFFFFF80]  }
0x89: {  	v16 =	vadd.f32 v16, v30;
	v30 =	vld [tilespmem:s5+$0xFB0]  }
0x8a: {  	v15 =	vmul.f32 v15, v3;
	v12 =	vmul.f32 v13, v12;
	v11 =	vadd.f32 v11, v32;
	v13 =	vld [tilespmem:s5+$0xFFFFEF90]  }
0x8b: {  	v52 =	vld [tilespmem:s5+$0xFFFFFF90]  }
0x8c: {  	v9 =	vmul.f32 v11, v9;
	v11 =	vadd.f32 v12, v15;
	v12 =	vld [tilespmem:s5+$0xF90];
	v8 =	vmul.f32 v16, v8  }
0x8d: {  	v33 =	vld [tilespmem:s5+$0xF80]  }
0x8e: {  	v15 =	vld [tilespmem:s5+$0xFFFFEF80];
	v8 =	vadd.f32 v8, v9;
	v9 =	vmul.f32 v11, v10  }
0x8f: {  	v35 =	vld [tilespmem:s5+$0x0]  }
0x90: {  	v36 =	vld [tilespmem:s5+$0x1000];
	v8 =	vadd.f32 v8, v9;
	v9 =	vmul.bf16 v30, v26;
	v16 =	vmul.bf16 v30, v27  }
0x91: {  	v11 =	vld [tilespmem:s5+$0xFA0];
	v34 =	vmul.bf16 v12, v13;
	v12 =	vmul.bf16 v12, v52  }
0x92: {  	v53 =	vld [tilespmem:s5+$0x1030];
	v13 =	vmul.bf16 v52, v13;
	v26 =	vmul.bf16 v27, v26  }
0x93: {  	v55 =	vld [tilespmem:s5+$0x30];
	v58 =	vmul.bf16 v19, v21;
	v19 =	vmul.bf16 v19, v20  }
0x94: {  	v30 =	vld [tilespmem:s5+$0xFFFFF000];
	v40 =	vmul.bf16 v22, v14;
	v7 =	vadd.f32 v8, v7;
	v8 =	vmul.bf16 v33, v15  }
0x95: {  	v56 =	vld [tilespmem:s5+$0x1010];
	v33 =	vmul.bf16 v33, v31;
	v15 =	vmul.bf16 v31, v15  }
0x96: {  	v57 =	vld [tilespmem:s5+$0x1020];
	v31 =	vmov s7;
	v54 =	vmul.bf16 v11, v28;
	v8 =	vadd.bf16 v34, v8  }
0x97: {  	v11 =	vmul.bf16 v11, v29;
	v13 =	vadd.bf16 v13, v15;
	v15 =	vmul.bf16 v29, v28;
	v28 =	vld [tilespmem:s5+$0xFFFFF010]  }
0x98: {  	v42 =	vor.u32 $0x20, v31;
	v12 =	vadd.bf16 v12, v33;
	v29 =	vld [tilespmem:s5+$0x10];
	v8 =	vadd.bf16 v54, v8  }
0x99: {  	v37 =	vld [tilespmem:s5+$0xFFFFF020];
	v27 =	vmul.bf16 v35, v30;
	v13 =	vadd.bf16 v15, v13;
	v15 =	vmul.bf16 v36, v30  }
0x9a: {  	v10 =	vld [tilespmem:s5+$0x1040];
	v11 =	vadd.bf16 v11, v12;
	v12 =	vmul.bf16 v25, v24;
	v8 =	vadd.bf16 v9, v8  }
0x9b: {  	v30 =	vmul.bf16 v36, v35;
	v24 =	vmul.bf16 v23, v24;
	v13 =	vadd.bf16 v26, v13;
	v26 =	vld [tilespmem:s5+$0xFFFFF030]  }
0x9c: {  	v11 =	vadd.bf16 v16, v11;
	v16 =	vld [tilespmem:s5+$0x20];
	v8 =	vadd.bf16 v12, v8;
	v12 =	vmul.bf16 v25, v23  }
0x9d: {  	s11 =	simm.s32 $0x1;
	v9 =	vmul.bf16 v53, v55;
	v13 =	vadd.bf16 v24, v13;
	v23 =	vmul.bf16 v29, v28;
	v24 =	vld [tilespmem:s5+$0xFFFFF040]  }
0x9e: {  	v25 =	vmov s11;
	v11 =	vadd.bf16 v12, v11;
	v12 =	vmul.bf16 v21, v20;
	v21 =	vld [tilespmem:s5+$0xFE0]  }
0x9f: {  	v28 =	vmul.bf16 v56, v28;
	v38 =	vor.u32 $0x20, v25;
	v23 =	vadd.bf16 v23, v27;
	v27 =	vld [tilespmem:s5+$0x40]  }
0xa0: {  	v60 =	vld [tilespmem:s5+$0xFF0];
	v59 =	vor.u32 $0x10, v25;
	v19 =	vadd.bf16 v19, v8;
	v20 =	vmul.bf16 v55, v26  }
0xa1: {  	v61 =	vld [tilespmem:s5+$0xFFFFF050];
	v28 =	vadd.bf16 v28, v15;
	v39 =	vmul.bf16 v57, v16;
	v26 =	vmul.bf16 v53, v26  }
0xa2: {  	v43 =	vld [tilespmem:s5+$0x1060];
	v16 =	vmul.bf16 v16, v37;
	v12 =	vadd.bf16 v12, v13;
	v13 =	vmul.bf16 v18, v17  }
0xa3: {  	v63 =	vld [tilespmem:s5+$0xFFFFF060];
	v11 =	vadd.bf16 v58, v11;
	v41 =	vmul.bf16 v10, v24;
	v62 =	vmul.bf16 v21, v17  }
0xa4: {  	v8 =	vld.idx.msk [tilespmem:v38+s31+$0x0], $0xffff;
	v12 =	vadd.bf16 v13, v12;
	v18 =	vmul.bf16 v21, v18;
	v15 =	vmul.bf16 v10, v27  }
0xa5: {  	v13 =	vld [tilespmem:s5+$0x1050];
	v10 =	vmul.bf16 v60, v14;
	v21 =	vmul.bf16 v56, v29;
	v14 =	vadd.bf16 v16, v23  }
0xa6: {  	v16 =	vld [tilespmem:s5+$0x50];
	v17 =	vmul.bf16 v60, v22;
	v23 =	vmul.bf16 v57, v37;
	v12 =	vadd.bf16 v40, v12  }
0xa7: {  	v22 =	vld.idx.msk [tilespmem:v31+s31+$0x0], $0xffff;
	v24 =	vmul.bf16 v27, v24;
	v19 =	vadd.bf16 v62, v19;
	v20 =	vadd.bf16 v20, v14  }
0xa8: {  	v27 =	vld [tilespmem:s5+$0x60];
	v23 =	vadd.bf16 v23, v28;
	v14 =	vunpack.i.u.bf16.f32 v12;
	v12 =	vunpack.i.l.bf16.f32 v12  }
0xa9: {  	v31 =	vor.u32 $0x10, v31;
	v30 =	vadd.bf16 v21, v30;
	v12 =	vadd.f32 v12, v14;
	v14 =	vld.idx.msk [tilespmem:v59+s31+$0x0], $0xffff  }
0xaa: {  	v28 =	vmul.bf16 v43, v63;
	v18 =	vadd.bf16 v18, v11;
	v19 =	vadd.bf16 v10, v19;
	v10 =	vld.idx.msk [tilespmem:v25+s31+$0x0], $0xffff  }
0xab: {  	v23 =	vadd.bf16 v26, v23;
	v21 =	vadd.bf16 v24, v20;
	v24 =	vld [tilespmem:s5+$0x1070];
	v26 =	vmul.bf16 v16, v61  }
0xac: {  	v29 =	vmul.bf16 v13, v61;
	v25 =	vld [tilespmem:s5+$0x70];
	v30 =	vadd.bf16 v39, v30;
	v20 =	vmul.bf16 v13, v16  }
0xad: {  	v13 =	vmul.f32 v22, v12;
	v22 =	vadd.bf16 v41, v23;
	v21 =	vadd.bf16 v26, v21;
	v26 =	vld [tilespmem:s5+$0xFFFFF070]  }
0xae: {  	v16 =	vunpack.i.u.bf16.f32 v19;
	v19 =	vunpack.i.l.bf16.f32 v19;
	v12 =	vld.idx.msk [tilespmem:v42+s31+$0x0], $0xffff;
	v23 =	vmul.bf16 v27, v63  }
0xaf: {  	s7 =	simm.s32 $0x8F80;
	v27 =	vmul.bf16 v43, v27;
	v19 =	vadd.f32 v19, v16;
	s5 =	simm.s32 $0x2;
	v29 =	vadd.bf16 v29, v22;
	v22 =	vld.idx.msk [tilespmem:v31+s31+$0x0], $0xffff  }
.LBB2_4:
0xb0: {  	v11 =	vld [tilespmem:s7+$0xFFFFF050];
	p1 =	slt.u32 s5, $0xE;
	s11 =	smov.u32 s5;
	s5 =	sadd.s32 $0x2, s5  }
0xb1: {  	v16 =	vld [tilespmem:s7+$0xFFFFEFF0];
	v31 =	vadd.bf16 v17, v18;
	v9 =	vadd.bf16 v9, v30;
	v30 =	vmul.bf16 v24, v25  }
0xb2: {  	v28 =	vadd.bf16 v28, v29;
	v18 =	vld [tilespmem:s7+$0xFFFFEFE0];
	v25 =	vmul.bf16 v25, v26;
	v24 =	vmul.bf16 v24, v26  }
0xb3: {  	v17 =	vld [tilespmem:s7+$0xFFFFFFE0];
	v26 =	vunpack.i.u.bf16.f32 v31;
	v29 =	vunpack.i.l.bf16.f32 v31;
	v9 =	vadd.bf16 v15, v9  }
0xb4: {  	v15 =	vld [tilespmem:s7+$0xFD0];
	v26 =	vadd.f32 v29, v26;
	v28 =	vadd.bf16 v24, v28  }
0xb5: {  	v24 =	vld [tilespmem:s7+$0xFFFFEFD0];
	v9 =	vadd.bf16 v20, v9  }
0xb6: {  	v29 =	vld [tilespmem:s7+$0xFFFFFFD0];
	v31 =	vunpack.i.u.bf16.f32 v28;
	v28 =	vunpack.i.l.bf16.f32 v28  }
0xb7: {  	v20 =	vld [tilespmem:s7+$0xFFFFFFF0];
	v9 =	vadd.bf16 v27, v9;
	v27 =	vadd.f32 v28, v31  }
0xb8: {  	v28 =	vld [tilespmem:s7+$0xFFFFFFC0]  }
0xb9: {  	v31 =	vld [tilespmem:s7+$0xFFFFEFC0];
	v9 =	vadd.bf16 v30, v9;
	v14 =	vmul.f32 v14, v27  }
0xba: {  	v27 =	vld [tilespmem:s7+$0xFC0]  }
0xbb: {  	v21 =	vadd.bf16 v23, v21;
	v30 =	vld [tilespmem:s7+$0xFFFFEFB0];
	v23 =	vunpack.i.u.bf16.f32 v9;
	v9 =	vunpack.i.l.bf16.f32 v9  }
0xbc: {  	v32 =	vld [tilespmem:s7+$0xFFFFFFB0];
	v9 =	vadd.f32 v9, v23  }
0xbd: {  	v19 =	vmul.f32 v22, v19;
	v21 =	vadd.bf16 v25, v21;
	v23 =	vld [tilespmem:s7+$0xFFFFEFA0]  }
0xbe: {  	v22 =	vld [tilespmem:s7+$0xFFFFFFA0];
	v8 =	vmul.f32 v8, v9  }
0xbf: {  	v13 =	vadd.f32 v19, v13;
	v19 =	vunpack.i.u.bf16.f32 v21;
	v9 =	vld [tilespmem:s7+$0xFFFFFF80]  }
0xc0: {  	v21 =	vunpack.i.l.bf16.f32 v21;
	v25 =	vld [tilespmem:s7+$0xF80]  }
0xc1: {  	v7 =	vadd.f32 v13, v7;
	v13 =	vadd.f32 v21, v19;
	v33 =	vld [tilespmem:s7+$0xFB0]  }
0xc2: {  	v19 =	vld [tilespmem:s7+$0xFFFFEF90]  }
0xc3: {  	v12 =	vmul.f32 v12, v26;
	v10 =	vmul.f32 v10, v13;
	v21 =	vld [tilespmem:s7+$0xFFFFFF90]  }
0xc4: {  	v13 =	vld [tilespmem:s7+$0xF90]  }
0xc5: {  	v7 =	vadd.f32 v7, v12;
	v10 =	vadd.f32 v14, v10;
	v26 =	vld [tilespmem:s7+$0xFFFFEF80]  }
0xc6: {  	v12 =	vmul.bf16 v33, v30;
	v14 =	vld [tilespmem:s7+$0x1040]  }
0xc7: {  	v7 =	vadd.f32 v10, v7;
	v33 =	vmul.bf16 v33, v32;
	v34 =	vld [tilespmem:s7+$0xFA0]  }
0xc8: {  	v10 =	vmul.bf16 v21, v19;
	v35 =	vld [tilespmem:s7+$0xFFFFF000]  }
0xc9: {  	v7 =	vadd.f32 v7, v8;
	v19 =	vmul.bf16 v13, v19;
	v13 =	vmul.bf16 v13, v21;
	v21 =	vld [tilespmem:s7+$0x0]  }
0xca: {  	v8 =	vmul.bf16 v25, v26;
	v25 =	vmul.bf16 v25, v9;
	v36 =	vld [tilespmem:s7+$0x1000]  }
0xcb: {  	v9 =	vmul.bf16 v9, v26;
	v26 =	vmov s11;
	v37 =	vld [tilespmem:s7+$0x1030]  }
0xcc: {  	v8 =	vadd.bf16 v19, v8;
	v13 =	vadd.bf16 v13, v25;
	v19 =	vmul.bf16 v34, v23;
	v25 =	vld [tilespmem:s7+$0x30]  }
0xcd: {  	v9 =	vadd.bf16 v10, v9;
	v10 =	vmul.bf16 v22, v23;
	v22 =	vmul.bf16 v34, v22;
	v23 =	vld [tilespmem:s7+$0xFFFFF010]  }
0xce: {  	v8 =	vadd.bf16 v19, v8;
	v19 =	vmul.bf16 v32, v30;
	v30 =	vmul.bf16 v21, v35;
	v32 =	vld [tilespmem:s7+$0x10]  }
0xcf: {  	v9 =	vadd.bf16 v10, v9;
	v10 =	vmul.bf16 v36, v35;
	v21 =	vmul.bf16 v36, v21;
	v34 =	vld [tilespmem:s7+$0x1010]  }
0xd0: {  	v13 =	vadd.bf16 v22, v13;
	v8 =	vadd.bf16 v12, v8;
	v12 =	vmul.bf16 v27, v31;
	v22 =	vld [tilespmem:s7+$0x1020]  }
0xd1: {  	v19 =	vadd.bf16 v19, v9;
	v31 =	vmul.bf16 v28, v31;
	v35 =	vld [tilespmem:s7+$0xFFFFF030];
	v9 =	vmul.bf16 v37, v25  }
0xd2: {  	s11 =	sadd.s32 $0x1, s11;
	v13 =	vadd.bf16 v33, v13;
	v8 =	vadd.bf16 v12, v8;
	v12 =	vmul.bf16 v27, v28;
	v27 =	vld [tilespmem:s7+$0x20]  }
0xd3: {  	v33 =	vmov s11;
	v19 =	vadd.bf16 v31, v19;
	v28 =	vmul.bf16 v32, v23;
	v31 =	vld [tilespmem:s7+$0xFFFFF040]  }
0xd4: {  	v36 =	vmul.bf16 v15, v29;
	v39 =	vor.u32 $0x20, v33;
	v23 =	vmul.bf16 v34, v23;
	v38 =	vld [tilespmem:s7+$0xFFFFF020]  }
0xd5: {  	v12 =	vadd.bf16 v12, v13;
	v13 =	vmul.bf16 v29, v24;
	v29 =	vld [tilespmem:s7+$0xFE0];
	v28 =	vadd.bf16 v28, v30  }
0xd6: {  	v15 =	vmul.bf16 v15, v24;
	v30 =	vor.u32 $0x10, v33;
	v24 =	vmul.bf16 v25, v35;
	v25 =	vld [tilespmem:s7+$0x40]  }
0xd7: {  	v36 =	vadd.bf16 v36, v12;
	v35 =	vmul.bf16 v37, v35;
	v12 =	vld [tilespmem:s7+$0xFF0];
	v40 =	vmul.bf16 v22, v27  }
0xd8: {  	v41 =	vmul.bf16 v20, v16;
	v37 =	vadd.bf16 v15, v8;
	v42 =	vmul.bf16 v14, v31  }
0xd9: {  	v13 =	vadd.bf16 v13, v19;
	v15 =	vmul.bf16 v17, v18;
	v19 =	vor.u32 $0x20, v26;
	v8 =	vld.idx.msk [tilespmem:v39+s31+$0x0], $0xffff  }
0xda: {  	v10 =	vadd.bf16 v23, v10;
	v23 =	vmul.bf16 v27, v38;
	v18 =	vmul.bf16 v29, v18;
	v27 =	vld [tilespmem:s7+$0x1060]  }
0xdb: {  	v13 =	vadd.bf16 v15, v13;
	v39 =	vmul.bf16 v29, v17;
	v15 =	vmul.bf16 v14, v25;
	v29 =	vld [tilespmem:s7+$0x1050]  }
0xdc: {  	v32 =	vmul.bf16 v34, v32;
	v14 =	vadd.bf16 v23, v28;
	v16 =	vmul.bf16 v12, v16;
	v23 =	vld [tilespmem:s7+$0x50]  }
0xdd: {  	v13 =	vadd.bf16 v41, v13;
	v17 =	vmul.bf16 v12, v20;
	v20 =	vmul.bf16 v22, v38;
	v12 =	vld.idx.msk [tilespmem:v26+s31+$0x0], $0xffff  }
0xde: {  	v18 =	vadd.bf16 v18, v37;
	v22 =	vadd.bf16 v24, v14;
	v24 =	vmul.bf16 v25, v31;
	v31 =	vld [tilespmem:s7+$0x60]  }
0xdf: {  	v14 =	vunpack.i.u.bf16.f32 v13;
	v13 =	vunpack.i.l.bf16.f32 v13;
	v10 =	vadd.bf16 v20, v10;
	v34 =	vld [tilespmem:s7+$0xFFFFF060]  }
0xe0: {  	v37 =	vor.u32 $0x10, v26;
	v13 =	vadd.f32 v13, v14;
	v38 =	vmul.bf16 v29, v11;
	v14 =	vld.idx.msk [tilespmem:v30+s31+$0x0], $0xffff  }
0xe1: {  	v16 =	vadd.bf16 v16, v18;
	v18 =	vadd.bf16 v35, v10;
	v11 =	vmul.bf16 v23, v11;
	v10 =	vld.idx.msk [tilespmem:v33+s31+$0x0], $0xffff  }
.Ltmp3:
0xe2: {  	v30 =	vadd.bf16 v32, v21;
	v21 =	vadd.bf16 v24, v22;
	v20 =	vmul.bf16 v29, v23;
	v24 =	vld [tilespmem:s7+$0x1070];
	(pc) =	sbr.rel @p1 .LBB2_4-.Ltmp3, $4  }
0xe3: {  	v22 =	vunpack.i.u.bf16.f32 v16;
	v13 =	vmul.f32 v12, v13;
	v18 =	vadd.bf16 v42, v18;
	v25 =	vld [tilespmem:s7+$0x70]  }
0xe4: {  	v16 =	vunpack.i.l.bf16.f32 v16;
	v21 =	vadd.bf16 v11, v21;
	v28 =	vmul.bf16 v27, v34;
	v26 =	vld [tilespmem:s7+$0xFFFFF070]  }
0xe5: {  	v29 =	vadd.bf16 v38, v18;
	v23 =	vmul.bf16 v31, v34;
	v12 =	vld.idx.msk [tilespmem:v19+s31+$0x0], $0xffff;
	v19 =	vadd.f32 v16, v22  }
0xe6: {  	v30 =	vadd.bf16 v40, v30;
	v18 =	vadd.bf16 v39, v36;
	v27 =	vmul.bf16 v27, v31;
	s7 =	sadd.s32 $0x100, s7;
	v22 =	vld.idx.msk [tilespmem:v37+s31+$0x0], $0xffff  }
0xe7: {  	v11 =	vld [tilespmem:s1+$0x7610]  }
0xe8: {  	v16 =	vld [tilespmem:s1+$0x7690]  }
0xe9: {  	v31 =	vld [tilespmem:s1+$0x7710];
	_ =	sdelay $0x2  }
0xea: {  	v32 =	vshll.u32 v11, $0x1  }
0xeb: {  	v34 =	vshll.u32 v16, $0x1  }
0xec: {  	v36 =	vshll.u32 v31, $0x1  }
0xed: {  	v33 =	vor.u32 $0x1, v32  }
0xee: {  	s7 =	simm.s32 $0x0;
	v35 =	vor.u32 $0x1, v34  }
0xef: {  	v37 =	vor.u32 $0x1, v36;
	v32 =	vld.idx.msk [tilespmem:v32+s7+$0x0], $0xffff  }
0xf0: {  	v34 =	vld.idx.msk [tilespmem:v34+s7+$0x0], $0xffff  }
0xf1: {  	v36 =	vld.idx.msk [tilespmem:v36+s7+$0x0], $0xffff  }
0xf2: {  	v33 =	vld.idx.msk [tilespmem:v33+s7+$0x0], $0xffff  }
0xf3: {  	v35 =	vld.idx.msk [tilespmem:v35+s7+$0x0], $0xffff  }
0xf4: {  	v37 =	vld.idx.msk [tilespmem:v37+s7+$0x0], $0xffff;
	_ =	sdelay $0x3  }
0xf5: {  	v34 =	vsub.f32 v34, v32;
	v32 =	vsub.f32 v36, v32  }
0xf6: {  	v35 =	vsub.f32 v35, v33;
	v33 =	vsub.f32 v37, v33;
	_ =	sdelay $0x1  }
0xf7: {  	v53 =	vmul.f32 v33, v34;
	v54 =	vmul.f32 v32, v35;
	_ =	sdelay $0x1  }
0xf8: {  	v36 =	vsub.f32 v53, v54;
	_ =	sdelay $0x1  }
0xf9: {  	(erf) = vrcp.f32 v36;
	_ =	sdelay $0x4  }
0xfa: {  	v55 =	vmul.f32 v32, v34;
	v38 =	vmul.f32 v33, v35  }
0xfb: {  	v32 =	vmul.f32 v32, v32;
	v33 =	vmul.f32 v33, v33  }
0xfc: {  	v34 =	vmul.f32 v34, v34;
	v35 =	vmul.f32 v35, v35  }
0xfd: {  	v37 =	vadd.f32 v38, v55;
	v32 =	vadd.f32 v33, v32  }
0xfe: {  	v56 =	vadd.f32 v35, v34;
	v57 =	vpop (erf)  }
0xff: {  	v58 =	vsub.f32 v32, v37;
	v34 =	vmul.f32 v57, v0  }
0x100: {  	v38 =	vsub.f32 v56, v37  }
0x101: {  	v39 =	vmul.f32 v36, v4;
	v35 =	vmul.f32 v34, v58  }
0x102: {  	v40 =	vmul.f32 v36, v5;
	v38 =	vmul.f32 v34, v38  }
0x103: {  	v59 =	vmul.f32 v36, v6;
	v41 =	vmul.f32 v34, v37;
	v35 =	vsub.f32 v39, v35  }
0x104: {  	v42 =	vld.idx.msk [tilespmem:v11+s18+$0x0], $0xffff;
	v11 =	vsub.f32 v40, v38  }
0x105: {  	v60 =	vld.idx.msk [tilespmem:v16+s18+$0x0], $0xffff;
	v61 =	vsub.f32 v59, v41;
	v16 =	vadd.f32 v35, v35  }
0x106: {  	v11 =	vadd.f32 v11, v11  }
0x107: {  	v31 =	vld.idx.msk [tilespmem:v31+s18+$0x0], $0xffff;
	[tilespmem:$0xDE00] =	vst v16;
	v16 =	vadd.f32 v61, v61  }
0x108: {  	[tilespmem:$0xDE10] =	vst v11  }
0x109: {  	s5 =	simm.s32 $0x9600;
	[tilespmem:$0xDE20] =	vst v16  }
0x10a: {  	v9 =	vadd.bf16 v9, v30;
	v11 =	vld [tilespmem:s5+$0xFFFFF070]  }
0x10b: {  	v16 =	vld [tilespmem:s5+$0xFFFFF060]  }
0x10c: {  	v9 =	vadd.bf16 v15, v9;
	v15 =	vld [tilespmem:s5+$0x60]  }
0x10d: {  	v28 =	vadd.bf16 v28, v29;
	v30 =	vld [tilespmem:s5+$0x1050]  }
0x10e: {  	v17 =	vadd.bf16 v17, v18;
	v19 =	vmul.f32 v22, v19;
	v9 =	vadd.bf16 v20, v9;
	v18 =	vld [tilespmem:s5+$0xFFFFF050]  }
0x10f: {  	v21 =	vadd.bf16 v23, v21;
	v20 =	vmul.bf16 v24, v25;
	v24 =	vmul.bf16 v24, v26;
	v29 =	vld [tilespmem:s5+$0x50]  }
0x110: {  	v62 =	vunpack.i.u.bf16.f32 v17;
	v63 =	vunpack.i.l.bf16.f32 v17;
	v9 =	vadd.bf16 v27, v9;
	v17 =	vld [tilespmem:s5+$0x70]  }
0x111: {  	v25 =	vmul.bf16 v25, v26;
	v13 =	vadd.f32 v19, v13;
	v24 =	vadd.bf16 v24, v28;
	v28 =	vld [tilespmem:s5+$0x40]  }
0x112: {  	v9 =	vadd.bf16 v20, v9;
	v20 =	vadd.f32 v37, v37;
	v26 =	vld [tilespmem:s5+$0xFFFFF040]  }
0x113: {  	v21 =	vadd.bf16 v25, v21;
	v40 =	vunpack.i.u.bf16.f32 v24;
	v24 =	vunpack.i.l.bf16.f32 v24;
	v23 =	vld [tilespmem:s5+$0x1040]  }
0x114: {  	v20 =	vsub.f32 v56, v20;
	v24 =	vadd.f32 v24, v40;
	v43 =	vld [tilespmem:s5+$0xFFFFF030]  }
0x115: {  	v27 =	vadd.f32 v63, v62;
	v7 =	vadd.f32 v13, v7;
	v19 =	vunpack.i.u.bf16.f32 v21;
	v22 =	vld [tilespmem:s5+$0x30]  }
0x116: {  	v21 =	vunpack.i.l.bf16.f32 v21;
	v20 =	vadd.f32 v20, v32;
	v14 =	vmul.f32 v14, v24;
	v24 =	vld [tilespmem:s5+$0xFFFFF020]  }
0x117: {  	v19 =	vadd.f32 v21, v19;
	v21 =	vmul.f32 v36, v1;
	v13 =	vmul.f32 v36, v2;
	v25 =	vld [tilespmem:s5+$0x20]  }
0x118: {  	v20 =	vmul.f32 v20, v34;
	v32 =	vmul.f32 v34, v32;
	v44 =	vld [tilespmem:s5+$0x0]  }
0x119: {  	v12 =	vmul.f32 v12, v27;
	v10 =	vmul.f32 v10, v19;
	v45 =	vld [tilespmem:s5+$0x1000]  }
0x11a: {  	v27 =	vmul.f32 v34, v56;
	v19 =	vadd.f32 v20, v21;
	v13 =	vadd.f32 v32, v13;
	v20 =	vld [tilespmem:s5+$0x1030]  }
0x11b: {  	v41 =	vunpack.i.u.bf16.f32 v9;
	v9 =	vunpack.i.l.bf16.f32 v9;
	v21 =	vmul.f32 v36, v3;
	v46 =	vld [tilespmem:s5+$0xFFFFF010]  }
0x11c: {  	v7 =	vadd.f32 v7, v12;
	v9 =	vadd.f32 v9, v41;
	v13 =	vmul.f32 v13, v60;
	v12 =	vld [tilespmem:s5+$0x10]  }
0x11d: {  	v10 =	vadd.f32 v14, v10;
	v14 =	vmul.f32 v19, v42;
	v19 =	vadd.f32 v27, v21;
	v21 =	vld [tilespmem:s5+$0x1010]  }
0x11e: {  	v8 =	vmul.f32 v8, v9;
	v9 =	vld [tilespmem:s5+$0xFFFFF000]  }
0x11f: {  	v7 =	vadd.f32 v10, v7;
	v10 =	vadd.f32 v14, v13;
	v13 =	vmul.f32 v19, v31;
	v14 =	vld [tilespmem:s5+$0x10C0]  }
0x120: {  	v31 =	vld [tilespmem:s5+$0x80]  }
0x121: {  	v7 =	vadd.f32 v7, v8;
	v8 =	vld [tilespmem:s5+$0x1020];
	v10 =	vadd.f32 v10, v13;
	v13 =	vmul.bf16 v20, v43  }
0x122: {  	v49 =	vmov s7;
	v48 =	vld [tilespmem:s5+$0x1080];
	v19 =	vmul.bf16 v20, v22;
	v27 =	vmul.bf16 v21, v46  }
0x123: {  	v7 =	vadd.f32 v10, v7;
	v20 =	vld [tilespmem:s5+$0xFFFFF080];
	v21 =	vmul.bf16 v21, v12;
	v10 =	vmul.bf16 v45, v9  }
0x124: {  	v61 =	vor.u32 $0x20, v49;
	v50 =	vld [tilespmem:s5+$0x10B0];
	v12 =	vmul.bf16 v12, v46;
	v9 =	vmul.bf16 v44, v9  }
0x125: {  	v52 =	vld [tilespmem:s5+$0xFFFFF0B0];
	v47 =	vmul.bf16 v45, v44;
	v22 =	vmul.bf16 v22, v43;
	v10 =	vadd.bf16 v27, v10  }
0x126: {  	v51 =	vld [tilespmem:s5+$0xB0];
	v27 =	vmul.bf16 v8, v24;
	v9 =	vadd.bf16 v12, v9;
	v12 =	vmul.bf16 v25, v24  }
0x127: {  	v53 =	vmul.bf16 v30, v29;
	v21 =	vadd.bf16 v21, v47;
	v8 =	vmul.bf16 v8, v25;
	v24 =	vld [tilespmem:s5+$0xFFFFF090]  }
0x128: {  	v10 =	vadd.bf16 v27, v10;
	v27 =	vld [tilespmem:s5+$0x90];
	v9 =	vadd.bf16 v12, v9;
	v25 =	vmul.bf16 v31, v20  }
0x129: {  	v8 =	vadd.bf16 v8, v21;
	v12 =	vmul.bf16 v48, v20;
	v20 =	vmul.bf16 v48, v31;
	v31 =	vld [tilespmem:s5+$0x1090]  }
0x12a: {  	v34 =	vmul.bf16 v50, v52;
	v21 =	vld [tilespmem:s5+$0x10A0];
	v10 =	vadd.bf16 v13, v10;
	v13 =	vmul.bf16 v23, v26  }
0x12b: {  	v22 =	vadd.bf16 v22, v9;
	v26 =	vmul.bf16 v28, v26;
	v8 =	vadd.bf16 v19, v8;
	v19 =	vld [tilespmem:s5+$0xA0]  }
0x12c: {  	s11 =	simm.s32 $0x1;
	v54 =	vld [tilespmem:s5+$0xFFFFF0A0];
	v9 =	vmul.bf16 v50, v51;
	v10 =	vadd.bf16 v13, v10;
	v13 =	vmul.bf16 v23, v28  }
0x12d: {  	v57 =	vld [tilespmem:s5+$0x1070];
	v22 =	vadd.bf16 v26, v22;
	v28 =	vmov s11;
	v23 =	vmul.bf16 v27, v24  }
0x12e: {  	v59 =	vld [tilespmem:s5+$0xFFFFF0D0];
	v55 =	vor.u32 $0x20, v28;
	v56 =	vor.u32 $0x10, v28;
	v24 =	vmul.bf16 v31, v24  }
0x12f: {  	v26 =	vld [tilespmem:s5+$0xFFFFF0C0];
	v8 =	vadd.bf16 v13, v8;
	v13 =	vmul.bf16 v29, v18;
	v18 =	vmul.bf16 v30, v18  }
0x130: {  	v29 =	vld [tilespmem:s5+$0x1060];
	v23 =	vadd.bf16 v23, v25;
	v25 =	vmul.bf16 v51, v52;
	v58 =	vmul.bf16 v21, v19  }
0x131: {  	v62 =	vld [tilespmem:s5+$0x10E0];
	v19 =	vmul.bf16 v19, v54;
	v21 =	vmul.bf16 v21, v54;
	v36 =	vadd.bf16 v53, v8  }
0x132: {  	v30 =	vld [tilespmem:s5+$0xC0];
	v10 =	vadd.bf16 v18, v10;
	v18 =	vmul.bf16 v17, v11;
	v13 =	vadd.bf16 v13, v22  }
0x133: {  	v22 =	vmul.bf16 v15, v16;
	v12 =	vadd.bf16 v24, v12;
	v24 =	vmul.bf16 v31, v27;
	v27 =	vld [tilespmem:s5+$0xE0]  }
0x134: {  	v11 =	vmul.bf16 v57, v11;
	v17 =	vmul.bf16 v57, v17;
	v19 =	vadd.bf16 v19, v23;
	v23 =	vld [tilespmem:s5+$0xD0]  }
0x135: {  	v60 =	vmul.bf16 v14, v26;
	v8 =	vld.idx.msk [tilespmem:v55+s31+$0x0], $0xffff;
	v13 =	vadd.bf16 v22, v13;
	v16 =	vmul.bf16 v29, v16  }
0x136: {  	v22 =	vld [tilespmem:s5+$0x10D0];
	v12 =	vadd.bf16 v21, v12;
	v63 =	vadd.bf16 v24, v20;
	v15 =	vmul.bf16 v29, v15  }
0x137: {  	v21 =	vld [tilespmem:s5+$0xFFFFF0E0];
	v14 =	vmul.bf16 v14, v30;
	v13 =	vadd.bf16 v18, v13;
	v10 =	vadd.bf16 v16, v10  }
0x138: {  	v18 =	vld.idx.msk [tilespmem:v49+s31+$0x0], $0xffff;
	v16 =	vadd.bf16 v25, v19;
	v19 =	vmul.bf16 v30, v26;
	v30 =	vor.u32 $0x10, v49  }
0x139: {  	v24 =	vld [tilespmem:s5+$0xF0];
	v26 =	vadd.bf16 v34, v12;
	v25 =	vunpack.i.u.bf16.f32 v13;
	v13 =	vunpack.i.l.bf16.f32 v13  }
0x13a: {  	v31 =	vmul.bf16 v23, v59;
	v25 =	vadd.f32 v13, v25;
	v13 =	vld.idx.msk [tilespmem:v56+s31+$0x0], $0xffff;
	v11 =	vadd.bf16 v11, v10  }
0x13b: {  	v29 =	vmul.bf16 v22, v59;
	v10 =	vld.idx.msk [tilespmem:v28+s31+$0x0], $0xffff;
	v16 =	vadd.bf16 v19, v16;
	v22 =	vmul.bf16 v22, v23  }
0x13c: {  	v23 =	vld [tilespmem:s5+$0x10F0];
	v20 =	vadd.bf16 v60, v26;
	v28 =	vmul.bf16 v62, v21;
	v19 =	vunpack.i.u.bf16.f32 v11  }
0x13d: {  	v26 =	vld [tilespmem:s5+$0xFFFFF0F0];
	v12 =	vmul.f32 v18, v25;
	v25 =	vunpack.i.l.bf16.f32 v11;
	v18 =	vadd.bf16 v31, v16  }
0x13e: {  	v11 =	vld.idx.msk [tilespmem:v61+s31+$0x0], $0xffff;
	v29 =	vadd.bf16 v29, v20;
	v20 =	vmul.bf16 v27, v21;
	v16 =	vadd.f32 v25, v19  }
0x13f: {  	s7 =	simm.s32 $0x9700;
	s5 =	simm.s32 $0x2;
	v27 =	vmul.bf16 v62, v27;
	v25 =	vadd.bf16 v15, v36;
	v19 =	vld.idx.msk [tilespmem:v30+s31+$0x0], $0xffff;
	v30 =	vadd.bf16 v58, v63  }
.LBB2_6:
0x140: {  	v15 =	vld [tilespmem:s7+$0xFFFFF0D0];
	p1 =	slt.u32 s5, $0xE;
	s11 =	smov.u32 s5;
	s5 =	sadd.s32 $0x2, s5  }
0x141: {  	v21 =	vld [tilespmem:s7+$0xFFFFF070];
	v31 =	vadd.bf16 v17, v25;
	v9 =	vadd.bf16 v9, v30;
	v30 =	vmul.bf16 v23, v24  }
0x142: {  	v28 =	vadd.bf16 v28, v29;
	v25 =	vld [tilespmem:s7+$0xFFFFF060];
	v24 =	vmul.bf16 v24, v26;
	v23 =	vmul.bf16 v23, v26  }
0x143: {  	v17 =	vld [tilespmem:s7+$0x60];
	v26 =	vunpack.i.u.bf16.f32 v31;
	v29 =	vunpack.i.l.bf16.f32 v31;
	v9 =	vadd.bf16 v14, v9  }
0x144: {  	v14 =	vld [tilespmem:s7+$0x1050];
	v26 =	vadd.f32 v29, v26;
	v28 =	vadd.bf16 v23, v28  }
0x145: {  	v23 =	vld [tilespmem:s7+$0xFFFFF050];
	v9 =	vadd.bf16 v22, v9  }
0x146: {  	v29 =	vld [tilespmem:s7+$0x50];
	v31 =	vunpack.i.u.bf16.f32 v28;
	v28 =	vunpack.i.l.bf16.f32 v28  }
0x147: {  	v22 =	vld [tilespmem:s7+$0x70];
	v9 =	vadd.bf16 v27, v9;
	v27 =	vadd.f32 v28, v31  }
0x148: {  	v28 =	vld [tilespmem:s7+$0x40]  }
0x149: {  	v31 =	vld [tilespmem:s7+$0xFFFFF040];
	v9 =	vadd.bf16 v30, v9;
	v13 =	vmul.f32 v13, v27  }
0x14a: {  	v27 =	vld [tilespmem:s7+$0x1040]  }
0x14b: {  	v18 =	vadd.bf16 v20, v18;
	v30 =	vld [tilespmem:s7+$0xFFFFF030];
	v20 =	vunpack.i.u.bf16.f32 v9;
	v9 =	vunpack.i.l.bf16.f32 v9  }
0x14c: {  	v32 =	vld [tilespmem:s7+$0x30];
	v9 =	vadd.f32 v9, v20  }
0x14d: {  	v16 =	vmul.f32 v19, v16;
	v18 =	vadd.bf16 v24, v18;
	v20 =	vld [tilespmem:s7+$0xFFFFF020]  }
0x14e: {  	v19 =	vld [tilespmem:s7+$0x20];
	v8 =	vmul.f32 v8, v9  }
0x14f: {  	v12 =	vadd.f32 v16, v12;
	v16 =	vunpack.i.u.bf16.f32 v18;
	v9 =	vld [tilespmem:s7+$0x0]  }
0x150: {  	v18 =	vunpack.i.l.bf16.f32 v18;
	v24 =	vld [tilespmem:s7+$0x1000]  }
0x151: {  	v7 =	vadd.f32 v12, v7;
	v12 =	vadd.f32 v18, v16;
	v33 =	vld [tilespmem:s7+$0x1030]  }
0x152: {  	v16 =	vld [tilespmem:s7+$0xFFFFF010]  }
0x153: {  	v11 =	vmul.f32 v11, v26;
	v10 =	vmul.f32 v10, v12;
	v18 =	vld [tilespmem:s7+$0x10]  }
0x154: {  	v12 =	vld [tilespmem:s7+$0x1010]  }
0x155: {  	v7 =	vadd.f32 v7, v11;
	v10 =	vadd.f32 v13, v10;
	v26 =	vld [tilespmem:s7+$0xFFFFF000]  }
0x156: {  	v11 =	vmul.bf16 v33, v30;
	v13 =	vld [tilespmem:s7+$0x10C0]  }
0x157: {  	v7 =	vadd.f32 v10, v7;
	v33 =	vmul.bf16 v33, v32;
	v34 =	vld [tilespmem:s7+$0x1020]  }
0x158: {  	v10 =	vmul.bf16 v18, v16;
	v35 =	vld [tilespmem:s7+$0xFFFFF080]  }
0x159: {  	v7 =	vadd.f32 v7, v8;
	v16 =	vmul.bf16 v12, v16;
	v12 =	vmul.bf16 v12, v18;
	v18 =	vld [tilespmem:s7+$0x80]  }
0x15a: {  	v8 =	vmul.bf16 v24, v26;
	v24 =	vmul.bf16 v24, v9;
	v36 =	vld [tilespmem:s7+$0x1080]  }
0x15b: {  	v9 =	vmul.bf16 v9, v26;
	v26 =	vmov s11;
	v37 =	vld [tilespmem:s7+$0x10B0]  }
0x15c: {  	v8 =	vadd.bf16 v16, v8;
	v12 =	vadd.bf16 v12, v24;
	v16 =	vmul.bf16 v34, v20;
	v24 =	vld [tilespmem:s7+$0xB0]  }
0x15d: {  	v9 =	vadd.bf16 v10, v9;
	v10 =	vmul.bf16 v19, v20;
	v19 =	vmul.bf16 v34, v19;
	v20 =	vld [tilespmem:s7+$0xFFFFF090]  }
0x15e: {  	v8 =	vadd.bf16 v16, v8;
	v16 =	vmul.bf16 v32, v30;
	v30 =	vmul.bf16 v18, v35;
	v32 =	vld [tilespmem:s7+$0x90]  }
0x15f: {  	v9 =	vadd.bf16 v10, v9;
	v10 =	vmul.bf16 v36, v35;
	v18 =	vmul.bf16 v36, v18;
	v34 =	vld [tilespmem:s7+$0x1090]  }
0x160: {  	v12 =	vadd.bf16 v19, v12;
	v8 =	vadd.bf16 v11, v8;
	v11 =	vmul.bf16 v27, v31;
	v19 =	vld [tilespmem:s7+$0x10A0]  }
0x161: {  	v16 =	vadd.bf16 v16, v9;
	v31 =	vmul.bf16 v28, v31;
	v35 =	vld [tilespmem:s7+$0xFFFFF0B0];
	v9 =	vmul.bf16 v37, v24  }
0x162: {  	s11 =	sadd.s32 $0x1, s11;
	v12 =	vadd.bf16 v33, v12;
	v8 =	vadd.bf16 v11, v8;
	v11 =	vmul.bf16 v27, v28;
	v27 =	vld [tilespmem:s7+$0xA0]  }
0x163: {  	v33 =	vmov s11;
	v16 =	vadd.bf16 v31, v16;
	v28 =	vmul.bf16 v32, v20;
	v31 =	vld [tilespmem:s7+$0xFFFFF0C0]  }
0x164: {  	v36 =	vmul.bf16 v14, v29;
	v39 =	vor.u32 $0x20, v33;
	v20 =	vmul.bf16 v34, v20;
	v38 =	vld [tilespmem:s7+$0xFFFFF0A0]  }
0x165: {  	v11 =	vadd.bf16 v11, v12;
	v12 =	vmul.bf16 v29, v23;
	v29 =	vld [tilespmem:s7+$0x1060];
	v28 =	vadd.bf16 v28, v30  }
0x166: {  	v14 =	vmul.bf16 v14, v23;
	v30 =	vor.u32 $0x10, v33;
	v23 =	vmul.bf16 v24, v35;
	v24 =	vld [tilespmem:s7+$0xC0]  }
0x167: {  	v36 =	vadd.bf16 v36, v11;
	v35 =	vmul.bf16 v37, v35;
	v11 =	vld [tilespmem:s7+$0x1070];
	v40 =	vmul.bf16 v19, v27  }
0x168: {  	v41 =	vmul.bf16 v22, v21;
	v37 =	vadd.bf16 v14, v8;
	v42 =	vmul.bf16 v13, v31  }
0x169: {  	v12 =	vadd.bf16 v12, v16;
	v14 =	vmul.bf16 v17, v25;
	v16 =	vor.u32 $0x20, v26;
	v8 =	vld.idx.msk [tilespmem:v39+s31+$0x0], $0xffff  }
0x16a: {  	v10 =	vadd.bf16 v20, v10;
	v20 =	vmul.bf16 v27, v38;
	v25 =	vmul.bf16 v29, v25;
	v27 =	vld [tilespmem:s7+$0x10E0]  }
0x16b: {  	v12 =	vadd.bf16 v14, v12;
	v39 =	vmul.bf16 v29, v17;
	v14 =	vmul.bf16 v13, v24;
	v29 =	vld [tilespmem:s7+$0x10D0]  }
0x16c: {  	v32 =	vmul.bf16 v34, v32;
	v13 =	vadd.bf16 v20, v28;
	v21 =	vmul.bf16 v11, v21;
	v20 =	vld [tilespmem:s7+$0xD0]  }
0x16d: {  	v19 =	vmul.bf16 v19, v38;
	v12 =	vadd.bf16 v41, v12;
	v17 =	vmul.bf16 v11, v22;
	v11 =	vld.idx.msk [tilespmem:v26+s31+$0x0], $0xffff  }
0x16e: {  	v24 =	vmul.bf16 v24, v31;
	v22 =	vadd.bf16 v25, v37;
	v23 =	vadd.bf16 v23, v13;
	v31 =	vld [tilespmem:s7+$0xE0]  }
0x16f: {  	v10 =	vadd.bf16 v19, v10;
	v13 =	vunpack.i.u.bf16.f32 v12;
	v12 =	vunpack.i.l.bf16.f32 v12;
	v19 =	vld [tilespmem:s7+$0xFFFFF0E0]  }
0x170: {  	v34 =	vor.u32 $0x10, v26;
	v12 =	vadd.f32 v12, v13;
	v25 =	vmul.bf16 v29, v15;
	v13 =	vld.idx.msk [tilespmem:v30+s31+$0x0], $0xffff  }
0x171: {  	v26 =	vadd.bf16 v35, v10;
	v21 =	vadd.bf16 v21, v22;
	v15 =	vmul.bf16 v20, v15;
	v10 =	vld.idx.msk [tilespmem:v33+s31+$0x0], $0xffff  }
.Ltmp4:
0x172: {  	v30 =	vadd.bf16 v32, v18;
	v18 =	vadd.bf16 v24, v23;
	v22 =	vmul.bf16 v29, v20;
	v23 =	vld [tilespmem:s7+$0x10F0];
	(pc) =	sbr.rel @p1 .LBB2_6-.Ltmp4, $4  }
0x173: {  	v20 =	vunpack.i.u.bf16.f32 v21;
	v29 =	vadd.bf16 v42, v26;
	v12 =	vmul.f32 v11, v12;
	v24 =	vld [tilespmem:s7+$0xF0]  }
0x174: {  	v21 =	vunpack.i.l.bf16.f32 v21;
	v18 =	vadd.bf16 v15, v18;
	v28 =	vmul.bf16 v27, v19;
	v26 =	vld [tilespmem:s7+$0xFFFFF0F0]  }
0x175: {  	v29 =	vadd.bf16 v25, v29;
	v11 =	vld.idx.msk [tilespmem:v16+s31+$0x0], $0xffff;
	v16 =	vadd.f32 v21, v20;
	v20 =	vmul.bf16 v31, v19  }
0x176: {  	v30 =	vadd.bf16 v40, v30;
	v25 =	vadd.bf16 v39, v36;
	v27 =	vmul.bf16 v27, v31;
	s7 =	sadd.s32 $0x100, s7;
	v19 =	vld.idx.msk [tilespmem:v34+s31+$0x0], $0xffff  }
0x177: {  	s5 =	sadd.s32 $0x2, s19  }
0x178: {  	s7 =	smov.u32 s9;
	p1 =	slt.s32 s5, s9  }
0x179: {  	s7 =	smov.u32 @p1 s5  }
0x17a: {  	s5 =	sshra.s32 s7, $0x1F  }
0x17b: {  	s5 =	sshrl.u32 s5, $0x1E  }
0x17c: {  	s5 =	sadd.s32 s5, s7  }
0x17d: {  	s11 =	sand.u32 $0xFFFFFFFC, s5  }
0x17e: {  	p1 =	slt.s32 s7, $0x1;
	p2 =	sne.s32 s7, s11  }
0x17f: {  	p1 =	por !p1, !p2  }
0x180: {  	s11 =	simm.s32 $0x1;
	p1 =	por !p1, !p1  }
0x181: {  	s5 =	sshrl.u32 s5, $0x2;
	s11 =	simm.s32 @!p1 $0x0  }
0x182: {  	s5 =	ssub.s32 s5, s11  }
0x183: {  	s5 =	sshll.u32 s5, $0x7  }
0x184: {  	s5 =	sand.u32 $0x1FFFFF80, s5  }
0x185: {  	s19 =	sshll.u32 s7, $0x5;
	s7 =	simm.s32 $0x0;
	s5 =	sadd.s32 s6, s5  }
0x186: {  	[tilespmem:s20], [sflag:$0x3] =	stream.linear.gather [hbm4b:s5+s7], $0x400, $0x38;
	[tilespmem:$0xDF80] =	vst v63  }
0x187: {  	s11 =	sadd.s32 $0x80, s19;
	_ =	swait.ge [sflag:s17], $0x400  }
0x188: {  	s5 =	sand.u32 $0x60, s11;
	[sflag:s17] =	ssyncset.done $0x0  }
0x189: {  	s19 =	sor.u32 $0x7600, s5;
	[sflag:s17] =	ssyncadd.s32 $0xFFFFFC00  }
0x18a: {  	[tilespmem:s22], [sflag:$0x1] =	stream.indirect.gather [hbm4b:s4+s21], $0x80, s19, s21, $0xb8;
	[tilespmem:$0xDF80] =	vst v63  }
0x18b: {  	s19 =	sor.u32 $0x7680, s5  }
0x18c: {  	[tilespmem:s23], [sflag:$0x1] =	stream.indirect.gather [hbm4b:s4+s21], $0x80, s19, s21, $0xb8;
	[tilespmem:$0xDF80] =	vst v63  }
0x18d: {  	s5 =	sor.u32 $0x7700, s5  }
0x18e: {  	[tilespmem:s24], [sflag:$0x1] =	stream.indirect.gather [hbm4b:s4+s21], $0x80, s5, s21, $0xb8;
	[tilespmem:$0xDF80] =	vst v63  }
0x18f: {  	_ =	swait.ge [sflag:s0], $0x1000  }
0x190: {  	[sflag:s0] =	ssyncset.done $0x0  }
0x191: {  	[sflag:s0] =	ssyncadd.s32 $0xFFFFF000  }
0x192: {  	_ =	swait.ge [sflag:s0], $0x1000  }
0x193: {  	[sflag:s0] =	ssyncset.done $0x0  }
0x194: {  	[sflag:s0] =	ssyncadd.s32 $0xFFFFF000  }
0x195: {  	_ =	swait.ge [sflag:s0], $0x1000  }
0x196: {  	[sflag:s0] =	ssyncset.done $0x0  }
0x197: {  	[sflag:s0] =	ssyncadd.s32 $0xFFFFF000  }
0x198: {  	v15 =	vld [tilespmem:s1+$0x7A20]  }
0x199: {  	v21 =	vld [tilespmem:s1+$0x7AA0]  }
0x19a: {  	v31 =	vld [tilespmem:s1+$0x7B20];
	_ =	sdelay $0x2  }
0x19b: {  	v32 =	vshll.u32 v15, $0x1  }
0x19c: {  	v34 =	vshll.u32 v21, $0x1  }
0x19d: {  	v36 =	vshll.u32 v31, $0x1  }
0x19e: {  	v33 =	vor.u32 $0x1, v32  }
0x19f: {  	v35 =	vor.u32 $0x1, v34  }
0x1a0: {  	v37 =	vor.u32 $0x1, v36;
	v32 =	vld.idx.msk [tilespmem:v32+s7+$0x0], $0xffff  }
0x1a1: {  	v34 =	vld.idx.msk [tilespmem:v34+s7+$0x0], $0xffff  }
0x1a2: {  	v36 =	vld.idx.msk [tilespmem:v36+s7+$0x0], $0xffff  }
0x1a3: {  	v33 =	vld.idx.msk [tilespmem:v33+s7+$0x0], $0xffff  }
0x1a4: {  	v35 =	vld.idx.msk [tilespmem:v35+s7+$0x0], $0xffff  }
0x1a5: {  	v37 =	vld.idx.msk [tilespmem:v37+s7+$0x0], $0xffff;
	_ =	sdelay $0x3  }
0x1a6: {  	v34 =	vsub.f32 v34, v32;
	v32 =	vsub.f32 v36, v32  }
0x1a7: {  	v35 =	vsub.f32 v35, v33;
	v33 =	vsub.f32 v37, v33;
	_ =	sdelay $0x1  }
0x1a8: {  	v53 =	vmul.f32 v33, v34;
	v54 =	vmul.f32 v32, v35;
	_ =	sdelay $0x1  }
0x1a9: {  	v36 =	vsub.f32 v53, v54;
	_ =	sdelay $0x1  }
0x1aa: {  	(erf) = vrcp.f32 v36;
	_ =	sdelay $0x4  }
0x1ab: {  	v55 =	vmul.f32 v32, v34;
	v38 =	vmul.f32 v33, v35  }
0x1ac: {  	v32 =	vmul.f32 v32, v32;
	v33 =	vmul.f32 v33, v33  }
0x1ad: {  	v34 =	vmul.f32 v34, v34;
	v35 =	vmul.f32 v35, v35  }
0x1ae: {  	v37 =	vadd.f32 v38, v55;
	v32 =	vadd.f32 v33, v32  }
0x1af: {  	v56 =	vadd.f32 v35, v34;
	v57 =	vpop (erf)  }
0x1b0: {  	v58 =	vsub.f32 v32, v37;
	v34 =	vmul.f32 v57, v0  }
0x1b1: {  	v38 =	vsub.f32 v56, v37  }
0x1b2: {  	v39 =	vmul.f32 v36, v4;
	v35 =	vmul.f32 v34, v58  }
0x1b3: {  	v40 =	vmul.f32 v36, v5;
	v38 =	vmul.f32 v34, v38  }
0x1b4: {  	v59 =	vmul.f32 v36, v6;
	v41 =	vmul.f32 v34, v37;
	v35 =	vsub.f32 v39, v35  }
0x1b5: {  	v42 =	vld.idx.msk [tilespmem:v15+s18+$0x0], $0xffff;
	v15 =	vsub.f32 v40, v38  }
0x1b6: {  	v60 =	vld.idx.msk [tilespmem:v21+s18+$0x0], $0xffff;
	v61 =	vsub.f32 v59, v41;
	v21 =	vadd.f32 v35, v35  }
0x1b7: {  	v15 =	vadd.f32 v15, v15  }
0x1b8: {  	v31 =	vld.idx.msk [tilespmem:v31+s18+$0x0], $0xffff;
	[tilespmem:$0xDE00] =	vst v21;
	v21 =	vadd.f32 v61, v61  }
0x1b9: {  	[tilespmem:$0xDE10] =	vst v15  }
0x1ba: {  	s11 =	simm.s32 $0xBE80;
	[tilespmem:$0xDE20] =	vst v21  }
0x1bb: {  	v9 =	vadd.bf16 v9, v30;
	v21 =	vld [tilespmem:s11+$0xFFFFEFF0]  }
0x1bc: {  	v15 =	vld [tilespmem:s11+$0xFFFFEFE0]  }
0x1bd: {  	v28 =	vadd.bf16 v28, v29;
	v9 =	vadd.bf16 v14, v9;
	v14 =	vld [tilespmem:s11+$0xFFFFFFE0]  }
0x1be: {  	v18 =	vadd.bf16 v20, v18;
	v17 =	vadd.bf16 v17, v25;
	v30 =	vld [tilespmem:s11+$0xFD0]  }
0x1bf: {  	v25 =	vmul.bf16 v23, v24;
	v23 =	vmul.bf16 v23, v26;
	v9 =	vadd.bf16 v22, v9;
	v22 =	vld [tilespmem:s11+$0xFFFFEFD0]  }
0x1c0: {  	v24 =	vmul.bf16 v24, v26;
	v62 =	vunpack.i.u.bf16.f32 v17;
	v16 =	vmul.f32 v19, v16;
	v29 =	vld [tilespmem:s11+$0xFFFFFFD0]  }
0x1c1: {  	v63 =	vunpack.i.l.bf16.f32 v17;
	v23 =	vadd.bf16 v23, v28;
	v9 =	vadd.bf16 v27, v9;
	v17 =	vld [tilespmem:s11+$0xFFFFFFF0]  }
0x1c2: {  	v18 =	vadd.bf16 v24, v18;
	v12 =	vadd.f32 v16, v12;
	v28 =	vld [tilespmem:s11+$0xFFFFFFC0]  }
0x1c3: {  	v9 =	vadd.bf16 v25, v9;
	v25 =	vadd.f32 v37, v37;
	v26 =	vld [tilespmem:s11+$0xFFFFEFC0]  }
0x1c4: {  	v16 =	vunpack.i.u.bf16.f32 v18;
	v40 =	vunpack.i.u.bf16.f32 v23;
	v23 =	vunpack.i.l.bf16.f32 v23;
	v20 =	vld [tilespmem:s11+$0xFC0]  }
0x1c5: {  	v18 =	vunpack.i.l.bf16.f32 v18;
	v25 =	vsub.f32 v56, v25;
	v23 =	vadd.f32 v23, v40;
	v43 =	vld [tilespmem:s11+$0xFFFFEFB0]  }
0x1c6: {  	v27 =	vadd.f32 v63, v62;
	v16 =	vadd.f32 v18, v16;
	v19 =	vld [tilespmem:s11+$0xFFFFFFB0]  }
0x1c7: {  	v13 =	vmul.f32 v13, v23;
	v23 =	vadd.f32 v25, v32;
	v24 =	vld [tilespmem:s11+$0xFFFFEFA0]  }
0x1c8: {  	v7 =	vadd.f32 v12, v7;
	v11 =	vmul.f32 v11, v27;
	v10 =	vmul.f32 v10, v16;
	v25 =	vld [tilespmem:s11+$0xFFFFFFA0]  }
0x1c9: {  	v18 =	vmul.f32 v36, v1;
	v23 =	vmul.f32 v23, v34;
	v44 =	vld [tilespmem:s11+$0xFFFFFF80]  }
0x1ca: {  	v7 =	vadd.f32 v7, v11;
	v12 =	vmul.f32 v36, v2;
	v32 =	vmul.f32 v34, v32;
	v45 =	vld [tilespmem:s11+$0xF80]  }
0x1cb: {  	v27 =	vmul.f32 v34, v56;
	v41 =	vunpack.i.u.bf16.f32 v9;
	v16 =	vadd.f32 v23, v18;
	v18 =	vld [tilespmem:s11+$0xFB0]  }
0x1cc: {  	v9 =	vunpack.i.l.bf16.f32 v9;
	v12 =	vadd.f32 v32, v12;
	v23 =	vmul.f32 v36, v3;
	v46 =	vld [tilespmem:s11+$0xFFFFEF90]  }
0x1cd: {  	v9 =	vadd.f32 v9, v41;
	v10 =	vadd.f32 v13, v10;
	v11 =	vld [tilespmem:s11+$0xFFFFFF90]  }
0x1ce: {  	v12 =	vmul.f32 v12, v60;
	v13 =	vmul.f32 v16, v42;
	v16 =	vadd.f32 v27, v23;
	v23 =	vld [tilespmem:s11+$0xF90]  }
0x1cf: {  	v8 =	vmul.f32 v8, v9;
	v9 =	vld [tilespmem:s11+$0xFFFFEF80]  }
0x1d0: {  	v7 =	vadd.f32 v10, v7;
	v48 =	vld [tilespmem:s11+$0x1000];
	v10 =	vadd.f32 v13, v12;
	v12 =	vmul.f32 v16, v31  }
0x1d1: {  	v50 =	vld [tilespmem:s11+$0x1030]  }
0x1d2: {  	v7 =	vadd.f32 v7, v8;
	v8 =	vld [tilespmem:s11+$0xFA0];
	v16 =	vmul.bf16 v18, v19;
	v10 =	vadd.f32 v10, v12  }
0x1d3: {  	v49 =	vmov s7;
	v31 =	vld [tilespmem:s11+$0x0];
	v12 =	vmul.bf16 v18, v43;
	v27 =	vmul.bf16 v23, v46  }
0x1d4: {  	v18 =	vld [tilespmem:s11+$0xFFFFF000];
	v23 =	vmul.bf16 v23, v11;
	v7 =	vadd.f32 v10, v7;
	v10 =	vmul.bf16 v45, v9  }
0x1d5: {  	v61 =	vor.u32 $0x20, v49;
	v51 =	vld [tilespmem:s11+$0x30];
	v11 =	vmul.bf16 v11, v46;
	v9 =	vmul.bf16 v44, v9  }
0x1d6: {  	v52 =	vld [tilespmem:s11+$0xFFFFF030];
	v47 =	vmul.bf16 v45, v44;
	v19 =	vmul.bf16 v19, v43;
	v10 =	vadd.bf16 v27, v10  }
0x1d7: {  	v54 =	vld [tilespmem:s11+$0xFFFFF020];
	v27 =	vmul.bf16 v8, v24;
	v9 =	vadd.bf16 v11, v9;
	v11 =	vmul.bf16 v25, v24  }
0x1d8: {  	v53 =	vmul.bf16 v30, v29;
	v23 =	vadd.bf16 v23, v47;
	v8 =	vmul.bf16 v8, v25;
	v24 =	vld [tilespmem:s11+$0xFFFFF010]  }
0x1d9: {  	v25 =	vmul.bf16 v31, v18;
	v10 =	vadd.bf16 v27, v10;
	v27 =	vld [tilespmem:s11+$0x10];
	v9 =	vadd.bf16 v11, v9  }
0x1da: {  	v11 =	vmul.bf16 v48, v18;
	v18 =	vmul.bf16 v48, v31;
	v31 =	vld [tilespmem:s11+$0x1010];
	v8 =	vadd.bf16 v8, v23  }
0x1db: {  	v34 =	vmul.bf16 v50, v52;
	v23 =	vld [tilespmem:s11+$0x1020];
	v10 =	vadd.bf16 v12, v10;
	v12 =	vmul.bf16 v20, v26  }
0x1dc: {  	v19 =	vadd.bf16 v19, v9;
	v26 =	vmul.bf16 v28, v26;
	v8 =	vadd.bf16 v16, v8;
	v16 =	vld [tilespmem:s11+$0x20]  }
0x1dd: {  	s19 =	simm.s32 $0x1;
	v57 =	vld [tilespmem:s11+$0xFF0];
	v9 =	vmul.bf16 v50, v51;
	v10 =	vadd.bf16 v12, v10;
	v12 =	vmul.bf16 v20, v28  }
0x1de: {  	v13 =	vld [tilespmem:s11+$0x1040];
	v19 =	vadd.bf16 v26, v19;
	v28 =	vmov s19;
	v20 =	vmul.bf16 v27, v24  }
0x1df: {  	v26 =	vld [tilespmem:s11+$0xFFFFF040];
	v24 =	vmul.bf16 v31, v24;
	v55 =	vor.u32 $0x20, v28;
	v56 =	vor.u32 $0x10, v28  }
0x1e0: {  	v8 =	vadd.bf16 v12, v8;
	v12 =	vmul.bf16 v29, v22;
	v29 =	vld [tilespmem:s11+$0xFE0];
	v22 =	vmul.bf16 v30, v22  }
0x1e1: {  	v30 =	vld [tilespmem:s11+$0x40];
	v20 =	vadd.bf16 v20, v25;
	v25 =	vmul.bf16 v51, v52;
	v58 =	vmul.bf16 v23, v16  }
0x1e2: {  	v59 =	vld [tilespmem:s11+$0xFFFFF050];
	v16 =	vmul.bf16 v16, v54;
	v12 =	vadd.bf16 v12, v19;
	v19 =	vmul.bf16 v14, v15  }
0x1e3: {  	v43 =	vld [tilespmem:s11+$0x1060];
	v36 =	vadd.bf16 v53, v8;
	v10 =	vadd.bf16 v22, v10;
	v22 =	vmul.bf16 v17, v21  }
0x1e4: {  	v60 =	vmul.bf16 v13, v26;
	v8 =	vld.idx.msk [tilespmem:v55+s31+$0x0], $0xffff;
	v12 =	vadd.bf16 v19, v12;
	v19 =	vmul.bf16 v57, v21  }
0x1e5: {  	v11 =	vadd.bf16 v24, v11;
	v21 =	vmul.bf16 v31, v27;
	v27 =	vld [tilespmem:s11+$0x60];
	v62 =	vmul.bf16 v29, v15  }
0x1e6: {  	v44 =	vmul.bf16 v29, v14;
	v15 =	vmul.bf16 v13, v30;
	v13 =	vld [tilespmem:s11+$0x1050];
	v14 =	vadd.bf16 v16, v20  }
0x1e7: {  	v17 =	vmul.bf16 v57, v17;
	v16 =	vld [tilespmem:s11+$0x50];
	v20 =	vmul.bf16 v23, v54;
	v12 =	vadd.bf16 v22, v12  }
0x1e8: {  	v24 =	vmul.bf16 v30, v26;
	v30 =	vld [tilespmem:s11+$0xFFFFF060];
	v10 =	vadd.bf16 v62, v10;
	v23 =	vadd.bf16 v25, v14  }
0x1e9: {  	v22 =	vld.idx.msk [tilespmem:v49+s31+$0x0], $0xffff;
	v11 =	vadd.bf16 v20, v11;
	v14 =	vunpack.i.u.bf16.f32 v12;
	v12 =	vunpack.i.l.bf16.f32 v12  }
0x1ea: {  	v31 =	vor.u32 $0x10, v49;
	v63 =	vadd.bf16 v21, v18;
	v25 =	vld [tilespmem:s11+$0x70];
	v12 =	vadd.f32 v12, v14  }
0x1eb: {  	v14 =	vld.idx.msk [tilespmem:v56+s31+$0x0], $0xffff;
	v19 =	vadd.bf16 v19, v10;
	v11 =	vadd.bf16 v34, v11;
	v29 =	vmul.bf16 v13, v59  }
0x1ec: {  	v10 =	vld.idx.msk [tilespmem:v28+s31+$0x0], $0xffff;
	v18 =	vadd.bf16 v24, v23;
	v26 =	vmul.bf16 v16, v59;
	v20 =	vmul.bf16 v13, v16  }
0x1ed: {  	v24 =	vld [tilespmem:s11+$0x1070];
	v28 =	vmul.bf16 v43, v30;
	v23 =	vmul.bf16 v27, v30;
	v16 =	vunpack.i.u.bf16.f32 v19  }
0x1ee: {  	v11 =	vadd.bf16 v60, v11;
	v19 =	vunpack.i.l.bf16.f32 v19;
	v21 =	vadd.bf16 v26, v18;
	v26 =	vld [tilespmem:s11+$0xFFFFF070]  }
0x1ef: {  	v30 =	vadd.bf16 v58, v63;
	v13 =	vmul.f32 v22, v12;
	v12 =	vld.idx.msk [tilespmem:v61+s31+$0x0], $0xffff;
	v19 =	vadd.f32 v19, v16  }
0x1f0: {  	s5 =	simm.s32 $0x2;
	s7 =	simm.s32 $0xBF80;
	v27 =	vmul.bf16 v43, v27;
	v22 =	vld.idx.msk [tilespmem:v31+s31+$0x0], $0xffff;
	v18 =	vadd.bf16 v44, v36;
	v29 =	vadd.bf16 v29, v11  }
.LBB2_8:
0x1f1: {  	v11 =	vld [tilespmem:s7+$0xFFFFF050];
	p1 =	slt.u32 s5, $0xE;
	s11 =	smov.u32 s5;
	s5 =	sadd.s32 $0x2, s5  }
0x1f2: {  	v16 =	vld [tilespmem:s7+$0xFFFFEFF0];
	v31 =	vadd.bf16 v17, v18;
	v9 =	vadd.bf16 v9, v30;
	v30 =	vmul.bf16 v24, v25  }
0x1f3: {  	v28 =	vadd.bf16 v28, v29;
	v18 =	vld [tilespmem:s7+$0xFFFFEFE0];
	v25 =	vmul.bf16 v25, v26;
	v24 =	vmul.bf16 v24, v26  }
0x1f4: {  	v17 =	vld [tilespmem:s7+$0xFFFFFFE0];
	v26 =	vunpack.i.u.bf16.f32 v31;
	v29 =	vunpack.i.l.bf16.f32 v31;
	v9 =	vadd.bf16 v15, v9  }
0x1f5: {  	v15 =	vld [tilespmem:s7+$0xFD0];
	v26 =	vadd.f32 v29, v26;
	v28 =	vadd.bf16 v24, v28  }
0x1f6: {  	v24 =	vld [tilespmem:s7+$0xFFFFEFD0];
	v9 =	vadd.bf16 v20, v9  }
0x1f7: {  	v29 =	vld [tilespmem:s7+$0xFFFFFFD0];
	v31 =	vunpack.i.u.bf16.f32 v28;
	v28 =	vunpack.i.l.bf16.f32 v28  }
0x1f8: {  	v20 =	vld [tilespmem:s7+$0xFFFFFFF0];
	v9 =	vadd.bf16 v27, v9;
	v27 =	vadd.f32 v28, v31  }
0x1f9: {  	v28 =	vld [tilespmem:s7+$0xFFFFFFC0]  }
0x1fa: {  	v31 =	vld [tilespmem:s7+$0xFFFFEFC0];
	v9 =	vadd.bf16 v30, v9;
	v14 =	vmul.f32 v14, v27  }
0x1fb: {  	v27 =	vld [tilespmem:s7+$0xFC0]  }
0x1fc: {  	v21 =	vadd.bf16 v23, v21;
	v30 =	vld [tilespmem:s7+$0xFFFFEFB0];
	v23 =	vunpack.i.u.bf16.f32 v9;
	v9 =	vunpack.i.l.bf16.f32 v9  }
0x1fd: {  	v32 =	vld [tilespmem:s7+$0xFFFFFFB0];
	v9 =	vadd.f32 v9, v23  }
0x1fe: {  	v19 =	vmul.f32 v22, v19;
	v21 =	vadd.bf16 v25, v21;
	v23 =	vld [tilespmem:s7+$0xFFFFEFA0]  }
0x1ff: {  	v22 =	vld [tilespmem:s7+$0xFFFFFFA0];
	v8 =	vmul.f32 v8, v9  }
0x200: {  	v13 =	vadd.f32 v19, v13;
	v19 =	vunpack.i.u.bf16.f32 v21;
	v9 =	vld [tilespmem:s7+$0xFFFFFF80]  }
0x201: {  	v21 =	vunpack.i.l.bf16.f32 v21;
	v25 =	vld [tilespmem:s7+$0xF80]  }
0x202: {  	v7 =	vadd.f32 v13, v7;
	v13 =	vadd.f32 v21, v19;
	v33 =	vld [tilespmem:s7+$0xFB0]  }
0x203: {  	v19 =	vld [tilespmem:s7+$0xFFFFEF90]  }
0x204: {  	v12 =	vmul.f32 v12, v26;
	v10 =	vmul.f32 v10, v13;
	v21 =	vld [tilespmem:s7+$0xFFFFFF90]  }
0x205: {  	v13 =	vld [tilespmem:s7+$0xF90]  }
0x206: {  	v7 =	vadd.f32 v7, v12;
	v10 =	vadd.f32 v14, v10;
	v26 =	vld [tilespmem:s7+$0xFFFFEF80]  }
0x207: {  	v12 =	vmul.bf16 v33, v30;
	v14 =	vld [tilespmem:s7+$0x1040]  }
0x208: {  	v7 =	vadd.f32 v10, v7;
	v33 =	vmul.bf16 v33, v32;
	v34 =	vld [tilespmem:s7+$0xFA0]  }
0x209: {  	v10 =	vmul.bf16 v21, v19;
	v35 =	vld [tilespmem:s7+$0xFFFFF000]  }
0x20a: {  	v7 =	vadd.f32 v7, v8;
	v19 =	vmul.bf16 v13, v19;
	v13 =	vmul.bf16 v13, v21;
	v21 =	vld [tilespmem:s7+$0x0]  }
0x20b: {  	v8 =	vmul.bf16 v25, v26;
	v25 =	vmul.bf16 v25, v9;
	v36 =	vld [tilespmem:s7+$0x1000]  }
0x20c: {  	v9 =	vmul.bf16 v9, v26;
	v26 =	vmov s11;
	v37 =	vld [tilespmem:s7+$0x1030]  }
0x20d: {  	v8 =	vadd.bf16 v19, v8;
	v13 =	vadd.bf16 v13, v25;
	v19 =	vmul.bf16 v34, v23;
	v25 =	vld [tilespmem:s7+$0x30]  }
0x20e: {  	v9 =	vadd.bf16 v10, v9;
	v10 =	vmul.bf16 v22, v23;
	v22 =	vmul.bf16 v34, v22;
	v23 =	vld [tilespmem:s7+$0xFFFFF010]  }
0x20f: {  	v8 =	vadd.bf16 v19, v8;
	v19 =	vmul.bf16 v32, v30;
	v30 =	vmul.bf16 v21, v35;
	v32 =	vld [tilespmem:s7+$0x10]  }
0x210: {  	v9 =	vadd.bf16 v10, v9;
	v10 =	vmul.bf16 v36, v35;
	v21 =	vmul.bf16 v36, v21;
	v34 =	vld [tilespmem:s7+$0x1010]  }
0x211: {  	v13 =	vadd.bf16 v22, v13;
	v8 =	vadd.bf16 v12, v8;
	v12 =	vmul.bf16 v27, v31;
	v22 =	vld [tilespmem:s7+$0x1020]  }
0x212: {  	v19 =	vadd.bf16 v19, v9;
	v31 =	vmul.bf16 v28, v31;
	v35 =	vld [tilespmem:s7+$0xFFFFF030];
	v9 =	vmul.bf16 v37, v25  }
0x213: {  	s11 =	sadd.s32 $0x1, s11;
	v13 =	vadd.bf16 v33, v13;
	v8 =	vadd.bf16 v12, v8;
	v12 =	vmul.bf16 v27, v28;
	v27 =	vld [tilespmem:s7+$0x20]  }
0x214: {  	v33 =	vmov s11;
	v19 =	vadd.bf16 v31, v19;
	v28 =	vmul.bf16 v32, v23;
	v31 =	vld [tilespmem:s7+$0xFFFFF040]  }
0x215: {  	v36 =	vmul.bf16 v15, v29;
	v39 =	vor.u32 $0x20, v33;
	v23 =	vmul.bf16 v34, v23;
	v38 =	vld [tilespmem:s7+$0xFFFFF020]  }
0x216: {  	v12 =	vadd.bf16 v12, v13;
	v13 =	vmul.bf16 v29, v24;
	v29 =	vld [tilespmem:s7+$0xFE0];
	v28 =	vadd.bf16 v28, v30  }
0x217: {  	v15 =	vmul.bf16 v15, v24;
	v30 =	vor.u32 $0x10, v33;
	v24 =	vmul.bf16 v25, v35;
	v25 =	vld [tilespmem:s7+$0x40]  }
0x218: {  	v36 =	vadd.bf16 v36, v12;
	v35 =	vmul.bf16 v37, v35;
	v12 =	vld [tilespmem:s7+$0xFF0];
	v40 =	vmul.bf16 v22, v27  }
0x219: {  	v41 =	vmul.bf16 v20, v16;
	v37 =	vadd.bf16 v15, v8;
	v42 =	vmul.bf16 v14, v31  }
0x21a: {  	v13 =	vadd.bf16 v13, v19;
	v15 =	vmul.bf16 v17, v18;
	v19 =	vor.u32 $0x20, v26;
	v8 =	vld.idx.msk [tilespmem:v39+s31+$0x0], $0xffff  }
0x21b: {  	v10 =	vadd.bf16 v23, v10;
	v23 =	vmul.bf16 v27, v38;
	v18 =	vmul.bf16 v29, v18;
	v27 =	vld [tilespmem:s7+$0x1060]  }
0x21c: {  	v13 =	vadd.bf16 v15, v13;
	v39 =	vmul.bf16 v29, v17;
	v15 =	vmul.bf16 v14, v25;
	v29 =	vld [tilespmem:s7+$0x1050]  }
0x21d: {  	v32 =	vmul.bf16 v34, v32;
	v14 =	vadd.bf16 v23, v28;
	v16 =	vmul.bf16 v12, v16;
	v23 =	vld [tilespmem:s7+$0x50]  }
0x21e: {  	v13 =	vadd.bf16 v41, v13;
	v17 =	vmul.bf16 v12, v20;
	v20 =	vmul.bf16 v22, v38;
	v12 =	vld.idx.msk [tilespmem:v26+s31+$0x0], $0xffff  }
0x21f: {  	v18 =	vadd.bf16 v18, v37;
	v22 =	vadd.bf16 v24, v14;
	v24 =	vmul.bf16 v25, v31;
	v31 =	vld [tilespmem:s7+$0x60]  }
0x220: {  	v14 =	vunpack.i.u.bf16.f32 v13;
	v13 =	vunpack.i.l.bf16.f32 v13;
	v10 =	vadd.bf16 v20, v10;
	v34 =	vld [tilespmem:s7+$0xFFFFF060]  }
0x221: {  	v37 =	vor.u32 $0x10, v26;
	v13 =	vadd.f32 v13, v14;
	v38 =	vmul.bf16 v29, v11;
	v14 =	vld.idx.msk [tilespmem:v30+s31+$0x0], $0xffff  }
0x222: {  	v16 =	vadd.bf16 v16, v18;
	v18 =	vadd.bf16 v35, v10;
	v11 =	vmul.bf16 v23, v11;
	v10 =	vld.idx.msk [tilespmem:v33+s31+$0x0], $0xffff  }
.Ltmp5:
0x223: {  	v30 =	vadd.bf16 v32, v21;
	v21 =	vadd.bf16 v24, v22;
	v20 =	vmul.bf16 v29, v23;
	v24 =	vld [tilespmem:s7+$0x1070];
	(pc) =	sbr.rel @p1 .LBB2_8-.Ltmp5, $4  }
0x224: {  	v22 =	vunpack.i.u.bf16.f32 v16;
	v13 =	vmul.f32 v12, v13;
	v18 =	vadd.bf16 v42, v18;
	v25 =	vld [tilespmem:s7+$0x70]  }
0x225: {  	v16 =	vunpack.i.l.bf16.f32 v16;
	v21 =	vadd.bf16 v11, v21;
	v28 =	vmul.bf16 v27, v34;
	v26 =	vld [tilespmem:s7+$0xFFFFF070]  }
0x226: {  	v29 =	vadd.bf16 v38, v18;
	v23 =	vmul.bf16 v31, v34;
	v12 =	vld.idx.msk [tilespmem:v19+s31+$0x0], $0xffff;
	v19 =	vadd.f32 v16, v22  }
0x227: {  	v30 =	vadd.bf16 v40, v30;
	v18 =	vadd.bf16 v39, v36;
	v27 =	vmul.bf16 v27, v31;
	s7 =	sadd.s32 $0x100, s7;
	v22 =	vld.idx.msk [tilespmem:v37+s31+$0x0], $0xffff  }
0x228: {  	v11 =	vld [tilespmem:s1+$0x7A30]  }
0x229: {  	v16 =	vld [tilespmem:s1+$0x7AB0]  }
0x22a: {  	v31 =	vld [tilespmem:s1+$0x7B30];
	_ =	sdelay $0x2  }
0x22b: {  	v32 =	vshll.u32 v11, $0x1  }
0x22c: {  	v34 =	vshll.u32 v16, $0x1  }
0x22d: {  	v36 =	vshll.u32 v31, $0x1  }
0x22e: {  	v33 =	vor.u32 $0x1, v32  }
0x22f: {  	s5 =	simm.s32 $0x0;
	v35 =	vor.u32 $0x1, v34  }
0x230: {  	v37 =	vor.u32 $0x1, v36;
	v32 =	vld.idx.msk [tilespmem:v32+s5+$0x0], $0xffff  }
0x231: {  	v34 =	vld.idx.msk [tilespmem:v34+s5+$0x0], $0xffff  }
0x232: {  	v36 =	vld.idx.msk [tilespmem:v36+s5+$0x0], $0xffff  }
0x233: {  	v33 =	vld.idx.msk [tilespmem:v33+s5+$0x0], $0xffff  }
0x234: {  	v35 =	vld.idx.msk [tilespmem:v35+s5+$0x0], $0xffff  }
0x235: {  	v37 =	vld.idx.msk [tilespmem:v37+s5+$0x0], $0xffff;
	_ =	sdelay $0x3  }
0x236: {  	v34 =	vsub.f32 v34, v32;
	v32 =	vsub.f32 v36, v32  }
0x237: {  	v35 =	vsub.f32 v35, v33;
	v33 =	vsub.f32 v37, v33;
	_ =	sdelay $0x1  }
0x238: {  	v55 =	vmul.f32 v33, v34;
	v56 =	vmul.f32 v32, v35;
	_ =	sdelay $0x1  }
0x239: {  	v36 =	vsub.f32 v55, v56;
	_ =	sdelay $0x1  }
0x23a: {  	(erf) = vrcp.f32 v36;
	_ =	sdelay $0x4  }
0x23b: {  	v57 =	vmul.f32 v32, v34;
	v38 =	vmul.f32 v33, v35  }
0x23c: {  	v32 =	vmul.f32 v32, v32;
	v33 =	vmul.f32 v33, v33  }
0x23d: {  	v34 =	vmul.f32 v34, v34;
	v35 =	vmul.f32 v35, v35  }
0x23e: {  	v37 =	vadd.f32 v38, v57;
	v32 =	vadd.f32 v33, v32  }
0x23f: {  	v58 =	vadd.f32 v35, v34;
	v59 =	vpop (erf)  }
0x240: {  	v60 =	vsub.f32 v32, v37;
	v34 =	vmul.f32 v59, v0  }
0x241: {  	v38 =	vsub.f32 v58, v37  }
0x242: {  	v39 =	vmul.f32 v36, v4;
	v35 =	vmul.f32 v34, v60  }
0x243: {  	v40 =	vmul.f32 v36, v5;
	v38 =	vmul.f32 v34, v38  }
0x244: {  	v61 =	vmul.f32 v36, v6;
	v41 =	vmul.f32 v34, v37;
	v35 =	vsub.f32 v39, v35  }
0x245: {  	v42 =	vld.idx.msk [tilespmem:v11+s18+$0x0], $0xffff;
	v11 =	vsub.f32 v40, v38  }
0x246: {  	v62 =	vld.idx.msk [tilespmem:v16+s18+$0x0], $0xffff;
	v63 =	vsub.f32 v61, v41;
	v16 =	vadd.f32 v35, v35  }
0x247: {  	v11 =	vadd.f32 v11, v11  }
0x248: {  	v31 =	vld.idx.msk [tilespmem:v31+s18+$0x0], $0xffff;
	[tilespmem:$0xDE00] =	vst v16;
	v16 =	vadd.f32 v63, v63  }
0x249: {  	[tilespmem:$0xDE10] =	vst v11  }
0x24a: {  	s11 =	simm.s32 $0xC600;
	[tilespmem:$0xDE20] =	vst v16  }
0x24b: {  	v11 =	vadd.bf16 v9, v30;
	v9 =	vld [tilespmem:s11+$0xFFFFF070]  }
0x24c: {  	v16 =	vld [tilespmem:s11+$0xFFFFF060]  }
0x24d: {  	v15 =	vadd.bf16 v15, v11;
	v11 =	vld [tilespmem:s11+$0x60]  }
0x24e: {  	v17 =	vadd.bf16 v17, v18;
	v19 =	vmul.f32 v22, v19;
	v30 =	vld [tilespmem:s11+$0x1050]  }
0x24f: {  	v28 =	vadd.bf16 v28, v29;
	v21 =	vadd.bf16 v23, v21;
	v18 =	vld [tilespmem:s11+$0xFFFFF050]  }
0x250: {  	v13 =	vadd.f32 v19, v13;
	v39 =	vunpack.i.u.bf16.f32 v17;
	v17 =	vunpack.i.l.bf16.f32 v17;
	v29 =	vld [tilespmem:s11+$0x50]  }
0x251: {  	v23 =	vld [tilespmem:s11+$0x1040];
	v15 =	vadd.bf16 v20, v15;
	v20 =	vmul.bf16 v24, v25;
	v24 =	vmul.bf16 v24, v26  }
0x252: {  	v17 =	vadd.f32 v17, v39;
	v43 =	vld [tilespmem:s11+$0xFFFFF030]  }
0x253: {  	v7 =	vadd.f32 v13, v7;
	v22 =	vld [tilespmem:s11+$0x30];
	v25 =	vmul.bf16 v25, v26;
	v24 =	vadd.bf16 v24, v28  }
0x254: {  	v12 =	vmul.f32 v12, v17;
	v44 =	vld [tilespmem:s11+$0x0];
	v26 =	vadd.f32 v37, v37;
	v27 =	vadd.bf16 v27, v15  }
0x255: {  	v45 =	vld [tilespmem:s11+$0x1000];
	v21 =	vadd.bf16 v25, v21;
	v40 =	vunpack.i.u.bf16.f32 v24;
	v24 =	vunpack.i.l.bf16.f32 v24  }
0x256: {  	v46 =	vld [tilespmem:s11+$0xFFFFF010];
	v26 =	vsub.f32 v58, v26;
	v24 =	vadd.f32 v24, v40  }
0x257: {  	v7 =	vadd.f32 v7, v12;
	v12 =	vld [tilespmem:s11+$0x10];
	v20 =	vadd.bf16 v20, v27;
	v19 =	vunpack.i.u.bf16.f32 v21  }
0x258: {  	v48 =	vld [tilespmem:s11+$0x1080];
	v21 =	vunpack.i.l.bf16.f32 v21;
	v14 =	vmul.f32 v14, v24;
	v24 =	vadd.f32 v26, v32  }
0x259: {  	v13 =	vmul.f32 v36, v2;
	v50 =	vld [tilespmem:s11+$0x10B0];
	v19 =	vadd.f32 v21, v19;
	v32 =	vmul.f32 v34, v32  }
0x25a: {  	v51 =	vld [tilespmem:s11+$0xB0];
	v21 =	vmul.f32 v36, v1;
	v41 =	vunpack.i.u.bf16.f32 v20;
	v24 =	vmul.f32 v24, v34  }
0x25b: {  	v52 =	vld [tilespmem:s11+$0xFFFFF0B0];
	v20 =	vunpack.i.l.bf16.f32 v20;
	v10 =	vmul.f32 v10, v19;
	v13 =	vadd.f32 v32, v13  }
0x25c: {  	v54 =	vld [tilespmem:s11+$0xFFFFF0A0];
	v17 =	vadd.f32 v24, v21;
	v21 =	vmul.f32 v36, v3;
	v24 =	vmul.f32 v34, v58  }
0x25d: {  	v25 =	vld [tilespmem:s11+$0xFFFFF020];
	v20 =	vadd.f32 v20, v41;
	v10 =	vadd.f32 v14, v10  }
0x25e: {  	v13 =	vmul.f32 v13, v62;
	v14 =	vmul.f32 v17, v42;
	v17 =	vadd.f32 v24, v21;
	v21 =	vld [tilespmem:s11+$0x1010]  }
0x25f: {  	v7 =	vadd.f32 v10, v7;
	v10 =	vld [tilespmem:s11+$0xFFFFF000]  }
0x260: {  	v26 =	vld [tilespmem:s11+$0x20];
	v8 =	vmul.f32 v8, v20;
	v13 =	vadd.f32 v14, v13;
	v14 =	vmul.f32 v17, v31  }
0x261: {  	v19 =	vld [tilespmem:s11+$0x1030]  }
0x262: {  	v47 =	vmul.bf16 v45, v44;
	v7 =	vadd.f32 v7, v8;
	v8 =	vld [tilespmem:s11+$0x1020];
	v13 =	vadd.f32 v13, v14  }
0x263: {  	v49 =	vmov s5;
	v53 =	vmul.bf16 v30, v29;
	v20 =	vld [tilespmem:s11+$0xFFFFF080];
	v24 =	vmul.bf16 v21, v46  }
0x264: {  	v31 =	vld [tilespmem:s11+$0x80];
	v21 =	vmul.bf16 v21, v12;
	v7 =	vadd.f32 v13, v7;
	v13 =	vmul.bf16 v45, v10  }
0x265: {  	v61 =	vor.u32 $0x20, v49;
	v57 =	vld [tilespmem:s11+$0x1070];
	v12 =	vmul.bf16 v12, v46;
	v10 =	vmul.bf16 v44, v10  }
0x266: {  	v27 =	vld [tilespmem:s11+$0xFFFFF040];
	v14 =	vmul.bf16 v19, v43;
	v19 =	vmul.bf16 v19, v22;
	v13 =	vadd.bf16 v24, v13  }
0x267: {  	v28 =	vld [tilespmem:s11+$0x40];
	v24 =	vmul.bf16 v8, v25;
	v10 =	vadd.bf16 v12, v10;
	v12 =	vmul.bf16 v26, v25  }
0x268: {  	v22 =	vmul.bf16 v22, v43;
	v21 =	vadd.bf16 v21, v47;
	v8 =	vmul.bf16 v8, v26;
	v25 =	vld [tilespmem:s11+$0xFFFFF090]  }
0x269: {  	v26 =	vld [tilespmem:s11+$0x90];
	v13 =	vadd.bf16 v24, v13;
	v24 =	vmul.bf16 v31, v20;
	v10 =	vadd.bf16 v12, v10  }
0x26a: {  	v12 =	vmul.bf16 v48, v20;
	v20 =	vmul.bf16 v48, v31;
	v31 =	vld [tilespmem:s11+$0x1090];
	v8 =	vadd.bf16 v8, v21  }
0x26b: {  	v34 =	vmul.bf16 v50, v52;
	v21 =	vld [tilespmem:s11+$0x10A0];
	v13 =	vadd.bf16 v14, v13;
	v14 =	vmul.bf16 v23, v27  }
0x26c: {  	v22 =	vadd.bf16 v22, v10;
	v27 =	vmul.bf16 v28, v27;
	v8 =	vadd.bf16 v19, v8;
	v19 =	vld [tilespmem:s11+$0xA0]  }
0x26d: {  	s19 =	simm.s32 $0x1;
	v59 =	vld [tilespmem:s11+$0xFFFFF0D0];
	v10 =	vmul.bf16 v50, v51;
	v13 =	vadd.bf16 v14, v13;
	v14 =	vmul.bf16 v23, v28  }
0x26e: {  	v15 =	vld [tilespmem:s11+$0x70];
	v22 =	vadd.bf16 v27, v22;
	v23 =	vmul.bf16 v26, v25;
	v28 =	vmov s19  }
0x26f: {  	v17 =	vld [tilespmem:s11+$0x10C0];
	v25 =	vmul.bf16 v31, v25;
	v55 =	vor.u32 $0x20, v28;
	v56 =	vor.u32 $0x10, v28  }
0x270: {  	v27 =	vld [tilespmem:s11+$0xFFFFF0C0];
	v8 =	vadd.bf16 v14, v8;
	v14 =	vmul.bf16 v29, v18;
	v18 =	vmul.bf16 v30, v18  }
0x271: {  	v29 =	vld [tilespmem:s11+$0x1060];
	v23 =	vadd.bf16 v23, v24;
	v24 =	vmul.bf16 v51, v52;
	v58 =	vmul.bf16 v21, v19  }
0x272: {  	v30 =	vld [tilespmem:s11+$0xC0];
	v25 =	vadd.bf16 v25, v12;
	v12 =	vmul.bf16 v19, v54;
	v19 =	vmul.bf16 v31, v26  }
0x273: {  	v43 =	vld [tilespmem:s11+$0x10E0];
	v36 =	vadd.bf16 v53, v8;
	v14 =	vadd.bf16 v14, v22;
	v22 =	vmul.bf16 v11, v16  }
0x274: {  	v26 =	vld.idx.msk [tilespmem:v49+s31+$0x0], $0xffff;
	v13 =	vadd.bf16 v18, v13;
	v18 =	vmul.bf16 v15, v9;
	v9 =	vmul.bf16 v57, v9  }
0x275: {  	v31 =	vld [tilespmem:s11+$0xE0];
	v60 =	vmul.bf16 v17, v27;
	v63 =	vadd.bf16 v19, v20;
	v14 =	vadd.bf16 v22, v14  }
0x276: {  	v22 =	vadd.bf16 v12, v23;
	v23 =	vld [tilespmem:s11+$0xD0];
	v12 =	vmul.bf16 v57, v15;
	v15 =	vmul.bf16 v21, v54  }
0x277: {  	v62 =	vmul.bf16 v29, v16;
	v16 =	vmul.bf16 v17, v30;
	v17 =	vld [tilespmem:s11+$0x10D0];
	v14 =	vadd.bf16 v18, v14  }
0x278: {  	v8 =	vld.idx.msk [tilespmem:v55+s31+$0x0], $0xffff;
	v11 =	vmul.bf16 v29, v11;
	v21 =	vadd.bf16 v24, v22;
	v15 =	vadd.bf16 v15, v25  }
0x279: {  	v24 =	vld [tilespmem:s11+$0xFFFFF0E0];
	v13 =	vadd.bf16 v62, v13;
	v18 =	vunpack.i.u.bf16.f32 v14;
	v14 =	vunpack.i.l.bf16.f32 v14  }
0x27a: {  	v22 =	vmul.bf16 v30, v27;
	v30 =	vor.u32 $0x10, v49;
	v25 =	vadd.f32 v14, v18;
	v18 =	vld.idx.msk [tilespmem:v56+s31+$0x0], $0xffff  }
0x27b: {  	v9 =	vadd.bf16 v9, v13;
	v13 =	vadd.bf16 v34, v15;
	v27 =	vmul.bf16 v23, v59;
	v15 =	vld.idx.msk [tilespmem:v28+s31+$0x0], $0xffff  }
0x27c: {  	v19 =	vadd.bf16 v22, v21;
	v29 =	vmul.bf16 v17, v59;
	v14 =	vmul.bf16 v17, v23;
	v17 =	vld [tilespmem:s11+$0x10F0]  }
0x27d: {  	v21 =	vunpack.i.u.bf16.f32 v9;
	v20 =	vmul.f32 v26, v25;
	v13 =	vadd.bf16 v60, v13;
	v25 =	vld [tilespmem:s11+$0xF0]  }
0x27e: {  	v9 =	vunpack.i.l.bf16.f32 v9;
	v22 =	vadd.bf16 v27, v19;
	v28 =	vmul.bf16 v43, v24;
	v27 =	vld [tilespmem:s11+$0xFFFFF0F0]  }
0x27f: {  	v24 =	vmul.bf16 v31, v24;
	v23 =	vld.idx.msk [tilespmem:v30+s31+$0x0], $0xffff;
	v30 =	vadd.bf16 v58, v63;
	v21 =	vadd.f32 v9, v21  }
0x280: {  	s1 =	simm.s32 $0x2;
	s5 =	simm.s32 $0xC700;
	v19 =	vld.idx.msk [tilespmem:v61+s31+$0x0], $0xffff;
	v26 =	vmul.bf16 v43, v31;
	v29 =	vadd.bf16 v29, v13;
	v13 =	vadd.bf16 v11, v36  }
.LBB2_10:
0x281: {  	v9 =	vld [tilespmem:s5+$0xFFFFF0D0];
	p1 =	slt.u32 s1, $0xE;
	s7 =	smov.u32 s1;
	s1 =	sadd.s32 $0x2, s1  }
0x282: {  	v11 =	vld [tilespmem:s5+$0xFFFFF070];
	v31 =	vadd.bf16 v12, v13;
	v10 =	vadd.bf16 v10, v30;
	v30 =	vmul.bf16 v17, v25  }
0x283: {  	v28 =	vadd.bf16 v28, v29;
	v13 =	vld [tilespmem:s5+$0xFFFFF060];
	v25 =	vmul.bf16 v25, v27;
	v17 =	vmul.bf16 v17, v27  }
0x284: {  	v12 =	vld [tilespmem:s5+$0x60];
	v27 =	vunpack.i.u.bf16.f32 v31;
	v29 =	vunpack.i.l.bf16.f32 v31;
	v10 =	vadd.bf16 v16, v10  }
0x285: {  	v16 =	vld [tilespmem:s5+$0x1050];
	v27 =	vadd.f32 v29, v27;
	v28 =	vadd.bf16 v17, v28  }
0x286: {  	v17 =	vld [tilespmem:s5+$0xFFFFF050];
	v10 =	vadd.bf16 v14, v10  }
0x287: {  	v29 =	vld [tilespmem:s5+$0x50];
	v31 =	vunpack.i.u.bf16.f32 v28;
	v28 =	vunpack.i.l.bf16.f32 v28  }
0x288: {  	v14 =	vld [tilespmem:s5+$0x70];
	v10 =	vadd.bf16 v26, v10;
	v26 =	vadd.f32 v28, v31  }
0x289: {  	v28 =	vld [tilespmem:s5+$0x40]  }
0x28a: {  	v31 =	vld [tilespmem:s5+$0xFFFFF040];
	v10 =	vadd.bf16 v30, v10;
	v18 =	vmul.f32 v18, v26  }
0x28b: {  	v26 =	vld [tilespmem:s5+$0x1040]  }
0x28c: {  	v22 =	vadd.bf16 v24, v22;
	v30 =	vld [tilespmem:s5+$0xFFFFF030];
	v24 =	vunpack.i.u.bf16.f32 v10;
	v10 =	vunpack.i.l.bf16.f32 v10  }
0x28d: {  	v32 =	vld [tilespmem:s5+$0x30];
	v10 =	vadd.f32 v10, v24  }
0x28e: {  	v21 =	vmul.f32 v23, v21;
	v22 =	vadd.bf16 v25, v22;
	v24 =	vld [tilespmem:s5+$0xFFFFF020]  }
0x28f: {  	v23 =	vld [tilespmem:s5+$0x20];
	v8 =	vmul.f32 v8, v10  }
0x290: {  	v20 =	vadd.f32 v21, v20;
	v21 =	vunpack.i.u.bf16.f32 v22;
	v10 =	vld [tilespmem:s5+$0x0]  }
0x291: {  	v22 =	vunpack.i.l.bf16.f32 v22;
	v25 =	vld [tilespmem:s5+$0x1000]  }
0x292: {  	v7 =	vadd.f32 v20, v7;
	v20 =	vadd.f32 v22, v21;
	v33 =	vld [tilespmem:s5+$0x1030]  }
0x293: {  	v21 =	vld [tilespmem:s5+$0xFFFFF010]  }
0x294: {  	v19 =	vmul.f32 v19, v27;
	v15 =	vmul.f32 v15, v20;
	v22 =	vld [tilespmem:s5+$0x10]  }
0x295: {  	v20 =	vld [tilespmem:s5+$0x1010]  }
0x296: {  	v7 =	vadd.f32 v7, v19;
	v15 =	vadd.f32 v18, v15;
	v27 =	vld [tilespmem:s5+$0xFFFFF000]  }
0x297: {  	v18 =	vmul.bf16 v33, v30;
	v19 =	vld [tilespmem:s5+$0x10C0]  }
0x298: {  	v7 =	vadd.f32 v15, v7;
	v33 =	vmul.bf16 v33, v32;
	v34 =	vld [tilespmem:s5+$0x1020]  }
0x299: {  	v15 =	vmul.bf16 v22, v21;
	v35 =	vld [tilespmem:s5+$0xFFFFF080]  }
0x29a: {  	v7 =	vadd.f32 v7, v8;
	v21 =	vmul.bf16 v20, v21;
	v20 =	vmul.bf16 v20, v22;
	v22 =	vld [tilespmem:s5+$0x80]  }
0x29b: {  	v8 =	vmul.bf16 v25, v27;
	v25 =	vmul.bf16 v25, v10;
	v36 =	vld [tilespmem:s5+$0x1080]  }
0x29c: {  	v10 =	vmul.bf16 v10, v27;
	v27 =	vmov s7;
	v37 =	vld [tilespmem:s5+$0x10B0]  }
0x29d: {  	v8 =	vadd.bf16 v21, v8;
	v20 =	vadd.bf16 v20, v25;
	v21 =	vmul.bf16 v34, v24;
	v25 =	vld [tilespmem:s5+$0xB0]  }
0x29e: {  	v10 =	vadd.bf16 v15, v10;
	v15 =	vmul.bf16 v23, v24;
	v23 =	vmul.bf16 v34, v23;
	v24 =	vld [tilespmem:s5+$0xFFFFF090]  }
0x29f: {  	v8 =	vadd.bf16 v21, v8;
	v21 =	vmul.bf16 v32, v30;
	v30 =	vmul.bf16 v22, v35;
	v32 =	vld [tilespmem:s5+$0x90]  }
0x2a0: {  	v10 =	vadd.bf16 v15, v10;
	v15 =	vmul.bf16 v36, v35;
	v22 =	vmul.bf16 v36, v22;
	v34 =	vld [tilespmem:s5+$0x1090]  }
0x2a1: {  	v20 =	vadd.bf16 v23, v20;
	v8 =	vadd.bf16 v18, v8;
	v18 =	vmul.bf16 v26, v31;
	v23 =	vld [tilespmem:s5+$0x10A0]  }
0x2a2: {  	v21 =	vadd.bf16 v21, v10;
	v31 =	vmul.bf16 v28, v31;
	v35 =	vld [tilespmem:s5+$0xFFFFF0B0];
	v10 =	vmul.bf16 v37, v25  }
0x2a3: {  	s7 =	sadd.s32 $0x1, s7;
	v20 =	vadd.bf16 v33, v20;
	v8 =	vadd.bf16 v18, v8;
	v18 =	vmul.bf16 v26, v28;
	v26 =	vld [tilespmem:s5+$0xA0]  }
0x2a4: {  	v33 =	vmov s7;
	v21 =	vadd.bf16 v31, v21;
	v28 =	vmul.bf16 v32, v24;
	v31 =	vld [tilespmem:s5+$0xFFFFF0C0]  }
0x2a5: {  	v36 =	vmul.bf16 v16, v29;
	v39 =	vor.u32 $0x20, v33;
	v24 =	vmul.bf16 v34, v24;
	v38 =	vld [tilespmem:s5+$0xFFFFF0A0]  }
0x2a6: {  	v18 =	vadd.bf16 v18, v20;
	v20 =	vmul.bf16 v29, v17;
	v29 =	vld [tilespmem:s5+$0x1060];
	v28 =	vadd.bf16 v28, v30  }
0x2a7: {  	v16 =	vmul.bf16 v16, v17;
	v30 =	vor.u32 $0x10, v33;
	v17 =	vmul.bf16 v25, v35;
	v25 =	vld [tilespmem:s5+$0xC0]  }
0x2a8: {  	v36 =	vadd.bf16 v36, v18;
	v35 =	vmul.bf16 v37, v35;
	v18 =	vld [tilespmem:s5+$0x1070];
	v40 =	vmul.bf16 v23, v26  }
0x2a9: {  	v41 =	vmul.bf16 v14, v11;
	v37 =	vadd.bf16 v16, v8;
	v42 =	vmul.bf16 v19, v31  }
0x2aa: {  	v16 =	vadd.bf16 v20, v21;
	v20 =	vmul.bf16 v12, v13;
	v21 =	vor.u32 $0x20, v27;
	v8 =	vld.idx.msk [tilespmem:v39+s31+$0x0], $0xffff  }
0x2ab: {  	v15 =	vadd.bf16 v24, v15;
	v24 =	vmul.bf16 v26, v38;
	v13 =	vmul.bf16 v29, v13;
	v26 =	vld [tilespmem:s5+$0x10E0]  }
0x2ac: {  	v20 =	vadd.bf16 v20, v16;
	v39 =	vmul.bf16 v29, v12;
	v16 =	vmul.bf16 v19, v25;
	v19 =	vld [tilespmem:s5+$0x10D0]  }
0x2ad: {  	v29 =	vmul.bf16 v34, v32;
	v24 =	vadd.bf16 v24, v28;
	v11 =	vmul.bf16 v18, v11;
	v28 =	vld [tilespmem:s5+$0xD0]  }
0x2ae: {  	v20 =	vadd.bf16 v41, v20;
	v12 =	vmul.bf16 v18, v14;
	v14 =	vmul.bf16 v23, v38;
	v32 =	vld.idx.msk [tilespmem:v27+s31+$0x0], $0xffff  }
0x2af: {  	v13 =	vadd.bf16 v13, v37;
	v23 =	vmul.bf16 v25, v31;
	v17 =	vadd.bf16 v17, v24;
	v31 =	vld [tilespmem:s5+$0xE0]  }
0x2b0: {  	v18 =	vunpack.i.u.bf16.f32 v20;
	v20 =	vunpack.i.l.bf16.f32 v20;
	v14 =	vadd.bf16 v14, v15;
	v24 =	vld [tilespmem:s5+$0xFFFFF0E0]  }
0x2b1: {  	v34 =	vor.u32 $0x10, v27;
	v20 =	vadd.f32 v20, v18;
	v37 =	vmul.bf16 v19, v9;
	v18 =	vld.idx.msk [tilespmem:v30+s31+$0x0], $0xffff  }
0x2b2: {  	v11 =	vadd.bf16 v11, v13;
	v13 =	vadd.bf16 v35, v14;
	v9 =	vmul.bf16 v28, v9;
	v15 =	vld.idx.msk [tilespmem:v33+s31+$0x0], $0xffff  }
.Ltmp6:
0x2b3: {  	v30 =	vadd.bf16 v29, v22;
	v22 =	vadd.bf16 v23, v17;
	v14 =	vmul.bf16 v19, v28;
	v17 =	vld [tilespmem:s5+$0x10F0];
	(pc) =	sbr.rel @p1 .LBB2_10-.Ltmp6, $4  }
0x2b4: {  	v23 =	vunpack.i.u.bf16.f32 v11;
	v20 =	vmul.f32 v32, v20;
	v13 =	vadd.bf16 v42, v13;
	v25 =	vld [tilespmem:s5+$0xF0]  }
0x2b5: {  	v11 =	vunpack.i.l.bf16.f32 v11;
	v22 =	vadd.bf16 v9, v22;
	v28 =	vmul.bf16 v26, v24;
	v27 =	vld [tilespmem:s5+$0xFFFFF0F0]  }
0x2b6: {  	v29 =	vadd.bf16 v37, v13;
	v24 =	vmul.bf16 v31, v24;
	v19 =	vld.idx.msk [tilespmem:v21+s31+$0x0], $0xffff;
	v21 =	vadd.f32 v11, v23  }
0x2b7: {  	v30 =	vadd.bf16 v40, v30;
	v13 =	vadd.bf16 v39, v36;
	v26 =	vmul.bf16 v26, v31;
	s5 =	sadd.s32 $0x100, s5;
	v23 =	vld.idx.msk [tilespmem:v34+s31+$0x0], $0xffff  }
0x2b8: {  	v55 =	vadd.bf16 v28, v29  }
0x2b9: {  	v9 =	vadd.bf16 v10, v30;
	v12 =	vadd.bf16 v12, v13  }
0x2ba: {  	v58 =	vadd.bf16 v24, v22;
	v11 =	vmul.bf16 v17, v27;
	v57 =	vmul.bf16 v25, v27  }
0x2bb: {  	v56 =	vmul.bf16 v17, v25;
	v9 =	vadd.bf16 v16, v9;
	v59 =	vunpack.i.u.bf16.f32 v12  }
0x2bc: {  	v12 =	vunpack.i.l.bf16.f32 v12;
	v10 =	vadd.bf16 v11, v55;
	v11 =	vadd.bf16 v57, v58  }
0x2bd: {  	v12 =	vadd.f32 v12, v59;
	v61 =	vmul.f32 v23, v21;
	v9 =	vadd.bf16 v14, v9  }
0x2be: {  	v60 =	vunpack.i.u.bf16.f32 v10;
	v10 =	vunpack.i.l.bf16.f32 v10;
	v62 =	vunpack.i.u.bf16.f32 v11  }
0x2bf: {  	v11 =	vunpack.i.l.bf16.f32 v11;
	v14 =	vadd.f32 v61, v20;
	v9 =	vadd.bf16 v26, v9  }
0x2c0: {  	v10 =	vadd.f32 v10, v60;
	v11 =	vadd.f32 v11, v62  }
0x2c1: {  	v12 =	vmul.f32 v19, v12;
	v7 =	vadd.f32 v14, v7;
	v9 =	vadd.bf16 v56, v9  }
0x2c2: {  	s10 =	sadd.s32 $0x1, s10;
	v10 =	vmul.f32 v18, v10;
	v11 =	vmul.f32 v15, v11  }
0x2c3: {  	p1 =	slt.u32 s10, s8;
	v7 =	vadd.f32 v7, v12;
	v63 =	vunpack.i.u.bf16.f32 v9;
	v9 =	vunpack.i.l.bf16.f32 v9  }
.Ltmp7:
0x2c4: {  	v10 =	vadd.f32 v10, v11;
	v9 =	vadd.f32 v9, v63;
	(pc) =	sbr.rel @p1 .LBB2_3-.Ltmp7, $4  }
.Ltmp8:
0x2c5: {  	_ = 	snop;
	(pc) =	sbr.rel @!p1 .LBB2_12-.Ltmp8, $4  }
0x2c6: {  	v7 =	vadd.f32 v10, v7;
	v8 =	vmul.f32 v8, v9  }
0x2c7: {  	_ = 	snop  }
0x2c8: {  	v7 =	vadd.f32 v7, v8  }
0x2c9: {  	_ = 	snop  }
.LBB2_13:
0x2ca: {  	_ =	sfence.sel $0x180000  }
0x2cb: {  	[bflag:$0x0] =	sbarrier.arrive $0xFFFF  }
0x2cc: {  	_ =	strace $0x90000047  }
0x2cd: {  	s0 =	stileid.u32;
	[bflag:$0x2] =	sbarrier.arrive $0xFFFF  }
0x2ce: {  	p0 =	sne.s32 s0, $0x0;
	s0 =	rddreg [dreg:$0x2]  }
0x2cf: {  	s0 =	sadd.s32 @!p0 $0x100000, s0  }
0x2d0: {  	[sflag:s0] =	ssyncadd.tile.s32 @!p0 $0x1;
	_ =	shalt  }
.Lfunc_end2:
_tile_overlayer_lowered:
.L_overlay_start_2:
0x2d1: {  	(tag) =	ssettag $0x2  }
0x2d2: {  	s0 =	rddreg [dreg:$0x0];
	s2 =	stileid.u32  }
0x2d3: {  	s1 =	rddreg [dreg:$0x1];
	p0 =	sne.s32 s2, $0x0  }
0x2d4: {  	s3 =	rddreg [dreg:$0x2];
	[bflag:$0x3] =	sbarrier.arrive $0xFFFF;
	s2 =	simm.s32 @!p0 $0x1C03  }
0x2d5: {  	[timem:s3], [sflag:s2] =	dma.local @!p0 [hbm:s0], s1  }
0x2d6: {  	s0 =	simm.s32 @!p0 $0x3  }
0x2d7: {  	_ =	swait.ge @!p0 [sflag:s0], s1  }
0x2d8: {  	s1 =	ssub.s32 @!p0 $0x0, s1;
	[sflag:s0] =	ssyncset.done @!p0 $0x0  }
0x2d9: {  	[sflag:s0] =	ssyncadd.s32 @!p0 s1  }
0x2da: {  	[bflag:$0x3] =	sbarrier.arrive $0xFFFF  }
0x2db: {  	_ =	shalt  }

</sc_bundles>
